<compile_context>
chip_gen: v7x
topology: tpu7x:2x2x1
jax: 0.10.2.dev20260603
libtpu: 0.0.44.dev20260713+nightly
codegen_flags: <defaults>
</compile_context>

<pallas_src>
import functools

import jax
import jax.numpy as jnp
from jax import lax
from jax.experimental import pallas as pl
from jax.experimental.pallas import tpu as pltpu
from jax.experimental.pallas import tpu_sc as plsc

B = 16384
H = 512
NT = 5
NL = 6
NC = 2
NS = 16
L = 16
NW = NC * NS
BPW = B // NW
G = 16
SG = 1
GB = G * SG
NB = BPW // GB
HC = H // L


@functools.partial(
    pl.kernel,
    out_type=jax.ShapeDtypeStruct((B, H), jnp.float32),
    mesh=plsc.VectorSubcoreMesh(core_axis_name="c", subcore_axis_name="s"),
    scratch_types=[
        pltpu.VMEM((BPW,), jnp.int32),
        pltpu.VMEM((BPW,), jnp.int32),
        pltpu.VMEM((BPW + L,), jnp.float32),
        pltpu.VMEM((NT, H), jnp.float32),
        pltpu.VMEM((NL, H), jnp.float32),
        pltpu.VMEM((H,), jnp.float32),
        pltpu.VMEM((H,), jnp.float32),
        pltpu.VMEM((NT * NL * H,), jnp.float32),
        pltpu.VMEM((BPW + L,), jnp.int32),
        pltpu.VMEM((GB, H), jnp.float32),
        pltpu.VMEM((GB, H), jnp.float32),
        pltpu.SemaphoreType.DMA,
        pltpu.SemaphoreType.DMA,
    ],
)
def _sc_embed(task_hbm, lang_hbm, comp_hbm, ttab_hbm, ltab_hbm, w_hbm, b_hbm,
              out_hbm,
              ids_v, lids_v, comp_v, ttab_v, ltab_v, w_v, b_v, combo_v,
              offs_v, obuf0_v, obuf1_v, sem0, sem1):
    cid = lax.axis_index("c")
    sid = lax.axis_index("s")
    wid = sid * NC + cid
    base = wid * BPW

    in_copies = (
        pltpu.async_copy(task_hbm.at[pl.ds(base, BPW)], ids_v, sem0),
        pltpu.async_copy(lang_hbm.at[pl.ds(base, BPW)], lids_v, sem0),
        pltpu.async_copy(
            comp_hbm.at[pl.ds(base, BPW)], comp_v.at[pl.ds(0, BPW)], sem0),
        pltpu.async_copy(ttab_hbm, ttab_v, sem0),
        pltpu.async_copy(ltab_hbm, ltab_v, sem0),
        pltpu.async_copy(w_hbm, w_v, sem0),
        pltpu.async_copy(b_hbm, b_v, sem0),
    )
    for c in in_copies:
        c.wait()

    @plsc.parallel_loop(0, NT * NL)
    def _combo_row(row):
        t = row // NL
        l = row - t * NL
        ro = row * H
        for hcv in range(HC):
            hh = hcv * L
            combo_v[pl.ds(ro + hh, L)] = (
                ttab_v[t, pl.ds(hh, L)]
                + ltab_v[l, pl.ds(hh, L)]
                + b_v[pl.ds(hh, L)]
            )

    @plsc.parallel_loop(0, BPW // L)
    def _offsets(g):
        rbase = g * L
        tvec = ids_v[pl.ds(rbase, L)]
        lvec = lids_v[pl.ds(rbase, L)]
        offs_v[pl.ds(rbase, L)] = (tvec * NL + lvec) * H

    def block_pair(bp, carry):
        for buf, sem, half in ((obuf0_v, sem0, 0), (obuf1_v, sem1, 1)):
            blk = bp * 2 + half
            bbase = blk * GB

            @pl.when(bp > 0)
            def _wait():
                pltpu.make_async_copy(
                    buf, out_hbm.at[pl.ds(0, GB), :], sem).wait()

            for q in range(SG):
                rbase = bbase + q * G
                offs = [offs_v[pl.ds(rbase + r, L)][0] for r in range(G)]
                ccs = [comp_v[pl.ds(rbase + r, L)][0] for r in range(G)]

                @plsc.parallel_loop(0, HC, unroll=1)
                def _chunks(hcv, _q=q, _offs=offs, _ccs=ccs):
                    hh = hcv * L
                    wv = w_v[pl.ds(hh, L)]
                    for r in range(G):
                        buf[_q * G + r, pl.ds(hh, L)] = (
                            combo_v[pl.ds(_offs[r] + hh, L)] + _ccs[r] * wv
                        )

            pltpu.async_copy(
                buf, out_hbm.at[pl.ds(base + bbase, GB), :], sem)
        return carry

    lax.fori_loop(0, NB // 2, block_pair, 0)
    pltpu.make_async_copy(obuf0_v, out_hbm.at[pl.ds(0, GB), :], sem0).wait()
    pltpu.make_async_copy(obuf1_v, out_hbm.at[pl.ds(0, GB), :], sem1).wait()


def kernel(task_ids, language_ids, complexity, task_table, lang_table, W, b):
    return _sc_embed(
        task_ids.astype(jnp.int32),
        language_ids.astype(jnp.int32),
        complexity.reshape(B),
        task_table,
        lang_table,
        W.reshape(H),
        b,
    )

# --- scband reference (transcript-rebuilt; emitter-appended) ---
"""Pipeline reference for scband-code-generation-input-processor-52003464020427 (READ-ONLY COPY).

The authoritative reference and input builder live on the scoring server;
editing this copy changes nothing except your own understanding.
"""

import jax, jax.numpy as jnp
import numpy as np

B = 16384
HIDDEN = 512
NUM_TASKS = 5
NUM_LANGS = 6

def setup_inputs(seed: int = 0) -> dict:
    key = jax.random.key(seed)
    k1, k2, k3, k4, k5, k6, k7 = jax.random.split(key, 7)
    task_ids = jax.random.randint(k1, (B,), 0, NUM_TASKS, dtype=jnp.int64 if jax.config.read('jax_enable_x64') else jnp.int32)
    language_ids = jax.random.randint(k2, (B,), 0, NUM_LANGS, dtype=jnp.int64 if jax.config.read('jax_enable_x64') else jnp.int32)
    complexity = jax.random.uniform(k3, (B, 1), dtype=jnp.float32)
    # learned parameters sized per init_kwargs
    task_table = jax.random.normal(k4, (NUM_TASKS, HIDDEN), dtype=jnp.float32)
    lang_table = jax.random.normal(k5, (NUM_LANGS, HIDDEN), dtype=jnp.float32)
    W = jax.random.normal(k6, (HIDDEN, 1), dtype=jnp.float32) * (1.0 / np.sqrt(1.0))
    b = jax.random.normal(k7, (HIDDEN,), dtype=jnp.float32) * 0.01
    return {"task_ids": task_ids, "language_ids": language_ids, "complexity": complexity,
            "task_table": task_table, "lang_table": lang_table, "W": W, "b": b}

def reference(task_ids, language_ids, complexity, task_table, lang_table, W, b):
    # task_embeddings lookup: nn.Embedding(len(CodeGenerationTask), hidden_size)
    task_emb = jnp.take(task_table, task_ids, axis=0)            # [B, H]
    # language_embeddings lookup: nn.Embedding(num_languages, hidden_size)
    lang_emb = jnp.take(lang_table, language_ids, axis=0)        # [B, H]
    # complexity_embeddings: nn.Linear(1, hidden_size)
    comp_emb = complexity @ W.T + b                              # [B, H]
    return task_emb + lang_emb + comp_emb

if __name__ == "__main__":
    import jax
    _d = setup_inputs()
    print(jax.jit(kernel)(*tuple(_d.values())))

</pallas_src>

<mosaic_0001>
#map = affine_map<(d0, d1) -> (0)>
#map1 = affine_map<(d0, d1) -> (0, 0)>
module attributes {stable_mosaic.version = 14 : i64} {
  func.func @_sc_embed(%arg0: i32, %arg1: i32, %arg2: memref<16384xi32, #tpu.memory_space<hbm>>, %arg3: memref<16384xi32, #tpu.memory_space<hbm>>, %arg4: memref<16384xf32, #tpu.memory_space<hbm>>, %arg5: memref<5x512xf32, #tpu.memory_space<hbm>>, %arg6: memref<6x512xf32, #tpu.memory_space<hbm>>, %arg7: memref<512xf32, #tpu.memory_space<hbm>>, %arg8: memref<512xf32, #tpu.memory_space<hbm>>, %arg9: memref<16384x512xf32, #tpu.memory_space<hbm>>, %arg10: memref<512xi32, #tpu.memory_space<vmem>>, %arg11: memref<512xi32, #tpu.memory_space<vmem>>, %arg12: memref<528xf32, #tpu.memory_space<vmem>>, %arg13: memref<5x512xf32, #tpu.memory_space<vmem>>, %arg14: memref<6x512xf32, #tpu.memory_space<vmem>>, %arg15: memref<512xf32, #tpu.memory_space<vmem>>, %arg16: memref<512xf32, #tpu.memory_space<vmem>>, %arg17: memref<15360xf32, #tpu.memory_space<vmem>>, %arg18: memref<528xi32, #tpu.memory_space<vmem>>, %arg19: memref<16x512xf32, #tpu.memory_space<vmem>>, %arg20: memref<16x512xf32, #tpu.memory_space<vmem>>, %arg21: memref<!tpu.dma_semaphore, #tpu.memory_space<semaphore_mem>>, %arg22: memref<!tpu.dma_semaphore, #tpu.memory_space<semaphore_mem>>) attributes {dimension_semantics = [#tpu.dimension_semantics<core_parallel>, #tpu.dimension_semantics<subcore_parallel>], iteration_bounds = array<i64: 2, 16>, scalar_prefetch = 0 : i64, scratch_operands = 13 : i64, tpu.core_type = #tpu.core_type<sc_vector_subcore>, window_params = [{transform_indices = #map}, {transform_indices = #map}, {transform_indices = #map}, {transform_indices = #map1}, {transform_indices = #map1}, {transform_indices = #map}, {transform_indices = #map}, {transform_indices = #map1}]} {
    %mul3A = arith.constant 2 : i32
    %mul3A_0 = arith.muli %arg1, %mul3A : i32
    %add3A = arith.addi %mul3A_0, %arg0 : i32
    %mul3A_1 = arith.constant 512 : i32
    %mul3A_2 = arith.muli %add3A, %mul3A_1 : i32
    %dma_start3A = tpu.memref_slice %arg2[%mul3A_2] : memref<16384xi32, #tpu.memory_space<hbm>> -> memref<512xi32, #tpu.memory_space<hbm>>
    %dma_start3A_3 = tpu.memref_slice %arg2[%mul3A_2] : memref<16384xi32, #tpu.memory_space<hbm>> -> memref<512xi32, #tpu.memory_space<hbm>>
    tpu.enqueue_dma source(%dma_start3A_3 : memref<512xi32, #tpu.memory_space<hbm>>) target(%arg10 : memref<512xi32, #tpu.memory_space<vmem>>) target_semaphore(%arg21 : memref<!tpu.dma_semaphore, #tpu.memory_space<semaphore_mem>>)
    %dma_start3A_4 = tpu.memref_slice %arg3[%mul3A_2] : memref<16384xi32, #tpu.memory_space<hbm>> -> memref<512xi32, #tpu.memory_space<hbm>>
    %dma_start3A_5 = tpu.memref_slice %arg3[%mul3A_2] : memref<16384xi32, #tpu.memory_space<hbm>> -> memref<512xi32, #tpu.memory_space<hbm>>
    tpu.enqueue_dma source(%dma_start3A_5 : memref<512xi32, #tpu.memory_space<hbm>>) target(%arg11 : memref<512xi32, #tpu.memory_space<vmem>>) target_semaphore(%arg21 : memref<!tpu.dma_semaphore, #tpu.memory_space<semaphore_mem>>)
    %dma_start3A_6 = arith.constant 0 : i32
    %dma_start3A_7 = tpu.memref_slice %arg12[%dma_start3A_6] : memref<528xf32, #tpu.memory_space<vmem>> -> memref<512xf32, #tpu.memory_space<vmem>>
    %dma_start3A_8 = tpu.memref_slice %arg4[%mul3A_2] : memref<16384xf32, #tpu.memory_space<hbm>> -> memref<512xf32, #tpu.memory_space<hbm>>
    %dma_start3A_9 = arith.constant 0 : i32
    %dma_start3A_10 = tpu.memref_slice %arg12[%dma_start3A_9] : memref<528xf32, #tpu.memory_space<vmem>> -> memref<512xf32, #tpu.memory_space<vmem>>
    %dma_start3A_11 = tpu.memref_slice %arg4[%mul3A_2] : memref<16384xf32, #tpu.memory_space<hbm>> -> memref<512xf32, #tpu.memory_space<hbm>>
    tpu.enqueue_dma source(%dma_start3A_11 : memref<512xf32, #tpu.memory_space<hbm>>) target(%dma_start3A_10 : memref<512xf32, #tpu.memory_space<vmem>>) target_semaphore(%arg21 : memref<!tpu.dma_semaphore, #tpu.memory_space<semaphore_mem>>)
    tpu.enqueue_dma source(%arg5 : memref<5x512xf32, #tpu.memory_space<hbm>>) target(%arg13 : memref<5x512xf32, #tpu.memory_space<vmem>>) target_semaphore(%arg21 : memref<!tpu.dma_semaphore, #tpu.memory_space<semaphore_mem>>)
    tpu.enqueue_dma source(%arg6 : memref<6x512xf32, #tpu.memory_space<hbm>>) target(%arg14 : memref<6x512xf32, #tpu.memory_space<vmem>>) target_semaphore(%arg21 : memref<!tpu.dma_semaphore, #tpu.memory_space<semaphore_mem>>)
    tpu.enqueue_dma source(%arg7 : memref<512xf32, #tpu.memory_space<hbm>>) target(%arg15 : memref<512xf32, #tpu.memory_space<vmem>>) target_semaphore(%arg21 : memref<!tpu.dma_semaphore, #tpu.memory_space<semaphore_mem>>)
    tpu.enqueue_dma source(%arg8 : memref<512xf32, #tpu.memory_space<hbm>>) target(%arg16 : memref<512xf32, #tpu.memory_space<vmem>>) target_semaphore(%arg21 : memref<!tpu.dma_semaphore, #tpu.memory_space<semaphore_mem>>)
    %dma_wait3A = tpu.memref_slice %arg2[%mul3A_2] : memref<16384xi32, #tpu.memory_space<hbm>> -> memref<512xi32, #tpu.memory_space<hbm>>
    %dma_wait3A_12 = tpu.memref_slice %arg2[%mul3A_2] : memref<16384xi32, #tpu.memory_space<hbm>> -> memref<512xi32, #tpu.memory_space<hbm>>
    tpu.wait_dma2 semaphore(%arg21 : memref<!tpu.dma_semaphore, #tpu.memory_space<semaphore_mem>>) src(%dma_wait3A_12 : memref<512xi32, #tpu.memory_space<hbm>>) dst(%arg10 : memref<512xi32, #tpu.memory_space<vmem>>)
    %dma_wait3A_13 = tpu.memref_slice %arg3[%mul3A_2] : memref<16384xi32, #tpu.memory_space<hbm>> -> memref<512xi32, #tpu.memory_space<hbm>>
    %dma_wait3A_14 = tpu.memref_slice %arg3[%mul3A_2] : memref<16384xi32, #tpu.memory_space<hbm>> -> memref<512xi32, #tpu.memory_space<hbm>>
    tpu.wait_dma2 semaphore(%arg21 : memref<!tpu.dma_semaphore, #tpu.memory_space<semaphore_mem>>) src(%dma_wait3A_14 : memref<512xi32, #tpu.memory_space<hbm>>) dst(%arg11 : memref<512xi32, #tpu.memory_space<vmem>>)
    %dma_wait3A_15 = arith.constant 0 : i32
    %dma_wait3A_16 = tpu.memref_slice %arg12[%dma_wait3A_15] : memref<528xf32, #tpu.memory_space<vmem>> -> memref<512xf32, #tpu.memory_space<vmem>>
    %dma_wait3A_17 = tpu.memref_slice %arg4[%mul3A_2] : memref<16384xf32, #tpu.memory_space<hbm>> -> memref<512xf32, #tpu.memory_space<hbm>>
    %dma_wait3A_18 = arith.constant 0 : i32
    %dma_wait3A_19 = tpu.memref_slice %arg12[%dma_wait3A_18] : memref<528xf32, #tpu.memory_space<vmem>> -> memref<512xf32, #tpu.memory_space<vmem>>
    %dma_wait3A_20 = tpu.memref_slice %arg4[%mul3A_2] : memref<16384xf32, #tpu.memory_space<hbm>> -> memref<512xf32, #tpu.memory_space<hbm>>
    tpu.wait_dma2 semaphore(%arg21 : memref<!tpu.dma_semaphore, #tpu.memory_space<semaphore_mem>>) src(%dma_wait3A_20 : memref<512xf32, #tpu.memory_space<hbm>>) dst(%dma_wait3A_19 : memref<512xf32, #tpu.memory_space<vmem>>)
    tpu.wait_dma2 semaphore(%arg21 : memref<!tpu.dma_semaphore, #tpu.memory_space<semaphore_mem>>) src(%arg5 : memref<5x512xf32, #tpu.memory_space<hbm>>) dst(%arg13 : memref<5x512xf32, #tpu.memory_space<vmem>>)
    tpu.wait_dma2 semaphore(%arg21 : memref<!tpu.dma_semaphore, #tpu.memory_space<semaphore_mem>>) src(%arg6 : memref<6x512xf32, #tpu.memory_space<hbm>>) dst(%arg14 : memref<6x512xf32, #tpu.memory_space<vmem>>)
    tpu.wait_dma2 semaphore(%arg21 : memref<!tpu.dma_semaphore, #tpu.memory_space<semaphore_mem>>) src(%arg7 : memref<512xf32, #tpu.memory_space<hbm>>) dst(%arg15 : memref<512xf32, #tpu.memory_space<vmem>>)
    tpu.wait_dma2 semaphore(%arg21 : memref<!tpu.dma_semaphore, #tpu.memory_space<semaphore_mem>>) src(%arg8 : memref<512xf32, #tpu.memory_space<hbm>>) dst(%arg16 : memref<512xf32, #tpu.memory_space<vmem>>)
    %parallel_loop3A = arith.constant 0 : i32
    %parallel_loop3A_21 = arith.constant 30 : i32
    %parallel_loop3A_22 = arith.constant 1 : i32
    scf.for %parallel_loop3A_43 = %parallel_loop3A to %parallel_loop3A_21 step %parallel_loop3A_22  : i32 {
      %parallel_loop3A_44 = arith.constant 6 : i32
      %parallel_loop3A_45 = arith.divsi %parallel_loop3A_43, %parallel_loop3A_44 : i32
      %parallel_loop3A_46 = arith.constant 0 : i32
      %parallel_loop3A_47 = arith.cmpi sgt, %parallel_loop3A_43, %parallel_loop3A_46 : i32
      %parallel_loop3A_48 = arith.extui %parallel_loop3A_47 : i1 to i32
      %parallel_loop3A_49 = arith.constant 0 : i32
      %parallel_loop3A_50 = arith.cmpi slt, %parallel_loop3A_43, %parallel_loop3A_49 : i32
      %parallel_loop3A_51 = arith.extui %parallel_loop3A_50 : i1 to i32
      %parallel_loop3A_52 = arith.subi %parallel_loop3A_48, %parallel_loop3A_51 : i32
      %parallel_loop3A_53 = arith.constant 0 : i32
      %parallel_loop3A_54 = arith.cmpi sgt, %parallel_loop3A_44, %parallel_loop3A_53 : i32
      %parallel_loop3A_55 = arith.extui %parallel_loop3A_54 : i1 to i32
      %parallel_loop3A_56 = arith.constant 0 : i32
      %parallel_loop3A_57 = arith.cmpi slt, %parallel_loop3A_44, %parallel_loop3A_56 : i32
      %parallel_loop3A_58 = arith.extui %parallel_loop3A_57 : i1 to i32
      %parallel_loop3A_59 = arith.subi %parallel_loop3A_55, %parallel_loop3A_58 : i32
      %parallel_loop3A_60 = arith.cmpi ne, %parallel_loop3A_52, %parallel_loop3A_59 : i32
      %parallel_loop3A_61 = arith.remsi %parallel_loop3A_43, %parallel_loop3A_44 : i32
      %parallel_loop3A_62 = arith.constant 0 : i32
      %parallel_loop3A_63 = arith.cmpi ne, %parallel_loop3A_61, %parallel_loop3A_62 : i32
      %parallel_loop3A_64 = arith.andi %parallel_loop3A_60, %parallel_loop3A_63 : i1
      %parallel_loop3A_65 = arith.constant 1 : i32
      %parallel_loop3A_66 = arith.subi %parallel_loop3A_45, %parallel_loop3A_65 : i32
      %parallel_loop3A_67 = arith.select %parallel_loop3A_64, %parallel_loop3A_66, %parallel_loop3A_45 : i32
      %parallel_loop3A_68 = arith.constant 6 : i32
      %parallel_loop3A_69 = arith.muli %parallel_loop3A_67, %parallel_loop3A_68 : i32
      %parallel_loop3A_70 = arith.subi %parallel_loop3A_43, %parallel_loop3A_69 : i32
      %parallel_loop3A_71 = arith.constant 512 : i32
      %parallel_loop3A_72 = arith.muli %parallel_loop3A_43, %parallel_loop3A_71 : i32
      %parallel_loop3A_73 = arith.index_cast %parallel_loop3A_67 : i32 to index
      %parallel_loop3A_74 = arith.constant 0 : index
      %parallel_loop3A_75 = tpu.vector_load %arg13[%parallel_loop3A_73, %parallel_loop3A_74] {strides = array<i32>} : memref<5x512xf32, #tpu.memory_space<vmem>>, vector<1x16xf32>,
      %parallel_loop3A_76 = vector.shape_cast %parallel_loop3A_75 : vector<1x16xf32> to vector<16xf32>
      %parallel_loop3A_77 = arith.index_cast %parallel_loop3A_70 : i32 to index
      %parallel_loop3A_78 = arith.constant 0 : index
      %parallel_loop3A_79 = tpu.vector_load %arg14[%parallel_loop3A_77, %parallel_loop3A_78] {strides = array<i32>} : memref<6x512xf32, #tpu.memory_space<vmem>>, vector<1x16xf32>,
      %parallel_loop3A_80 = vector.shape_cast %parallel_loop3A_79 : vector<1x16xf32> to vector<16xf32>
      %parallel_loop3A_81 = arith.addf %parallel_loop3A_76, %parallel_loop3A_80 : vector<16xf32>
      %parallel_loop3A_82 = arith.constant 0 : index
      %parallel_loop3A_83 = tpu.vector_load %arg16[%parallel_loop3A_82] {strides = array<i32>} : memref<512xf32, #tpu.memory_space<vmem>>, vector<16xf32>,
      %parallel_loop3A_84 = vector.shape_cast %parallel_loop3A_83 : vector<16xf32> to vector<16xf32>
      %parallel_loop3A_85 = arith.addf %parallel_loop3A_81, %parallel_loop3A_84 : vector<16xf32>
      %parallel_loop3A_86 = arith.constant 0 : i32
      %parallel_loop3A_87 = arith.addi %parallel_loop3A_72, %parallel_loop3A_86 : i32
      %parallel_loop3A_88 = arith.index_cast %parallel_loop3A_87 : i32 to index
      %parallel_loop3A_89 = tpu.vector_load %arg17[%parallel_loop3A_88] {strides = array<i32>} : memref<15360xf32, #tpu.memory_space<vmem>>, vector<16xf32>,
      %parallel_loop3A_90 = vector.shape_cast %parallel_loop3A_89 : vector<16xf32> to vector<16xf32>
      %parallel_loop3A_91 = vector.shape_cast %parallel_loop3A_85 : vector<16xf32> to vector<16xf32>
      tpu.vector_store %arg17[%parallel_loop3A_88], %parallel_loop3A_91 {strides = array<i32>} : memref<15360xf32, #tpu.memory_space<vmem>>, vector<16xf32>,
      %parallel_loop3A_92 = arith.index_cast %parallel_loop3A_67 : i32 to index
      %parallel_loop3A_93 = arith.constant 16 : index
      %parallel_loop3A_94 = tpu.vector_load %arg13[%parallel_loop3A_92, %parallel_loop3A_93] {strides = array<i32>} : memref<5x512xf32, #tpu.memory_space<vmem>>, vector<1x16xf32>,
      %parallel_loop3A_95 = vector.shape_cast %parallel_loop3A_94 : vector<1x16xf32> to vector<16xf32>
      %parallel_loop3A_96 = arith.index_cast %parallel_loop3A_70 : i32 to index
      %parallel_loop3A_97 = arith.constant 16 : index
      %parallel_loop3A_98 = tpu.vector_load %arg14[%parallel_loop3A_96, %parallel_loop3A_97] {strides = array<i32>} : memref<6x512xf32, #tpu.memory_space<vmem>>, vector<1x16xf32>,
      %parallel_loop3A_99 = vector.shape_cast %parallel_loop3A_98 : vector<1x16xf32> to vector<16xf32>
      %parallel_loop3A_100 = arith.addf %parallel_loop3A_95, %parallel_loop3A_99 : vector<16xf32>
      %parallel_loop3A_101 = arith.constant 16 : index
      %parallel_loop3A_102 = tpu.vector_load %arg16[%parallel_loop3A_101] {strides = array<i32>} : memref<512xf32, #tpu.memory_space<vmem>>, vector<16xf32>,
      %parallel_loop3A_103 = vector.shape_cast %parallel_loop3A_102 : vector<16xf32> to vector<16xf32>
      %parallel_loop3A_104 = arith.addf %parallel_loop3A_100, %parallel_loop3A_103 : vector<16xf32>
      %parallel_loop3A_105 = arith.constant 16 : i32
      %parallel_loop3A_106 = arith.addi %parallel_loop3A_72, %parallel_loop3A_105 : i32
      %parallel_loop3A_107 = arith.index_cast %parallel_loop3A_106 : i32 to index
      %parallel_loop3A_108 = tpu.vector_load %arg17[%parallel_loop3A_107] {strides = array<i32>} : memref<15360xf32, #tpu.memory_space<vmem>>, vector<16xf32>,
      %parallel_loop3A_109 = vector.shape_cast %parallel_loop3A_108 : vector<16xf32> to vector<16xf32>
      %parallel_loop3A_110 = vector.shape_cast %parallel_loop3A_104 : vector<16xf32> to vector<16xf32>
      tpu.vector_store %arg17[%parallel_loop3A_107], %parallel_loop3A_110 {strides = array<i32>} : memref<15360xf32, #tpu.memory_space<vmem>>, vector<16xf32>,
      %parallel_loop3A_111 = arith.index_cast %parallel_loop3A_67 : i32 to index
      %parallel_loop3A_112 = arith.constant 32 : index
      %parallel_loop3A_113 = tpu.vector_load %arg13[%parallel_loop3A_111, %parallel_loop3A_112] {strides = array<i32>} : memref<5x512xf32, #tpu.memory_space<vmem>>, vector<1x16xf32>,
      %parallel_loop3A_114 = vector.shape_cast %parallel_loop3A_113 : vector<1x16xf32> to vector<16xf32>
      %parallel_loop3A_115 = arith.index_cast %parallel_loop3A_70 : i32 to index
      %parallel_loop3A_116 = arith.constant 32 : index
      %parallel_loop3A_117 = tpu.vector_load %arg14[%parallel_loop3A_115, %parallel_loop3A_116] {strides = array<i32>} : memref<6x512xf32, #tpu.memory_space<vmem>>, vector<1x16xf32>,
      %parallel_loop3A_118 = vector.shape_cast %parallel_loop3A_117 : vector<1x16xf32> to vector<16xf32>
      %parallel_loop3A_119 = arith.addf %parallel_loop3A_114, %parallel_loop3A_118 : vector<16xf32>
      %parallel_loop3A_120 = arith.constant 32 : index
      %parallel_loop3A_121 = tpu.vector_load %arg16[%parallel_loop3A_120] {strides = array<i32>} : memref<512xf32, #tpu.memory_space<vmem>>, vector<16xf32>,
      %parallel_loop3A_122 = vector.shape_cast %parallel_loop3A_121 : vector<16xf32> to vector<16xf32>
      %parallel_loop3A_123 = arith.addf %parallel_loop3A_119, %parallel_loop3A_122 : vector<16xf32>
      %parallel_loop3A_124 = arith.constant 32 : i32
      %parallel_loop3A_125 = arith.addi %parallel_loop3A_72, %parallel_loop3A_124 : i32
      %parallel_loop3A_126 = arith.index_cast %parallel_loop3A_125 : i32 to index
      %parallel_loop3A_127 = tpu.vector_load %arg17[%parallel_loop3A_126] {strides = array<i32>} : memref<15360xf32, #tpu.memory_space<vmem>>, vector<16xf32>,
      %parallel_loop3A_128 = vector.shape_cast %parallel_loop3A_127 : vector<16xf32> to vector<16xf32>
      %parallel_loop3A_129 = vector.shape_cast %parallel_loop3A_123 : vector<16xf32> to vector<16xf32>
      tpu.vector_store %arg17[%parallel_loop3A_126], %parallel_loop3A_129 {strides = array<i32>} : memref<15360xf32, #tpu.memory_space<vmem>>, vector<16xf32>,
      %parallel_loop3A_130 = arith.index_cast %parallel_loop3A_67 : i32 to index
      %parallel_loop3A_131 = arith.constant 48 : index
      %parallel_loop3A_132 = tpu.vector_load %arg13[%parallel_loop3A_130, %parallel_loop3A_131] {strides = array<i32>} : memref<5x512xf32, #tpu.memory_space<vmem>>, vector<1x16xf32>,
      %parallel_loop3A_133 = vector.shape_cast %parallel_loop3A_132 : vector<1x16xf32> to vector<16xf32>
      %parallel_loop3A_134 = arith.index_cast %parallel_loop3A_70 : i32 to index
      %parallel_loop3A_135 = arith.constant 48 : index
      %parallel_loop3A_136 = tpu.vector_load %arg14[%parallel_loop3A_134, %parallel_loop3A_135] {strides = array<i32>} : memref<6x512xf32, #tpu.memory_space<vmem>>, vector<1x16xf32>,
      %parallel_loop3A_137 = vector.shape_cast %parallel_loop3A_136 : vector<1x16xf32> to vector<16xf32>
      %parallel_loop3A_138 = arith.addf %parallel_loop3A_133, %parallel_loop3A_137 : vector<16xf32>
      %parallel_loop3A_139 = arith.constant 48 : index
      %parallel_loop3A_140 = tpu.vector_load %arg16[%parallel_loop3A_139] {strides = array<i32>} : memref<512xf32, #tpu.memory_space<vmem>>, vector<16xf32>,
      %parallel_loop3A_141 = vector.shape_cast %parallel_loop3A_140 : vector<16xf32> to vector<16xf32>
      %parallel_loop3A_142 = arith.addf %parallel_loop3A_138, %parallel_loop3A_141 : vector<16xf32>
      %parallel_loop3A_143 = arith.constant 48 : i32
      %parallel_loop3A_144 = arith.addi %parallel_loop3A_72, %parallel_loop3A_143 : i32
      %parallel_loop3A_145 = arith.index_cast %parallel_loop3A_144 : i32 to index
      %parallel_loop3A_146 = tpu.vector_load %arg17[%parallel_loop3A_145] {strides = array<i32>} : memref<15360xf32, #tpu.memory_space<vmem>>, vector<16xf32>,
      %parallel_loop3A_147 = vector.shape_cast %parallel_loop3A_146 : vector<16xf32> to vector<16xf32>
      %parallel_loop3A_148 = vector.shape_cast %parallel_loop3A_142 : vector<16xf32> to vector<16xf32>
      tpu.vector_store %arg17[%parallel_loop3A_145], %parallel_loop3A_148 {strides = array<i32>} : memref<15360xf32, #tpu.memory_space<vmem>>, vector<16xf32>,
      %parallel_loop3A_149 = arith.index_cast %parallel_loop3A_67 : i32 to index
      %parallel_loop3A_150 = arith.constant 64 : index
      %parallel_loop3A_151 = tpu.vector_load %arg13[%parallel_loop3A_149, %parallel_loop3A_150] {strides = array<i32>} : memref<5x512xf32, #tpu.memory_space<vmem>>, vector<1x16xf32>,
      %parallel_loop3A_152 = vector.shape_cast %parallel_loop3A_151 : vector<1x16xf32> to vector<16xf32>
      %parallel_loop3A_153 = arith.index_cast %parallel_loop3A_70 : i32 to index
      %parallel_loop3A_154 = arith.constant 64 : index
      %parallel_loop3A_155 = tpu.vector_load %arg14[%parallel_loop3A_153, %parallel_loop3A_154] {strides = array<i32>} : memref<6x512xf32, #tpu.memory_space<vmem>>, vector<1x16xf32>,
      %parallel_loop3A_156 = vector.shape_cast %parallel_loop3A_155 : vector<1x16xf32> to vector<16xf32>
      %parallel_loop3A_157 = arith.addf %parallel_loop3A_152, %parallel_loop3A_156 : vector<16xf32>
      %parallel_loop3A_158 = arith.constant 64 : index
      %parallel_loop3A_159 = tpu.vector_load %arg16[%parallel_loop3A_158] {strides = array<i32>} : memref<512xf32, #tpu.memory_space<vmem>>, vector<16xf32>,
      %parallel_loop3A_160 = vector.shape_cast %parallel_loop3A_159 : vector<16xf32> to vector<16xf32>
      %parallel_loop3A_161 = arith.addf %parallel_loop3A_157, %parallel_loop3A_160 : vector<16xf32>
      %parallel_loop3A_162 = arith.constant 64 : i32
      %parallel_loop3A_163 = arith.addi %parallel_loop3A_72, %parallel_loop3A_162 : i32
      %parallel_loop3A_164 = arith.index_cast %parallel_loop3A_163 : i32 to index
      %parallel_loop3A_165 = tpu.vector_load %arg17[%parallel_loop3A_164] {strides = array<i32>} : memref<15360xf32, #tpu.memory_space<vmem>>, vector<16xf32>,
      %parallel_loop3A_166 = vector.shape_cast %parallel_loop3A_165 : vector<16xf32> to vector<16xf32>
      %parallel_loop3A_167 = vector.shape_cast %parallel_loop3A_161 : vector<16xf32> to vector<16xf32>
      tpu.vector_store %arg17[%parallel_loop3A_164], %parallel_loop3A_167 {strides = array<i32>} : memref<15360xf32, #tpu.memory_space<vmem>>, vector<16xf32>,
      %parallel_loop3A_168 = arith.index_cast %parallel_loop3A_67 : i32 to index
      %parallel_loop3A_169 = arith.constant 80 : index
      %parallel_loop3A_170 = tpu.vector_load %arg13[%parallel_loop3A_168, %parallel_loop3A_169] {strides = array<i32>} : memref<5x512xf32, #tpu.memory_space<vmem>>, vector<1x16xf32>,
      %parallel_loop3A_171 = vector.shape_cast %parallel_loop3A_170 : vector<1x16xf32> to vector<16xf32>
      %parallel_loop3A_172 = arith.index_cast %parallel_loop3A_70 : i32 to index
      %parallel_loop3A_173 = arith.constant 80 : index
      %parallel_loop3A_174 = tpu.vector_load %arg14[%parallel_loop3A_172, %parallel_loop3A_173] {strides = array<i32>} : memref<6x512xf32, #tpu.memory_space<vmem>>, vector<1x16xf32>,
      %parallel_loop3A_175 = vector.shape_cast %parallel_loop3A_174 : vector<1x16xf32> to vector<16xf32>
      %parallel_loop3A_176 = arith.addf %parallel_loop3A_171, %parallel_loop3A_175 : vector<16xf32>
      %parallel_loop3A_177 = arith.constant 80 : index
      %parallel_loop3A_178 = tpu.vector_load %arg16[%parallel_loop3A_177] {strides = array<i32>} : memref<512xf32, #tpu.memory_space<vmem>>, vector<16xf32>,
      %parallel_loop3A_179 = vector.shape_cast %parallel_loop3A_178 : vector<16xf32> to vector<16xf32>
      %parallel_loop3A_180 = arith.addf %parallel_loop3A_176, %parallel_loop3A_179 : vector<16xf32>
      %parallel_loop3A_181 = arith.constant 80 : i32
      %parallel_loop3A_182 = arith.addi %parallel_loop3A_72, %parallel_loop3A_181 : i32
      %parallel_loop3A_183 = arith.index_cast %parallel_loop3A_182 : i32 to index
      %parallel_loop3A_184 = tpu.vector_load %arg17[%parallel_loop3A_183] {strides = array<i32>} : memref<15360xf32, #tpu.memory_space<vmem>>, vector<16xf32>,
      %parallel_loop3A_185 = vector.shape_cast %parallel_loop3A_184 : vector<16xf32> to vector<16xf32>
      %parallel_loop3A_186 = vector.shape_cast %parallel_loop3A_180 : vector<16xf32> to vector<16xf32>
      tpu.vector_store %arg17[%parallel_loop3A_183], %parallel_loop3A_186 {strides = array<i32>} : memref<15360xf32, #tpu.memory_space<vmem>>, vector<16xf32>,
      %parallel_loop3A_187 = arith.index_cast %parallel_loop3A_67 : i32 to index
      %parallel_loop3A_188 = arith.constant 96 : index
      %parallel_loop3A_189 = tpu.vector_load %arg13[%parallel_loop3A_187, %parallel_loop3A_188] {strides = array<i32>} : memref<5x512xf32, #tpu.memory_space<vmem>>, vector<1x16xf32>,
      %parallel_loop3A_190 = vector.shape_cast %parallel_loop3A_189 : vector<1x16xf32> to vector<16xf32>
      %parallel_loop3A_191 = arith.index_cast %parallel_loop3A_70 : i32 to index
      %parallel_loop3A_192 = arith.constant 96 : index
      %parallel_loop3A_193 = tpu.vector_load %arg14[%parallel_loop3A_191, %parallel_loop3A_192] {strides = array<i32>} : memref<6x512xf32, #tpu.memory_space<vmem>>, vector<1x16xf32>,
      %parallel_loop3A_194 = vector.shape_cast %parallel_loop3A_193 : vector<1x16xf32> to vector<16xf32>
      %parallel_loop3A_195 = arith.addf %parallel_loop3A_190, %parallel_loop3A_194 : vector<16xf32>
      %parallel_loop3A_196 = arith.constant 96 : index
      %parallel_loop3A_197 = tpu.vector_load %arg16[%parallel_loop3A_196] {strides = array<i32>} : memref<512xf32, #tpu.memory_space<vmem>>, vector<16xf32>,
      %parallel_loop3A_198 = vector.shape_cast %parallel_loop3A_197 : vector<16xf32> to vector<16xf32>
      %parallel_loop3A_199 = arith.addf %parallel_loop3A_195, %parallel_loop3A_198 : vector<16xf32>
      %parallel_loop3A_200 = arith.constant 96 : i32
      %parallel_loop3A_201 = arith.addi %parallel_loop3A_72, %parallel_loop3A_200 : i32
      %parallel_loop3A_202 = arith.index_cast %parallel_loop3A_201 : i32 to index
      %parallel_loop3A_203 = tpu.vector_load %arg17[%parallel_loop3A_202] {strides = array<i32>} : memref<15360xf32, #tpu.memory_space<vmem>>, vector<16xf32>,
      %parallel_loop3A_204 = vector.shape_cast %parallel_loop3A_203 : vector<16xf32> to vector<16xf32>
      %parallel_loop3A_205 = vector.shape_cast %parallel_loop3A_199 : vector<16xf32> to vector<16xf32>
      tpu.vector_store %arg17[%parallel_loop3A_202], %parallel_loop3A_205 {strides = array<i32>} : memref<15360xf32, #tpu.memory_space<vmem>>, vector<16xf32>,
      %parallel_loop3A_206 = arith.index_cast %parallel_loop3A_67 : i32 to index
      %parallel_loop3A_207 = arith.constant 112 : index
      %parallel_loop3A_208 = tpu.vector_load %arg13[%parallel_loop3A_206, %parallel_loop3A_207] {strides = array<i32>} : memref<5x512xf32, #tpu.memory_space<vmem>>, vector<1x16xf32>,
      %parallel_loop3A_209 = vector.shape_cast %parallel_loop3A_208 : vector<1x16xf32> to vector<16xf32>
      %parallel_loop3A_210 = arith.index_cast %parallel_loop3A_70 : i32 to index
      %parallel_loop3A_211 = arith.constant 112 : index
      %parallel_loop3A_212 = tpu.vector_load %arg14[%parallel_loop3A_210, %parallel_loop3A_211] {strides = array<i32>} : memref<6x512xf32, #tpu.memory_space<vmem>>, vector<1x16xf32>,
      %parallel_loop3A_213 = vector.shape_cast %parallel_loop3A_212 : vector<1x16xf32> to vector<16xf32>
      %parallel_loop3A_214 = arith.addf %parallel_loop3A_209, %parallel_loop3A_213 : vector<16xf32>
      %parallel_loop3A_215 = arith.constant 112 : index
      %parallel_loop3A_216 = tpu.vector_load %arg16[%parallel_loop3A_215] {strides = array<i32>} : memref<512xf32, #tpu.memory_space<vmem>>, vector<16xf32>,
      %parallel_loop3A_217 = vector.shape_cast %parallel_loop3A_216 : vector<16xf32> to vector<16xf32>
      %parallel_loop3A_218 = arith.addf %parallel_loop3A_214, %parallel_loop3A_217 : vector<16xf32>
      %parallel_loop3A_219 = arith.constant 112 : i32
      %parallel_loop3A_220 = arith.addi %parallel_loop3A_72, %parallel_loop3A_219 : i32
      %parallel_loop3A_221 = arith.index_cast %parallel_loop3A_220 : i32 to index
      %parallel_loop3A_222 = tpu.vector_load %arg17[%parallel_loop3A_221] {strides = array<i32>} : memref<15360xf32, #tpu.memory_space<vmem>>, vector<16xf32>,
      %parallel_loop3A_223 = vector.shape_cast %parallel_loop3A_222 : vector<16xf32> to vector<16xf32>
      %parallel_loop3A_224 = vector.shape_cast %parallel_loop3A_218 : vector<16xf32> to vector<16xf32>
      tpu.vector_store %arg17[%parallel_loop3A_221], %parallel_loop3A_224 {strides = array<i32>} : memref<15360xf32, #tpu.memory_space<vmem>>, vector<16xf32>,
      %parallel_loop3A_225 = arith.index_cast %parallel_loop3A_67 : i32 to index
      %parallel_loop3A_226 = arith.constant 128 : index
      %parallel_loop3A_227 = tpu.vector_load %arg13[%parallel_loop3A_225, %parallel_loop3A_226] {strides = array<i32>} : memref<5x512xf32, #tpu.memory_space<vmem>>, vector<1x16xf32>,
      %parallel_loop3A_228 = vector.shape_cast %parallel_loop3A_227 : vector<1x16xf32> to vector<16xf32>
      %parallel_loop3A_229 = arith.index_cast %parallel_loop3A_70 : i32 to index
      %parallel_loop3A_230 = arith.constant 128 : index
      %parallel_loop3A_231 = tpu.vector_load %arg14[%parallel_loop3A_229, %parallel_loop3A_230] {strides = array<i32>} : memref<6x512xf32, #tpu.memory_space<vmem>>, vector<1x16xf32>,
      %parallel_loop3A_232 = vector.shape_cast %parallel_loop3A_231 : vector<1x16xf32> to vector<16xf32>
      %parallel_loop3A_233 = arith.addf %parallel_loop3A_228, %parallel_loop3A_232 : vector<16xf32>
      %parallel_loop3A_234 = arith.constant 128 : index
      %parallel_loop3A_235 = tpu.vector_load %arg16[%parallel_loop3A_234] {strides = array<i32>} : memref<512xf32, #tpu.memory_space<vmem>>, vector<16xf32>,
      %parallel_loop3A_236 = vector.shape_cast %parallel_loop3A_235 : vector<16xf32> to vector<16xf32>
      %parallel_loop3A_237 = arith.addf %parallel_loop3A_233, %parallel_loop3A_236 : vector<16xf32>
      %parallel_loop3A_238 = arith.constant 128 : i32
      %parallel_loop3A_239 = arith.addi %parallel_loop3A_72, %parallel_loop3A_238 : i32
      %parallel_loop3A_240 = arith.index_cast %parallel_loop3A_239 : i32 to index
      %parallel_loop3A_241 = tpu.vector_load %arg17[%parallel_loop3A_240] {strides = array<i32>} : memref<15360xf32, #tpu.memory_space<vmem>>, vector<16xf32>,
      %parallel_loop3A_242 = vector.shape_cast %parallel_loop3A_241 : vector<16xf32> to vector<16xf32>
      %parallel_loop3A_243 = vector.shape_cast %parallel_loop3A_237 : vector<16xf32> to vector<16xf32>
      tpu.vector_store %arg17[%parallel_loop3A_240], %parallel_loop3A_243 {strides = array<i32>} : memref<15360xf32, #tpu.memory_space<vmem>>, vector<16xf32>,
      %parallel_loop3A_244 = arith.index_cast %parallel_loop3A_67 : i32 to index
      %parallel_loop3A_245 = arith.constant 144 : index
      %parallel_loop3A_246 = tpu.vector_load %arg13[%parallel_loop3A_244, %parallel_loop3A_245] {strides = array<i32>} : memref<5x512xf32, #tpu.memory_space<vmem>>, vector<1x16xf32>,
      %parallel_loop3A_247 = vector.shape_cast %parallel_loop3A_246 : vector<1x16xf32> to vector<16xf32>
      %parallel_loop3A_248 = arith.index_cast %parallel_loop3A_70 : i32 to index
      %parallel_loop3A_249 = arith.constant 144 : index
      %parallel_loop3A_250 = tpu.vector_load %arg14[%parallel_loop3A_248, %parallel_loop3A_249] {strides = array<i32>} : memref<6x512xf32, #tpu.memory_space<vmem>>, vector<1x16xf32>,
      %parallel_loop3A_251 = vector.shape_cast %parallel_loop3A_250 : vector<1x16xf32> to vector<16xf32>
      %parallel_loop3A_252 = arith.addf %parallel_loop3A_247, %parallel_loop3A_251 : vector<16xf32>
      %parallel_loop3A_253 = arith.constant 144 : index
      %parallel_loop3A_254 = tpu.vector_load %arg16[%parallel_loop3A_253] {strides = array<i32>} : memref<512xf32, #tpu.memory_space<vmem>>, vector<16xf32>,
      %parallel_loop3A_255 = vector.shape_cast %parallel_loop3A_254 : vector<16xf32> to vector<16xf32>
      %parallel_loop3A_256 = arith.addf %parallel_loop3A_252, %parallel_loop3A_255 : vector<16xf32>
      %parallel_loop3A_257 = arith.constant 144 : i32
      %parallel_loop3A_258 = arith.addi %parallel_loop3A_72, %parallel_loop3A_257 : i32
      %parallel_loop3A_259 = arith.index_cast %parallel_loop3A_258 : i32 to index
      %parallel_loop3A_260 = tpu.vector_load %arg17[%parallel_loop3A_259] {strides = array<i32>} : memref<15360xf32, #tpu.memory_space<vmem>>, vector<16xf32>,
      %parallel_loop3A_261 = vector.shape_cast %parallel_loop3A_260 : vector<16xf32> to vector<16xf32>
      %parallel_loop3A_262 = vector.shape_cast %parallel_loop3A_256 : vector<16xf32> to vector<16xf32>
      tpu.vector_store %arg17[%parallel_loop3A_259], %parallel_loop3A_262 {strides = array<i32>} : memref<15360xf32, #tpu.memory_space<vmem>>, vector<16xf32>,
      %parallel_loop3A_263 = arith.index_cast %parallel_loop3A_67 : i32 to index
      %parallel_loop3A_264 = arith.constant 160 : index
      %parallel_loop3A_265 = tpu.vector_load %arg13[%parallel_loop3A_263, %parallel_loop3A_264] {strides = array<i32>} : memref<5x512xf32, #tpu.memory_space<vmem>>, vector<1x16xf32>,
      %parallel_loop3A_266 = vector.shape_cast %parallel_loop3A_265 : vector<1x16xf32> to vector<16xf32>
      %parallel_loop3A_267 = arith.index_cast %parallel_loop3A_70 : i32 to index
      %parallel_loop3A_268 = arith.constant 160 : index
      %parallel_loop3A_269 = tpu.vector_load %arg14[%parallel_loop3A_267, %parallel_loop3A_268] {strides = array<i32>} : memref<6x512xf32, #tpu.memory_space<vmem>>, vector<1x16xf32>,
      %parallel_loop3A_270 = vector.shape_cast %parallel_loop3A_269 : vector<1x16xf32> to vector<16xf32>
      %parallel_loop3A_271 = arith.addf %parallel_loop3A_266, %parallel_loop3A_270 : vector<16xf32>
      %parallel_loop3A_272 = arith.constant 160 : index
      %parallel_loop3A_273 = tpu.vector_load %arg16[%parallel_loop3A_272] {strides = array<i32>} : memref<512xf32, #tpu.memory_space<vmem>>, vector<16xf32>,
      %parallel_loop3A_274 = vector.shape_cast %parallel_loop3A_273 : vector<16xf32> to vector<16xf32>
      %parallel_loop3A_275 = arith.addf %parallel_loop3A_271, %parallel_loop3A_274 : vector<16xf32>
      %parallel_loop3A_276 = arith.constant 160 : i32
      %parallel_loop3A_277 = arith.addi %parallel_loop3A_72, %parallel_loop3A_276 : i32
      %parallel_loop3A_278 = arith.index_cast %parallel_loop3A_277 : i32 to index
      %parallel_loop3A_279 = tpu.vector_load %arg17[%parallel_loop3A_278] {strides = array<i32>} : memref<15360xf32, #tpu.memory_space<vmem>>, vector<16xf32>,
      %parallel_loop3A_280 = vector.shape_cast %parallel_loop3A_279 : vector<16xf32> to vector<16xf32>
      %parallel_loop3A_281 = vector.shape_cast %parallel_loop3A_275 : vector<16xf32> to vector<16xf32>
      tpu.vector_store %arg17[%parallel_loop3A_278], %parallel_loop3A_281 {strides = array<i32>} : memref<15360xf32, #tpu.memory_space<vmem>>, vector<16xf32>,
      %parallel_loop3A_282 = arith.index_cast %parallel_loop3A_67 : i32 to index
      %parallel_loop3A_283 = arith.constant 176 : index
      %parallel_loop3A_284 = tpu.vector_load %arg13[%parallel_loop3A_282, %parallel_loop3A_283] {strides = array<i32>} : memref<5x512xf32, #tpu.memory_space<vmem>>, vector<1x16xf32>,
      %parallel_loop3A_285 = vector.shape_cast %parallel_loop3A_284 : vector<1x16xf32> to vector<16xf32>
      %parallel_loop3A_286 = arith.index_cast %parallel_loop3A_70 : i32 to index
      %parallel_loop3A_287 = arith.constant 176 : index
      %parallel_loop3A_288 = tpu.vector_load %arg14[%parallel_loop3A_286, %parallel_loop3A_287] {strides = array<i32>} : memref<6x512xf32, #tpu.memory_space<vmem>>, vector<1x16xf32>,
      %parallel_loop3A_289 = vector.shape_cast %parallel_loop3A_288 : vector<1x16xf32> to vector<16xf32>
      %parallel_loop3A_290 = arith.addf %parallel_loop3A_285, %parallel_loop3A_289 : vector<16xf32>
      %parallel_loop3A_291 = arith.constant 176 : index
      %parallel_loop3A_292 = tpu.vector_load %arg16[%parallel_loop3A_291] {strides = array<i32>} : memref<512xf32, #tpu.memory_space<vmem>>, vector<16xf32>,
      %parallel_loop3A_293 = vector.shape_cast %parallel_loop3A_292 : vector<16xf32> to vector<16xf32>
      %parallel_loop3A_294 = arith.addf %parallel_loop3A_290, %parallel_loop3A_293 : vector<16xf32>
      %parallel_loop3A_295 = arith.constant 176 : i32
      %parallel_loop3A_296 = arith.addi %parallel_loop3A_72, %parallel_loop3A_295 : i32
      %parallel_loop3A_297 = arith.index_cast %parallel_loop3A_296 : i32 to index
      %parallel_loop3A_298 = tpu.vector_load %arg17[%parallel_loop3A_297] {strides = array<i32>} : memref<15360xf32, #tpu.memory_space<vmem>>, vector<16xf32>,
      %parallel_loop3A_299 = vector.shape_cast %parallel_loop3A_298 : vector<16xf32> to vector<16xf32>
      %parallel_loop3A_300 = vector.shape_cast %parallel_loop3A_294 : vector<16xf32> to vector<16xf32>
      tpu.vector_store %arg17[%parallel_loop3A_297], %parallel_loop3A_300 {strides = array<i32>} : memref<15360xf32, #tpu.memory_space<vmem>>, vector<16xf32>,
      %parallel_loop3A_301 = arith.index_cast %parallel_loop3A_67 : i32 to index
      %parallel_loop3A_302 = arith.constant 192 : index
      %parallel_loop3A_303 = tpu.vector_load %arg13[%parallel_loop3A_301, %parallel_loop3A_302] {strides = array<i32>} : memref<5x512xf32, #tpu.memory_space<vmem>>, vector<1x16xf32>,
      %parallel_loop3A_304 = vector.shape_cast %parallel_loop3A_303 : vector<1x16xf32> to vector<16xf32>
      %parallel_loop3A_305 = arith.index_cast %parallel_loop3A_70 : i32 to index
      %parallel_loop3A_306 = arith.constant 192 : index
      %parallel_loop3A_307 = tpu.vector_load %arg14[%parallel_loop3A_305, %parallel_loop3A_306] {strides = array<i32>} : memref<6x512xf32, #tpu.memory_space<vmem>>, vector<1x16xf32>,
      %parallel_loop3A_308 = vector.shape_cast %parallel_loop3A_307 : vector<1x16xf32> to vector<16xf32>
      %parallel_loop3A_309 = arith.addf %parallel_loop3A_304, %parallel_loop3A_308 : vector<16xf32>
      %parallel_loop3A_310 = arith.constant 192 : index
      %parallel_loop3A_311 = tpu.vector_load %arg16[%parallel_loop3A_310] {strides = array<i32>} : memref<512xf32, #tpu.memory_space<vmem>>, vector<16xf32>,
      %parallel_loop3A_312 = vector.shape_cast %parallel_loop3A_311 : vector<16xf32> to vector<16xf32>
      %parallel_loop3A_313 = arith.addf %parallel_loop3A_309, %parallel_loop3A_312 : vector<16xf32>
      %parallel_loop3A_314 = arith.constant 192 : i32
      %parallel_loop3A_315 = arith.addi %parallel_loop3A_72, %parallel_loop3A_314 : i32
      %parallel_loop3A_316 = arith.index_cast %parallel_loop3A_315 : i32 to index
      %parallel_loop3A_317 = tpu.vector_load %arg17[%parallel_loop3A_316] {strides = array<i32>} : memref<15360xf32, #tpu.memory_space<vmem>>, vector<16xf32>,
      %parallel_loop3A_318 = vector.shape_cast %parallel_loop3A_317 : vector<16xf32> to vector<16xf32>
      %parallel_loop3A_319 = vector.shape_cast %parallel_loop3A_313 : vector<16xf32> to vector<16xf32>
      tpu.vector_store %arg17[%parallel_loop3A_316], %parallel_loop3A_319 {strides = array<i32>} : memref<15360xf32, #tpu.memory_space<vmem>>, vector<16xf32>,
      %parallel_loop3A_320 = arith.index_cast %parallel_loop3A_67 : i32 to index
      %parallel_loop3A_321 = arith.constant 208 : index
      %parallel_loop3A_322 = tpu.vector_load %arg13[%parallel_loop3A_320, %parallel_loop3A_321] {strides = array<i32>} : memref<5x512xf32, #tpu.memory_space<vmem>>, vector<1x16xf32>,
      %parallel_loop3A_323 = vector.shape_cast %parallel_loop3A_322 : vector<1x16xf32> to vector<16xf32>
      %parallel_loop3A_324 = arith.index_cast %parallel_loop3A_70 : i32 to index
      %parallel_loop3A_325 = arith.constant 208 : index
      %parallel_loop3A_326 = tpu.vector_load %arg14[%parallel_loop3A_324, %parallel_loop3A_325] {strides = array<i32>} : memref<6x512xf32, #tpu.memory_space<vmem>>, vector<1x16xf32>,
      %parallel_loop3A_327 = vector.shape_cast %parallel_loop3A_326 : vector<1x16xf32> to vector<16xf32>
      %parallel_loop3A_328 = arith.addf %parallel_loop3A_323, %parallel_loop3A_327 : vector<16xf32>
      %parallel_loop3A_329 = arith.constant 208 : index
      %parallel_loop3A_330 = tpu.vector_load %arg16[%parallel_loop3A_329] {strides = array<i32>} : memref<512xf32, #tpu.memory_space<vmem>>, vector<16xf32>,
      %parallel_loop3A_331 = vector.shape_cast %parallel_loop3A_330 : vector<16xf32> to vector<16xf32>
      %parallel_loop3A_332 = arith.addf %parallel_loop3A_328, %parallel_loop3A_331 : vector<16xf32>
      %parallel_loop3A_333 = arith.constant 208 : i32
      %parallel_loop3A_334 = arith.addi %parallel_loop3A_72, %parallel_loop3A_333 : i32
      %parallel_loop3A_335 = arith.index_cast %parallel_loop3A_334 : i32 to index
      %parallel_loop3A_336 = tpu.vector_load %arg17[%parallel_loop3A_335] {strides = array<i32>} : memref<15360xf32, #tpu.memory_space<vmem>>, vector<16xf32>,
      %parallel_loop3A_337 = vector.shape_cast %parallel_loop3A_336 : vector<16xf32> to vector<16xf32>
      %parallel_loop3A_338 = vector.shape_cast %parallel_loop3A_332 : vector<16xf32> to vector<16xf32>
      tpu.vector_store %arg17[%parallel_loop3A_335], %parallel_loop3A_338 {strides = array<i32>} : memref<15360xf32, #tpu.memory_space<vmem>>, vector<16xf32>,
      %parallel_loop3A_339 = arith.index_cast %parallel_loop3A_67 : i32 to index
      %parallel_loop3A_340 = arith.constant 224 : index
      %parallel_loop3A_341 = tpu.vector_load %arg13[%parallel_loop3A_339, %parallel_loop3A_340] {strides = array<i32>} : memref<5x512xf32, #tpu.memory_space<vmem>>, vector<1x16xf32>,
      %parallel_loop3A_342 = vector.shape_cast %parallel_loop3A_341 : vector<1x16xf32> to vector<16xf32>
      %parallel_loop3A_343 = arith.index_cast %parallel_loop3A_70 : i32 to index
      %parallel_loop3A_344 = arith.constant 224 : index
      %parallel_loop3A_345 = tpu.vector_load %arg14[%parallel_loop3A_343, %parallel_loop3A_344] {strides = array<i32>} : memref<6x512xf32, #tpu.memory_space<vmem>>, vector<1x16xf32>,
      %parallel_loop3A_346 = vector.shape_cast %parallel_loop3A_345 : vector<1x16xf32> to vector<16xf32>
      %parallel_loop3A_347 = arith.addf %parallel_loop3A_342, %parallel_loop3A_346 : vector<16xf32>
      %parallel_loop3A_348 = arith.constant 224 : index
      %parallel_loop3A_349 = tpu.vector_load %arg16[%parallel_loop3A_348] {strides = array<i32>} : memref<512xf32, #tpu.memory_space<vmem>>, vector<16xf32>,
      %parallel_loop3A_350 = vector.shape_cast %parallel_loop3A_349 : vector<16xf32> to vector<16xf32>
      %parallel_loop3A_351 = arith.addf %parallel_loop3A_347, %parallel_loop3A_350 : vector<16xf32>
      %parallel_loop3A_352 = arith.constant 224 : i32
      %parallel_loop3A_353 = arith.addi %parallel_loop3A_72, %parallel_loop3A_352 : i32
      %parallel_loop3A_354 = arith.index_cast %parallel_loop3A_353 : i32 to index
      %parallel_loop3A_355 = tpu.vector_load %arg17[%parallel_loop3A_354] {strides = array<i32>} : memref<15360xf32, #tpu.memory_space<vmem>>, vector<16xf32>,
      %parallel_loop3A_356 = vector.shape_cast %parallel_loop3A_355 : vector<16xf32> to vector<16xf32>
      %parallel_loop3A_357 = vector.shape_cast %parallel_loop3A_351 : vector<16xf32> to vector<16xf32>
      tpu.vector_store %arg17[%parallel_loop3A_354], %parallel_loop3A_357 {strides = array<i32>} : memref<15360xf32, #tpu.memory_space<vmem>>, vector<16xf32>,
      %parallel_loop3A_358 = arith.index_cast %parallel_loop3A_67 : i32 to index
      %parallel_loop3A_359 = arith.constant 240 : index
      %parallel_loop3A_360 = tpu.vector_load %arg13[%parallel_loop3A_358, %parallel_loop3A_359] {strides = array<i32>} : memref<5x512xf32, #tpu.memory_space<vmem>>, vector<1x16xf32>,
      %parallel_loop3A_361 = vector.shape_cast %parallel_loop3A_360 : vector<1x16xf32> to vector<16xf32>
      %parallel_loop3A_362 = arith.index_cast %parallel_loop3A_70 : i32 to index
      %parallel_loop3A_363 = arith.constant 240 : index
      %parallel_loop3A_364 = tpu.vector_load %arg14[%parallel_loop3A_362, %parallel_loop3A_363] {strides = array<i32>} : memref<6x512xf32, #tpu.memory_space<vmem>>, vector<1x16xf32>,
      %parallel_loop3A_365 = vector.shape_cast %parallel_loop3A_364 : vector<1x16xf32> to vector<16xf32>
      %parallel_loop3A_366 = arith.addf %parallel_loop3A_361, %parallel_loop3A_365 : vector<16xf32>
      %parallel_loop3A_367 = arith.constant 240 : index
      %parallel_loop3A_368 = tpu.vector_load %arg16[%parallel_loop3A_367] {strides = array<i32>} : memref<512xf32, #tpu.memory_space<vmem>>, vector<16xf32>,
      %parallel_loop3A_369 = vector.shape_cast %parallel_loop3A_368 : vector<16xf32> to vector<16xf32>
      %parallel_loop3A_370 = arith.addf %parallel_loop3A_366, %parallel_loop3A_369 : vector<16xf32>
      %parallel_loop3A_371 = arith.constant 240 : i32
      %parallel_loop3A_372 = arith.addi %parallel_loop3A_72, %parallel_loop3A_371 : i32
      %parallel_loop3A_373 = arith.index_cast %parallel_loop3A_372 : i32 to index
      %parallel_loop3A_374 = tpu.vector_load %arg17[%parallel_loop3A_373] {strides = array<i32>} : memref<15360xf32, #tpu.memory_space<vmem>>, vector<16xf32>,
      %parallel_loop3A_375 = vector.shape_cast %parallel_loop3A_374 : vector<16xf32> to vector<16xf32>
      %parallel_loop3A_376 = vector.shape_cast %parallel_loop3A_370 : vector<16xf32> to vector<16xf32>
      tpu.vector_store %arg17[%parallel_loop3A_373], %parallel_loop3A_376 {strides = array<i32>} : memref<15360xf32, #tpu.memory_space<vmem>>, vector<16xf32>,
      %parallel_loop3A_377 = arith.index_cast %parallel_loop3A_67 : i32 to index
      %parallel_loop3A_378 = arith.constant 256 : index
      %parallel_loop3A_379 = tpu.vector_load %arg13[%parallel_loop3A_377, %parallel_loop3A_378] {strides = array<i32>} : memref<5x512xf32, #tpu.memory_space<vmem>>, vector<1x16xf32>,
      %parallel_loop3A_380 = vector.shape_cast %parallel_loop3A_379 : vector<1x16xf32> to vector<16xf32>
      %parallel_loop3A_381 = arith.index_cast %parallel_loop3A_70 : i32 to index
      %parallel_loop3A_382 = arith.constant 256 : index
      %parallel_loop3A_383 = tpu.vector_load %arg14[%parallel_loop3A_381, %parallel_loop3A_382] {strides = array<i32>} : memref<6x512xf32, #tpu.memory_space<vmem>>, vector<1x16xf32>,
      %parallel_loop3A_384 = vector.shape_cast %parallel_loop3A_383 : vector<1x16xf32> to vector<16xf32>
      %parallel_loop3A_385 = arith.addf %parallel_loop3A_380, %parallel_loop3A_384 : vector<16xf32>
      %parallel_loop3A_386 = arith.constant 256 : index
      %parallel_loop3A_387 = tpu.vector_load %arg16[%parallel_loop3A_386] {strides = array<i32>} : memref<512xf32, #tpu.memory_space<vmem>>, vector<16xf32>,
      %parallel_loop3A_388 = vector.shape_cast %parallel_loop3A_387 : vector<16xf32> to vector<16xf32>
      %parallel_loop3A_389 = arith.addf %parallel_loop3A_385, %parallel_loop3A_388 : vector<16xf32>
      %parallel_loop3A_390 = arith.constant 256 : i32
      %parallel_loop3A_391 = arith.addi %parallel_loop3A_72, %parallel_loop3A_390 : i32
      %parallel_loop3A_392 = arith.index_cast %parallel_loop3A_391 : i32 to index
      %parallel_loop3A_393 = tpu.vector_load %arg17[%parallel_loop3A_392] {strides = array<i32>} : memref<15360xf32, #tpu.memory_space<vmem>>, vector<16xf32>,
      %parallel_loop3A_394 = vector.shape_cast %parallel_loop3A_393 : vector<16xf32> to vector<16xf32>
      %parallel_loop3A_395 = vector.shape_cast %parallel_loop3A_389 : vector<16xf32> to vector<16xf32>
      tpu.vector_store %arg17[%parallel_loop3A_392], %parallel_loop3A_395 {strides = array<i32>} : memref<15360xf32, #tpu.memory_space<vmem>>, vector<16xf32>,
      %parallel_loop3A_396 = arith.index_cast %parallel_loop3A_67 : i32 to index
      %parallel_loop3A_397 = arith.constant 272 : index
      %parallel_loop3A_398 = tpu.vector_load %arg13[%parallel_loop3A_396, %parallel_loop3A_397] {strides = array<i32>} : memref<5x512xf32, #tpu.memory_space<vmem>>, vector<1x16xf32>,
      %parallel_loop3A_399 = vector.shape_cast %parallel_loop3A_398 : vector<1x16xf32> to vector<16xf32>
      %parallel_loop3A_400 = arith.index_cast %parallel_loop3A_70 : i32 to index
      %parallel_loop3A_401 = arith.constant 272 : index
      %parallel_loop3A_402 = tpu.vector_load %arg14[%parallel_loop3A_400, %parallel_loop3A_401] {strides = array<i32>} : memref<6x512xf32, #tpu.memory_space<vmem>>, vector<1x16xf32>,
      %parallel_loop3A_403 = vector.shape_cast %parallel_loop3A_402 : vector<1x16xf32> to vector<16xf32>
      %parallel_loop3A_404 = arith.addf %parallel_loop3A_399, %parallel_loop3A_403 : vector<16xf32>
      %parallel_loop3A_405 = arith.constant 272 : index
      %parallel_loop3A_406 = tpu.vector_load %arg16[%parallel_loop3A_405] {strides = array<i32>} : memref<512xf32, #tpu.memory_space<vmem>>, vector<16xf32>,
      %parallel_loop3A_407 = vector.shape_cast %parallel_loop3A_406 : vector<16xf32> to vector<16xf32>
      %parallel_loop3A_408 = arith.addf %parallel_loop3A_404, %parallel_loop3A_407 : vector<16xf32>
      %parallel_loop3A_409 = arith.constant 272 : i32
      %parallel_loop3A_410 = arith.addi %parallel_loop3A_72, %parallel_loop3A_409 : i32
      %parallel_loop3A_411 = arith.index_cast %parallel_loop3A_410 : i32 to index
      %parallel_loop3A_412 = tpu.vector_load %arg17[%parallel_loop3A_411] {strides = array<i32>} : memref<15360xf32, #tpu.memory_space<vmem>>, vector<16xf32>,
      %parallel_loop3A_413 = vector.shape_cast %parallel_loop3A_412 : vector<16xf32> to vector<16xf32>
      %parallel_loop3A_414 = vector.shape_cast %parallel_loop3A_408 : vector<16xf32> to vector<16xf32>
      tpu.vector_store %arg17[%parallel_loop3A_411], %parallel_loop3A_414 {strides = array<i32>} : memref<15360xf32, #tpu.memory_space<vmem>>, vector<16xf32>,
      %parallel_loop3A_415 = arith.index_cast %parallel_loop3A_67 : i32 to index
      %parallel_loop3A_416 = arith.constant 288 : index
      %parallel_loop3A_417 = tpu.vector_load %arg13[%parallel_loop3A_415, %parallel_loop3A_416] {strides = array<i32>} : memref<5x512xf32, #tpu.memory_space<vmem>>, vector<1x16xf32>,
      %parallel_loop3A_418 = vector.shape_cast %parallel_loop3A_417 : vector<1x16xf32> to vector<16xf32>
      %parallel_loop3A_419 = arith.index_cast %parallel_loop3A_70 : i32 to index
      %parallel_loop3A_420 = arith.constant 288 : index
      %parallel_loop3A_421 = tpu.vector_load %arg14[%parallel_loop3A_419, %parallel_loop3A_420] {strides = array<i32>} : memref<6x512xf32, #tpu.memory_space<vmem>>, vector<1x16xf32>,
      %parallel_loop3A_422 = vector.shape_cast %parallel_loop3A_421 : vector<1x16xf32> to vector<16xf32>
      %parallel_loop3A_423 = arith.addf %parallel_loop3A_418, %parallel_loop3A_422 : vector<16xf32>
      %parallel_loop3A_424 = arith.constant 288 : index
      %parallel_loop3A_425 = tpu.vector_load %arg16[%parallel_loop3A_424] {strides = array<i32>} : memref<512xf32, #tpu.memory_space<vmem>>, vector<16xf32>,
      %parallel_loop3A_426 = vector.shape_cast %parallel_loop3A_425 : vector<16xf32> to vector<16xf32>
      %parallel_loop3A_427 = arith.addf %parallel_loop3A_423, %parallel_loop3A_426 : vector<16xf32>
      %parallel_loop3A_428 = arith.constant 288 : i32
      %parallel_loop3A_429 = arith.addi %parallel_loop3A_72, %parallel_loop3A_428 : i32
      %parallel_loop3A_430 = arith.index_cast %parallel_loop3A_429 : i32 to index
      %parallel_loop3A_431 = tpu.vector_load %arg17[%parallel_loop3A_430] {strides = array<i32>} : memref<15360xf32, #tpu.memory_space<vmem>>, vector<16xf32>,
      %parallel_loop3A_432 = vector.shape_cast %parallel_loop3A_431 : vector<16xf32> to vector<16xf32>
      %parallel_loop3A_433 = vector.shape_cast %parallel_loop3A_427 : vector<16xf32> to vector<16xf32>
      tpu.vector_store %arg17[%parallel_loop3A_430], %parallel_loop3A_433 {strides = array<i32>} : memref<15360xf32, #tpu.memory_space<vmem>>, vector<16xf32>,
      %parallel_loop3A_434 = arith.index_cast %parallel_loop3A_67 : i32 to index
      %parallel_loop3A_435 = arith.constant 304 : index
      %parallel_loop3A_436 = tpu.vector_load %arg13[%parallel_loop3A_434, %parallel_loop3A_435] {strides = array<i32>} : memref<5x512xf32, #tpu.memory_space<vmem>>, vector<1x16xf32>,
      %parallel_loop3A_437 = vector.shape_cast %parallel_loop3A_436 : vector<1x16xf32> to vector<16xf32>
      %parallel_loop3A_438 = arith.index_cast %parallel_loop3A_70 : i32 to index
      %parallel_loop3A_439 = arith.constant 304 : index
      %parallel_loop3A_440 = tpu.vector_load %arg14[%parallel_loop3A_438, %parallel_loop3A_439] {strides = array<i32>} : memref<6x512xf32, #tpu.memory_space<vmem>>, vector<1x16xf32>,
      %parallel_loop3A_441 = vector.shape_cast %parallel_loop3A_440 : vector<1x16xf32> to vector<16xf32>
      %parallel_loop3A_442 = arith.addf %parallel_loop3A_437, %parallel_loop3A_441 : vector<16xf32>
      %parallel_loop3A_443 = arith.constant 304 : index
      %parallel_loop3A_444 = tpu.vector_load %arg16[%parallel_loop3A_443] {strides = array<i32>} : memref<512xf32, #tpu.memory_space<vmem>>, vector<16xf32>,
      %parallel_loop3A_445 = vector.shape_cast %parallel_loop3A_444 : vector<16xf32> to vector<16xf32>
      %parallel_loop3A_446 = arith.addf %parallel_loop3A_442, %parallel_loop3A_445 : vector<16xf32>
      %parallel_loop3A_447 = arith.constant 304 : i32
      %parallel_loop3A_448 = arith.addi %parallel_loop3A_72, %parallel_loop3A_447 : i32
      %parallel_loop3A_449 = arith.index_cast %parallel_loop3A_448 : i32 to index
      %parallel_loop3A_450 = tpu.vector_load %arg17[%parallel_loop3A_449] {strides = array<i32>} : memref<15360xf32, #tpu.memory_space<vmem>>, vector<16xf32>,
      %parallel_loop3A_451 = vector.shape_cast %parallel_loop3A_450 : vector<16xf32> to vector<16xf32>
      %parallel_loop3A_452 = vector.shape_cast %parallel_loop3A_446 : vector<16xf32> to vector<16xf32>
      tpu.vector_store %arg17[%parallel_loop3A_449], %parallel_loop3A_452 {strides = array<i32>} : memref<15360xf32, #tpu.memory_space<vmem>>, vector<16xf32>,
      %parallel_loop3A_453 = arith.index_cast %parallel_loop3A_67 : i32 to index
      %parallel_loop3A_454 = arith.constant 320 : index
      %parallel_loop3A_455 = tpu.vector_load %arg13[%parallel_loop3A_453, %parallel_loop3A_454] {strides = array<i32>} : memref<5x512xf32, #tpu.memory_space<vmem>>, vector<1x16xf32>,
      %parallel_loop3A_456 = vector.shape_cast %parallel_loop3A_455 : vector<1x16xf32> to vector<16xf32>
      %parallel_loop3A_457 = arith.index_cast %parallel_loop3A_70 : i32 to index
      %parallel_loop3A_458 = arith.constant 320 : index
      %parallel_loop3A_459 = tpu.vector_load %arg14[%parallel_loop3A_457, %parallel_loop3A_458] {strides = array<i32>} : memref<6x512xf32, #tpu.memory_space<vmem>>, vector<1x16xf32>,
      %parallel_loop3A_460 = vector.shape_cast %parallel_loop3A_459 : vector<1x16xf32> to vector<16xf32>
      %parallel_loop3A_461 = arith.addf %parallel_loop3A_456, %parallel_loop3A_460 : vector<16xf32>
      %parallel_loop3A_462 = arith.constant 320 : index
      %parallel_loop3A_463 = tpu.vector_load %arg16[%parallel_loop3A_462] {strides = array<i32>} : memref<512xf32, #tpu.memory_space<vmem>>, vector<16xf32>,
      %parallel_loop3A_464 = vector.shape_cast %parallel_loop3A_463 : vector<16xf32> to vector<16xf32>
      %parallel_loop3A_465 = arith.addf %parallel_loop3A_461, %parallel_loop3A_464 : vector<16xf32>
      %parallel_loop3A_466 = arith.constant 320 : i32
      %parallel_loop3A_467 = arith.addi %parallel_loop3A_72, %parallel_loop3A_466 : i32
      %parallel_loop3A_468 = arith.index_cast %parallel_loop3A_467 : i32 to index
      %parallel_loop3A_469 = tpu.vector_load %arg17[%parallel_loop3A_468] {strides = array<i32>} : memref<15360xf32, #tpu.memory_space<vmem>>, vector<16xf32>,
      %parallel_loop3A_470 = vector.shape_cast %parallel_loop3A_469 : vector<16xf32> to vector<16xf32>
      %parallel_loop3A_471 = vector.shape_cast %parallel_loop3A_465 : vector<16xf32> to vector<16xf32>
      tpu.vector_store %arg17[%parallel_loop3A_468], %parallel_loop3A_471 {strides = array<i32>} : memref<15360xf32, #tpu.memory_space<vmem>>, vector<16xf32>,
      %parallel_loop3A_472 = arith.index_cast %parallel_loop3A_67 : i32 to index
      %parallel_loop3A_473 = arith.constant 336 : index
      %parallel_loop3A_474 = tpu.vector_load %arg13[%parallel_loop3A_472, %parallel_loop3A_473] {strides = array<i32>} : memref<5x512xf32, #tpu.memory_space<vmem>>, vector<1x16xf32>,
      %parallel_loop3A_475 = vector.shape_cast %parallel_loop3A_474 : vector<1x16xf32> to vector<16xf32>
      %parallel_loop3A_476 = arith.index_cast %parallel_loop3A_70 : i32 to index
      %parallel_loop3A_477 = arith.constant 336 : index
      %parallel_loop3A_478 = tpu.vector_load %arg14[%parallel_loop3A_476, %parallel_loop3A_477] {strides = array<i32>} : memref<6x512xf32, #tpu.memory_space<vmem>>, vector<1x16xf32>,
      %parallel_loop3A_479 = vector.shape_cast %parallel_loop3A_478 : vector<1x16xf32> to vector<16xf32>
      %parallel_loop3A_480 = arith.addf %parallel_loop3A_475, %parallel_loop3A_479 : vector<16xf32>
      %parallel_loop3A_481 = arith.constant 336 : index
      %parallel_loop3A_482 = tpu.vector_load %arg16[%parallel_loop3A_481] {strides = array<i32>} : memref<512xf32, #tpu.memory_space<vmem>>, vector<16xf32>,
      %parallel_loop3A_483 = vector.shape_cast %parallel_loop3A_482 : vector<16xf32> to vector<16xf32>
      %parallel_loop3A_484 = arith.addf %parallel_loop3A_480, %parallel_loop3A_483 : vector<16xf32>
      %parallel_loop3A_485 = arith.constant 336 : i32
      %parallel_loop3A_486 = arith.addi %parallel_loop3A_72, %parallel_loop3A_485 : i32
      %parallel_loop3A_487 = arith.index_cast %parallel_loop3A_486 : i32 to index
      %parallel_loop3A_488 = tpu.vector_load %arg17[%parallel_loop3A_487] {strides = array<i32>} : memref<15360xf32, #tpu.memory_space<vmem>>, vector<16xf32>,
      %parallel_loop3A_489 = vector.shape_cast %parallel_loop3A_488 : vector<16xf32> to vector<16xf32>
      %parallel_loop3A_490 = vector.shape_cast %parallel_loop3A_484 : vector<16xf32> to vector<16xf32>
      tpu.vector_store %arg17[%parallel_loop3A_487], %parallel_loop3A_490 {strides = array<i32>} : memref<15360xf32, #tpu.memory_space<vmem>>, vector<16xf32>,
      %parallel_loop3A_491 = arith.index_cast %parallel_loop3A_67 : i32 to index
      %parallel_loop3A_492 = arith.constant 352 : index
      %parallel_loop3A_493 = tpu.vector_load %arg13[%parallel_loop3A_491, %parallel_loop3A_492] {strides = array<i32>} : memref<5x512xf32, #tpu.memory_space<vmem>>, vector<1x16xf32>,
      %parallel_loop3A_494 = vector.shape_cast %parallel_loop3A_493 : vector<1x16xf32> to vector<16xf32>
      %parallel_loop3A_495 = arith.index_cast %parallel_loop3A_70 : i32 to index
      %parallel_loop3A_496 = arith.constant 352 : index
      %parallel_loop3A_497 = tpu.vector_load %arg14[%parallel_loop3A_495, %parallel_loop3A_496] {strides = array<i32>} : memref<6x512xf32, #tpu.memory_space<vmem>>, vector<1x16xf32>,
      %parallel_loop3A_498 = vector.shape_cast %parallel_loop3A_497 : vector<1x16xf32> to vector<16xf32>
      %parallel_loop3A_499 = arith.addf %parallel_loop3A_494, %parallel_loop3A_498 : vector<16xf32>
      %parallel_loop3A_500 = arith.constant 352 : index
      %parallel_loop3A_501 = tpu.vector_load %arg16[%parallel_loop3A_500] {strides = array<i32>} : memref<512xf32, #tpu.memory_space<vmem>>, vector<16xf32>,
      %parallel_loop3A_502 = vector.shape_cast %parallel_loop3A_501 : vector<16xf32> to vector<16xf32>
      %parallel_loop3A_503 = arith.addf %parallel_loop3A_499, %parallel_loop3A_502 : vector<16xf32>
      %parallel_loop3A_504 = arith.constant 352 : i32
      %parallel_loop3A_505 = arith.addi %parallel_loop3A_72, %parallel_loop3A_504 : i32
      %parallel_loop3A_506 = arith.index_cast %parallel_loop3A_505 : i32 to index
      %parallel_loop3A_507 = tpu.vector_load %arg17[%parallel_loop3A_506] {strides = array<i32>} : memref<15360xf32, #tpu.memory_space<vmem>>, vector<16xf32>,
      %parallel_loop3A_508 = vector.shape_cast %parallel_loop3A_507 : vector<16xf32> to vector<16xf32>
      %parallel_loop3A_509 = vector.shape_cast %parallel_loop3A_503 : vector<16xf32> to vector<16xf32>
      tpu.vector_store %arg17[%parallel_loop3A_506], %parallel_loop3A_509 {strides = array<i32>} : memref<15360xf32, #tpu.memory_space<vmem>>, vector<16xf32>,
      %parallel_loop3A_510 = arith.index_cast %parallel_loop3A_67 : i32 to index
      %parallel_loop3A_511 = arith.constant 368 : index
      %parallel_loop3A_512 = tpu.vector_load %arg13[%parallel_loop3A_510, %parallel_loop3A_511] {strides = array<i32>} : memref<5x512xf32, #tpu.memory_space<vmem>>, vector<1x16xf32>,
      %parallel_loop3A_513 = vector.shape_cast %parallel_loop3A_512 : vector<1x16xf32> to vector<16xf32>
      %parallel_loop3A_514 = arith.index_cast %parallel_loop3A_70 : i32 to index
      %parallel_loop3A_515 = arith.constant 368 : index
      %parallel_loop3A_516 = tpu.vector_load %arg14[%parallel_loop3A_514, %parallel_loop3A_515] {strides = array<i32>} : memref<6x512xf32, #tpu.memory_space<vmem>>, vector<1x16xf32>,
      %parallel_loop3A_517 = vector.shape_cast %parallel_loop3A_516 : vector<1x16xf32> to vector<16xf32>
      %parallel_loop3A_518 = arith.addf %parallel_loop3A_513, %parallel_loop3A_517 : vector<16xf32>
      %parallel_loop3A_519 = arith.constant 368 : index
      %parallel_loop3A_520 = tpu.vector_load %arg16[%parallel_loop3A_519] {strides = array<i32>} : memref<512xf32, #tpu.memory_space<vmem>>, vector<16xf32>,
      %parallel_loop3A_521 = vector.shape_cast %parallel_loop3A_520 : vector<16xf32> to vector<16xf32>
      %parallel_loop3A_522 = arith.addf %parallel_loop3A_518, %parallel_loop3A_521 : vector<16xf32>
      %parallel_loop3A_523 = arith.constant 368 : i32
      %parallel_loop3A_524 = arith.addi %parallel_loop3A_72, %parallel_loop3A_523 : i32
      %parallel_loop3A_525 = arith.index_cast %parallel_loop3A_524 : i32 to index
      %parallel_loop3A_526 = tpu.vector_load %arg17[%parallel_loop3A_525] {strides = array<i32>} : memref<15360xf32, #tpu.memory_space<vmem>>, vector<16xf32>,
      %parallel_loop3A_527 = vector.shape_cast %parallel_loop3A_526 : vector<16xf32> to vector<16xf32>
      %parallel_loop3A_528 = vector.shape_cast %parallel_loop3A_522 : vector<16xf32> to vector<16xf32>
      tpu.vector_store %arg17[%parallel_loop3A_525], %parallel_loop3A_528 {strides = array<i32>} : memref<15360xf32, #tpu.memory_space<vmem>>, vector<16xf32>,
      %parallel_loop3A_529 = arith.index_cast %parallel_loop3A_67 : i32 to index
      %parallel_loop3A_530 = arith.constant 384 : index
      %parallel_loop3A_531 = tpu.vector_load %arg13[%parallel_loop3A_529, %parallel_loop3A_530] {strides = array<i32>} : memref<5x512xf32, #tpu.memory_space<vmem>>, vector<1x16xf32>,
      %parallel_loop3A_532 = vector.shape_cast %parallel_loop3A_531 : vector<1x16xf32> to vector<16xf32>
      %parallel_loop3A_533 = arith.index_cast %parallel_loop3A_70 : i32 to index
      %parallel_loop3A_534 = arith.constant 384 : index
      %parallel_loop3A_535 = tpu.vector_load %arg14[%parallel_loop3A_533, %parallel_loop3A_534] {strides = array<i32>} : memref<6x512xf32, #tpu.memory_space<vmem>>, vector<1x16xf32>,
      %parallel_loop3A_536 = vector.shape_cast %parallel_loop3A_535 : vector<1x16xf32> to vector<16xf32>
      %parallel_loop3A_537 = arith.addf %parallel_loop3A_532, %parallel_loop3A_536 : vector<16xf32>
      %parallel_loop3A_538 = arith.constant 384 : index
      %parallel_loop3A_539 = tpu.vector_load %arg16[%parallel_loop3A_538] {strides = array<i32>} : memref<512xf32, #tpu.memory_space<vmem>>, vector<16xf32>,
      %parallel_loop3A_540 = vector.shape_cast %parallel_loop3A_539 : vector<16xf32> to vector<16xf32>
      %parallel_loop3A_541 = arith.addf %parallel_loop3A_537, %parallel_loop3A_540 : vector<16xf32>
      %parallel_loop3A_542 = arith.constant 384 : i32
      %parallel_loop3A_543 = arith.addi %parallel_loop3A_72, %parallel_loop3A_542 : i32
      %parallel_loop3A_544 = arith.index_cast %parallel_loop3A_543 : i32 to index
      %parallel_loop3A_545 = tpu.vector_load %arg17[%parallel_loop3A_544] {strides = array<i32>} : memref<15360xf32, #tpu.memory_space<vmem>>, vector<16xf32>,
      %parallel_loop3A_546 = vector.shape_cast %parallel_loop3A_545 : vector<16xf32> to vector<16xf32>
      %parallel_loop3A_547 = vector.shape_cast %parallel_loop3A_541 : vector<16xf32> to vector<16xf32>
      tpu.vector_store %arg17[%parallel_loop3A_544], %parallel_loop3A_547 {strides = array<i32>} : memref<15360xf32, #tpu.memory_space<vmem>>, vector<16xf32>,
      %parallel_loop3A_548 = arith.index_cast %parallel_loop3A_67 : i32 to index
      %parallel_loop3A_549 = arith.constant 400 : index
      %parallel_loop3A_550 = tpu.vector_load %arg13[%parallel_loop3A_548, %parallel_loop3A_549] {strides = array<i32>} : memref<5x512xf32, #tpu.memory_space<vmem>>, vector<1x16xf32>,
      %parallel_loop3A_551 = vector.shape_cast %parallel_loop3A_550 : vector<1x16xf32> to vector<16xf32>
      %parallel_loop3A_552 = arith.index_cast %parallel_loop3A_70 : i32 to index
      %parallel_loop3A_553 = arith.constant 400 : index
      %parallel_loop3A_554 = tpu.vector_load %arg14[%parallel_loop3A_552, %parallel_loop3A_553] {strides = array<i32>} : memref<6x512xf32, #tpu.memory_space<vmem>>, vector<1x16xf32>,
      %parallel_loop3A_555 = vector.shape_cast %parallel_loop3A_554 : vector<1x16xf32> to vector<16xf32>
      %parallel_loop3A_556 = arith.addf %parallel_loop3A_551, %parallel_loop3A_555 : vector<16xf32>
      %parallel_loop3A_557 = arith.constant 400 : index
      %parallel_loop3A_558 = tpu.vector_load %arg16[%parallel_loop3A_557] {strides = array<i32>} : memref<512xf32, #tpu.memory_space<vmem>>, vector<16xf32>,
      %parallel_loop3A_559 = vector.shape_cast %parallel_loop3A_558 : vector<16xf32> to vector<16xf32>
      %parallel_loop3A_560 = arith.addf %parallel_loop3A_556, %parallel_loop3A_559 : vector<16xf32>
      %parallel_loop3A_561 = arith.constant 400 : i32
      %parallel_loop3A_562 = arith.addi %parallel_loop3A_72, %parallel_loop3A_561 : i32
      %parallel_loop3A_563 = arith.index_cast %parallel_loop3A_562 : i32 to index
      %parallel_loop3A_564 = tpu.vector_load %arg17[%parallel_loop3A_563] {strides = array<i32>} : memref<15360xf32, #tpu.memory_space<vmem>>, vector<16xf32>,
      %parallel_loop3A_565 = vector.shape_cast %parallel_loop3A_564 : vector<16xf32> to vector<16xf32>
      %parallel_loop3A_566 = vector.shape_cast %parallel_loop3A_560 : vector<16xf32> to vector<16xf32>
      tpu.vector_store %arg17[%parallel_loop3A_563], %parallel_loop3A_566 {strides = array<i32>} : memref<15360xf32, #tpu.memory_space<vmem>>, vector<16xf32>,
      %parallel_loop3A_567 = arith.index_cast %parallel_loop3A_67 : i32 to index
      %parallel_loop3A_568 = arith.constant 416 : index
      %parallel_loop3A_569 = tpu.vector_load %arg13[%parallel_loop3A_567, %parallel_loop3A_568] {strides = array<i32>} : memref<5x512xf32, #tpu.memory_space<vmem>>, vector<1x16xf32>,
      %parallel_loop3A_570 = vector.shape_cast %parallel_loop3A_569 : vector<1x16xf32> to vector<16xf32>
      %parallel_loop3A_571 = arith.index_cast %parallel_loop3A_70 : i32 to index
      %parallel_loop3A_572 = arith.constant 416 : index
      %parallel_loop3A_573 = tpu.vector_load %arg14[%parallel_loop3A_571, %parallel_loop3A_572] {strides = array<i32>} : memref<6x512xf32, #tpu.memory_space<vmem>>, vector<1x16xf32>,
      %parallel_loop3A_574 = vector.shape_cast %parallel_loop3A_573 : vector<1x16xf32> to vector<16xf32>
      %parallel_loop3A_575 = arith.addf %parallel_loop3A_570, %parallel_loop3A_574 : vector<16xf32>
      %parallel_loop3A_576 = arith.constant 416 : index
      %parallel_loop3A_577 = tpu.vector_load %arg16[%parallel_loop3A_576] {strides = array<i32>} : memref<512xf32, #tpu.memory_space<vmem>>, vector<16xf32>,
      %parallel_loop3A_578 = vector.shape_cast %parallel_loop3A_577 : vector<16xf32> to vector<16xf32>
      %parallel_loop3A_579 = arith.addf %parallel_loop3A_575, %parallel_loop3A_578 : vector<16xf32>
      %parallel_loop3A_580 = arith.constant 416 : i32
      %parallel_loop3A_581 = arith.addi %parallel_loop3A_72, %parallel_loop3A_580 : i32
      %parallel_loop3A_582 = arith.index_cast %parallel_loop3A_581 : i32 to index
      %parallel_loop3A_583 = tpu.vector_load %arg17[%parallel_loop3A_582] {strides = array<i32>} : memref<15360xf32, #tpu.memory_space<vmem>>, vector<16xf32>,
      %parallel_loop3A_584 = vector.shape_cast %parallel_loop3A_583 : vector<16xf32> to vector<16xf32>
      %parallel_loop3A_585 = vector.shape_cast %parallel_loop3A_579 : vector<16xf32> to vector<16xf32>
      tpu.vector_store %arg17[%parallel_loop3A_582], %parallel_loop3A_585 {strides = array<i32>} : memref<15360xf32, #tpu.memory_space<vmem>>, vector<16xf32>,
      %parallel_loop3A_586 = arith.index_cast %parallel_loop3A_67 : i32 to index
      %parallel_loop3A_587 = arith.constant 432 : index
      %parallel_loop3A_588 = tpu.vector_load %arg13[%parallel_loop3A_586, %parallel_loop3A_587] {strides = array<i32>} : memref<5x512xf32, #tpu.memory_space<vmem>>, vector<1x16xf32>,
      %parallel_loop3A_589 = vector.shape_cast %parallel_loop3A_588 : vector<1x16xf32> to vector<16xf32>
      %parallel_loop3A_590 = arith.index_cast %parallel_loop3A_70 : i32 to index
      %parallel_loop3A_591 = arith.constant 432 : index
      %parallel_loop3A_592 = tpu.vector_load %arg14[%parallel_loop3A_590, %parallel_loop3A_591] {strides = array<i32>} : memref<6x512xf32, #tpu.memory_space<vmem>>, vector<1x16xf32>,
      %parallel_loop3A_593 = vector.shape_cast %parallel_loop3A_592 : vector<1x16xf32> to vector<16xf32>
      %parallel_loop3A_594 = arith.addf %parallel_loop3A_589, %parallel_loop3A_593 : vector<16xf32>
      %parallel_loop3A_595 = arith.constant 432 : index
      %parallel_loop3A_596 = tpu.vector_load %arg16[%parallel_loop3A_595] {strides = array<i32>} : memref<512xf32, #tpu.memory_space<vmem>>, vector<16xf32>,
      %parallel_loop3A_597 = vector.shape_cast %parallel_loop3A_596 : vector<16xf32> to vector<16xf32>
      %parallel_loop3A_598 = arith.addf %parallel_loop3A_594, %parallel_loop3A_597 : vector<16xf32>
      %parallel_loop3A_599 = arith.constant 432 : i32
      %parallel_loop3A_600 = arith.addi %parallel_loop3A_72, %parallel_loop3A_599 : i32
      %parallel_loop3A_601 = arith.index_cast %parallel_loop3A_600 : i32 to index
      %parallel_loop3A_602 = tpu.vector_load %arg17[%parallel_loop3A_601] {strides = array<i32>} : memref<15360xf32, #tpu.memory_space<vmem>>, vector<16xf32>,
      %parallel_loop3A_603 = vector.shape_cast %parallel_loop3A_602 : vector<16xf32> to vector<16xf32>
      %parallel_loop3A_604 = vector.shape_cast %parallel_loop3A_598 : vector<16xf32> to vector<16xf32>
      tpu.vector_store %arg17[%parallel_loop3A_601], %parallel_loop3A_604 {strides = array<i32>} : memref<15360xf32, #tpu.memory_space<vmem>>, vector<16xf32>,
      %parallel_loop3A_605 = arith.index_cast %parallel_loop3A_67 : i32 to index
      %parallel_loop3A_606 = arith.constant 448 : index
      %parallel_loop3A_607 = tpu.vector_load %arg13[%parallel_loop3A_605, %parallel_loop3A_606] {strides = array<i32>} : memref<5x512xf32, #tpu.memory_space<vmem>>, vector<1x16xf32>,
      %parallel_loop3A_608 = vector.shape_cast %parallel_loop3A_607 : vector<1x16xf32> to vector<16xf32>
      %parallel_loop3A_609 = arith.index_cast %parallel_loop3A_70 : i32 to index
      %parallel_loop3A_610 = arith.constant 448 : index
      %parallel_loop3A_611 = tpu.vector_load %arg14[%parallel_loop3A_609, %parallel_loop3A_610] {strides = array<i32>} : memref<6x512xf32, #tpu.memory_space<vmem>>, vector<1x16xf32>,
      %parallel_loop3A_612 = vector.shape_cast %parallel_loop3A_611 : vector<1x16xf32> to vector<16xf32>
      %parallel_loop3A_613 = arith.addf %parallel_loop3A_608, %parallel_loop3A_612 : vector<16xf32>
      %parallel_loop3A_614 = arith.constant 448 : index
      %parallel_loop3A_615 = tpu.vector_load %arg16[%parallel_loop3A_614] {strides = array<i32>} : memref<512xf32, #tpu.memory_space<vmem>>, vector<16xf32>,
      %parallel_loop3A_616 = vector.shape_cast %parallel_loop3A_615 : vector<16xf32> to vector<16xf32>
      %parallel_loop3A_617 = arith.addf %parallel_loop3A_613, %parallel_loop3A_616 : vector<16xf32>
      %parallel_loop3A_618 = arith.constant 448 : i32
      %parallel_loop3A_619 = arith.addi %parallel_loop3A_72, %parallel_loop3A_618 : i32
      %parallel_loop3A_620 = arith.index_cast %parallel_loop3A_619 : i32 to index
      %parallel_loop3A_621 = tpu.vector_load %arg17[%parallel_loop3A_620] {strides = array<i32>} : memref<15360xf32, #tpu.memory_space<vmem>>, vector<16xf32>,
      %parallel_loop3A_622 = vector.shape_cast %parallel_loop3A_621 : vector<16xf32> to vector<16xf32>
      %parallel_loop3A_623 = vector.shape_cast %parallel_loop3A_617 : vector<16xf32> to vector<16xf32>
      tpu.vector_store %arg17[%parallel_loop3A_620], %parallel_loop3A_623 {strides = array<i32>} : memref<15360xf32, #tpu.memory_space<vmem>>, vector<16xf32>,
      %parallel_loop3A_624 = arith.index_cast %parallel_loop3A_67 : i32 to index
      %parallel_loop3A_625 = arith.constant 464 : index
      %parallel_loop3A_626 = tpu.vector_load %arg13[%parallel_loop3A_624, %parallel_loop3A_625] {strides = array<i32>} : memref<5x512xf32, #tpu.memory_space<vmem>>, vector<1x16xf32>,
      %parallel_loop3A_627 = vector.shape_cast %parallel_loop3A_626 : vector<1x16xf32> to vector<16xf32>
      %parallel_loop3A_628 = arith.index_cast %parallel_loop3A_70 : i32 to index
      %parallel_loop3A_629 = arith.constant 464 : index
      %parallel_loop3A_630 = tpu.vector_load %arg14[%parallel_loop3A_628, %parallel_loop3A_629] {strides = array<i32>} : memref<6x512xf32, #tpu.memory_space<vmem>>, vector<1x16xf32>,
      %parallel_loop3A_631 = vector.shape_cast %parallel_loop3A_630 : vector<1x16xf32> to vector<16xf32>
      %parallel_loop3A_632 = arith.addf %parallel_loop3A_627, %parallel_loop3A_631 : vector<16xf32>
      %parallel_loop3A_633 = arith.constant 464 : index
      %parallel_loop3A_634 = tpu.vector_load %arg16[%parallel_loop3A_633] {strides = array<i32>} : memref<512xf32, #tpu.memory_space<vmem>>, vector<16xf32>,
      %parallel_loop3A_635 = vector.shape_cast %parallel_loop3A_634 : vector<16xf32> to vector<16xf32>
      %parallel_loop3A_636 = arith.addf %parallel_loop3A_632, %parallel_loop3A_635 : vector<16xf32>
      %parallel_loop3A_637 = arith.constant 464 : i32
      %parallel_loop3A_638 = arith.addi %parallel_loop3A_72, %parallel_loop3A_637 : i32
      %parallel_loop3A_639 = arith.index_cast %parallel_loop3A_638 : i32 to index
      %parallel_loop3A_640 = tpu.vector_load %arg17[%parallel_loop3A_639] {strides = array<i32>} : memref<15360xf32, #tpu.memory_space<vmem>>, vector<16xf32>,
      %parallel_loop3A_641 = vector.shape_cast %parallel_loop3A_640 : vector<16xf32> to vector<16xf32>
      %parallel_loop3A_642 = vector.shape_cast %parallel_loop3A_636 : vector<16xf32> to vector<16xf32>
      tpu.vector_store %arg17[%parallel_loop3A_639], %parallel_loop3A_642 {strides = array<i32>} : memref<15360xf32, #tpu.memory_space<vmem>>, vector<16xf32>,
      %parallel_loop3A_643 = arith.index_cast %parallel_loop3A_67 : i32 to index
      %parallel_loop3A_644 = arith.constant 480 : index
      %parallel_loop3A_645 = tpu.vector_load %arg13[%parallel_loop3A_643, %parallel_loop3A_644] {strides = array<i32>} : memref<5x512xf32, #tpu.memory_space<vmem>>, vector<1x16xf32>,
      %parallel_loop3A_646 = vector.shape_cast %parallel_loop3A_645 : vector<1x16xf32> to vector<16xf32>
      %parallel_loop3A_647 = arith.index_cast %parallel_loop3A_70 : i32 to index
      %parallel_loop3A_648 = arith.constant 480 : index
      %parallel_loop3A_649 = tpu.vector_load %arg14[%parallel_loop3A_647, %parallel_loop3A_648] {strides = array<i32>} : memref<6x512xf32, #tpu.memory_space<vmem>>, vector<1x16xf32>,
      %parallel_loop3A_650 = vector.shape_cast %parallel_loop3A_649 : vector<1x16xf32> to vector<16xf32>
      %parallel_loop3A_651 = arith.addf %parallel_loop3A_646, %parallel_loop3A_650 : vector<16xf32>
      %parallel_loop3A_652 = arith.constant 480 : index
      %parallel_loop3A_653 = tpu.vector_load %arg16[%parallel_loop3A_652] {strides = array<i32>} : memref<512xf32, #tpu.memory_space<vmem>>, vector<16xf32>,
      %parallel_loop3A_654 = vector.shape_cast %parallel_loop3A_653 : vector<16xf32> to vector<16xf32>
      %parallel_loop3A_655 = arith.addf %parallel_loop3A_651, %parallel_loop3A_654 : vector<16xf32>
      %parallel_loop3A_656 = arith.constant 480 : i32
      %parallel_loop3A_657 = arith.addi %parallel_loop3A_72, %parallel_loop3A_656 : i32
      %parallel_loop3A_658 = arith.index_cast %parallel_loop3A_657 : i32 to index
      %parallel_loop3A_659 = tpu.vector_load %arg17[%parallel_loop3A_658] {strides = array<i32>} : memref<15360xf32, #tpu.memory_space<vmem>>, vector<16xf32>,
      %parallel_loop3A_660 = vector.shape_cast %parallel_loop3A_659 : vector<16xf32> to vector<16xf32>
      %parallel_loop3A_661 = vector.shape_cast %parallel_loop3A_655 : vector<16xf32> to vector<16xf32>
      tpu.vector_store %arg17[%parallel_loop3A_658], %parallel_loop3A_661 {strides = array<i32>} : memref<15360xf32, #tpu.memory_space<vmem>>, vector<16xf32>,
      %parallel_loop3A_662 = arith.index_cast %parallel_loop3A_67 : i32 to index
      %parallel_loop3A_663 = arith.constant 496 : index
      %parallel_loop3A_664 = tpu.vector_load %arg13[%parallel_loop3A_662, %parallel_loop3A_663] {strides = array<i32>} : memref<5x512xf32, #tpu.memory_space<vmem>>, vector<1x16xf32>,
      %parallel_loop3A_665 = vector.shape_cast %parallel_loop3A_664 : vector<1x16xf32> to vector<16xf32>
      %parallel_loop3A_666 = arith.index_cast %parallel_loop3A_70 : i32 to index
      %parallel_loop3A_667 = arith.constant 496 : index
      %parallel_loop3A_668 = tpu.vector_load %arg14[%parallel_loop3A_666, %parallel_loop3A_667] {strides = array<i32>} : memref<6x512xf32, #tpu.memory_space<vmem>>, vector<1x16xf32>,
      %parallel_loop3A_669 = vector.shape_cast %parallel_loop3A_668 : vector<1x16xf32> to vector<16xf32>
      %parallel_loop3A_670 = arith.addf %parallel_loop3A_665, %parallel_loop3A_669 : vector<16xf32>
      %parallel_loop3A_671 = arith.constant 496 : index
      %parallel_loop3A_672 = tpu.vector_load %arg16[%parallel_loop3A_671] {strides = array<i32>} : memref<512xf32, #tpu.memory_space<vmem>>, vector<16xf32>,
      %parallel_loop3A_673 = vector.shape_cast %parallel_loop3A_672 : vector<16xf32> to vector<16xf32>
      %parallel_loop3A_674 = arith.addf %parallel_loop3A_670, %parallel_loop3A_673 : vector<16xf32>
      %parallel_loop3A_675 = arith.constant 496 : i32
      %parallel_loop3A_676 = arith.addi %parallel_loop3A_72, %parallel_loop3A_675 : i32
      %parallel_loop3A_677 = arith.index_cast %parallel_loop3A_676 : i32 to index
      %parallel_loop3A_678 = tpu.vector_load %arg17[%parallel_loop3A_677] {strides = array<i32>} : memref<15360xf32, #tpu.memory_space<vmem>>, vector<16xf32>,
      %parallel_loop3A_679 = vector.shape_cast %parallel_loop3A_678 : vector<16xf32> to vector<16xf32>
      %parallel_loop3A_680 = vector.shape_cast %parallel_loop3A_674 : vector<16xf32> to vector<16xf32>
      tpu.vector_store %arg17[%parallel_loop3A_677], %parallel_loop3A_680 {strides = array<i32>} : memref<15360xf32, #tpu.memory_space<vmem>>, vector<16xf32>,
    } {sc.loop_unroll_factor = 1 : i64, sc.parallel_access}
    %parallel_loop3A_23 = arith.constant 0 : i32
    %parallel_loop3A_24 = arith.constant 32 : i32
    %parallel_loop3A_25 = arith.constant 1 : i32
    scf.for %parallel_loop3A_43 = %parallel_loop3A_23 to %parallel_loop3A_24 step %parallel_loop3A_25  : i32 {
      %parallel_loop3A_44 = arith.constant 16 : i32
      %parallel_loop3A_45 = arith.muli %parallel_loop3A_43, %parallel_loop3A_44 : i32
      %parallel_loop3A_46 = arith.index_cast %parallel_loop3A_45 : i32 to index
      %parallel_loop3A_47 = tpu.vector_load %arg10[%parallel_loop3A_46] {strides = array<i32>} : memref<512xi32, #tpu.memory_space<vmem>>, vector<16xi32>,
      %parallel_loop3A_48 = vector.shape_cast %parallel_loop3A_47 : vector<16xi32> to vector<16xi32>
      %parallel_loop3A_49 = arith.index_cast %parallel_loop3A_45 : i32 to index
      %parallel_loop3A_50 = tpu.vector_load %arg11[%parallel_loop3A_49] {strides = array<i32>} : memref<512xi32, #tpu.memory_space<vmem>>, vector<16xi32>,
      %parallel_loop3A_51 = vector.shape_cast %parallel_loop3A_50 : vector<16xi32> to vector<16xi32>
      %parallel_loop3A_52 = arith.constant 6 : i32
      %parallel_loop3A_53 = vector.broadcast %parallel_loop3A_52 : i32 to vector<16xi32>
      %parallel_loop3A_54 = arith.muli %parallel_loop3A_48, %parallel_loop3A_53 : vector<16xi32>
      %parallel_loop3A_55 = arith.addi %parallel_loop3A_54, %parallel_loop3A_51 : vector<16xi32>
      %parallel_loop3A_56 = arith.constant 512 : i32
      %parallel_loop3A_57 = vector.broadcast %parallel_loop3A_56 : i32 to vector<16xi32>
      %parallel_loop3A_58 = arith.muli %parallel_loop3A_55, %parallel_loop3A_57 : vector<16xi32>
      %parallel_loop3A_59 = arith.index_cast %parallel_loop3A_45 : i32 to index
      %parallel_loop3A_60 = tpu.vector_load %arg18[%parallel_loop3A_59] {strides = array<i32>} : memref<528xi32, #tpu.memory_space<vmem>>, vector<16xi32>,
      %parallel_loop3A_61 = vector.shape_cast %parallel_loop3A_60 : vector<16xi32> to vector<16xi32>
      %parallel_loop3A_62 = vector.shape_cast %parallel_loop3A_58 : vector<16xi32> to vector<16xi32>
      tpu.vector_store %arg18[%parallel_loop3A_59], %parallel_loop3A_62 {strides = array<i32>} : memref<528xi32, #tpu.memory_space<vmem>>, vector<16xi32>,
    } {sc.loop_unroll_factor = 1 : i64, sc.parallel_access}
    %scan3A = arith.constant 0 : i32
    %scan3A_26 = arith.constant 0 : i32
    %scan3A_27 = arith.constant 16 : i32
    %scan3A_28 = arith.addi %scan3A_26, %scan3A_27 : i32
    %scan3A_29 = arith.constant 1 : i32
    scf.for %scan3A_43 = %scan3A_26 to %scan3A_28 step %scan3A_29  : i32 {
      %mul3A_44 = arith.constant 2 : i32
      %mul3A_45 = arith.muli %scan3A_43, %mul3A_44 : i32
      %add3A_46 = arith.constant 0 : i32
      %add3A_47 = arith.addi %mul3A_45, %add3A_46 : i32
      %mul3A_48 = arith.constant 16 : i32
      %mul3A_49 = arith.muli %add3A_47, %mul3A_48 : i32
      %gt3A = arith.constant 0 : i32
      %gt3A_50 = arith.cmpi sgt, %scan3A_43, %gt3A : i32
      %convert_element_type3A = arith.extui %gt3A_50 : i1 to i32
      %cond3A = arith.constant 0 : i32
      %cond3A_51 = arith.cmpi ne, %convert_element_type3A, %cond3A : i32
      scf.if %cond3A_51 {
        %dma_wait3A_528 = arith.constant 0 : i32
        %dma_wait3A_529 = arith.constant 0 : i32
        %dma_wait3A_530 = tpu.memref_slice %arg9[%dma_wait3A_528, %dma_wait3A_529] : memref<16384x512xf32, #tpu.memory_space<hbm>> -> memref<16x512xf32, #tpu.memory_space<hbm>>
        %dma_wait3A_531 = arith.constant 0 : i32
        %dma_wait3A_532 = arith.constant 0 : i32
        %dma_wait3A_533 = tpu.memref_slice %arg9[%dma_wait3A_531, %dma_wait3A_532] : memref<16384x512xf32, #tpu.memory_space<hbm>> -> memref<16x512xf32, #tpu.memory_space<hbm>>
        tpu.wait_dma2 semaphore(%arg21 : memref<!tpu.dma_semaphore, #tpu.memory_space<semaphore_mem>>) src(%arg19 : memref<16x512xf32, #tpu.memory_space<vmem>>) dst(%dma_wait3A_533 : memref<16x512xf32, #tpu.memory_space<hbm>>)
      } else {
      }
      %add3A_52 = arith.constant 0 : i32
      %add3A_53 = arith.addi %mul3A_49, %add3A_52 : i32
      %add3A_54 = arith.constant 0 : i32
      %add3A_55 = arith.addi %add3A_53, %add3A_54 : i32
      %get3A = arith.index_cast %add3A_55 : i32 to index
      %get3A_56 = tpu.vector_load %arg18[%get3A] {strides = array<i32>} : memref<528xi32, #tpu.memory_space<vmem>>, vector<16xi32>,
      %get3A_57 = vector.shape_cast %get3A_56 : vector<16xi32> to vector<16xi32>
      %slice3A = vector.extract_strided_slice %get3A_57 {offsets = [0], sizes = [1], strides = [1]} : vector<16xi32> to vector<1xi32>
      %squeeze3A = vector.extract %slice3A[0] : i32 from vector<1xi32>
      %add3A_58 = arith.constant 1 : i32
      %add3A_59 = arith.addi %add3A_53, %add3A_58 : i32
      %get3A_60 = arith.index_cast %add3A_59 : i32 to index
      %get3A_61 = tpu.vector_load %arg18[%get3A_60] {strides = array<i32>} : memref<528xi32, #tpu.memory_space<vmem>>, vector<16xi32>,
      %get3A_62 = vector.shape_cast %get3A_61 : vector<16xi32> to vector<16xi32>
      %slice3A_63 = vector.extract_strided_slice %get3A_62 {offsets = [0], sizes = [1], strides = [1]} : vector<16xi32> to vector<1xi32>
      %squeeze3A_64 = vector.extract %slice3A_63[0] : i32 from vector<1xi32>
      %add3A_65 = arith.constant 2 : i32
      %add3A_66 = arith.addi %add3A_53, %add3A_65 : i32
      %get3A_67 = arith.index_cast %add3A_66 : i32 to index
      %get3A_68 = tpu.vector_load %arg18[%get3A_67] {strides = array<i32>} : memref<528xi32, #tpu.memory_space<vmem>>, vector<16xi32>,
      %get3A_69 = vector.shape_cast %get3A_68 : vector<16xi32> to vector<16xi32>
      %slice3A_70 = vector.extract_strided_slice %get3A_69 {offsets = [0], sizes = [1], strides = [1]} : vector<16xi32> to vector<1xi32>
      %squeeze3A_71 = vector.extract %slice3A_70[0] : i32 from vector<1xi32>
      %add3A_72 = arith.constant 3 : i32
      %add3A_73 = arith.addi %add3A_53, %add3A_72 : i32
      %get3A_74 = arith.index_cast %add3A_73 : i32 to index
      %get3A_75 = tpu.vector_load %arg18[%get3A_74] {strides = array<i32>} : memref<528xi32, #tpu.memory_space<vmem>>, vector<16xi32>,
      %get3A_76 = vector.shape_cast %get3A_75 : vector<16xi32> to vector<16xi32>
      %slice3A_77 = vector.extract_strided_slice %get3A_76 {offsets = [0], sizes = [1], strides = [1]} : vector<16xi32> to vector<1xi32>
      %squeeze3A_78 = vector.extract %slice3A_77[0] : i32 from vector<1xi32>
      %add3A_79 = arith.constant 4 : i32
      %add3A_80 = arith.addi %add3A_53, %add3A_79 : i32
      %get3A_81 = arith.index_cast %add3A_80 : i32 to index
      %get3A_82 = tpu.vector_load %arg18[%get3A_81] {strides = array<i32>} : memref<528xi32, #tpu.memory_space<vmem>>, vector<16xi32>,
      %get3A_83 = vector.shape_cast %get3A_82 : vector<16xi32> to vector<16xi32>
      %slice3A_84 = vector.extract_strided_slice %get3A_83 {offsets = [0], sizes = [1], strides = [1]} : vector<16xi32> to vector<1xi32>
      %squeeze3A_85 = vector.extract %slice3A_84[0] : i32 from vector<1xi32>
      %add3A_86 = arith.constant 5 : i32
      %add3A_87 = arith.addi %add3A_53, %add3A_86 : i32
      %get3A_88 = arith.index_cast %add3A_87 : i32 to index
      %get3A_89 = tpu.vector_load %arg18[%get3A_88] {strides = array<i32>} : memref<528xi32, #tpu.memory_space<vmem>>, vector<16xi32>,
      %get3A_90 = vector.shape_cast %get3A_89 : vector<16xi32> to vector<16xi32>
      %slice3A_91 = vector.extract_strided_slice %get3A_90 {offsets = [0], sizes = [1], strides = [1]} : vector<16xi32> to vector<1xi32>
      %squeeze3A_92 = vector.extract %slice3A_91[0] : i32 from vector<1xi32>
      %add3A_93 = arith.constant 6 : i32
      %add3A_94 = arith.addi %add3A_53, %add3A_93 : i32
      %get3A_95 = arith.index_cast %add3A_94 : i32 to index
      %get3A_96 = tpu.vector_load %arg18[%get3A_95] {strides = array<i32>} : memref<528xi32, #tpu.memory_space<vmem>>, vector<16xi32>,
      %get3A_97 = vector.shape_cast %get3A_96 : vector<16xi32> to vector<16xi32>
      %slice3A_98 = vector.extract_strided_slice %get3A_97 {offsets = [0], sizes = [1], strides = [1]} : vector<16xi32> to vector<1xi32>
      %squeeze3A_99 = vector.extract %slice3A_98[0] : i32 from vector<1xi32>
      %add3A_100 = arith.constant 7 : i32
      %add3A_101 = arith.addi %add3A_53, %add3A_100 : i32
      %get3A_102 = arith.index_cast %add3A_101 : i32 to index
      %get3A_103 = tpu.vector_load %arg18[%get3A_102] {strides = array<i32>} : memref<528xi32, #tpu.memory_space<vmem>>, vector<16xi32>,
      %get3A_104 = vector.shape_cast %get3A_103 : vector<16xi32> to vector<16xi32>
      %slice3A_105 = vector.extract_strided_slice %get3A_104 {offsets = [0], sizes = [1], strides = [1]} : vector<16xi32> to vector<1xi32>
      %squeeze3A_106 = vector.extract %slice3A_105[0] : i32 from vector<1xi32>
      %add3A_107 = arith.constant 8 : i32
      %add3A_108 = arith.addi %add3A_53, %add3A_107 : i32
      %get3A_109 = arith.index_cast %add3A_108 : i32 to index
      %get3A_110 = tpu.vector_load %arg18[%get3A_109] {strides = array<i32>} : memref<528xi32, #tpu.memory_space<vmem>>, vector<16xi32>,
      %get3A_111 = vector.shape_cast %get3A_110 : vector<16xi32> to vector<16xi32>
      %slice3A_112 = vector.extract_strided_slice %get3A_111 {offsets = [0], sizes = [1], strides = [1]} : vector<16xi32> to vector<1xi32>
      %squeeze3A_113 = vector.extract %slice3A_112[0] : i32 from vector<1xi32>
      %add3A_114 = arith.constant 9 : i32
      %add3A_115 = arith.addi %add3A_53, %add3A_114 : i32
      %get3A_116 = arith.index_cast %add3A_115 : i32 to index
      %get3A_117 = tpu.vector_load %arg18[%get3A_116] {strides = array<i32>} : memref<528xi32, #tpu.memory_space<vmem>>, vector<16xi32>,
      %get3A_118 = vector.shape_cast %get3A_117 : vector<16xi32> to vector<16xi32>
      %slice3A_119 = vector.extract_strided_slice %get3A_118 {offsets = [0], sizes = [1], strides = [1]} : vector<16xi32> to vector<1xi32>
      %squeeze3A_120 = vector.extract %slice3A_119[0] : i32 from vector<1xi32>
      %add3A_121 = arith.constant 10 : i32
      %add3A_122 = arith.addi %add3A_53, %add3A_121 : i32
      %get3A_123 = arith.index_cast %add3A_122 : i32 to index
      %get3A_124 = tpu.vector_load %arg18[%get3A_123] {strides = array<i32>} : memref<528xi32, #tpu.memory_space<vmem>>, vector<16xi32>,
      %get3A_125 = vector.shape_cast %get3A_124 : vector<16xi32> to vector<16xi32>
      %slice3A_126 = vector.extract_strided_slice %get3A_125 {offsets = [0], sizes = [1], strides = [1]} : vector<16xi32> to vector<1xi32>
      %squeeze3A_127 = vector.extract %slice3A_126[0] : i32 from vector<1xi32>
      %add3A_128 = arith.constant 11 : i32
      %add3A_129 = arith.addi %add3A_53, %add3A_128 : i32
      %get3A_130 = arith.index_cast %add3A_129 : i32 to index
      %get3A_131 = tpu.vector_load %arg18[%get3A_130] {strides = array<i32>} : memref<528xi32, #tpu.memory_space<vmem>>, vector<16xi32>,
      %get3A_132 = vector.shape_cast %get3A_131 : vector<16xi32> to vector<16xi32>
      %slice3A_133 = vector.extract_strided_slice %get3A_132 {offsets = [0], sizes = [1], strides = [1]} : vector<16xi32> to vector<1xi32>
      %squeeze3A_134 = vector.extract %slice3A_133[0] : i32 from vector<1xi32>
      %add3A_135 = arith.constant 12 : i32
      %add3A_136 = arith.addi %add3A_53, %add3A_135 : i32
      %get3A_137 = arith.index_cast %add3A_136 : i32 to index
      %get3A_138 = tpu.vector_load %arg18[%get3A_137] {strides = array<i32>} : memref<528xi32, #tpu.memory_space<vmem>>, vector<16xi32>,
      %get3A_139 = vector.shape_cast %get3A_138 : vector<16xi32> to vector<16xi32>
      %slice3A_140 = vector.extract_strided_slice %get3A_139 {offsets = [0], sizes = [1], strides = [1]} : vector<16xi32> to vector<1xi32>
      %squeeze3A_141 = vector.extract %slice3A_140[0] : i32 from vector<1xi32>
      %add3A_142 = arith.constant 13 : i32
      %add3A_143 = arith.addi %add3A_53, %add3A_142 : i32
      %get3A_144 = arith.index_cast %add3A_143 : i32 to index
      %get3A_145 = tpu.vector_load %arg18[%get3A_144] {strides = array<i32>} : memref<528xi32, #tpu.memory_space<vmem>>, vector<16xi32>,
      %get3A_146 = vector.shape_cast %get3A_145 : vector<16xi32> to vector<16xi32>
      %slice3A_147 = vector.extract_strided_slice %get3A_146 {offsets = [0], sizes = [1], strides = [1]} : vector<16xi32> to vector<1xi32>
      %squeeze3A_148 = vector.extract %slice3A_147[0] : i32 from vector<1xi32>
      %add3A_149 = arith.constant 14 : i32
      %add3A_150 = arith.addi %add3A_53, %add3A_149 : i32
      %get3A_151 = arith.index_cast %add3A_150 : i32 to index
      %get3A_152 = tpu.vector_load %arg18[%get3A_151] {strides = array<i32>} : memref<528xi32, #tpu.memory_space<vmem>>, vector<16xi32>,
      %get3A_153 = vector.shape_cast %get3A_152 : vector<16xi32> to vector<16xi32>
      %slice3A_154 = vector.extract_strided_slice %get3A_153 {offsets = [0], sizes = [1], strides = [1]} : vector<16xi32> to vector<1xi32>
      %squeeze3A_155 = vector.extract %slice3A_154[0] : i32 from vector<1xi32>
      %add3A_156 = arith.constant 15 : i32
      %add3A_157 = arith.addi %add3A_53, %add3A_156 : i32
      %get3A_158 = arith.index_cast %add3A_157 : i32 to index
      %get3A_159 = tpu.vector_load %arg18[%get3A_158] {strides = array<i32>} : memref<528xi32, #tpu.memory_space<vmem>>, vector<16xi32>,
      %get3A_160 = vector.shape_cast %get3A_159 : vector<16xi32> to vector<16xi32>
      %slice3A_161 = vector.extract_strided_slice %get3A_160 {offsets = [0], sizes = [1], strides = [1]} : vector<16xi32> to vector<1xi32>
      %squeeze3A_162 = vector.extract %slice3A_161[0] : i32 from vector<1xi32>
      %add3A_163 = arith.constant 0 : i32
      %add3A_164 = arith.addi %add3A_53, %add3A_163 : i32
      %get3A_165 = arith.index_cast %add3A_164 : i32 to index
      %get3A_166 = tpu.vector_load %arg12[%get3A_165] {strides = array<i32>} : memref<528xf32, #tpu.memory_space<vmem>>, vector<16xf32>,
      %get3A_167 = vector.shape_cast %get3A_166 : vector<16xf32> to vector<16xf32>
      %slice3A_168 = vector.extract_strided_slice %get3A_167 {offsets = [0], sizes = [1], strides = [1]} : vector<16xf32> to vector<1xf32>
      %squeeze3A_169 = vector.extract %slice3A_168[0] : f32 from vector<1xf32>
      %add3A_170 = arith.constant 1 : i32
      %add3A_171 = arith.addi %add3A_53, %add3A_170 : i32
      %get3A_172 = arith.index_cast %add3A_171 : i32 to index
      %get3A_173 = tpu.vector_load %arg12[%get3A_172] {strides = array<i32>} : memref<528xf32, #tpu.memory_space<vmem>>, vector<16xf32>,
      %get3A_174 = vector.shape_cast %get3A_173 : vector<16xf32> to vector<16xf32>
      %slice3A_175 = vector.extract_strided_slice %get3A_174 {offsets = [0], sizes = [1], strides = [1]} : vector<16xf32> to vector<1xf32>
      %squeeze3A_176 = vector.extract %slice3A_175[0] : f32 from vector<1xf32>
      %add3A_177 = arith.constant 2 : i32
      %add3A_178 = arith.addi %add3A_53, %add3A_177 : i32
      %get3A_179 = arith.index_cast %add3A_178 : i32 to index
      %get3A_180 = tpu.vector_load %arg12[%get3A_179] {strides = array<i32>} : memref<528xf32, #tpu.memory_space<vmem>>, vector<16xf32>,
      %get3A_181 = vector.shape_cast %get3A_180 : vector<16xf32> to vector<16xf32>
      %slice3A_182 = vector.extract_strided_slice %get3A_181 {offsets = [0], sizes = [1], strides = [1]} : vector<16xf32> to vector<1xf32>
      %squeeze3A_183 = vector.extract %slice3A_182[0] : f32 from vector<1xf32>
      %add3A_184 = arith.constant 3 : i32
      %add3A_185 = arith.addi %add3A_53, %add3A_184 : i32
      %get3A_186 = arith.index_cast %add3A_185 : i32 to index
      %get3A_187 = tpu.vector_load %arg12[%get3A_186] {strides = array<i32>} : memref<528xf32, #tpu.memory_space<vmem>>, vector<16xf32>,
      %get3A_188 = vector.shape_cast %get3A_187 : vector<16xf32> to vector<16xf32>
      %slice3A_189 = vector.extract_strided_slice %get3A_188 {offsets = [0], sizes = [1], strides = [1]} : vector<16xf32> to vector<1xf32>
      %squeeze3A_190 = vector.extract %slice3A_189[0] : f32 from vector<1xf32>
      %add3A_191 = arith.constant 4 : i32
      %add3A_192 = arith.addi %add3A_53, %add3A_191 : i32
      %get3A_193 = arith.index_cast %add3A_192 : i32 to index
      %get3A_194 = tpu.vector_load %arg12[%get3A_193] {strides = array<i32>} : memref<528xf32, #tpu.memory_space<vmem>>, vector<16xf32>,
      %get3A_195 = vector.shape_cast %get3A_194 : vector<16xf32> to vector<16xf32>
      %slice3A_196 = vector.extract_strided_slice %get3A_195 {offsets = [0], sizes = [1], strides = [1]} : vector<16xf32> to vector<1xf32>
      %squeeze3A_197 = vector.extract %slice3A_196[0] : f32 from vector<1xf32>
      %add3A_198 = arith.constant 5 : i32
      %add3A_199 = arith.addi %add3A_53, %add3A_198 : i32
      %get3A_200 = arith.index_cast %add3A_199 : i32 to index
      %get3A_201 = tpu.vector_load %arg12[%get3A_200] {strides = array<i32>} : memref<528xf32, #tpu.memory_space<vmem>>, vector<16xf32>,
      %get3A_202 = vector.shape_cast %get3A_201 : vector<16xf32> to vector<16xf32>
      %slice3A_203 = vector.extract_strided_slice %get3A_202 {offsets = [0], sizes = [1], strides = [1]} : vector<16xf32> to vector<1xf32>
      %squeeze3A_204 = vector.extract %slice3A_203[0] : f32 from vector<1xf32>
      %add3A_205 = arith.constant 6 : i32
      %add3A_206 = arith.addi %add3A_53, %add3A_205 : i32
      %get3A_207 = arith.index_cast %add3A_206 : i32 to index
      %get3A_208 = tpu.vector_load %arg12[%get3A_207] {strides = array<i32>} : memref<528xf32, #tpu.memory_space<vmem>>, vector<16xf32>,
      %get3A_209 = vector.shape_cast %get3A_208 : vector<16xf32> to vector<16xf32>
      %slice3A_210 = vector.extract_strided_slice %get3A_209 {offsets = [0], sizes = [1], strides = [1]} : vector<16xf32> to vector<1xf32>
      %squeeze3A_211 = vector.extract %slice3A_210[0] : f32 from vector<1xf32>
      %add3A_212 = arith.constant 7 : i32
      %add3A_213 = arith.addi %add3A_53, %add3A_212 : i32
      %get3A_214 = arith.index_cast %add3A_213 : i32 to index
      %get3A_215 = tpu.vector_load %arg12[%get3A_214] {strides = array<i32>} : memref<528xf32, #tpu.memory_space<vmem>>, vector<16xf32>,
      %get3A_216 = vector.shape_cast %get3A_215 : vector<16xf32> to vector<16xf32>
      %slice3A_217 = vector.extract_strided_slice %get3A_216 {offsets = [0], sizes = [1], strides = [1]} : vector<16xf32> to vector<1xf32>
      %squeeze3A_218 = vector.extract %slice3A_217[0] : f32 from vector<1xf32>
      %add3A_219 = arith.constant 8 : i32
      %add3A_220 = arith.addi %add3A_53, %add3A_219 : i32
      %get3A_221 = arith.index_cast %add3A_220 : i32 to index
      %get3A_222 = tpu.vector_load %arg12[%get3A_221] {strides = array<i32>} : memref<528xf32, #tpu.memory_space<vmem>>, vector<16xf32>,
      %get3A_223 = vector.shape_cast %get3A_222 : vector<16xf32> to vector<16xf32>
      %slice3A_224 = vector.extract_strided_slice %get3A_223 {offsets = [0], sizes = [1], strides = [1]} : vector<16xf32> to vector<1xf32>
      %squeeze3A_225 = vector.extract %slice3A_224[0] : f32 from vector<1xf32>
      %add3A_226 = arith.constant 9 : i32
      %add3A_227 = arith.addi %add3A_53, %add3A_226 : i32
      %get3A_228 = arith.index_cast %add3A_227 : i32 to index
      %get3A_229 = tpu.vector_load %arg12[%get3A_228] {strides = array<i32>} : memref<528xf32, #tpu.memory_space<vmem>>, vector<16xf32>,
      %get3A_230 = vector.shape_cast %get3A_229 : vector<16xf32> to vector<16xf32>
      %slice3A_231 = vector.extract_strided_slice %get3A_230 {offsets = [0], sizes = [1], strides = [1]} : vector<16xf32> to vector<1xf32>
      %squeeze3A_232 = vector.extract %slice3A_231[0] : f32 from vector<1xf32>
      %add3A_233 = arith.constant 10 : i32
      %add3A_234 = arith.addi %add3A_53, %add3A_233 : i32
      %get3A_235 = arith.index_cast %add3A_234 : i32 to index
      %get3A_236 = tpu.vector_load %arg12[%get3A_235] {strides = array<i32>} : memref<528xf32, #tpu.memory_space<vmem>>, vector<16xf32>,
      %get3A_237 = vector.shape_cast %get3A_236 : vector<16xf32> to vector<16xf32>
      %slice3A_238 = vector.extract_strided_slice %get3A_237 {offsets = [0], sizes = [1], strides = [1]} : vector<16xf32> to vector<1xf32>
      %squeeze3A_239 = vector.extract %slice3A_238[0] : f32 from vector<1xf32>
      %add3A_240 = arith.constant 11 : i32
      %add3A_241 = arith.addi %add3A_53, %add3A_240 : i32
      %get3A_242 = arith.index_cast %add3A_241 : i32 to index
      %get3A_243 = tpu.vector_load %arg12[%get3A_242] {strides = array<i32>} : memref<528xf32, #tpu.memory_space<vmem>>, vector<16xf32>,
      %get3A_244 = vector.shape_cast %get3A_243 : vector<16xf32> to vector<16xf32>
      %slice3A_245 = vector.extract_strided_slice %get3A_244 {offsets = [0], sizes = [1], strides = [1]} : vector<16xf32> to vector<1xf32>
      %squeeze3A_246 = vector.extract %slice3A_245[0] : f32 from vector<1xf32>
      %add3A_247 = arith.constant 12 : i32
      %add3A_248 = arith.addi %add3A_53, %add3A_247 : i32
      %get3A_249 = arith.index_cast %add3A_248 : i32 to index
      %get3A_250 = tpu.vector_load %arg12[%get3A_249] {strides = array<i32>} : memref<528xf32, #tpu.memory_space<vmem>>, vector<16xf32>,
      %get3A_251 = vector.shape_cast %get3A_250 : vector<16xf32> to vector<16xf32>
      %slice3A_252 = vector.extract_strided_slice %get3A_251 {offsets = [0], sizes = [1], strides = [1]} : vector<16xf32> to vector<1xf32>
      %squeeze3A_253 = vector.extract %slice3A_252[0] : f32 from vector<1xf32>
      %add3A_254 = arith.constant 13 : i32
      %add3A_255 = arith.addi %add3A_53, %add3A_254 : i32
      %get3A_256 = arith.index_cast %add3A_255 : i32 to index
      %get3A_257 = tpu.vector_load %arg12[%get3A_256] {strides = array<i32>} : memref<528xf32, #tpu.memory_space<vmem>>, vector<16xf32>,
      %get3A_258 = vector.shape_cast %get3A_257 : vector<16xf32> to vector<16xf32>
      %slice3A_259 = vector.extract_strided_slice %get3A_258 {offsets = [0], sizes = [1], strides = [1]} : vector<16xf32> to vector<1xf32>
      %squeeze3A_260 = vector.extract %slice3A_259[0] : f32 from vector<1xf32>
      %add3A_261 = arith.constant 14 : i32
      %add3A_262 = arith.addi %add3A_53, %add3A_261 : i32
      %get3A_263 = arith.index_cast %add3A_262 : i32 to index
      %get3A_264 = tpu.vector_load %arg12[%get3A_263] {strides = array<i32>} : memref<528xf32, #tpu.memory_space<vmem>>, vector<16xf32>,
      %get3A_265 = vector.shape_cast %get3A_264 : vector<16xf32> to vector<16xf32>
      %slice3A_266 = vector.extract_strided_slice %get3A_265 {offsets = [0], sizes = [1], strides = [1]} : vector<16xf32> to vector<1xf32>
      %squeeze3A_267 = vector.extract %slice3A_266[0] : f32 from vector<1xf32>
      %add3A_268 = arith.constant 15 : i32
      %add3A_269 = arith.addi %add3A_53, %add3A_268 : i32
      %get3A_270 = arith.index_cast %add3A_269 : i32 to index
      %get3A_271 = tpu.vector_load %arg12[%get3A_270] {strides = array<i32>} : memref<528xf32, #tpu.memory_space<vmem>>, vector<16xf32>,
      %get3A_272 = vector.shape_cast %get3A_271 : vector<16xf32> to vector<16xf32>
      %slice3A_273 = vector.extract_strided_slice %get3A_272 {offsets = [0], sizes = [1], strides = [1]} : vector<16xf32> to vector<1xf32>
      %squeeze3A_274 = vector.extract %slice3A_273[0] : f32 from vector<1xf32>
      %parallel_loop3A_275 = arith.constant 0 : i32
      %parallel_loop3A_276 = arith.constant 32 : i32
      %parallel_loop3A_277 = arith.constant 1 : i32
      scf.for %parallel_loop3A_528 = %parallel_loop3A_275 to %parallel_loop3A_276 step %parallel_loop3A_277  : i32 {
        %parallel_loop3A_529 = arith.constant 16 : i32
        %parallel_loop3A_530 = arith.muli %parallel_loop3A_528, %parallel_loop3A_529 : i32
        %parallel_loop3A_531 = arith.index_cast %parallel_loop3A_530 : i32 to index
        %parallel_loop3A_532 = tpu.vector_load %arg15[%parallel_loop3A_531] {strides = array<i32>} : memref<512xf32, #tpu.memory_space<vmem>>, vector<16xf32>,
        %parallel_loop3A_533 = vector.shape_cast %parallel_loop3A_532 : vector<16xf32> to vector<16xf32>
        %parallel_loop3A_534 = arith.addi %squeeze3A, %parallel_loop3A_530 : i32
        %parallel_loop3A_535 = arith.index_cast %parallel_loop3A_534 : i32 to index
        %parallel_loop3A_536 = tpu.vector_load %arg17[%parallel_loop3A_535] {strides = array<i32>} : memref<15360xf32, #tpu.memory_space<vmem>>, vector<16xf32>,
        %parallel_loop3A_537 = vector.shape_cast %parallel_loop3A_536 : vector<16xf32> to vector<16xf32>
        %parallel_loop3A_538 = vector.broadcast %squeeze3A_169 : f32 to vector<16xf32>
        %parallel_loop3A_539 = arith.mulf %parallel_loop3A_538, %parallel_loop3A_533 : vector<16xf32>
        %parallel_loop3A_540 = arith.addf %parallel_loop3A_537, %parallel_loop3A_539 : vector<16xf32>
        %parallel_loop3A_541 = arith.constant 0 : i32
        %parallel_loop3A_542 = arith.index_cast %parallel_loop3A_541 : i32 to index
        %parallel_loop3A_543 = arith.index_cast %parallel_loop3A_530 : i32 to index
        %parallel_loop3A_544 = tpu.vector_load %arg19[%parallel_loop3A_542, %parallel_loop3A_543] {strides = array<i32>} : memref<16x512xf32, #tpu.memory_space<vmem>>, vector<1x16xf32>,
        %parallel_loop3A_545 = vector.shape_cast %parallel_loop3A_544 : vector<1x16xf32> to vector<16xf32>
        %parallel_loop3A_546 = vector.shape_cast %parallel_loop3A_540 : vector<16xf32> to vector<1x16xf32>
        tpu.vector_store %arg19[%parallel_loop3A_542, %parallel_loop3A_543], %parallel_loop3A_546 {strides = array<i32>} : memref<16x512xf32, #tpu.memory_space<vmem>>, vector<1x16xf32>,
        %parallel_loop3A_547 = arith.addi %squeeze3A_64, %parallel_loop3A_530 : i32
        %parallel_loop3A_548 = arith.index_cast %parallel_loop3A_547 : i32 to index
        %parallel_loop3A_549 = tpu.vector_load %arg17[%parallel_loop3A_548] {strides = array<i32>} : memref<15360xf32, #tpu.memory_space<vmem>>, vector<16xf32>,
        %parallel_loop3A_550 = vector.shape_cast %parallel_loop3A_549 : vector<16xf32> to vector<16xf32>
        %parallel_loop3A_551 = vector.broadcast %squeeze3A_176 : f32 to vector<16xf32>
        %parallel_loop3A_552 = arith.mulf %parallel_loop3A_551, %parallel_loop3A_533 : vector<16xf32>
        %parallel_loop3A_553 = arith.addf %parallel_loop3A_550, %parallel_loop3A_552 : vector<16xf32>
        %parallel_loop3A_554 = arith.constant 1 : i32
        %parallel_loop3A_555 = arith.index_cast %parallel_loop3A_554 : i32 to index
        %parallel_loop3A_556 = arith.index_cast %parallel_loop3A_530 : i32 to index
        %parallel_loop3A_557 = tpu.vector_load %arg19[%parallel_loop3A_555, %parallel_loop3A_556] {strides = array<i32>} : memref<16x512xf32, #tpu.memory_space<vmem>>, vector<1x16xf32>,
        %parallel_loop3A_558 = vector.shape_cast %parallel_loop3A_557 : vector<1x16xf32> to vector<16xf32>
        %parallel_loop3A_559 = vector.shape_cast %parallel_loop3A_553 : vector<16xf32> to vector<1x16xf32>
        tpu.vector_store %arg19[%parallel_loop3A_555, %parallel_loop3A_556], %parallel_loop3A_559 {strides = array<i32>} : memref<16x512xf32, #tpu.memory_space<vmem>>, vector<1x16xf32>,
        %parallel_loop3A_560 = arith.addi %squeeze3A_71, %parallel_loop3A_530 : i32
        %parallel_loop3A_561 = arith.index_cast %parallel_loop3A_560 : i32 to index
        %parallel_loop3A_562 = tpu.vector_load %arg17[%parallel_loop3A_561] {strides = array<i32>} : memref<15360xf32, #tpu.memory_space<vmem>>, vector<16xf32>,
        %parallel_loop3A_563 = vector.shape_cast %parallel_loop3A_562 : vector<16xf32> to vector<16xf32>
        %parallel_loop3A_564 = vector.broadcast %squeeze3A_183 : f32 to vector<16xf32>
        %parallel_loop3A_565 = arith.mulf %parallel_loop3A_564, %parallel_loop3A_533 : vector<16xf32>
        %parallel_loop3A_566 = arith.addf %parallel_loop3A_563, %parallel_loop3A_565 : vector<16xf32>
        %parallel_loop3A_567 = arith.constant 2 : i32
        %parallel_loop3A_568 = arith.index_cast %parallel_loop3A_567 : i32 to index
        %parallel_loop3A_569 = arith.index_cast %parallel_loop3A_530 : i32 to index
        %parallel_loop3A_570 = tpu.vector_load %arg19[%parallel_loop3A_568, %parallel_loop3A_569] {strides = array<i32>} : memref<16x512xf32, #tpu.memory_space<vmem>>, vector<1x16xf32>,
        %parallel_loop3A_571 = vector.shape_cast %parallel_loop3A_570 : vector<1x16xf32> to vector<16xf32>
        %parallel_loop3A_572 = vector.shape_cast %parallel_loop3A_566 : vector<16xf32> to vector<1x16xf32>
        tpu.vector_store %arg19[%parallel_loop3A_568, %parallel_loop3A_569], %parallel_loop3A_572 {strides = array<i32>} : memref<16x512xf32, #tpu.memory_space<vmem>>, vector<1x16xf32>,
        %parallel_loop3A_573 = arith.addi %squeeze3A_78, %parallel_loop3A_530 : i32
        %parallel_loop3A_574 = arith.index_cast %parallel_loop3A_573 : i32 to index
        %parallel_loop3A_575 = tpu.vector_load %arg17[%parallel_loop3A_574] {strides = array<i32>} : memref<15360xf32, #tpu.memory_space<vmem>>, vector<16xf32>,
        %parallel_loop3A_576 = vector.shape_cast %parallel_loop3A_575 : vector<16xf32> to vector<16xf32>
        %parallel_loop3A_577 = vector.broadcast %squeeze3A_190 : f32 to vector<16xf32>
        %parallel_loop3A_578 = arith.mulf %parallel_loop3A_577, %parallel_loop3A_533 : vector<16xf32>
        %parallel_loop3A_579 = arith.addf %parallel_loop3A_576, %parallel_loop3A_578 : vector<16xf32>
        %parallel_loop3A_580 = arith.constant 3 : i32
        %parallel_loop3A_581 = arith.index_cast %parallel_loop3A_580 : i32 to index
        %parallel_loop3A_582 = arith.index_cast %parallel_loop3A_530 : i32 to index
        %parallel_loop3A_583 = tpu.vector_load %arg19[%parallel_loop3A_581, %parallel_loop3A_582] {strides = array<i32>} : memref<16x512xf32, #tpu.memory_space<vmem>>, vector<1x16xf32>,
        %parallel_loop3A_584 = vector.shape_cast %parallel_loop3A_583 : vector<1x16xf32> to vector<16xf32>
        %parallel_loop3A_585 = vector.shape_cast %parallel_loop3A_579 : vector<16xf32> to vector<1x16xf32>
        tpu.vector_store %arg19[%parallel_loop3A_581, %parallel_loop3A_582], %parallel_loop3A_585 {strides = array<i32>} : memref<16x512xf32, #tpu.memory_space<vmem>>, vector<1x16xf32>,
        %parallel_loop3A_586 = arith.addi %squeeze3A_85, %parallel_loop3A_530 : i32
        %parallel_loop3A_587 = arith.index_cast %parallel_loop3A_586 : i32 to index
        %parallel_loop3A_588 = tpu.vector_load %arg17[%parallel_loop3A_587] {strides = array<i32>} : memref<15360xf32, #tpu.memory_space<vmem>>, vector<16xf32>,
        %parallel_loop3A_589 = vector.shape_cast %parallel_loop3A_588 : vector<16xf32> to vector<16xf32>
        %parallel_loop3A_590 = vector.broadcast %squeeze3A_197 : f32 to vector<16xf32>
        %parallel_loop3A_591 = arith.mulf %parallel_loop3A_590, %parallel_loop3A_533 : vector<16xf32>
        %parallel_loop3A_592 = arith.addf %parallel_loop3A_589, %parallel_loop3A_591 : vector<16xf32>
        %parallel_loop3A_593 = arith.constant 4 : i32
        %parallel_loop3A_594 = arith.index_cast %parallel_loop3A_593 : i32 to index
        %parallel_loop3A_595 = arith.index_cast %parallel_loop3A_530 : i32 to index
        %parallel_loop3A_596 = tpu.vector_load %arg19[%parallel_loop3A_594, %parallel_loop3A_595] {strides = array<i32>} : memref<16x512xf32, #tpu.memory_space<vmem>>, vector<1x16xf32>,
        %parallel_loop3A_597 = vector.shape_cast %parallel_loop3A_596 : vector<1x16xf32> to vector<16xf32>
        %parallel_loop3A_598 = vector.shape_cast %parallel_loop3A_592 : vector<16xf32> to vector<1x16xf32>
        tpu.vector_store %arg19[%parallel_loop3A_594, %parallel_loop3A_595], %parallel_loop3A_598 {strides = array<i32>} : memref<16x512xf32, #tpu.memory_space<vmem>>, vector<1x16xf32>,
        %parallel_loop3A_599 = arith.addi %squeeze3A_92, %parallel_loop3A_530 : i32
        %parallel_loop3A_600 = arith.index_cast %parallel_loop3A_599 : i32 to index
        %parallel_loop3A_601 = tpu.vector_load %arg17[%parallel_loop3A_600] {strides = array<i32>} : memref<15360xf32, #tpu.memory_space<vmem>>, vector<16xf32>,
        %parallel_loop3A_602 = vector.shape_cast %parallel_loop3A_601 : vector<16xf32> to vector<16xf32>
        %parallel_loop3A_603 = vector.broadcast %squeeze3A_204 : f32 to vector<16xf32>
        %parallel_loop3A_604 = arith.mulf %parallel_loop3A_603, %parallel_loop3A_533 : vector<16xf32>
        %parallel_loop3A_605 = arith.addf %parallel_loop3A_602, %parallel_loop3A_604 : vector<16xf32>
        %parallel_loop3A_606 = arith.constant 5 : i32
        %parallel_loop3A_607 = arith.index_cast %parallel_loop3A_606 : i32 to index
        %parallel_loop3A_608 = arith.index_cast %parallel_loop3A_530 : i32 to index
        %parallel_loop3A_609 = tpu.vector_load %arg19[%parallel_loop3A_607, %parallel_loop3A_608] {strides = array<i32>} : memref<16x512xf32, #tpu.memory_space<vmem>>, vector<1x16xf32>,
        %parallel_loop3A_610 = vector.shape_cast %parallel_loop3A_609 : vector<1x16xf32> to vector<16xf32>
        %parallel_loop3A_611 = vector.shape_cast %parallel_loop3A_605 : vector<16xf32> to vector<1x16xf32>
        tpu.vector_store %arg19[%parallel_loop3A_607, %parallel_loop3A_608], %parallel_loop3A_611 {strides = array<i32>} : memref<16x512xf32, #tpu.memory_space<vmem>>, vector<1x16xf32>,
        %parallel_loop3A_612 = arith.addi %squeeze3A_99, %parallel_loop3A_530 : i32
        %parallel_loop3A_613 = arith.index_cast %parallel_loop3A_612 : i32 to index
        %parallel_loop3A_614 = tpu.vector_load %arg17[%parallel_loop3A_613] {strides = array<i32>} : memref<15360xf32, #tpu.memory_space<vmem>>, vector<16xf32>,
        %parallel_loop3A_615 = vector.shape_cast %parallel_loop3A_614 : vector<16xf32> to vector<16xf32>
        %parallel_loop3A_616 = vector.broadcast %squeeze3A_211 : f32 to vector<16xf32>
        %parallel_loop3A_617 = arith.mulf %parallel_loop3A_616, %parallel_loop3A_533 : vector<16xf32>
        %parallel_loop3A_618 = arith.addf %parallel_loop3A_615, %parallel_loop3A_617 : vector<16xf32>
        %parallel_loop3A_619 = arith.constant 6 : i32
        %parallel_loop3A_620 = arith.index_cast %parallel_loop3A_619 : i32 to index
        %parallel_loop3A_621 = arith.index_cast %parallel_loop3A_530 : i32 to index
        %parallel_loop3A_622 = tpu.vector_load %arg19[%parallel_loop3A_620, %parallel_loop3A_621] {strides = array<i32>} : memref<16x512xf32, #tpu.memory_space<vmem>>, vector<1x16xf32>,
        %parallel_loop3A_623 = vector.shape_cast %parallel_loop3A_622 : vector<1x16xf32> to vector<16xf32>
        %parallel_loop3A_624 = vector.shape_cast %parallel_loop3A_618 : vector<16xf32> to vector<1x16xf32>
        tpu.vector_store %arg19[%parallel_loop3A_620, %parallel_loop3A_621], %parallel_loop3A_624 {strides = array<i32>} : memref<16x512xf32, #tpu.memory_space<vmem>>, vector<1x16xf32>,
        %parallel_loop3A_625 = arith.addi %squeeze3A_106, %parallel_loop3A_530 : i32
        %parallel_loop3A_626 = arith.index_cast %parallel_loop3A_625 : i32 to index
        %parallel_loop3A_627 = tpu.vector_load %arg17[%parallel_loop3A_626] {strides = array<i32>} : memref<15360xf32, #tpu.memory_space<vmem>>, vector<16xf32>,
        %parallel_loop3A_628 = vector.shape_cast %parallel_loop3A_627 : vector<16xf32> to vector<16xf32>
        %parallel_loop3A_629 = vector.broadcast %squeeze3A_218 : f32 to vector<16xf32>
        %parallel_loop3A_630 = arith.mulf %parallel_loop3A_629, %parallel_loop3A_533 : vector<16xf32>
        %parallel_loop3A_631 = arith.addf %parallel_loop3A_628, %parallel_loop3A_630 : vector<16xf32>
        %parallel_loop3A_632 = arith.constant 7 : i32
        %parallel_loop3A_633 = arith.index_cast %parallel_loop3A_632 : i32 to index
        %parallel_loop3A_634 = arith.index_cast %parallel_loop3A_530 : i32 to index
        %parallel_loop3A_635 = tpu.vector_load %arg19[%parallel_loop3A_633, %parallel_loop3A_634] {strides = array<i32>} : memref<16x512xf32, #tpu.memory_space<vmem>>, vector<1x16xf32>,
        %parallel_loop3A_636 = vector.shape_cast %parallel_loop3A_635 : vector<1x16xf32> to vector<16xf32>
        %parallel_loop3A_637 = vector.shape_cast %parallel_loop3A_631 : vector<16xf32> to vector<1x16xf32>
        tpu.vector_store %arg19[%parallel_loop3A_633, %parallel_loop3A_634], %parallel_loop3A_637 {strides = array<i32>} : memref<16x512xf32, #tpu.memory_space<vmem>>, vector<1x16xf32>,
        %parallel_loop3A_638 = arith.addi %squeeze3A_113, %parallel_loop3A_530 : i32
        %parallel_loop3A_639 = arith.index_cast %parallel_loop3A_638 : i32 to index
        %parallel_loop3A_640 = tpu.vector_load %arg17[%parallel_loop3A_639] {strides = array<i32>} : memref<15360xf32, #tpu.memory_space<vmem>>, vector<16xf32>,
        %parallel_loop3A_641 = vector.shape_cast %parallel_loop3A_640 : vector<16xf32> to vector<16xf32>
        %parallel_loop3A_642 = vector.broadcast %squeeze3A_225 : f32 to vector<16xf32>
        %parallel_loop3A_643 = arith.mulf %parallel_loop3A_642, %parallel_loop3A_533 : vector<16xf32>
        %parallel_loop3A_644 = arith.addf %parallel_loop3A_641, %parallel_loop3A_643 : vector<16xf32>
        %parallel_loop3A_645 = arith.constant 8 : i32
        %parallel_loop3A_646 = arith.index_cast %parallel_loop3A_645 : i32 to index
        %parallel_loop3A_647 = arith.index_cast %parallel_loop3A_530 : i32 to index
        %parallel_loop3A_648 = tpu.vector_load %arg19[%parallel_loop3A_646, %parallel_loop3A_647] {strides = array<i32>} : memref<16x512xf32, #tpu.memory_space<vmem>>, vector<1x16xf32>,
        %parallel_loop3A_649 = vector.shape_cast %parallel_loop3A_648 : vector<1x16xf32> to vector<16xf32>
        %parallel_loop3A_650 = vector.shape_cast %parallel_loop3A_644 : vector<16xf32> to vector<1x16xf32>
        tpu.vector_store %arg19[%parallel_loop3A_646, %parallel_loop3A_647], %parallel_loop3A_650 {strides = array<i32>} : memref<16x512xf32, #tpu.memory_space<vmem>>, vector<1x16xf32>,
        %parallel_loop3A_651 = arith.addi %squeeze3A_120, %parallel_loop3A_530 : i32
        %parallel_loop3A_652 = arith.index_cast %parallel_loop3A_651 : i32 to index
        %parallel_loop3A_653 = tpu.vector_load %arg17[%parallel_loop3A_652] {strides = array<i32>} : memref<15360xf32, #tpu.memory_space<vmem>>, vector<16xf32>,
        %parallel_loop3A_654 = vector.shape_cast %parallel_loop3A_653 : vector<16xf32> to vector<16xf32>
        %parallel_loop3A_655 = vector.broadcast %squeeze3A_232 : f32 to vector<16xf32>
        %parallel_loop3A_656 = arith.mulf %parallel_loop3A_655, %parallel_loop3A_533 : vector<16xf32>
        %parallel_loop3A_657 = arith.addf %parallel_loop3A_654, %parallel_loop3A_656 : vector<16xf32>
        %parallel_loop3A_658 = arith.constant 9 : i32
        %parallel_loop3A_659 = arith.index_cast %parallel_loop3A_658 : i32 to index
        %parallel_loop3A_660 = arith.index_cast %parallel_loop3A_530 : i32 to index
        %parallel_loop3A_661 = tpu.vector_load %arg19[%parallel_loop3A_659, %parallel_loop3A_660] {strides = array<i32>} : memref<16x512xf32, #tpu.memory_space<vmem>>, vector<1x16xf32>,
        %parallel_loop3A_662 = vector.shape_cast %parallel_loop3A_661 : vector<1x16xf32> to vector<16xf32>
        %parallel_loop3A_663 = vector.shape_cast %parallel_loop3A_657 : vector<16xf32> to vector<1x16xf32>
        tpu.vector_store %arg19[%parallel_loop3A_659, %parallel_loop3A_660], %parallel_loop3A_663 {strides = array<i32>} : memref<16x512xf32, #tpu.memory_space<vmem>>, vector<1x16xf32>,
        %parallel_loop3A_664 = arith.addi %squeeze3A_127, %parallel_loop3A_530 : i32
        %parallel_loop3A_665 = arith.index_cast %parallel_loop3A_664 : i32 to index
        %parallel_loop3A_666 = tpu.vector_load %arg17[%parallel_loop3A_665] {strides = array<i32>} : memref<15360xf32, #tpu.memory_space<vmem>>, vector<16xf32>,
        %parallel_loop3A_667 = vector.shape_cast %parallel_loop3A_666 : vector<16xf32> to vector<16xf32>
        %parallel_loop3A_668 = vector.broadcast %squeeze3A_239 : f32 to vector<16xf32>
        %parallel_loop3A_669 = arith.mulf %parallel_loop3A_668, %parallel_loop3A_533 : vector<16xf32>
        %parallel_loop3A_670 = arith.addf %parallel_loop3A_667, %parallel_loop3A_669 : vector<16xf32>
        %parallel_loop3A_671 = arith.constant 10 : i32
        %parallel_loop3A_672 = arith.index_cast %parallel_loop3A_671 : i32 to index
        %parallel_loop3A_673 = arith.index_cast %parallel_loop3A_530 : i32 to index
        %parallel_loop3A_674 = tpu.vector_load %arg19[%parallel_loop3A_672, %parallel_loop3A_673] {strides = array<i32>} : memref<16x512xf32, #tpu.memory_space<vmem>>, vector<1x16xf32>,
        %parallel_loop3A_675 = vector.shape_cast %parallel_loop3A_674 : vector<1x16xf32> to vector<16xf32>
        %parallel_loop3A_676 = vector.shape_cast %parallel_loop3A_670 : vector<16xf32> to vector<1x16xf32>
        tpu.vector_store %arg19[%parallel_loop3A_672, %parallel_loop3A_673], %parallel_loop3A_676 {strides = array<i32>} : memref<16x512xf32, #tpu.memory_space<vmem>>, vector<1x16xf32>,
        %parallel_loop3A_677 = arith.addi %squeeze3A_134, %parallel_loop3A_530 : i32
        %parallel_loop3A_678 = arith.index_cast %parallel_loop3A_677 : i32 to index
        %parallel_loop3A_679 = tpu.vector_load %arg17[%parallel_loop3A_678] {strides = array<i32>} : memref<15360xf32, #tpu.memory_space<vmem>>, vector<16xf32>,
        %parallel_loop3A_680 = vector.shape_cast %parallel_loop3A_679 : vector<16xf32> to vector<16xf32>
        %parallel_loop3A_681 = vector.broadcast %squeeze3A_246 : f32 to vector<16xf32>
        %parallel_loop3A_682 = arith.mulf %parallel_loop3A_681, %parallel_loop3A_533 : vector<16xf32>
        %parallel_loop3A_683 = arith.addf %parallel_loop3A_680, %parallel_loop3A_682 : vector<16xf32>
        %parallel_loop3A_684 = arith.constant 11 : i32
        %parallel_loop3A_685 = arith.index_cast %parallel_loop3A_684 : i32 to index
        %parallel_loop3A_686 = arith.index_cast %parallel_loop3A_530 : i32 to index
        %parallel_loop3A_687 = tpu.vector_load %arg19[%parallel_loop3A_685, %parallel_loop3A_686] {strides = array<i32>} : memref<16x512xf32, #tpu.memory_space<vmem>>, vector<1x16xf32>,
        %parallel_loop3A_688 = vector.shape_cast %parallel_loop3A_687 : vector<1x16xf32> to vector<16xf32>
        %parallel_loop3A_689 = vector.shape_cast %parallel_loop3A_683 : vector<16xf32> to vector<1x16xf32>
        tpu.vector_store %arg19[%parallel_loop3A_685, %parallel_loop3A_686], %parallel_loop3A_689 {strides = array<i32>} : memref<16x512xf32, #tpu.memory_space<vmem>>, vector<1x16xf32>,
        %parallel_loop3A_690 = arith.addi %squeeze3A_141, %parallel_loop3A_530 : i32
        %parallel_loop3A_691 = arith.index_cast %parallel_loop3A_690 : i32 to index
        %parallel_loop3A_692 = tpu.vector_load %arg17[%parallel_loop3A_691] {strides = array<i32>} : memref<15360xf32, #tpu.memory_space<vmem>>, vector<16xf32>,
        %parallel_loop3A_693 = vector.shape_cast %parallel_loop3A_692 : vector<16xf32> to vector<16xf32>
        %parallel_loop3A_694 = vector.broadcast %squeeze3A_253 : f32 to vector<16xf32>
        %parallel_loop3A_695 = arith.mulf %parallel_loop3A_694, %parallel_loop3A_533 : vector<16xf32>
        %parallel_loop3A_696 = arith.addf %parallel_loop3A_693, %parallel_loop3A_695 : vector<16xf32>
        %parallel_loop3A_697 = arith.constant 12 : i32
        %parallel_loop3A_698 = arith.index_cast %parallel_loop3A_697 : i32 to index
        %parallel_loop3A_699 = arith.index_cast %parallel_loop3A_530 : i32 to index
        %parallel_loop3A_700 = tpu.vector_load %arg19[%parallel_loop3A_698, %parallel_loop3A_699] {strides = array<i32>} : memref<16x512xf32, #tpu.memory_space<vmem>>, vector<1x16xf32>,
        %parallel_loop3A_701 = vector.shape_cast %parallel_loop3A_700 : vector<1x16xf32> to vector<16xf32>
        %parallel_loop3A_702 = vector.shape_cast %parallel_loop3A_696 : vector<16xf32> to vector<1x16xf32>
        tpu.vector_store %arg19[%parallel_loop3A_698, %parallel_loop3A_699], %parallel_loop3A_702 {strides = array<i32>} : memref<16x512xf32, #tpu.memory_space<vmem>>, vector<1x16xf32>,
        %parallel_loop3A_703 = arith.addi %squeeze3A_148, %parallel_loop3A_530 : i32
        %parallel_loop3A_704 = arith.index_cast %parallel_loop3A_703 : i32 to index
        %parallel_loop3A_705 = tpu.vector_load %arg17[%parallel_loop3A_704] {strides = array<i32>} : memref<15360xf32, #tpu.memory_space<vmem>>, vector<16xf32>,
        %parallel_loop3A_706 = vector.shape_cast %parallel_loop3A_705 : vector<16xf32> to vector<16xf32>
        %parallel_loop3A_707 = vector.broadcast %squeeze3A_260 : f32 to vector<16xf32>
        %parallel_loop3A_708 = arith.mulf %parallel_loop3A_707, %parallel_loop3A_533 : vector<16xf32>
        %parallel_loop3A_709 = arith.addf %parallel_loop3A_706, %parallel_loop3A_708 : vector<16xf32>
        %parallel_loop3A_710 = arith.constant 13 : i32
        %parallel_loop3A_711 = arith.index_cast %parallel_loop3A_710 : i32 to index
        %parallel_loop3A_712 = arith.index_cast %parallel_loop3A_530 : i32 to index
        %parallel_loop3A_713 = tpu.vector_load %arg19[%parallel_loop3A_711, %parallel_loop3A_712] {strides = array<i32>} : memref<16x512xf32, #tpu.memory_space<vmem>>, vector<1x16xf32>,
        %parallel_loop3A_714 = vector.shape_cast %parallel_loop3A_713 : vector<1x16xf32> to vector<16xf32>
        %parallel_loop3A_715 = vector.shape_cast %parallel_loop3A_709 : vector<16xf32> to vector<1x16xf32>
        tpu.vector_store %arg19[%parallel_loop3A_711, %parallel_loop3A_712], %parallel_loop3A_715 {strides = array<i32>} : memref<16x512xf32, #tpu.memory_space<vmem>>, vector<1x16xf32>,
        %parallel_loop3A_716 = arith.addi %squeeze3A_155, %parallel_loop3A_530 : i32
        %parallel_loop3A_717 = arith.index_cast %parallel_loop3A_716 : i32 to index
        %parallel_loop3A_718 = tpu.vector_load %arg17[%parallel_loop3A_717] {strides = array<i32>} : memref<15360xf32, #tpu.memory_space<vmem>>, vector<16xf32>,
        %parallel_loop3A_719 = vector.shape_cast %parallel_loop3A_718 : vector<16xf32> to vector<16xf32>
        %parallel_loop3A_720 = vector.broadcast %squeeze3A_267 : f32 to vector<16xf32>
        %parallel_loop3A_721 = arith.mulf %parallel_loop3A_720, %parallel_loop3A_533 : vector<16xf32>
        %parallel_loop3A_722 = arith.addf %parallel_loop3A_719, %parallel_loop3A_721 : vector<16xf32>
        %parallel_loop3A_723 = arith.constant 14 : i32
        %parallel_loop3A_724 = arith.index_cast %parallel_loop3A_723 : i32 to index
        %parallel_loop3A_725 = arith.index_cast %parallel_loop3A_530 : i32 to index
        %parallel_loop3A_726 = tpu.vector_load %arg19[%parallel_loop3A_724, %parallel_loop3A_725] {strides = array<i32>} : memref<16x512xf32, #tpu.memory_space<vmem>>, vector<1x16xf32>,
        %parallel_loop3A_727 = vector.shape_cast %parallel_loop3A_726 : vector<1x16xf32> to vector<16xf32>
        %parallel_loop3A_728 = vector.shape_cast %parallel_loop3A_722 : vector<16xf32> to vector<1x16xf32>
        tpu.vector_store %arg19[%parallel_loop3A_724, %parallel_loop3A_725], %parallel_loop3A_728 {strides = array<i32>} : memref<16x512xf32, #tpu.memory_space<vmem>>, vector<1x16xf32>,
        %parallel_loop3A_729 = arith.addi %squeeze3A_162, %parallel_loop3A_530 : i32
        %parallel_loop3A_730 = arith.index_cast %parallel_loop3A_729 : i32 to index
        %parallel_loop3A_731 = tpu.vector_load %arg17[%parallel_loop3A_730] {strides = array<i32>} : memref<15360xf32, #tpu.memory_space<vmem>>, vector<16xf32>,
        %parallel_loop3A_732 = vector.shape_cast %parallel_loop3A_731 : vector<16xf32> to vector<16xf32>
        %parallel_loop3A_733 = vector.broadcast %squeeze3A_274 : f32 to vector<16xf32>
        %parallel_loop3A_734 = arith.mulf %parallel_loop3A_733, %parallel_loop3A_533 : vector<16xf32>
        %parallel_loop3A_735 = arith.addf %parallel_loop3A_732, %parallel_loop3A_734 : vector<16xf32>
        %parallel_loop3A_736 = arith.constant 15 : i32
        %parallel_loop3A_737 = arith.index_cast %parallel_loop3A_736 : i32 to index
        %parallel_loop3A_738 = arith.index_cast %parallel_loop3A_530 : i32 to index
        %parallel_loop3A_739 = tpu.vector_load %arg19[%parallel_loop3A_737, %parallel_loop3A_738] {strides = array<i32>} : memref<16x512xf32, #tpu.memory_space<vmem>>, vector<1x16xf32>,
        %parallel_loop3A_740 = vector.shape_cast %parallel_loop3A_739 : vector<1x16xf32> to vector<16xf32>
        %parallel_loop3A_741 = vector.shape_cast %parallel_loop3A_735 : vector<16xf32> to vector<1x16xf32>
        tpu.vector_store %arg19[%parallel_loop3A_737, %parallel_loop3A_738], %parallel_loop3A_741 {strides = array<i32>} : memref<16x512xf32, #tpu.memory_space<vmem>>, vector<1x16xf32>,
      } {sc.loop_unroll_factor = 1 : i64, sc.parallel_access}
      %add3A_278 = arith.addi %mul3A_2, %mul3A_49 : i32
      %dma_start3A_279 = arith.constant 0 : i32
      %dma_start3A_280 = tpu.memref_slice %arg9[%add3A_278, %dma_start3A_279] : memref<16384x512xf32, #tpu.memory_space<hbm>> -> memref<16x512xf32, #tpu.memory_space<hbm>>
      %dma_start3A_281 = arith.constant 0 : i32
      %dma_start3A_282 = tpu.memref_slice %arg9[%add3A_278, %dma_start3A_281] : memref<16384x512xf32, #tpu.memory_space<hbm>> -> memref<16x512xf32, #tpu.memory_space<hbm>>
      tpu.enqueue_dma source(%arg19 : memref<16x512xf32, #tpu.memory_space<vmem>>) target(%dma_start3A_282 : memref<16x512xf32, #tpu.memory_space<hbm>>) target_semaphore(%arg21 : memref<!tpu.dma_semaphore, #tpu.memory_space<semaphore_mem>>)
      %mul3A_283 = arith.constant 2 : i32
      %mul3A_284 = arith.muli %scan3A_43, %mul3A_283 : i32
      %add3A_285 = arith.constant 1 : i32
      %add3A_286 = arith.addi %mul3A_284, %add3A_285 : i32
      %mul3A_287 = arith.constant 16 : i32
      %mul3A_288 = arith.muli %add3A_286, %mul3A_287 : i32
      %gt3A_289 = arith.constant 0 : i32
      %gt3A_290 = arith.cmpi sgt, %scan3A_43, %gt3A_289 : i32
      %convert_element_type3A_291 = arith.extui %gt3A_290 : i1 to i32
      %cond3A_292 = arith.constant 0 : i32
      %cond3A_293 = arith.cmpi ne, %convert_element_type3A_291, %cond3A_292 : i32
      scf.if %cond3A_293 {
        %dma_wait3A_528 = arith.constant 0 : i32
        %dma_wait3A_529 = arith.constant 0 : i32
        %dma_wait3A_530 = tpu.memref_slice %arg9[%dma_wait3A_528, %dma_wait3A_529] : memref<16384x512xf32, #tpu.memory_space<hbm>> -> memref<16x512xf32, #tpu.memory_space<hbm>>
        %dma_wait3A_531 = arith.constant 0 : i32
        %dma_wait3A_532 = arith.constant 0 : i32
        %dma_wait3A_533 = tpu.memref_slice %arg9[%dma_wait3A_531, %dma_wait3A_532] : memref<16384x512xf32, #tpu.memory_space<hbm>> -> memref<16x512xf32, #tpu.memory_space<hbm>>
        tpu.wait_dma2 semaphore(%arg22 : memref<!tpu.dma_semaphore, #tpu.memory_space<semaphore_mem>>) src(%arg20 : memref<16x512xf32, #tpu.memory_space<vmem>>) dst(%dma_wait3A_533 : memref<16x512xf32, #tpu.memory_space<hbm>>)
      } else {
      }
      %add3A_294 = arith.constant 0 : i32
      %add3A_295 = arith.addi %mul3A_288, %add3A_294 : i32
      %add3A_296 = arith.constant 0 : i32
      %add3A_297 = arith.addi %add3A_295, %add3A_296 : i32
      %get3A_298 = arith.index_cast %add3A_297 : i32 to index
      %get3A_299 = tpu.vector_load %arg18[%get3A_298] {strides = array<i32>} : memref<528xi32, #tpu.memory_space<vmem>>, vector<16xi32>,
      %get3A_300 = vector.shape_cast %get3A_299 : vector<16xi32> to vector<16xi32>
      %slice3A_301 = vector.extract_strided_slice %get3A_300 {offsets = [0], sizes = [1], strides = [1]} : vector<16xi32> to vector<1xi32>
      %squeeze3A_302 = vector.extract %slice3A_301[0] : i32 from vector<1xi32>
      %add3A_303 = arith.constant 1 : i32
      %add3A_304 = arith.addi %add3A_295, %add3A_303 : i32
      %get3A_305 = arith.index_cast %add3A_304 : i32 to index
      %get3A_306 = tpu.vector_load %arg18[%get3A_305] {strides = array<i32>} : memref<528xi32, #tpu.memory_space<vmem>>, vector<16xi32>,
      %get3A_307 = vector.shape_cast %get3A_306 : vector<16xi32> to vector<16xi32>
      %slice3A_308 = vector.extract_strided_slice %get3A_307 {offsets = [0], sizes = [1], strides = [1]} : vector<16xi32> to vector<1xi32>
      %squeeze3A_309 = vector.extract %slice3A_308[0] : i32 from vector<1xi32>
      %add3A_310 = arith.constant 2 : i32
      %add3A_311 = arith.addi %add3A_295, %add3A_310 : i32
      %get3A_312 = arith.index_cast %add3A_311 : i32 to index
      %get3A_313 = tpu.vector_load %arg18[%get3A_312] {strides = array<i32>} : memref<528xi32, #tpu.memory_space<vmem>>, vector<16xi32>,
      %get3A_314 = vector.shape_cast %get3A_313 : vector<16xi32> to vector<16xi32>
      %slice3A_315 = vector.extract_strided_slice %get3A_314 {offsets = [0], sizes = [1], strides = [1]} : vector<16xi32> to vector<1xi32>
      %squeeze3A_316 = vector.extract %slice3A_315[0] : i32 from vector<1xi32>
      %add3A_317 = arith.constant 3 : i32
      %add3A_318 = arith.addi %add3A_295, %add3A_317 : i32
      %get3A_319 = arith.index_cast %add3A_318 : i32 to index
      %get3A_320 = tpu.vector_load %arg18[%get3A_319] {strides = array<i32>} : memref<528xi32, #tpu.memory_space<vmem>>, vector<16xi32>,
      %get3A_321 = vector.shape_cast %get3A_320 : vector<16xi32> to vector<16xi32>
      %slice3A_322 = vector.extract_strided_slice %get3A_321 {offsets = [0], sizes = [1], strides = [1]} : vector<16xi32> to vector<1xi32>
      %squeeze3A_323 = vector.extract %slice3A_322[0] : i32 from vector<1xi32>
      %add3A_324 = arith.constant 4 : i32
      %add3A_325 = arith.addi %add3A_295, %add3A_324 : i32
      %get3A_326 = arith.index_cast %add3A_325 : i32 to index
      %get3A_327 = tpu.vector_load %arg18[%get3A_326] {strides = array<i32>} : memref<528xi32, #tpu.memory_space<vmem>>, vector<16xi32>,
      %get3A_328 = vector.shape_cast %get3A_327 : vector<16xi32> to vector<16xi32>
      %slice3A_329 = vector.extract_strided_slice %get3A_328 {offsets = [0], sizes = [1], strides = [1]} : vector<16xi32> to vector<1xi32>
      %squeeze3A_330 = vector.extract %slice3A_329[0] : i32 from vector<1xi32>
      %add3A_331 = arith.constant 5 : i32
      %add3A_332 = arith.addi %add3A_295, %add3A_331 : i32
      %get3A_333 = arith.index_cast %add3A_332 : i32 to index
      %get3A_334 = tpu.vector_load %arg18[%get3A_333] {strides = array<i32>} : memref<528xi32, #tpu.memory_space<vmem>>, vector<16xi32>,
      %get3A_335 = vector.shape_cast %get3A_334 : vector<16xi32> to vector<16xi32>
      %slice3A_336 = vector.extract_strided_slice %get3A_335 {offsets = [0], sizes = [1], strides = [1]} : vector<16xi32> to vector<1xi32>
      %squeeze3A_337 = vector.extract %slice3A_336[0] : i32 from vector<1xi32>
      %add3A_338 = arith.constant 6 : i32
      %add3A_339 = arith.addi %add3A_295, %add3A_338 : i32
      %get3A_340 = arith.index_cast %add3A_339 : i32 to index
      %get3A_341 = tpu.vector_load %arg18[%get3A_340] {strides = array<i32>} : memref<528xi32, #tpu.memory_space<vmem>>, vector<16xi32>,
      %get3A_342 = vector.shape_cast %get3A_341 : vector<16xi32> to vector<16xi32>
      %slice3A_343 = vector.extract_strided_slice %get3A_342 {offsets = [0], sizes = [1], strides = [1]} : vector<16xi32> to vector<1xi32>
      %squeeze3A_344 = vector.extract %slice3A_343[0] : i32 from vector<1xi32>
      %add3A_345 = arith.constant 7 : i32
      %add3A_346 = arith.addi %add3A_295, %add3A_345 : i32
      %get3A_347 = arith.index_cast %add3A_346 : i32 to index
      %get3A_348 = tpu.vector_load %arg18[%get3A_347] {strides = array<i32>} : memref<528xi32, #tpu.memory_space<vmem>>, vector<16xi32>,
      %get3A_349 = vector.shape_cast %get3A_348 : vector<16xi32> to vector<16xi32>
      %slice3A_350 = vector.extract_strided_slice %get3A_349 {offsets = [0], sizes = [1], strides = [1]} : vector<16xi32> to vector<1xi32>
      %squeeze3A_351 = vector.extract %slice3A_350[0] : i32 from vector<1xi32>
      %add3A_352 = arith.constant 8 : i32
      %add3A_353 = arith.addi %add3A_295, %add3A_352 : i32
      %get3A_354 = arith.index_cast %add3A_353 : i32 to index
      %get3A_355 = tpu.vector_load %arg18[%get3A_354] {strides = array<i32>} : memref<528xi32, #tpu.memory_space<vmem>>, vector<16xi32>,
      %get3A_356 = vector.shape_cast %get3A_355 : vector<16xi32> to vector<16xi32>
      %slice3A_357 = vector.extract_strided_slice %get3A_356 {offsets = [0], sizes = [1], strides = [1]} : vector<16xi32> to vector<1xi32>
      %squeeze3A_358 = vector.extract %slice3A_357[0] : i32 from vector<1xi32>
      %add3A_359 = arith.constant 9 : i32
      %add3A_360 = arith.addi %add3A_295, %add3A_359 : i32
      %get3A_361 = arith.index_cast %add3A_360 : i32 to index
      %get3A_362 = tpu.vector_load %arg18[%get3A_361] {strides = array<i32>} : memref<528xi32, #tpu.memory_space<vmem>>, vector<16xi32>,
      %get3A_363 = vector.shape_cast %get3A_362 : vector<16xi32> to vector<16xi32>
      %slice3A_364 = vector.extract_strided_slice %get3A_363 {offsets = [0], sizes = [1], strides = [1]} : vector<16xi32> to vector<1xi32>
      %squeeze3A_365 = vector.extract %slice3A_364[0] : i32 from vector<1xi32>
      %add3A_366 = arith.constant 10 : i32
      %add3A_367 = arith.addi %add3A_295, %add3A_366 : i32
      %get3A_368 = arith.index_cast %add3A_367 : i32 to index
      %get3A_369 = tpu.vector_load %arg18[%get3A_368] {strides = array<i32>} : memref<528xi32, #tpu.memory_space<vmem>>, vector<16xi32>,
      %get3A_370 = vector.shape_cast %get3A_369 : vector<16xi32> to vector<16xi32>
      %slice3A_371 = vector.extract_strided_slice %get3A_370 {offsets = [0], sizes = [1], strides = [1]} : vector<16xi32> to vector<1xi32>
      %squeeze3A_372 = vector.extract %slice3A_371[0] : i32 from vector<1xi32>
      %add3A_373 = arith.constant 11 : i32
      %add3A_374 = arith.addi %add3A_295, %add3A_373 : i32
      %get3A_375 = arith.index_cast %add3A_374 : i32 to index
      %get3A_376 = tpu.vector_load %arg18[%get3A_375] {strides = array<i32>} : memref<528xi32, #tpu.memory_space<vmem>>, vector<16xi32>,
      %get3A_377 = vector.shape_cast %get3A_376 : vector<16xi32> to vector<16xi32>
      %slice3A_378 = vector.extract_strided_slice %get3A_377 {offsets = [0], sizes = [1], strides = [1]} : vector<16xi32> to vector<1xi32>
      %squeeze3A_379 = vector.extract %slice3A_378[0] : i32 from vector<1xi32>
      %add3A_380 = arith.constant 12 : i32
      %add3A_381 = arith.addi %add3A_295, %add3A_380 : i32
      %get3A_382 = arith.index_cast %add3A_381 : i32 to index
      %get3A_383 = tpu.vector_load %arg18[%get3A_382] {strides = array<i32>} : memref<528xi32, #tpu.memory_space<vmem>>, vector<16xi32>,
      %get3A_384 = vector.shape_cast %get3A_383 : vector<16xi32> to vector<16xi32>
      %slice3A_385 = vector.extract_strided_slice %get3A_384 {offsets = [0], sizes = [1], strides = [1]} : vector<16xi32> to vector<1xi32>
      %squeeze3A_386 = vector.extract %slice3A_385[0] : i32 from vector<1xi32>
      %add3A_387 = arith.constant 13 : i32
      %add3A_388 = arith.addi %add3A_295, %add3A_387 : i32
      %get3A_389 = arith.index_cast %add3A_388 : i32 to index
      %get3A_390 = tpu.vector_load %arg18[%get3A_389] {strides = array<i32>} : memref<528xi32, #tpu.memory_space<vmem>>, vector<16xi32>,
      %get3A_391 = vector.shape_cast %get3A_390 : vector<16xi32> to vector<16xi32>
      %slice3A_392 = vector.extract_strided_slice %get3A_391 {offsets = [0], sizes = [1], strides = [1]} : vector<16xi32> to vector<1xi32>
      %squeeze3A_393 = vector.extract %slice3A_392[0] : i32 from vector<1xi32>
      %add3A_394 = arith.constant 14 : i32
      %add3A_395 = arith.addi %add3A_295, %add3A_394 : i32
      %get3A_396 = arith.index_cast %add3A_395 : i32 to index
      %get3A_397 = tpu.vector_load %arg18[%get3A_396] {strides = array<i32>} : memref<528xi32, #tpu.memory_space<vmem>>, vector<16xi32>,
      %get3A_398 = vector.shape_cast %get3A_397 : vector<16xi32> to vector<16xi32>
      %slice3A_399 = vector.extract_strided_slice %get3A_398 {offsets = [0], sizes = [1], strides = [1]} : vector<16xi32> to vector<1xi32>
      %squeeze3A_400 = vector.extract %slice3A_399[0] : i32 from vector<1xi32>
      %add3A_401 = arith.constant 15 : i32
      %add3A_402 = arith.addi %add3A_295, %add3A_401 : i32
      %get3A_403 = arith.index_cast %add3A_402 : i32 to index
      %get3A_404 = tpu.vector_load %arg18[%get3A_403] {strides = array<i32>} : memref<528xi32, #tpu.memory_space<vmem>>, vector<16xi32>,
      %get3A_405 = vector.shape_cast %get3A_404 : vector<16xi32> to vector<16xi32>
      %slice3A_406 = vector.extract_strided_slice %get3A_405 {offsets = [0], sizes = [1], strides = [1]} : vector<16xi32> to vector<1xi32>
      %squeeze3A_407 = vector.extract %slice3A_406[0] : i32 from vector<1xi32>
      %add3A_408 = arith.constant 0 : i32
      %add3A_409 = arith.addi %add3A_295, %add3A_408 : i32
      %get3A_410 = arith.index_cast %add3A_409 : i32 to index
      %get3A_411 = tpu.vector_load %arg12[%get3A_410] {strides = array<i32>} : memref<528xf32, #tpu.memory_space<vmem>>, vector<16xf32>,
      %get3A_412 = vector.shape_cast %get3A_411 : vector<16xf32> to vector<16xf32>
      %slice3A_413 = vector.extract_strided_slice %get3A_412 {offsets = [0], sizes = [1], strides = [1]} : vector<16xf32> to vector<1xf32>
      %squeeze3A_414 = vector.extract %slice3A_413[0] : f32 from vector<1xf32>
      %add3A_415 = arith.constant 1 : i32
      %add3A_416 = arith.addi %add3A_295, %add3A_415 : i32
      %get3A_417 = arith.index_cast %add3A_416 : i32 to index
      %get3A_418 = tpu.vector_load %arg12[%get3A_417] {strides = array<i32>} : memref<528xf32, #tpu.memory_space<vmem>>, vector<16xf32>,
      %get3A_419 = vector.shape_cast %get3A_418 : vector<16xf32> to vector<16xf32>
      %slice3A_420 = vector.extract_strided_slice %get3A_419 {offsets = [0], sizes = [1], strides = [1]} : vector<16xf32> to vector<1xf32>
      %squeeze3A_421 = vector.extract %slice3A_420[0] : f32 from vector<1xf32>
      %add3A_422 = arith.constant 2 : i32
      %add3A_423 = arith.addi %add3A_295, %add3A_422 : i32
      %get3A_424 = arith.index_cast %add3A_423 : i32 to index
      %get3A_425 = tpu.vector_load %arg12[%get3A_424] {strides = array<i32>} : memref<528xf32, #tpu.memory_space<vmem>>, vector<16xf32>,
      %get3A_426 = vector.shape_cast %get3A_425 : vector<16xf32> to vector<16xf32>
      %slice3A_427 = vector.extract_strided_slice %get3A_426 {offsets = [0], sizes = [1], strides = [1]} : vector<16xf32> to vector<1xf32>
      %squeeze3A_428 = vector.extract %slice3A_427[0] : f32 from vector<1xf32>
      %add3A_429 = arith.constant 3 : i32
      %add3A_430 = arith.addi %add3A_295, %add3A_429 : i32
      %get3A_431 = arith.index_cast %add3A_430 : i32 to index
      %get3A_432 = tpu.vector_load %arg12[%get3A_431] {strides = array<i32>} : memref<528xf32, #tpu.memory_space<vmem>>, vector<16xf32>,
      %get3A_433 = vector.shape_cast %get3A_432 : vector<16xf32> to vector<16xf32>
      %slice3A_434 = vector.extract_strided_slice %get3A_433 {offsets = [0], sizes = [1], strides = [1]} : vector<16xf32> to vector<1xf32>
      %squeeze3A_435 = vector.extract %slice3A_434[0] : f32 from vector<1xf32>
      %add3A_436 = arith.constant 4 : i32
      %add3A_437 = arith.addi %add3A_295, %add3A_436 : i32
      %get3A_438 = arith.index_cast %add3A_437 : i32 to index
      %get3A_439 = tpu.vector_load %arg12[%get3A_438] {strides = array<i32>} : memref<528xf32, #tpu.memory_space<vmem>>, vector<16xf32>,
      %get3A_440 = vector.shape_cast %get3A_439 : vector<16xf32> to vector<16xf32>
      %slice3A_441 = vector.extract_strided_slice %get3A_440 {offsets = [0], sizes = [1], strides = [1]} : vector<16xf32> to vector<1xf32>
      %squeeze3A_442 = vector.extract %slice3A_441[0] : f32 from vector<1xf32>
      %add3A_443 = arith.constant 5 : i32
      %add3A_444 = arith.addi %add3A_295, %add3A_443 : i32
      %get3A_445 = arith.index_cast %add3A_444 : i32 to index
      %get3A_446 = tpu.vector_load %arg12[%get3A_445] {strides = array<i32>} : memref<528xf32, #tpu.memory_space<vmem>>, vector<16xf32>,
      %get3A_447 = vector.shape_cast %get3A_446 : vector<16xf32> to vector<16xf32>
      %slice3A_448 = vector.extract_strided_slice %get3A_447 {offsets = [0], sizes = [1], strides = [1]} : vector<16xf32> to vector<1xf32>
      %squeeze3A_449 = vector.extract %slice3A_448[0] : f32 from vector<1xf32>
      %add3A_450 = arith.constant 6 : i32
      %add3A_451 = arith.addi %add3A_295, %add3A_450 : i32
      %get3A_452 = arith.index_cast %add3A_451 : i32 to index
      %get3A_453 = tpu.vector_load %arg12[%get3A_452] {strides = array<i32>} : memref<528xf32, #tpu.memory_space<vmem>>, vector<16xf32>,
      %get3A_454 = vector.shape_cast %get3A_453 : vector<16xf32> to vector<16xf32>
      %slice3A_455 = vector.extract_strided_slice %get3A_454 {offsets = [0], sizes = [1], strides = [1]} : vector<16xf32> to vector<1xf32>
      %squeeze3A_456 = vector.extract %slice3A_455[0] : f32 from vector<1xf32>
      %add3A_457 = arith.constant 7 : i32
      %add3A_458 = arith.addi %add3A_295, %add3A_457 : i32
      %get3A_459 = arith.index_cast %add3A_458 : i32 to index
      %get3A_460 = tpu.vector_load %arg12[%get3A_459] {strides = array<i32>} : memref<528xf32, #tpu.memory_space<vmem>>, vector<16xf32>,
      %get3A_461 = vector.shape_cast %get3A_460 : vector<16xf32> to vector<16xf32>
      %slice3A_462 = vector.extract_strided_slice %get3A_461 {offsets = [0], sizes = [1], strides = [1]} : vector<16xf32> to vector<1xf32>
      %squeeze3A_463 = vector.extract %slice3A_462[0] : f32 from vector<1xf32>
      %add3A_464 = arith.constant 8 : i32
      %add3A_465 = arith.addi %add3A_295, %add3A_464 : i32
      %get3A_466 = arith.index_cast %add3A_465 : i32 to index
      %get3A_467 = tpu.vector_load %arg12[%get3A_466] {strides = array<i32>} : memref<528xf32, #tpu.memory_space<vmem>>, vector<16xf32>,
      %get3A_468 = vector.shape_cast %get3A_467 : vector<16xf32> to vector<16xf32>
      %slice3A_469 = vector.extract_strided_slice %get3A_468 {offsets = [0], sizes = [1], strides = [1]} : vector<16xf32> to vector<1xf32>
      %squeeze3A_470 = vector.extract %slice3A_469[0] : f32 from vector<1xf32>
      %add3A_471 = arith.constant 9 : i32
      %add3A_472 = arith.addi %add3A_295, %add3A_471 : i32
      %get3A_473 = arith.index_cast %add3A_472 : i32 to index
      %get3A_474 = tpu.vector_load %arg12[%get3A_473] {strides = array<i32>} : memref<528xf32, #tpu.memory_space<vmem>>, vector<16xf32>,
      %get3A_475 = vector.shape_cast %get3A_474 : vector<16xf32> to vector<16xf32>
      %slice3A_476 = vector.extract_strided_slice %get3A_475 {offsets = [0], sizes = [1], strides = [1]} : vector<16xf32> to vector<1xf32>
      %squeeze3A_477 = vector.extract %slice3A_476[0] : f32 from vector<1xf32>
      %add3A_478 = arith.constant 10 : i32
      %add3A_479 = arith.addi %add3A_295, %add3A_478 : i32
      %get3A_480 = arith.index_cast %add3A_479 : i32 to index
      %get3A_481 = tpu.vector_load %arg12[%get3A_480] {strides = array<i32>} : memref<528xf32, #tpu.memory_space<vmem>>, vector<16xf32>,
      %get3A_482 = vector.shape_cast %get3A_481 : vector<16xf32> to vector<16xf32>
      %slice3A_483 = vector.extract_strided_slice %get3A_482 {offsets = [0], sizes = [1], strides = [1]} : vector<16xf32> to vector<1xf32>
      %squeeze3A_484 = vector.extract %slice3A_483[0] : f32 from vector<1xf32>
      %add3A_485 = arith.constant 11 : i32
      %add3A_486 = arith.addi %add3A_295, %add3A_485 : i32
      %get3A_487 = arith.index_cast %add3A_486 : i32 to index
      %get3A_488 = tpu.vector_load %arg12[%get3A_487] {strides = array<i32>} : memref<528xf32, #tpu.memory_space<vmem>>, vector<16xf32>,
      %get3A_489 = vector.shape_cast %get3A_488 : vector<16xf32> to vector<16xf32>
      %slice3A_490 = vector.extract_strided_slice %get3A_489 {offsets = [0], sizes = [1], strides = [1]} : vector<16xf32> to vector<1xf32>
      %squeeze3A_491 = vector.extract %slice3A_490[0] : f32 from vector<1xf32>
      %add3A_492 = arith.constant 12 : i32
      %add3A_493 = arith.addi %add3A_295, %add3A_492 : i32
      %get3A_494 = arith.index_cast %add3A_493 : i32 to index
      %get3A_495 = tpu.vector_load %arg12[%get3A_494] {strides = array<i32>} : memref<528xf32, #tpu.memory_space<vmem>>, vector<16xf32>,
      %get3A_496 = vector.shape_cast %get3A_495 : vector<16xf32> to vector<16xf32>
      %slice3A_497 = vector.extract_strided_slice %get3A_496 {offsets = [0], sizes = [1], strides = [1]} : vector<16xf32> to vector<1xf32>
      %squeeze3A_498 = vector.extract %slice3A_497[0] : f32 from vector<1xf32>
      %add3A_499 = arith.constant 13 : i32
      %add3A_500 = arith.addi %add3A_295, %add3A_499 : i32
      %get3A_501 = arith.index_cast %add3A_500 : i32 to index
      %get3A_502 = tpu.vector_load %arg12[%get3A_501] {strides = array<i32>} : memref<528xf32, #tpu.memory_space<vmem>>, vector<16xf32>,
      %get3A_503 = vector.shape_cast %get3A_502 : vector<16xf32> to vector<16xf32>
      %slice3A_504 = vector.extract_strided_slice %get3A_503 {offsets = [0], sizes = [1], strides = [1]} : vector<16xf32> to vector<1xf32>
      %squeeze3A_505 = vector.extract %slice3A_504[0] : f32 from vector<1xf32>
      %add3A_506 = arith.constant 14 : i32
      %add3A_507 = arith.addi %add3A_295, %add3A_506 : i32
      %get3A_508 = arith.index_cast %add3A_507 : i32 to index
      %get3A_509 = tpu.vector_load %arg12[%get3A_508] {strides = array<i32>} : memref<528xf32, #tpu.memory_space<vmem>>, vector<16xf32>,
      %get3A_510 = vector.shape_cast %get3A_509 : vector<16xf32> to vector<16xf32>
      %slice3A_511 = vector.extract_strided_slice %get3A_510 {offsets = [0], sizes = [1], strides = [1]} : vector<16xf32> to vector<1xf32>
      %squeeze3A_512 = vector.extract %slice3A_511[0] : f32 from vector<1xf32>
      %add3A_513 = arith.constant 15 : i32
      %add3A_514 = arith.addi %add3A_295, %add3A_513 : i32
      %get3A_515 = arith.index_cast %add3A_514 : i32 to index
      %get3A_516 = tpu.vector_load %arg12[%get3A_515] {strides = array<i32>} : memref<528xf32, #tpu.memory_space<vmem>>, vector<16xf32>,
      %get3A_517 = vector.shape_cast %get3A_516 : vector<16xf32> to vector<16xf32>
      %slice3A_518 = vector.extract_strided_slice %get3A_517 {offsets = [0], sizes = [1], strides = [1]} : vector<16xf32> to vector<1xf32>
      %squeeze3A_519 = vector.extract %slice3A_518[0] : f32 from vector<1xf32>
      %parallel_loop3A_520 = arith.constant 0 : i32
      %parallel_loop3A_521 = arith.constant 32 : i32
      %parallel_loop3A_522 = arith.constant 1 : i32
      scf.for %parallel_loop3A_528 = %parallel_loop3A_520 to %parallel_loop3A_521 step %parallel_loop3A_522  : i32 {
        %parallel_loop3A_529 = arith.constant 16 : i32
        %parallel_loop3A_530 = arith.muli %parallel_loop3A_528, %parallel_loop3A_529 : i32
        %parallel_loop3A_531 = arith.index_cast %parallel_loop3A_530 : i32 to index
        %parallel_loop3A_532 = tpu.vector_load %arg15[%parallel_loop3A_531] {strides = array<i32>} : memref<512xf32, #tpu.memory_space<vmem>>, vector<16xf32>,
        %parallel_loop3A_533 = vector.shape_cast %parallel_loop3A_532 : vector<16xf32> to vector<16xf32>
        %parallel_loop3A_534 = arith.addi %squeeze3A_302, %parallel_loop3A_530 : i32
        %parallel_loop3A_535 = arith.index_cast %parallel_loop3A_534 : i32 to index
        %parallel_loop3A_536 = tpu.vector_load %arg17[%parallel_loop3A_535] {strides = array<i32>} : memref<15360xf32, #tpu.memory_space<vmem>>, vector<16xf32>,
        %parallel_loop3A_537 = vector.shape_cast %parallel_loop3A_536 : vector<16xf32> to vector<16xf32>
        %parallel_loop3A_538 = vector.broadcast %squeeze3A_414 : f32 to vector<16xf32>
        %parallel_loop3A_539 = arith.mulf %parallel_loop3A_538, %parallel_loop3A_533 : vector<16xf32>
        %parallel_loop3A_540 = arith.addf %parallel_loop3A_537, %parallel_loop3A_539 : vector<16xf32>
        %parallel_loop3A_541 = arith.constant 0 : i32
        %parallel_loop3A_542 = arith.index_cast %parallel_loop3A_541 : i32 to index
        %parallel_loop3A_543 = arith.index_cast %parallel_loop3A_530 : i32 to index
        %parallel_loop3A_544 = tpu.vector_load %arg20[%parallel_loop3A_542, %parallel_loop3A_543] {strides = array<i32>} : memref<16x512xf32, #tpu.memory_space<vmem>>, vector<1x16xf32>,
        %parallel_loop3A_545 = vector.shape_cast %parallel_loop3A_544 : vector<1x16xf32> to vector<16xf32>
        %parallel_loop3A_546 = vector.shape_cast %parallel_loop3A_540 : vector<16xf32> to vector<1x16xf32>
        tpu.vector_store %arg20[%parallel_loop3A_542, %parallel_loop3A_543], %parallel_loop3A_546 {strides = array<i32>} : memref<16x512xf32, #tpu.memory_space<vmem>>, vector<1x16xf32>,
        %parallel_loop3A_547 = arith.addi %squeeze3A_309, %parallel_loop3A_530 : i32
        %parallel_loop3A_548 = arith.index_cast %parallel_loop3A_547 : i32 to index
        %parallel_loop3A_549 = tpu.vector_load %arg17[%parallel_loop3A_548] {strides = array<i32>} : memref<15360xf32, #tpu.memory_space<vmem>>, vector<16xf32>,
        %parallel_loop3A_550 = vector.shape_cast %parallel_loop3A_549 : vector<16xf32> to vector<16xf32>
        %parallel_loop3A_551 = vector.broadcast %squeeze3A_421 : f32 to vector<16xf32>
        %parallel_loop3A_552 = arith.mulf %parallel_loop3A_551, %parallel_loop3A_533 : vector<16xf32>
        %parallel_loop3A_553 = arith.addf %parallel_loop3A_550, %parallel_loop3A_552 : vector<16xf32>
        %parallel_loop3A_554 = arith.constant 1 : i32
        %parallel_loop3A_555 = arith.index_cast %parallel_loop3A_554 : i32 to index
        %parallel_loop3A_556 = arith.index_cast %parallel_loop3A_530 : i32 to index
        %parallel_loop3A_557 = tpu.vector_load %arg20[%parallel_loop3A_555, %parallel_loop3A_556] {strides = array<i32>} : memref<16x512xf32, #tpu.memory_space<vmem>>, vector<1x16xf32>,
        %parallel_loop3A_558 = vector.shape_cast %parallel_loop3A_557 : vector<1x16xf32> to vector<16xf32>
        %parallel_loop3A_559 = vector.shape_cast %parallel_loop3A_553 : vector<16xf32> to vector<1x16xf32>
        tpu.vector_store %arg20[%parallel_loop3A_555, %parallel_loop3A_556], %parallel_loop3A_559 {strides = array<i32>} : memref<16x512xf32, #tpu.memory_space<vmem>>, vector<1x16xf32>,
        %parallel_loop3A_560 = arith.addi %squeeze3A_316, %parallel_loop3A_530 : i32
        %parallel_loop3A_561 = arith.index_cast %parallel_loop3A_560 : i32 to index
        %parallel_loop3A_562 = tpu.vector_load %arg17[%parallel_loop3A_561] {strides = array<i32>} : memref<15360xf32, #tpu.memory_space<vmem>>, vector<16xf32>,
        %parallel_loop3A_563 = vector.shape_cast %parallel_loop3A_562 : vector<16xf32> to vector<16xf32>
        %parallel_loop3A_564 = vector.broadcast %squeeze3A_428 : f32 to vector<16xf32>
        %parallel_loop3A_565 = arith.mulf %parallel_loop3A_564, %parallel_loop3A_533 : vector<16xf32>
        %parallel_loop3A_566 = arith.addf %parallel_loop3A_563, %parallel_loop3A_565 : vector<16xf32>
        %parallel_loop3A_567 = arith.constant 2 : i32
        %parallel_loop3A_568 = arith.index_cast %parallel_loop3A_567 : i32 to index
        %parallel_loop3A_569 = arith.index_cast %parallel_loop3A_530 : i32 to index
        %parallel_loop3A_570 = tpu.vector_load %arg20[%parallel_loop3A_568, %parallel_loop3A_569] {strides = array<i32>} : memref<16x512xf32, #tpu.memory_space<vmem>>, vector<1x16xf32>,
        %parallel_loop3A_571 = vector.shape_cast %parallel_loop3A_570 : vector<1x16xf32> to vector<16xf32>
        %parallel_loop3A_572 = vector.shape_cast %parallel_loop3A_566 : vector<16xf32> to vector<1x16xf32>
        tpu.vector_store %arg20[%parallel_loop3A_568, %parallel_loop3A_569], %parallel_loop3A_572 {strides = array<i32>} : memref<16x512xf32, #tpu.memory_space<vmem>>, vector<1x16xf32>,
        %parallel_loop3A_573 = arith.addi %squeeze3A_323, %parallel_loop3A_530 : i32
        %parallel_loop3A_574 = arith.index_cast %parallel_loop3A_573 : i32 to index
        %parallel_loop3A_575 = tpu.vector_load %arg17[%parallel_loop3A_574] {strides = array<i32>} : memref<15360xf32, #tpu.memory_space<vmem>>, vector<16xf32>,
        %parallel_loop3A_576 = vector.shape_cast %parallel_loop3A_575 : vector<16xf32> to vector<16xf32>
        %parallel_loop3A_577 = vector.broadcast %squeeze3A_435 : f32 to vector<16xf32>
        %parallel_loop3A_578 = arith.mulf %parallel_loop3A_577, %parallel_loop3A_533 : vector<16xf32>
        %parallel_loop3A_579 = arith.addf %parallel_loop3A_576, %parallel_loop3A_578 : vector<16xf32>
        %parallel_loop3A_580 = arith.constant 3 : i32
        %parallel_loop3A_581 = arith.index_cast %parallel_loop3A_580 : i32 to index
        %parallel_loop3A_582 = arith.index_cast %parallel_loop3A_530 : i32 to index
        %parallel_loop3A_583 = tpu.vector_load %arg20[%parallel_loop3A_581, %parallel_loop3A_582] {strides = array<i32>} : memref<16x512xf32, #tpu.memory_space<vmem>>, vector<1x16xf32>,
        %parallel_loop3A_584 = vector.shape_cast %parallel_loop3A_583 : vector<1x16xf32> to vector<16xf32>
        %parallel_loop3A_585 = vector.shape_cast %parallel_loop3A_579 : vector<16xf32> to vector<1x16xf32>
        tpu.vector_store %arg20[%parallel_loop3A_581, %parallel_loop3A_582], %parallel_loop3A_585 {strides = array<i32>} : memref<16x512xf32, #tpu.memory_space<vmem>>, vector<1x16xf32>,
        %parallel_loop3A_586 = arith.addi %squeeze3A_330, %parallel_loop3A_530 : i32
        %parallel_loop3A_587 = arith.index_cast %parallel_loop3A_586 : i32 to index
        %parallel_loop3A_588 = tpu.vector_load %arg17[%parallel_loop3A_587] {strides = array<i32>} : memref<15360xf32, #tpu.memory_space<vmem>>, vector<16xf32>,
        %parallel_loop3A_589 = vector.shape_cast %parallel_loop3A_588 : vector<16xf32> to vector<16xf32>
        %parallel_loop3A_590 = vector.broadcast %squeeze3A_442 : f32 to vector<16xf32>
        %parallel_loop3A_591 = arith.mulf %parallel_loop3A_590, %parallel_loop3A_533 : vector<16xf32>
        %parallel_loop3A_592 = arith.addf %parallel_loop3A_589, %parallel_loop3A_591 : vector<16xf32>
        %parallel_loop3A_593 = arith.constant 4 : i32
        %parallel_loop3A_594 = arith.index_cast %parallel_loop3A_593 : i32 to index
        %parallel_loop3A_595 = arith.index_cast %parallel_loop3A_530 : i32 to index
        %parallel_loop3A_596 = tpu.vector_load %arg20[%parallel_loop3A_594, %parallel_loop3A_595] {strides = array<i32>} : memref<16x512xf32, #tpu.memory_space<vmem>>, vector<1x16xf32>,
        %parallel_loop3A_597 = vector.shape_cast %parallel_loop3A_596 : vector<1x16xf32> to vector<16xf32>
        %parallel_loop3A_598 = vector.shape_cast %parallel_loop3A_592 : vector<16xf32> to vector<1x16xf32>
        tpu.vector_store %arg20[%parallel_loop3A_594, %parallel_loop3A_595], %parallel_loop3A_598 {strides = array<i32>} : memref<16x512xf32, #tpu.memory_space<vmem>>, vector<1x16xf32>,
        %parallel_loop3A_599 = arith.addi %squeeze3A_337, %parallel_loop3A_530 : i32
        %parallel_loop3A_600 = arith.index_cast %parallel_loop3A_599 : i32 to index
        %parallel_loop3A_601 = tpu.vector_load %arg17[%parallel_loop3A_600] {strides = array<i32>} : memref<15360xf32, #tpu.memory_space<vmem>>, vector<16xf32>,
        %parallel_loop3A_602 = vector.shape_cast %parallel_loop3A_601 : vector<16xf32> to vector<16xf32>
        %parallel_loop3A_603 = vector.broadcast %squeeze3A_449 : f32 to vector<16xf32>
        %parallel_loop3A_604 = arith.mulf %parallel_loop3A_603, %parallel_loop3A_533 : vector<16xf32>
        %parallel_loop3A_605 = arith.addf %parallel_loop3A_602, %parallel_loop3A_604 : vector<16xf32>
        %parallel_loop3A_606 = arith.constant 5 : i32
        %parallel_loop3A_607 = arith.index_cast %parallel_loop3A_606 : i32 to index
        %parallel_loop3A_608 = arith.index_cast %parallel_loop3A_530 : i32 to index
        %parallel_loop3A_609 = tpu.vector_load %arg20[%parallel_loop3A_607, %parallel_loop3A_608] {strides = array<i32>} : memref<16x512xf32, #tpu.memory_space<vmem>>, vector<1x16xf32>,
        %parallel_loop3A_610 = vector.shape_cast %parallel_loop3A_609 : vector<1x16xf32> to vector<16xf32>
        %parallel_loop3A_611 = vector.shape_cast %parallel_loop3A_605 : vector<16xf32> to vector<1x16xf32>
        tpu.vector_store %arg20[%parallel_loop3A_607, %parallel_loop3A_608], %parallel_loop3A_611 {strides = array<i32>} : memref<16x512xf32, #tpu.memory_space<vmem>>, vector<1x16xf32>,
        %parallel_loop3A_612 = arith.addi %squeeze3A_344, %parallel_loop3A_530 : i32
        %parallel_loop3A_613 = arith.index_cast %parallel_loop3A_612 : i32 to index
        %parallel_loop3A_614 = tpu.vector_load %arg17[%parallel_loop3A_613] {strides = array<i32>} : memref<15360xf32, #tpu.memory_space<vmem>>, vector<16xf32>,
        %parallel_loop3A_615 = vector.shape_cast %parallel_loop3A_614 : vector<16xf32> to vector<16xf32>
        %parallel_loop3A_616 = vector.broadcast %squeeze3A_456 : f32 to vector<16xf32>
        %parallel_loop3A_617 = arith.mulf %parallel_loop3A_616, %parallel_loop3A_533 : vector<16xf32>
        %parallel_loop3A_618 = arith.addf %parallel_loop3A_615, %parallel_loop3A_617 : vector<16xf32>
        %parallel_loop3A_619 = arith.constant 6 : i32
        %parallel_loop3A_620 = arith.index_cast %parallel_loop3A_619 : i32 to index
        %parallel_loop3A_621 = arith.index_cast %parallel_loop3A_530 : i32 to index
        %parallel_loop3A_622 = tpu.vector_load %arg20[%parallel_loop3A_620, %parallel_loop3A_621] {strides = array<i32>} : memref<16x512xf32, #tpu.memory_space<vmem>>, vector<1x16xf32>,
        %parallel_loop3A_623 = vector.shape_cast %parallel_loop3A_622 : vector<1x16xf32> to vector<16xf32>
        %parallel_loop3A_624 = vector.shape_cast %parallel_loop3A_618 : vector<16xf32> to vector<1x16xf32>
        tpu.vector_store %arg20[%parallel_loop3A_620, %parallel_loop3A_621], %parallel_loop3A_624 {strides = array<i32>} : memref<16x512xf32, #tpu.memory_space<vmem>>, vector<1x16xf32>,
        %parallel_loop3A_625 = arith.addi %squeeze3A_351, %parallel_loop3A_530 : i32
        %parallel_loop3A_626 = arith.index_cast %parallel_loop3A_625 : i32 to index
        %parallel_loop3A_627 = tpu.vector_load %arg17[%parallel_loop3A_626] {strides = array<i32>} : memref<15360xf32, #tpu.memory_space<vmem>>, vector<16xf32>,
        %parallel_loop3A_628 = vector.shape_cast %parallel_loop3A_627 : vector<16xf32> to vector<16xf32>
        %parallel_loop3A_629 = vector.broadcast %squeeze3A_463 : f32 to vector<16xf32>
        %parallel_loop3A_630 = arith.mulf %parallel_loop3A_629, %parallel_loop3A_533 : vector<16xf32>
        %parallel_loop3A_631 = arith.addf %parallel_loop3A_628, %parallel_loop3A_630 : vector<16xf32>
        %parallel_loop3A_632 = arith.constant 7 : i32
        %parallel_loop3A_633 = arith.index_cast %parallel_loop3A_632 : i32 to index
        %parallel_loop3A_634 = arith.index_cast %parallel_loop3A_530 : i32 to index
        %parallel_loop3A_635 = tpu.vector_load %arg20[%parallel_loop3A_633, %parallel_loop3A_634] {strides = array<i32>} : memref<16x512xf32, #tpu.memory_space<vmem>>, vector<1x16xf32>,
        %parallel_loop3A_636 = vector.shape_cast %parallel_loop3A_635 : vector<1x16xf32> to vector<16xf32>
        %parallel_loop3A_637 = vector.shape_cast %parallel_loop3A_631 : vector<16xf32> to vector<1x16xf32>
        tpu.vector_store %arg20[%parallel_loop3A_633, %parallel_loop3A_634], %parallel_loop3A_637 {strides = array<i32>} : memref<16x512xf32, #tpu.memory_space<vmem>>, vector<1x16xf32>,
        %parallel_loop3A_638 = arith.addi %squeeze3A_358, %parallel_loop3A_530 : i32
        %parallel_loop3A_639 = arith.index_cast %parallel_loop3A_638 : i32 to index
        %parallel_loop3A_640 = tpu.vector_load %arg17[%parallel_loop3A_639] {strides = array<i32>} : memref<15360xf32, #tpu.memory_space<vmem>>, vector<16xf32>,
        %parallel_loop3A_641 = vector.shape_cast %parallel_loop3A_640 : vector<16xf32> to vector<16xf32>
        %parallel_loop3A_642 = vector.broadcast %squeeze3A_470 : f32 to vector<16xf32>
        %parallel_loop3A_643 = arith.mulf %parallel_loop3A_642, %parallel_loop3A_533 : vector<16xf32>
        %parallel_loop3A_644 = arith.addf %parallel_loop3A_641, %parallel_loop3A_643 : vector<16xf32>
        %parallel_loop3A_645 = arith.constant 8 : i32
        %parallel_loop3A_646 = arith.index_cast %parallel_loop3A_645 : i32 to index
        %parallel_loop3A_647 = arith.index_cast %parallel_loop3A_530 : i32 to index
        %parallel_loop3A_648 = tpu.vector_load %arg20[%parallel_loop3A_646, %parallel_loop3A_647] {strides = array<i32>} : memref<16x512xf32, #tpu.memory_space<vmem>>, vector<1x16xf32>,
        %parallel_loop3A_649 = vector.shape_cast %parallel_loop3A_648 : vector<1x16xf32> to vector<16xf32>
        %parallel_loop3A_650 = vector.shape_cast %parallel_loop3A_644 : vector<16xf32> to vector<1x16xf32>
        tpu.vector_store %arg20[%parallel_loop3A_646, %parallel_loop3A_647], %parallel_loop3A_650 {strides = array<i32>} : memref<16x512xf32, #tpu.memory_space<vmem>>, vector<1x16xf32>,
        %parallel_loop3A_651 = arith.addi %squeeze3A_365, %parallel_loop3A_530 : i32
        %parallel_loop3A_652 = arith.index_cast %parallel_loop3A_651 : i32 to index
        %parallel_loop3A_653 = tpu.vector_load %arg17[%parallel_loop3A_652] {strides = array<i32>} : memref<15360xf32, #tpu.memory_space<vmem>>, vector<16xf32>,
        %parallel_loop3A_654 = vector.shape_cast %parallel_loop3A_653 : vector<16xf32> to vector<16xf32>
        %parallel_loop3A_655 = vector.broadcast %squeeze3A_477 : f32 to vector<16xf32>
        %parallel_loop3A_656 = arith.mulf %parallel_loop3A_655, %parallel_loop3A_533 : vector<16xf32>
        %parallel_loop3A_657 = arith.addf %parallel_loop3A_654, %parallel_loop3A_656 : vector<16xf32>
        %parallel_loop3A_658 = arith.constant 9 : i32
        %parallel_loop3A_659 = arith.index_cast %parallel_loop3A_658 : i32 to index
        %parallel_loop3A_660 = arith.index_cast %parallel_loop3A_530 : i32 to index
        %parallel_loop3A_661 = tpu.vector_load %arg20[%parallel_loop3A_659, %parallel_loop3A_660] {strides = array<i32>} : memref<16x512xf32, #tpu.memory_space<vmem>>, vector<1x16xf32>,
        %parallel_loop3A_662 = vector.shape_cast %parallel_loop3A_661 : vector<1x16xf32> to vector<16xf32>
        %parallel_loop3A_663 = vector.shape_cast %parallel_loop3A_657 : vector<16xf32> to vector<1x16xf32>
        tpu.vector_store %arg20[%parallel_loop3A_659, %parallel_loop3A_660], %parallel_loop3A_663 {strides = array<i32>} : memref<16x512xf32, #tpu.memory_space<vmem>>, vector<1x16xf32>,
        %parallel_loop3A_664 = arith.addi %squeeze3A_372, %parallel_loop3A_530 : i32
        %parallel_loop3A_665 = arith.index_cast %parallel_loop3A_664 : i32 to index
        %parallel_loop3A_666 = tpu.vector_load %arg17[%parallel_loop3A_665] {strides = array<i32>} : memref<15360xf32, #tpu.memory_space<vmem>>, vector<16xf32>,
        %parallel_loop3A_667 = vector.shape_cast %parallel_loop3A_666 : vector<16xf32> to vector<16xf32>
        %parallel_loop3A_668 = vector.broadcast %squeeze3A_484 : f32 to vector<16xf32>
        %parallel_loop3A_669 = arith.mulf %parallel_loop3A_668, %parallel_loop3A_533 : vector<16xf32>
        %parallel_loop3A_670 = arith.addf %parallel_loop3A_667, %parallel_loop3A_669 : vector<16xf32>
        %parallel_loop3A_671 = arith.constant 10 : i32
        %parallel_loop3A_672 = arith.index_cast %parallel_loop3A_671 : i32 to index
        %parallel_loop3A_673 = arith.index_cast %parallel_loop3A_530 : i32 to index
        %parallel_loop3A_674 = tpu.vector_load %arg20[%parallel_loop3A_672, %parallel_loop3A_673] {strides = array<i32>} : memref<16x512xf32, #tpu.memory_space<vmem>>, vector<1x16xf32>,
        %parallel_loop3A_675 = vector.shape_cast %parallel_loop3A_674 : vector<1x16xf32> to vector<16xf32>
        %parallel_loop3A_676 = vector.shape_cast %parallel_loop3A_670 : vector<16xf32> to vector<1x16xf32>
        tpu.vector_store %arg20[%parallel_loop3A_672, %parallel_loop3A_673], %parallel_loop3A_676 {strides = array<i32>} : memref<16x512xf32, #tpu.memory_space<vmem>>, vector<1x16xf32>,
        %parallel_loop3A_677 = arith.addi %squeeze3A_379, %parallel_loop3A_530 : i32
        %parallel_loop3A_678 = arith.index_cast %parallel_loop3A_677 : i32 to index
        %parallel_loop3A_679 = tpu.vector_load %arg17[%parallel_loop3A_678] {strides = array<i32>} : memref<15360xf32, #tpu.memory_space<vmem>>, vector<16xf32>,
        %parallel_loop3A_680 = vector.shape_cast %parallel_loop3A_679 : vector<16xf32> to vector<16xf32>
        %parallel_loop3A_681 = vector.broadcast %squeeze3A_491 : f32 to vector<16xf32>
        %parallel_loop3A_682 = arith.mulf %parallel_loop3A_681, %parallel_loop3A_533 : vector<16xf32>
        %parallel_loop3A_683 = arith.addf %parallel_loop3A_680, %parallel_loop3A_682 : vector<16xf32>
        %parallel_loop3A_684 = arith.constant 11 : i32
        %parallel_loop3A_685 = arith.index_cast %parallel_loop3A_684 : i32 to index
        %parallel_loop3A_686 = arith.index_cast %parallel_loop3A_530 : i32 to index
        %parallel_loop3A_687 = tpu.vector_load %arg20[%parallel_loop3A_685, %parallel_loop3A_686] {strides = array<i32>} : memref<16x512xf32, #tpu.memory_space<vmem>>, vector<1x16xf32>,
        %parallel_loop3A_688 = vector.shape_cast %parallel_loop3A_687 : vector<1x16xf32> to vector<16xf32>
        %parallel_loop3A_689 = vector.shape_cast %parallel_loop3A_683 : vector<16xf32> to vector<1x16xf32>
        tpu.vector_store %arg20[%parallel_loop3A_685, %parallel_loop3A_686], %parallel_loop3A_689 {strides = array<i32>} : memref<16x512xf32, #tpu.memory_space<vmem>>, vector<1x16xf32>,
        %parallel_loop3A_690 = arith.addi %squeeze3A_386, %parallel_loop3A_530 : i32
        %parallel_loop3A_691 = arith.index_cast %parallel_loop3A_690 : i32 to index
        %parallel_loop3A_692 = tpu.vector_load %arg17[%parallel_loop3A_691] {strides = array<i32>} : memref<15360xf32, #tpu.memory_space<vmem>>, vector<16xf32>,
        %parallel_loop3A_693 = vector.shape_cast %parallel_loop3A_692 : vector<16xf32> to vector<16xf32>
        %parallel_loop3A_694 = vector.broadcast %squeeze3A_498 : f32 to vector<16xf32>
        %parallel_loop3A_695 = arith.mulf %parallel_loop3A_694, %parallel_loop3A_533 : vector<16xf32>
        %parallel_loop3A_696 = arith.addf %parallel_loop3A_693, %parallel_loop3A_695 : vector<16xf32>
        %parallel_loop3A_697 = arith.constant 12 : i32
        %parallel_loop3A_698 = arith.index_cast %parallel_loop3A_697 : i32 to index
        %parallel_loop3A_699 = arith.index_cast %parallel_loop3A_530 : i32 to index
        %parallel_loop3A_700 = tpu.vector_load %arg20[%parallel_loop3A_698, %parallel_loop3A_699] {strides = array<i32>} : memref<16x512xf32, #tpu.memory_space<vmem>>, vector<1x16xf32>,
        %parallel_loop3A_701 = vector.shape_cast %parallel_loop3A_700 : vector<1x16xf32> to vector<16xf32>
        %parallel_loop3A_702 = vector.shape_cast %parallel_loop3A_696 : vector<16xf32> to vector<1x16xf32>
        tpu.vector_store %arg20[%parallel_loop3A_698, %parallel_loop3A_699], %parallel_loop3A_702 {strides = array<i32>} : memref<16x512xf32, #tpu.memory_space<vmem>>, vector<1x16xf32>,
        %parallel_loop3A_703 = arith.addi %squeeze3A_393, %parallel_loop3A_530 : i32
        %parallel_loop3A_704 = arith.index_cast %parallel_loop3A_703 : i32 to index
        %parallel_loop3A_705 = tpu.vector_load %arg17[%parallel_loop3A_704] {strides = array<i32>} : memref<15360xf32, #tpu.memory_space<vmem>>, vector<16xf32>,
        %parallel_loop3A_706 = vector.shape_cast %parallel_loop3A_705 : vector<16xf32> to vector<16xf32>
        %parallel_loop3A_707 = vector.broadcast %squeeze3A_505 : f32 to vector<16xf32>
        %parallel_loop3A_708 = arith.mulf %parallel_loop3A_707, %parallel_loop3A_533 : vector<16xf32>
        %parallel_loop3A_709 = arith.addf %parallel_loop3A_706, %parallel_loop3A_708 : vector<16xf32>
        %parallel_loop3A_710 = arith.constant 13 : i32
        %parallel_loop3A_711 = arith.index_cast %parallel_loop3A_710 : i32 to index
        %parallel_loop3A_712 = arith.index_cast %parallel_loop3A_530 : i32 to index
        %parallel_loop3A_713 = tpu.vector_load %arg20[%parallel_loop3A_711, %parallel_loop3A_712] {strides = array<i32>} : memref<16x512xf32, #tpu.memory_space<vmem>>, vector<1x16xf32>,
        %parallel_loop3A_714 = vector.shape_cast %parallel_loop3A_713 : vector<1x16xf32> to vector<16xf32>
        %parallel_loop3A_715 = vector.shape_cast %parallel_loop3A_709 : vector<16xf32> to vector<1x16xf32>
        tpu.vector_store %arg20[%parallel_loop3A_711, %parallel_loop3A_712], %parallel_loop3A_715 {strides = array<i32>} : memref<16x512xf32, #tpu.memory_space<vmem>>, vector<1x16xf32>,
        %parallel_loop3A_716 = arith.addi %squeeze3A_400, %parallel_loop3A_530 : i32
        %parallel_loop3A_717 = arith.index_cast %parallel_loop3A_716 : i32 to index
        %parallel_loop3A_718 = tpu.vector_load %arg17[%parallel_loop3A_717] {strides = array<i32>} : memref<15360xf32, #tpu.memory_space<vmem>>, vector<16xf32>,
        %parallel_loop3A_719 = vector.shape_cast %parallel_loop3A_718 : vector<16xf32> to vector<16xf32>
        %parallel_loop3A_720 = vector.broadcast %squeeze3A_512 : f32 to vector<16xf32>
        %parallel_loop3A_721 = arith.mulf %parallel_loop3A_720, %parallel_loop3A_533 : vector<16xf32>
        %parallel_loop3A_722 = arith.addf %parallel_loop3A_719, %parallel_loop3A_721 : vector<16xf32>
        %parallel_loop3A_723 = arith.constant 14 : i32
        %parallel_loop3A_724 = arith.index_cast %parallel_loop3A_723 : i32 to index
        %parallel_loop3A_725 = arith.index_cast %parallel_loop3A_530 : i32 to index
        %parallel_loop3A_726 = tpu.vector_load %arg20[%parallel_loop3A_724, %parallel_loop3A_725] {strides = array<i32>} : memref<16x512xf32, #tpu.memory_space<vmem>>, vector<1x16xf32>,
        %parallel_loop3A_727 = vector.shape_cast %parallel_loop3A_726 : vector<1x16xf32> to vector<16xf32>
        %parallel_loop3A_728 = vector.shape_cast %parallel_loop3A_722 : vector<16xf32> to vector<1x16xf32>
        tpu.vector_store %arg20[%parallel_loop3A_724, %parallel_loop3A_725], %parallel_loop3A_728 {strides = array<i32>} : memref<16x512xf32, #tpu.memory_space<vmem>>, vector<1x16xf32>,
        %parallel_loop3A_729 = arith.addi %squeeze3A_407, %parallel_loop3A_530 : i32
        %parallel_loop3A_730 = arith.index_cast %parallel_loop3A_729 : i32 to index
        %parallel_loop3A_731 = tpu.vector_load %arg17[%parallel_loop3A_730] {strides = array<i32>} : memref<15360xf32, #tpu.memory_space<vmem>>, vector<16xf32>,
        %parallel_loop3A_732 = vector.shape_cast %parallel_loop3A_731 : vector<16xf32> to vector<16xf32>
        %parallel_loop3A_733 = vector.broadcast %squeeze3A_519 : f32 to vector<16xf32>
        %parallel_loop3A_734 = arith.mulf %parallel_loop3A_733, %parallel_loop3A_533 : vector<16xf32>
        %parallel_loop3A_735 = arith.addf %parallel_loop3A_732, %parallel_loop3A_734 : vector<16xf32>
        %parallel_loop3A_736 = arith.constant 15 : i32
        %parallel_loop3A_737 = arith.index_cast %parallel_loop3A_736 : i32 to index
        %parallel_loop3A_738 = arith.index_cast %parallel_loop3A_530 : i32 to index
        %parallel_loop3A_739 = tpu.vector_load %arg20[%parallel_loop3A_737, %parallel_loop3A_738] {strides = array<i32>} : memref<16x512xf32, #tpu.memory_space<vmem>>, vector<1x16xf32>,
        %parallel_loop3A_740 = vector.shape_cast %parallel_loop3A_739 : vector<1x16xf32> to vector<16xf32>
        %parallel_loop3A_741 = vector.shape_cast %parallel_loop3A_735 : vector<16xf32> to vector<1x16xf32>
        tpu.vector_store %arg20[%parallel_loop3A_737, %parallel_loop3A_738], %parallel_loop3A_741 {strides = array<i32>} : memref<16x512xf32, #tpu.memory_space<vmem>>, vector<1x16xf32>,
      } {sc.loop_unroll_factor = 1 : i64, sc.parallel_access}
      %add3A_523 = arith.addi %mul3A_2, %mul3A_288 : i32
      %dma_start3A_524 = arith.constant 0 : i32
      %dma_start3A_525 = tpu.memref_slice %arg9[%add3A_523, %dma_start3A_524] : memref<16384x512xf32, #tpu.memory_space<hbm>> -> memref<16x512xf32, #tpu.memory_space<hbm>>
      %dma_start3A_526 = arith.constant 0 : i32
      %dma_start3A_527 = tpu.memref_slice %arg9[%add3A_523, %dma_start3A_526] : memref<16384x512xf32, #tpu.memory_space<hbm>> -> memref<16x512xf32, #tpu.memory_space<hbm>>
      tpu.enqueue_dma source(%arg20 : memref<16x512xf32, #tpu.memory_space<vmem>>) target(%dma_start3A_527 : memref<16x512xf32, #tpu.memory_space<hbm>>) target_semaphore(%arg22 : memref<!tpu.dma_semaphore, #tpu.memory_space<semaphore_mem>>)
    }
    %scan3A_30 = arith.constant 16 : i32
    %dma_wait3A_31 = arith.constant 0 : i32
    %dma_wait3A_32 = arith.constant 0 : i32
    %dma_wait3A_33 = tpu.memref_slice %arg9[%dma_wait3A_31, %dma_wait3A_32] : memref<16384x512xf32, #tpu.memory_space<hbm>> -> memref<16x512xf32, #tpu.memory_space<hbm>>
    %dma_wait3A_34 = arith.constant 0 : i32
    %dma_wait3A_35 = arith.constant 0 : i32
    %dma_wait3A_36 = tpu.memref_slice %arg9[%dma_wait3A_34, %dma_wait3A_35] : memref<16384x512xf32, #tpu.memory_space<hbm>> -> memref<16x512xf32, #tpu.memory_space<hbm>>
    tpu.wait_dma2 semaphore(%arg21 : memref<!tpu.dma_semaphore, #tpu.memory_space<semaphore_mem>>) src(%arg19 : memref<16x512xf32, #tpu.memory_space<vmem>>) dst(%dma_wait3A_36 : memref<16x512xf32, #tpu.memory_space<hbm>>)
    %dma_wait3A_37 = arith.constant 0 : i32
    %dma_wait3A_38 = arith.constant 0 : i32
    %dma_wait3A_39 = tpu.memref_slice %arg9[%dma_wait3A_37, %dma_wait3A_38] : memref<16384x512xf32, #tpu.memory_space<hbm>> -> memref<16x512xf32, #tpu.memory_space<hbm>>
    %dma_wait3A_40 = arith.constant 0 : i32
    %dma_wait3A_41 = arith.constant 0 : i32
    %dma_wait3A_42 = tpu.memref_slice %arg9[%dma_wait3A_40, %dma_wait3A_41] : memref<16384x512xf32, #tpu.memory_space<hbm>> -> memref<16x512xf32, #tpu.memory_space<hbm>>
    tpu.wait_dma2 semaphore(%arg22 : memref<!tpu.dma_semaphore, #tpu.memory_space<semaphore_mem>>) src(%arg20 : memref<16x512xf32, #tpu.memory_space<vmem>>) dst(%dma_wait3A_42 : memref<16x512xf32, #tpu.memory_space<hbm>>)
    return
  }
}

</mosaic_0001>

<sc_bundles>
// kernel: kernel.3.cloned.1.call-start
scs
__scs_entry_jumppad:
0x0: {  	(pc) =	sbr.rel $0x88, $3  }
0x1: {  	(tag) =	ssettag $0x0;
	lr =	simm.s32 $0x1  }
0x2: {  	[smem:$0x3F9A] =	sst lr;
	_ =	strace $0xD0000000  }
0x3: {  	_ = 	snop  }
0x4: {  	_ = 	snop  }
0x5: {  	_ = 	snop  }
0x6: {  	_ = 	snop  }
0x7: {  	_ = 	snop  }
__scs_overlays_trampoline_lowered:
0x8: {  	[smem:$0x3FA9] =	sst s0  }
0x9: {  	[smem:$0x3FAA] =	sst s1  }
0xa: {  	[smem:$0x3FAB] =	sst s2  }
0xb: {  	[smem:$0x3FAC] =	sst s3  }
0xc: {  	[smem:$0x3FAD] =	sst s4  }
0xd: {  	[smem:$0x3FAE] =	sst s5  }
0xe: {  	[smem:$0x3FAF] =	sst s6  }
0xf: {  	[smem:$0x3FB0] =	sst s7  }
0x10: {  	[smem:$0x3FB1] =	sst s8  }
0x11: {  	[smem:$0x3FB2] =	sst s9;
	s0 =	simm.s32 @!p0 $0x0  }
0x12: {  	s1 =	sld [smem:$0x3F98];
	s0 =	simm.s32 @p0 $0x1  }
0x13: {  	[smem:$0x3FB3] =	sst s0;
	s0 =	simm.s32 @!p1 $0x0  }
0x14: {  	s2 =	sld [smem:$0x3F97];
	s0 =	simm.s32 @p1 $0x1  }
0x15: {  	[smem:$0x3FB4] =	sst s0;
	s0 =	simm.s32 @!p2 $0x0  }
0x16: {  	s3 =	sld [smem:$0x3FDB];
	s0 =	simm.s32 @p2 $0x1  }
0x17: {  	s4 =	simm.s32 $0x1BF5;
	[smem:$0x3FB6] =	sst s0  }
0x18: {  	s0 =	sld [smem:$0x3F99];
	_ =	swait.ge [sflag:s4], $0x0  }
0x19: {  	s7 =	sld [smem:$0x3F9A]  }
0x1a: {  	s8 =	sadd.s32 $0xFFFFE003, lr  }
0x1b: {  	s9 =	sadd.s32 $0xFFFFFEF7, lr;
	s5 =	simm.s32 $0xFFFFFFFF;
	p2 =	slt.u32 s8, $0xFFFFF086  }
0x1c: {  	p1 =	slt.u32 s9, $0xF7A;
	s5 =	simm.s32 @!p2 $0x0  }
0x1d: {  	s5 =	simm.s32 @p1 $0x1;
	p0 =	seq.s32 s7, s2  }
0x1e: {  	s7 =	smul.u32 @!p0 $0xF7A, s2;
	p2 =	seq.s32 @!p0 s5, $0x0  }
0x1f: {  	s9 =	smul.u32 $0xF7A, s1;
	s8 =	simm.s32 @!p0 $0x1BF5;
	p2 =	por !p2, p0  }
0x20: {  	[sflag:s8] =	ssyncset.s32 @!p0 $0xFFFFF086;
	s6 =	sadd.s32 @!p0 s3, s7;
	s7 =	simm.s32 @!p0 $0x108  }
0x21: {  	s3 =	sadd.s32 s3, s9;
	s6 =	sadd.s32 @!p0 $0x88, s6;
	s7 =	simm.s32 @p2 $0x1082  }
0x22: {  	[simem:s7], [sflag:s8] =	dma.local @!p0 [hbm:s6], $0xF7A  }
0x23: {  	s9 =	sor.u32 $0xD0000000, s2;
	s6 =	simm.s32 $0x108;
	_ =	swait.ge @!p0 [sflag:s8], $0x0  }
0x24: {  	s3 =	sadd.s32 $0x88, s3;
	s6 =	simm.s32 @!p1 $0x1082;
	[sflag:s4] =	ssyncset.s32 $0xFFFFF086  }
0x25: {  	[simem:s6], [sflag:s4] =	dma.local [hbm:s3], $0xF7A  }
0x26: {  	[smem:$0x3F9A] =	sst s1;
	(tag) =	ssettag s2;
	_ =	strace s9  }
0x27: {  	s1 =	sld [smem:$0x3FAA]  }
0x28: {  	s2 =	sld [smem:$0x3FAB]  }
0x29: {  	s4 =	sld [smem:$0x3FAD]  }
0x2a: {  	p0 =	seq.s32 s5, $0x0;
	s5 =	sld [smem:$0x3FAE]  }
0x2b: {  	s6 =	sld [smem:$0x3FAF]  }
0x2c: {  	s7 =	sld [smem:$0x3FB0]  }
0x2d: {  	s3 =	simm.s32 $0x108;
	s8 =	sld [smem:$0x3FB1]  }
0x2e: {  	s3 =	simm.s32 @!p0 $0x1082;
	s9 =	sld [smem:$0x3FB2]  }
0x2f: {  	lr =	sadd.s32 s0, s3;
	s0 =	sld [smem:$0x3FA9]  }
0x30: {  	s3 =	sld [smem:$0x3FAC]  }
0x31: {  	[smem:$0x3FB5] =	sst s10  }
0x32: {  	s10 =	sld [smem:$0x3FB3];
	_ =	sdelay $0x3  }
0x33: {  	p0 =	seq.s32 s10, $0x1;
	s10 =	sld [smem:$0x3FB5];
	_ =	sdelay $0x3  }
0x34: {  	[smem:$0x3FB5] =	sst s10  }
0x35: {  	s10 =	sld [smem:$0x3FB4];
	_ =	sdelay $0x3  }
0x36: {  	p1 =	seq.s32 s10, $0x1;
	s10 =	sld [smem:$0x3FB5];
	_ =	sdelay $0x3  }
0x37: {  	[smem:$0x3FB5] =	sst s10  }
0x38: {  	s10 =	sld [smem:$0x3FB6]  }
0x39: {  	_ = 	snop;
	(pc) =	sbr.ind lr, $3  }
0x3a: {  	_ = 	snop  }
0x3b: {  	_ = 	snop  }
0x3c: {  	p2 =	seq.s32 s10, $0x1;
	s10 =	sld [smem:$0x3FB5]  }
0x3d: {  	_ =	shalt  }
0x3e: {  	_ =	shalt  }
0x3f: {  	_ =	shalt  }
0x40: {  	_ =	shalt  }
0x41: {  	_ =	shalt  }
0x42: {  	_ =	shalt  }
0x43: {  	_ =	shalt  }
0x44: {  	_ =	shalt  }
0x45: {  	_ =	shalt  }
0x46: {  	_ =	shalt  }
0x47: {  	_ =	shalt  }
0x48: {  	_ =	shalt  }
0x49: {  	_ =	shalt  }
0x4a: {  	_ =	shalt  }
0x4b: {  	_ =	shalt  }
0x4c: {  	_ =	shalt  }
0x4d: {  	_ =	shalt  }
0x4e: {  	_ =	shalt  }
0x4f: {  	_ =	shalt  }
0x50: {  	_ =	shalt  }
0x51: {  	_ =	shalt  }
0x52: {  	_ =	shalt  }
0x53: {  	_ =	shalt  }
0x54: {  	_ =	shalt  }
0x55: {  	_ =	shalt  }
0x56: {  	_ =	shalt  }
0x57: {  	_ =	shalt  }
0x58: {  	_ =	shalt  }
0x59: {  	_ =	shalt  }
0x5a: {  	_ =	shalt  }
0x5b: {  	_ =	shalt  }
0x5c: {  	_ =	shalt  }
0x5d: {  	_ =	shalt  }
0x5e: {  	_ =	shalt  }
0x5f: {  	_ =	shalt  }
0x60: {  	_ =	shalt  }
0x61: {  	_ =	shalt  }
0x62: {  	_ =	shalt  }
0x63: {  	_ =	shalt  }
0x64: {  	_ =	shalt  }
0x65: {  	_ =	shalt  }
0x66: {  	_ =	shalt  }
0x67: {  	_ =	shalt  }
0x68: {  	_ =	shalt  }
0x69: {  	_ =	shalt  }
0x6a: {  	_ =	shalt  }
0x6b: {  	_ =	shalt  }
0x6c: {  	_ =	shalt  }
0x6d: {  	_ =	shalt  }
0x6e: {  	_ =	shalt  }
0x6f: {  	_ =	shalt  }
0x70: {  	_ =	shalt  }
0x71: {  	_ =	shalt  }
0x72: {  	_ =	shalt  }
0x73: {  	_ =	shalt  }
0x74: {  	_ =	shalt  }
0x75: {  	_ =	shalt  }
0x76: {  	_ =	shalt  }
0x77: {  	_ =	shalt  }
0x78: {  	_ =	shalt  }
0x79: {  	_ =	shalt  }
0x7a: {  	_ =	shalt  }
0x7b: {  	_ =	shalt  }
0x7c: {  	_ =	shalt  }
0x7d: {  	_ =	shalt  }
0x7e: {  	_ =	shalt  }
0x7f: {  	_ =	shalt  }
0x80: {  	_ =	shalt  }
0x81: {  	_ =	shalt  }
0x82: {  	_ =	shalt  }
0x83: {  	_ =	shalt  }
0x84: {  	_ =	shalt  }
0x85: {  	_ =	shalt  }
0x86: {  	_ =	shalt  }
0x87: {  	_ =	shalt  }
.Lfunc_end0:
.L_simem_size_0:
called_computation_lowered:
.L_overlay_start_0:
0x88: {  	s2 =	sld [smem:$0x3FD9]  }
0x89: {  	s3 =	sld [smem:$0x3FFE];
	_ =	sdelay $0x1  }
0x8a: {  	s1 =	srdreg.scid  }
0x8b: {  	s0 =	sand.u32 $0x1, s1  }
0x8c: {  	s18 =	sshll.u32 s0, $0xA;
	s2 =	sadd.s32 s3, s2  }
0x8d: {  	s2 =	sadd.s32 s2, s18  }
0x8e: {  	[smem:$0x3FC1] =	sst s2  }
0x8f: {  	_ = 	snop  }
0x90: {  	s2 =	sld [smem:$0x3FC9]  }
0x91: {  	s19 =	sld [smem:$0x3FC8]  }
0x92: {  	s4 =	sld [smem:$0x3FC7]  }
0x93: {  	s5 =	sld [smem:$0x3FC6]  }
0x94: {  	s6 =	sld [smem:$0x3FC5]  }
0x95: {  	s7 =	sld [smem:$0x3FC4]  }
0x96: {  	s8 =	sld [smem:$0x3FC3]  }
0x97: {  	s9 =	sld [smem:$0x3FD0];
	(tm) =	ssettm $0x1  }
0x98: {  	s10 =	sld [smem:$0x3FFB];
	_ =	sdelay $0x3  }
0x99: {  	_ =	strace s10  }
0x9a: {  	s10 =	sld [smem:$0x3FFC];
	_ =	sdelay $0x3  }
0x9b: {  	_ =	strace s10  }
0x9c: {  	s10 =	sld [smem:$0x3FFD];
	_ =	sdelay $0x3  }
0x9d: {  	_ =	strace s10  }
0x9e: {  	_ =	strace $0x8FFFFFFF  }
0x9f: {  	s20 =	sld [smem:$0x3FDB];
	_ =	sdelay $0x1  }
0xa0: {  	s11 =	simm.s32 $_scs_section_size  }
0xa1: {  	s12 =	simm.s32 $_size__tile_overlayer_lowered;
	s13 =	simm.s32 $_tile_overlayer_lowered  }
0xa2: {  	s23 =	simm.s32 $0x1BFF;
	s22 =	sshll.u32 s13, $0x1;
	s10 =	sadd.s32 s11, s20  }
0xa3: {  	s14 =	simm.s32 $0x0;
	s21 =	sshll.u32 s12, $0x1;
	s12 =	sadd.s32 s22, s10  }
0xa4: {  	[timem:s14], [sflag:s23] =	dma.local [hbm:s12], s21  }
0xa5: {  	_ =	swait.ge [sflag:s23], s21  }
0xa6: {  	s11 =	ssub.s32 $0x0, s21;
	[sflag:s23] =	ssyncset.done $0x0  }
0xa7: {  	[sflag:s23] =	ssyncadd.s32 s11;
	_ =	sdelay $0x1  }
0xa8: {  	s24 =	simm.s32 $0x1B8B  }
0xa9: {  	_ =	swait.ge [sflag:s24], $0x1  }
0xaa: {  	[sflag:s24] =	ssyncset.done $0x0  }
0xab: {  	s25 =	simm.s32 $0x1B8E;
	[sflag:s24] =	ssyncadd.s32 $0xFFFFFFFF  }
0xac: {  	s26 =	simm.s32 $execute0_lowered;
	[smem:$0x3FD2] =	sst s25  }
0xad: {  	s11 =	sshll.u32 s26, $0x1;
	_ =	strace $0x80000046;
	[dreg:$0x1] =	wrdreg $0xFFFFFFFF  }
0xae: {  	s28 =	simm.s32 $_size_execute0_lowered;
	s10 =	sadd.s32 s10, s11;
	[dreg:$0x0] =	wrdreg $0x0  }
0xaf: {  	s11 =	sshll.u32 s28, $0x1;
	[dreg:$0x2] =	wrdreg s10  }
0xb0: {  	[dreg:$0x3] =	wrdreg s11  }
0xb1: {  	[dreg:$0x4] =	wrdreg $0xC0  }
0xb2: {  	_ =	task [dreg:s14], $0x5FFFF  }
0xb3: {  	[dreg:$0x1] =	wrdreg $0xFFFFFFFF  }
0xb4: {  	[dreg:$0x0] =	wrdreg $0x60  }
0xb5: {  	[dreg:$0x2] =	wrdreg s2  }
0xb6: {  	[dreg:$0x3] =	wrdreg s19  }
0xb7: {  	[dreg:$0x4] =	wrdreg s4  }
0xb8: {  	[dreg:$0x5] =	wrdreg s5  }
0xb9: {  	[dreg:$0x6] =	wrdreg s6  }
0xba: {  	[dreg:$0x7] =	wrdreg s7  }
0xbb: {  	[dreg:$0x8] =	wrdreg s8  }
0xbc: {  	[dreg:$0x9] =	wrdreg s9  }
0xbd: {  	[dreg:$0xa] =	wrdreg $0x9  }
0xbe: {  	_ =	task.clear_ibuf [dreg:s14], $0xBFFFF;
	_ =	strace $0x90000046  }
0xbf: {  	s29 =	simm.s32 $0x9;
	_ =	strace $0x80000048  }
0xc0: {  	_ =	swait.ge [sflag:s29], $0x1  }
0xc1: {  	[sflag:s29] =	ssyncadd.s32 $0xFFFFFFFF  }
0xc2: {  	_ =	strace $0x90000048  }
0xc3: {  	_ =	sfence  }
0xc4: {  	s30 =	sld [smem:$0x0];
	_ =	sdelay $0x2  }
0xc5: {  	s31 =	sshll.u32 s1, $0xD;
	s1 =	sshrl.u32 s1, $0x2  }
0xc6: {  	s3 =	sand.u32 $0x4000, s31;
	s1 =	sadd.s32 s1, s30  }
0xc7: {  	s0 =	sor.u32 s3, s0;
	s1 =	sshll.u32 s1, $0x11  }
0xc8: {  	s0 =	sor.u32 s1, s0  }
0xc9: {  	s0 =	sadd.s32 $0x8F2B, s0  }
0xca: {  	[sflag:s0] =	ssyncadd.remote.s32 $0x1  }
0xcb: {  	_ =	sfence.sel $0xFFFF  }
0xcc: {  	[dreg:$0x0] =	wrdreg $0xFFFFFFFF;
	(pc) =	sbr.abs _section_cstart, $3  }
0xcd: {  	[dreg:$0x1] =	wrdreg $0xFFFFFFFF  }
0xce: {  	_ =	task.clear_ibuf [dreg:s14], $0x2FFFF;
	_ =	strace $0x9FFFFFFF  }
0xcf: {  	(tm) =	ssettm $0x7FFFFFFF  }
tec
execute0_lowered:
.L_overlay_start_1:
0x0: {  	(tag) =	ssettag $0x1  }
0x1: {  	s0 =	rddreg [dreg:$0x0];
	s3 =	srdreg.scid  }
0x2: {  	s1 =	rddreg [dreg:$0x1];
	s5 =	stileid.u32;
	s3 =	sand.u32 $0x1, s3  }
0x3: {  	s5 =	sshll.u32 s5, $0xA;
	s4 =	ssub.s32 $0x2, s3;
	s3 =	sshll.u32 s3, $0x9  }
0x4: {  	s2 =	rddreg [dreg:$0x2];
	s6 =	simm.s32 $0x0;
	s5 =	sor.u32 s3, s5  }
0x5: {  	[smem:$0x7FF] =	sst s6;
	s28 =	sshrl.u32 s5, $0x3  }
0x6: {  	_ =	strace $0x80000047;
	[dreg:$0x9] =	wrdreg s5;
	s0 =	sadd.s32 s0, s28  }
0x7: {  	s25 =	sshrl.u32 s4, $0x1;
	s29 =	sadd.s32 s1, s28;
	[dreg:$0xa] =	wrdreg s0  }
0x8: {  	s26 =	ssub.s32 s4, s25;
	s30 =	sadd.s32 s2, s28;
	[dreg:$0xb] =	wrdreg s29  }
0x9: {  	s31 =	smax.u32 s26, $0x1;
	[dreg:$0xc] =	wrdreg s30  }
0xa: {  	s3 =	simm.s32 $0x1;
	s2 =	simm.s32 $0x0;
	[dreg:$0xd] =	wrdreg s31  }
.LBB2_1:
0xb: {  	[dreg:$0xe] =	wrdreg s2  }
0xc: {  	s1 =	simm.s32 $0x0;
	s0 =	rddreg [dreg:$0xa]  }
0xd: {  	[tilespmem:s1], [sflag:$0x1] =	stream.linear.gather [hbm4b:s0+s1], $0x200, $0x38;
	[tilespmem:$0xA900] =	vst v63  }
0xe: {  	s19 =	rddreg [dreg:$0xb];
	s20 =	simm.s32 $0x200  }
0xf: {  	[tilespmem:s20], [sflag:$0x1] =	stream.linear.gather [hbm4b:s19+s1], $0x200, $0x38;
	[tilespmem:$0xA900] =	vst v63  }
0x10: {  	s21 =	rddreg [dreg:$0xc];
	s22 =	simm.s32 $0x400  }
0x11: {  	[tilespmem:s22], [sflag:$0x1] =	stream.linear.gather [hbm4b:s21+s1], $0x200, $0x38;
	[tilespmem:$0xA900] =	vst v63  }
0x12: {  	s23 =	rddreg [dreg:$0x3];
	s24 =	simm.s32 $0x680  }
0x13: {  	[tilespmem:s24], [sflag:$0x1] =	stream.linear.gather [hbm4b:s23+s1], $0x1000, $0x38;
	[tilespmem:$0xA900] =	vst v63  }
0x14: {  	s25 =	rddreg [dreg:$0x4];
	s26 =	simm.s32 $0x1680  }
0x15: {  	[tilespmem:s26], [sflag:$0x1] =	stream.linear.gather [hbm4b:s25+s1], $0x1000, $0x38;
	[tilespmem:$0xA900] =	vst v63  }
0x16: {  	s4 =	rddreg [dreg:$0x5];
	s5 =	simm.s32 $0x2680  }
0x17: {  	[tilespmem:s5], [sflag:$0x1] =	stream.linear.gather [hbm4b:s4+s1], $0x200, $0x38;
	[tilespmem:$0xA900] =	vst v63  }
0x18: {  	s6 =	rddreg [dreg:$0x6];
	s7 =	simm.s32 $0x2880  }
0x19: {  	[tilespmem:s7], [sflag:$0x1] =	stream.linear.gather [hbm4b:s6+s1], $0x200, $0x38;
	[tilespmem:$0xA900] =	vst v63  }
0x1a: {  	_ =	swait.ge [sflag:s3], $0x200  }
0x1b: {  	[sflag:s3] =	ssyncset.done $0x0  }
0x1c: {  	[sflag:s3] =	ssyncadd.s32 $0xFFFFFE00  }
0x1d: {  	_ =	swait.ge [sflag:s3], $0x200  }
0x1e: {  	[sflag:s3] =	ssyncset.done $0x0  }
0x1f: {  	[sflag:s3] =	ssyncadd.s32 $0xFFFFFE00  }
0x20: {  	_ =	swait.ge [sflag:s3], $0x200  }
0x21: {  	[sflag:s3] =	ssyncset.done $0x0  }
0x22: {  	[sflag:s3] =	ssyncadd.s32 $0xFFFFFE00  }
0x23: {  	_ =	swait.ge [sflag:s3], $0x1000  }
0x24: {  	[sflag:s3] =	ssyncset.done $0x0  }
0x25: {  	[sflag:s3] =	ssyncadd.s32 $0xFFFFF000  }
0x26: {  	_ =	swait.ge [sflag:s3], $0x1000  }
0x27: {  	s8 =	smulhi.u32 $0xAAAAAAAB, s1;
	[sflag:s3] =	ssyncset.done $0x0  }
0x28: {  	[sflag:s3] =	ssyncadd.s32 $0xFFFFF000  }
0x29: {  	s0 =	sshrl.u32 s8, $0x2;
	_ =	swait.ge [sflag:s3], $0x200  }
0x2a: {  	s9 =	smul.u32 $0xC00, s0;
	[sflag:s3] =	ssyncset.done $0x0  }
0x2b: {  	s0 =	sshll.u32 s0, $0x8;
	s1 =	smul.u32 $0xAB, s1;
	[sflag:s3] =	ssyncadd.s32 $0xFFFFFE00  }
0x2c: {  	s0 =	sadd.s32 $0x0, s0;
	s2 =	ssub.s32 $0x0, s9;
	_ =	swait.ge [sflag:s3], $0x200  }
0x2d: {  	s0 =	sand.u32 $0x380, s0;
	s1 =	sshrl.u32 s1, $0x3;
	[sflag:s3] =	ssyncset.done $0x0  }
0x2e: {  	s10 =	sand.u32 $0xFFFFF000, s2;
	s25 =	sand.u32 $0x1F80, s1;
	[sflag:s3] =	ssyncadd.s32 $0xFFFFFE00  }
0x2f: {  	s26 =	sor.u32 s0, s10;
	v0 =	vld [tilespmem:s25+$0x680]  }
0x30: {  	v1 =	vld [tilespmem:s26+$0x1680];
	_ =	sdelay $0x1  }
0x31: {  	v2 =	vld [tilespmem:$0x2880];
	_ =	sdelay $0x2  }
0x32: {  	v0 =	vadd.f32 v1, v0;
	_ =	sdelay $0x1  }
0x33: {  	v0 =	vadd.f32 v2, v0  }
0x34: {  	s24 =	simm.s32 $0x2B80  }
0x35: {  	[tilespmem:s24+$0xFFFFFF00] =	vst v0  }
0x36: {  	v0 =	vld [tilespmem:s25+$0x690]  }
0x37: {  	v1 =	vld [tilespmem:s26+$0x1690];
	_ =	sdelay $0x1  }
0x38: {  	v2 =	vld [tilespmem:$0x2890];
	_ =	sdelay $0x2  }
0x39: {  	v0 =	vadd.f32 v1, v0;
	_ =	sdelay $0x1  }
0x3a: {  	v0 =	vadd.f32 v2, v0;
	_ =	sdelay $0x1  }
0x3b: {  	[tilespmem:s24+$0xFFFFFF10] =	vst v0  }
0x3c: {  	v0 =	vld [tilespmem:s25+$0x6A0]  }
0x3d: {  	v1 =	vld [tilespmem:s26+$0x16A0];
	_ =	sdelay $0x1  }
0x3e: {  	v2 =	vld [tilespmem:$0x28A0];
	_ =	sdelay $0x2  }
0x3f: {  	v0 =	vadd.f32 v1, v0;
	_ =	sdelay $0x1  }
0x40: {  	v0 =	vadd.f32 v2, v0;
	_ =	sdelay $0x1  }
0x41: {  	[tilespmem:s24+$0xFFFFFF20] =	vst v0  }
0x42: {  	v0 =	vld [tilespmem:s25+$0x6B0]  }
0x43: {  	v1 =	vld [tilespmem:s26+$0x16B0];
	_ =	sdelay $0x1  }
0x44: {  	v2 =	vld [tilespmem:$0x28B0];
	_ =	sdelay $0x2  }
0x45: {  	v0 =	vadd.f32 v1, v0;
	_ =	sdelay $0x1  }
0x46: {  	v0 =	vadd.f32 v2, v0;
	_ =	sdelay $0x1  }
0x47: {  	[tilespmem:s24+$0xFFFFFF30] =	vst v0  }
0x48: {  	v0 =	vld [tilespmem:s25+$0x6C0]  }
0x49: {  	v1 =	vld [tilespmem:s26+$0x16C0];
	_ =	sdelay $0x1  }
0x4a: {  	v2 =	vld [tilespmem:$0x28C0];
	_ =	sdelay $0x2  }
0x4b: {  	v0 =	vadd.f32 v1, v0;
	_ =	sdelay $0x1  }
0x4c: {  	v0 =	vadd.f32 v2, v0;
	_ =	sdelay $0x1  }
0x4d: {  	[tilespmem:s24+$0xFFFFFF40] =	vst v0  }
0x4e: {  	v0 =	vld [tilespmem:s25+$0x6D0]  }
0x4f: {  	v1 =	vld [tilespmem:s26+$0x16D0];
	_ =	sdelay $0x1  }
0x50: {  	v2 =	vld [tilespmem:$0x28D0];
	_ =	sdelay $0x2  }
0x51: {  	v0 =	vadd.f32 v1, v0;
	_ =	sdelay $0x1  }
0x52: {  	v0 =	vadd.f32 v2, v0;
	_ =	sdelay $0x1  }
0x53: {  	[tilespmem:s24+$0xFFFFFF50] =	vst v0  }
0x54: {  	v0 =	vld [tilespmem:s25+$0x6E0]  }
0x55: {  	v1 =	vld [tilespmem:s26+$0x16E0];
	_ =	sdelay $0x1  }
0x56: {  	v2 =	vld [tilespmem:$0x28E0];
	_ =	sdelay $0x2  }
0x57: {  	v0 =	vadd.f32 v1, v0;
	_ =	sdelay $0x1  }
0x58: {  	v0 =	vadd.f32 v2, v0;
	_ =	sdelay $0x1  }
0x59: {  	[tilespmem:s24+$0xFFFFFF60] =	vst v0  }
0x5a: {  	v0 =	vld [tilespmem:s25+$0x6F0]  }
0x5b: {  	v1 =	vld [tilespmem:s26+$0x16F0];
	_ =	sdelay $0x1  }
0x5c: {  	v2 =	vld [tilespmem:$0x28F0];
	_ =	sdelay $0x2  }
0x5d: {  	v0 =	vadd.f32 v1, v0;
	_ =	sdelay $0x1  }
0x5e: {  	v0 =	vadd.f32 v2, v0;
	_ =	sdelay $0x1  }
0x5f: {  	[tilespmem:s24+$0xFFFFFF70] =	vst v0  }
0x60: {  	s11 =	simm.s32 $0x1;
	v0 =	vld [tilespmem:s25+$0xA80]  }
0x61: {  	s12 =	smulhi.u32 $0xAAAAAAAB, s11;
	v1 =	vld [tilespmem:s26+$0x1A80];
	_ =	sdelay $0x1  }
0x62: {  	s0 =	smul.u32 $0xAB, s11;
	s1 =	sshrl.u32 s12, $0x2;
	v2 =	vld [tilespmem:$0x2900]  }
0x63: {  	s13 =	smul.u32 $0xC00, s1  }
0x64: {  	s1 =	sshll.u32 s1, $0x8  }
0x65: {  	s0 =	sshrl.u32 s0, $0x3;
	s1 =	sadd.s32 $0x80, s1;
	s2 =	ssub.s32 $0x200, s13;
	v0 =	vadd.f32 v1, v0  }
0x66: {  	s29 =	sand.u32 $0x1F80, s0;
	s1 =	sand.u32 $0x380, s1;
	s14 =	sand.u32 $0xFFFFF000, s2  }
0x67: {  	s30 =	sor.u32 s1, s14;
	v1 =	vld [tilespmem:s29+$0x680];
	v0 =	vadd.f32 v2, v0  }
0x68: {  	v2 =	vld [tilespmem:s30+$0x1680]  }
0x69: {  	v3 =	vld [tilespmem:$0x2880];
	[tilespmem:s24+$0xFFFFFF80] =	vst v0  }
0x6a: {  	v0 =	vld [tilespmem:s25+$0xA90]  }
0x6b: {  	v4 =	vld [tilespmem:s26+$0x1A90];
	_ =	sdelay $0x1  }
0x6c: {  	v1 =	vadd.f32 v2, v1;
	v2 =	vld [tilespmem:$0x2910];
	_ =	sdelay $0x1  }
0x6d: {  	v1 =	vadd.f32 v3, v1  }
0x6e: {  	s28 =	simm.s32 $0x2D80;
	v0 =	vadd.f32 v4, v0  }
0x6f: {  	[tilespmem:s28+$0xFFFFFF00] =	vst v1  }
0x70: {  	v1 =	vld [tilespmem:s29+$0x690];
	v0 =	vadd.f32 v2, v0  }
0x71: {  	v2 =	vld [tilespmem:s30+$0x1690]  }
0x72: {  	v3 =	vld [tilespmem:$0x2890];
	[tilespmem:s24+$0xFFFFFF90] =	vst v0  }
0x73: {  	v0 =	vld [tilespmem:s25+$0xAA0]  }
0x74: {  	v4 =	vld [tilespmem:s26+$0x1AA0];
	_ =	sdelay $0x1  }
0x75: {  	v1 =	vadd.f32 v2, v1;
	v2 =	vld [tilespmem:$0x2920];
	_ =	sdelay $0x1  }
0x76: {  	v1 =	vadd.f32 v3, v1  }
0x77: {  	v0 =	vadd.f32 v4, v0  }
0x78: {  	[tilespmem:s28+$0xFFFFFF10] =	vst v1  }
0x79: {  	v1 =	vld [tilespmem:s29+$0x6A0];
	v0 =	vadd.f32 v2, v0  }
0x7a: {  	v2 =	vld [tilespmem:s30+$0x16A0]  }
0x7b: {  	v3 =	vld [tilespmem:$0x28A0];
	[tilespmem:s24+$0xFFFFFFA0] =	vst v0  }
0x7c: {  	v0 =	vld [tilespmem:s25+$0xAB0]  }
0x7d: {  	v4 =	vld [tilespmem:s26+$0x1AB0];
	_ =	sdelay $0x1  }
0x7e: {  	v1 =	vadd.f32 v2, v1;
	v2 =	vld [tilespmem:$0x2930];
	_ =	sdelay $0x1  }
0x7f: {  	v1 =	vadd.f32 v3, v1  }
0x80: {  	v0 =	vadd.f32 v4, v0  }
0x81: {  	[tilespmem:s28+$0xFFFFFF20] =	vst v1  }
0x82: {  	v1 =	vld [tilespmem:s29+$0x6B0];
	v0 =	vadd.f32 v2, v0  }
0x83: {  	v2 =	vld [tilespmem:s30+$0x16B0]  }
0x84: {  	v3 =	vld [tilespmem:$0x28B0];
	[tilespmem:s24+$0xFFFFFFB0] =	vst v0  }
0x85: {  	v0 =	vld [tilespmem:s25+$0xAC0]  }
0x86: {  	v4 =	vld [tilespmem:s26+$0x1AC0];
	_ =	sdelay $0x1  }
0x87: {  	v5 =	vld [tilespmem:$0x2940];
	v1 =	vadd.f32 v2, v1;
	_ =	sdelay $0x1  }
0x88: {  	v1 =	vadd.f32 v3, v1  }
0x89: {  	v0 =	vadd.f32 v4, v0  }
0x8a: {  	[tilespmem:s28+$0xFFFFFF30] =	vst v1  }
0x8b: {  	v0 =	vadd.f32 v5, v0;
	v1 =	vld [tilespmem:s29+$0x6C0]  }
0x8c: {  	v2 =	vld [tilespmem:s30+$0x16C0]  }
0x8d: {  	v3 =	vld [tilespmem:$0x28C0];
	[tilespmem:s24+$0xFFFFFFC0] =	vst v0  }
0x8e: {  	v0 =	vld [tilespmem:s25+$0xAD0]  }
0x8f: {  	v4 =	vld [tilespmem:s26+$0x1AD0];
	_ =	sdelay $0x1  }
0x90: {  	v5 =	vld [tilespmem:$0x2950];
	v1 =	vadd.f32 v2, v1;
	_ =	sdelay $0x1  }
0x91: {  	v1 =	vadd.f32 v3, v1  }
0x92: {  	v0 =	vadd.f32 v4, v0  }
0x93: {  	[tilespmem:s28+$0xFFFFFF40] =	vst v1  }
0x94: {  	v1 =	vld [tilespmem:s29+$0x6D0];
	v0 =	vadd.f32 v5, v0  }
0x95: {  	v2 =	vld [tilespmem:s30+$0x16D0]  }
0x96: {  	v3 =	vld [tilespmem:$0x28D0];
	[tilespmem:s24+$0xFFFFFFD0] =	vst v0  }
0x97: {  	v0 =	vld [tilespmem:s25+$0xAE0]  }
0x98: {  	v4 =	vld [tilespmem:s26+$0x1AE0];
	_ =	sdelay $0x1  }
0x99: {  	v5 =	vld [tilespmem:$0x2960];
	v1 =	vadd.f32 v2, v1;
	_ =	sdelay $0x1  }
0x9a: {  	v1 =	vadd.f32 v3, v1  }
0x9b: {  	v0 =	vadd.f32 v4, v0  }
0x9c: {  	[tilespmem:s28+$0xFFFFFF50] =	vst v1  }
0x9d: {  	v1 =	vld [tilespmem:s29+$0x6E0];
	v0 =	vadd.f32 v5, v0  }
0x9e: {  	v2 =	vld [tilespmem:s30+$0x16E0]  }
0x9f: {  	v3 =	vld [tilespmem:$0x28E0];
	[tilespmem:s24+$0xFFFFFFE0] =	vst v0  }
0xa0: {  	v0 =	vld [tilespmem:s25+$0xAF0]  }
0xa1: {  	v4 =	vld [tilespmem:s26+$0x1AF0];
	_ =	sdelay $0x1  }
0xa2: {  	v5 =	vld [tilespmem:$0x2970];
	v1 =	vadd.f32 v2, v1;
	_ =	sdelay $0x1  }
0xa3: {  	v1 =	vadd.f32 v3, v1  }
0xa4: {  	v0 =	vadd.f32 v4, v0  }
0xa5: {  	[tilespmem:s28+$0xFFFFFF60] =	vst v1  }
0xa6: {  	v1 =	vld [tilespmem:s29+$0x6F0];
	v0 =	vadd.f32 v5, v0  }
0xa7: {  	v2 =	vld [tilespmem:s30+$0x16F0]  }
0xa8: {  	v3 =	vld [tilespmem:$0x28F0];
	[tilespmem:s24+$0xFFFFFFF0] =	vst v0  }
0xa9: {  	v0 =	vld [tilespmem:s25+$0xE80]  }
0xaa: {  	v4 =	vld [tilespmem:s26+$0x1E80];
	_ =	sdelay $0x1  }
0xab: {  	v5 =	vld [tilespmem:$0x2980];
	v1 =	vadd.f32 v2, v1;
	_ =	sdelay $0x1  }
0xac: {  	v1 =	vadd.f32 v3, v1  }
0xad: {  	v0 =	vadd.f32 v4, v0  }
0xae: {  	[tilespmem:s28+$0xFFFFFF70] =	vst v1  }
0xaf: {  	s15 =	simm.s32 $0x2;
	v1 =	vld [tilespmem:s29+$0xA80];
	v0 =	vadd.f32 v5, v0  }
0xb0: {  	s16 =	smulhi.u32 $0xAAAAAAAB, s15;
	v2 =	vld [tilespmem:s30+$0x1A80]  }
0xb1: {  	v3 =	vld [tilespmem:$0x2900];
	[tilespmem:s24+$0x0] =	vst v0  }
0xb2: {  	s0 =	smul.u32 $0xAB, s15;
	s1 =	sshrl.u32 s16, $0x2;
	v0 =	vld [tilespmem:s25+$0xE90]  }
0xb3: {  	s17 =	smul.u32 $0xC00, s1;
	v4 =	vld [tilespmem:s26+$0x1E90]  }
0xb4: {  	s1 =	sshll.u32 s1, $0x8  }
0xb5: {  	s0 =	sshrl.u32 s0, $0x3;
	s1 =	sadd.s32 $0x100, s1;
	s2 =	ssub.s32 $0x400, s17;
	v5 =	vld [tilespmem:$0x2990];
	v1 =	vadd.f32 v2, v1  }
0xb6: {  	s31 =	sand.u32 $0x1F80, s0;
	s1 =	sand.u32 $0x380, s1;
	s18 =	sand.u32 $0xFFFFF000, s2  }
0xb7: {  	s5 =	sor.u32 s1, s18;
	v2 =	vld [tilespmem:s31+$0x680];
	v1 =	vadd.f32 v3, v1  }
0xb8: {  	v3 =	vld [tilespmem:s5+$0x1680];
	v0 =	vadd.f32 v4, v0  }
0xb9: {  	v4 =	vld [tilespmem:$0x2880];
	[tilespmem:s28+$0xFFFFFF80] =	vst v1  }
0xba: {  	v1 =	vld [tilespmem:s29+$0xA90];
	v0 =	vadd.f32 v5, v0  }
0xbb: {  	v5 =	vld [tilespmem:s30+$0x1A90]  }
0xbc: {  	v6 =	vld [tilespmem:$0x2910];
	[tilespmem:s24+$0x10] =	vst v0  }
0xbd: {  	v0 =	vadd.f32 v3, v2;
	v2 =	vld [tilespmem:s25+$0xEA0]  }
0xbe: {  	v3 =	vld [tilespmem:s26+$0x1EA0]  }
0xbf: {  	v0 =	vadd.f32 v4, v0  }
0xc0: {  	s0 =	simm.s32 $0x2F80;
	v4 =	vld [tilespmem:$0x29A0];
	v1 =	vadd.f32 v5, v1  }
0xc1: {  	[tilespmem:s0+$0xFFFFFF00] =	vst v0  }
0xc2: {  	v0 =	vld [tilespmem:s31+$0x690];
	v1 =	vadd.f32 v6, v1  }
0xc3: {  	v5 =	vld [tilespmem:s5+$0x1690];
	v2 =	vadd.f32 v3, v2  }
0xc4: {  	v3 =	vld [tilespmem:$0x2890];
	[tilespmem:s28+$0xFFFFFF90] =	vst v1  }
0xc5: {  	v1 =	vld [tilespmem:s29+$0xAA0];
	v2 =	vadd.f32 v4, v2  }
0xc6: {  	v4 =	vld [tilespmem:s30+$0x1AA0]  }
0xc7: {  	v6 =	vld [tilespmem:$0x2920];
	[tilespmem:s24+$0x20] =	vst v2  }
0xc8: {  	v0 =	vadd.f32 v5, v0;
	v2 =	vld [tilespmem:s25+$0xEB0]  }
0xc9: {  	v5 =	vld [tilespmem:s26+$0x1EB0]  }
0xca: {  	v0 =	vadd.f32 v3, v0  }
0xcb: {  	v3 =	vld [tilespmem:$0x29B0];
	v1 =	vadd.f32 v4, v1  }
0xcc: {  	[tilespmem:s0+$0xFFFFFF10] =	vst v0  }
0xcd: {  	v0 =	vld [tilespmem:s31+$0x6A0];
	v1 =	vadd.f32 v6, v1  }
0xce: {  	v4 =	vld [tilespmem:s5+$0x16A0];
	v2 =	vadd.f32 v5, v2  }
0xcf: {  	v5 =	vld [tilespmem:$0x28A0];
	[tilespmem:s28+$0xFFFFFFA0] =	vst v1  }
0xd0: {  	v1 =	vld [tilespmem:s29+$0xAB0];
	v2 =	vadd.f32 v3, v2  }
0xd1: {  	v3 =	vld [tilespmem:s30+$0x1AB0]  }
0xd2: {  	v6 =	vld [tilespmem:$0x2930];
	[tilespmem:s24+$0x30] =	vst v2  }
0xd3: {  	v0 =	vadd.f32 v4, v0;
	v2 =	vld [tilespmem:s25+$0xEC0]  }
0xd4: {  	v4 =	vld [tilespmem:s26+$0x1EC0]  }
0xd5: {  	v0 =	vadd.f32 v5, v0  }
0xd6: {  	v5 =	vld [tilespmem:$0x29C0];
	v1 =	vadd.f32 v3, v1  }
0xd7: {  	[tilespmem:s0+$0xFFFFFF20] =	vst v0  }
0xd8: {  	v0 =	vld [tilespmem:s31+$0x6B0];
	v1 =	vadd.f32 v6, v1  }
0xd9: {  	v3 =	vld [tilespmem:s5+$0x16B0];
	v2 =	vadd.f32 v4, v2  }
0xda: {  	v4 =	vld [tilespmem:$0x28B0];
	[tilespmem:s28+$0xFFFFFFB0] =	vst v1  }
0xdb: {  	v1 =	vadd.f32 v5, v2;
	v2 =	vld [tilespmem:s29+$0xAC0]  }
0xdc: {  	v5 =	vld [tilespmem:s30+$0x1AC0]  }
0xdd: {  	v6 =	vld [tilespmem:$0x2940];
	[tilespmem:s24+$0x40] =	vst v1  }
0xde: {  	v0 =	vadd.f32 v3, v0;
	v1 =	vld [tilespmem:s25+$0xED0]  }
0xdf: {  	v3 =	vld [tilespmem:s26+$0x1ED0]  }
0xe0: {  	v0 =	vadd.f32 v4, v0  }
0xe1: {  	v4 =	vld [tilespmem:$0x29D0];
	v2 =	vadd.f32 v5, v2  }
0xe2: {  	[tilespmem:s0+$0xFFFFFF30] =	vst v0  }
0xe3: {  	v0 =	vadd.f32 v6, v2;
	v2 =	vld [tilespmem:s31+$0x6C0]  }
0xe4: {  	v1 =	vadd.f32 v3, v1;
	v3 =	vld [tilespmem:s5+$0x16C0]  }
0xe5: {  	v5 =	vld [tilespmem:$0x28C0];
	[tilespmem:s28+$0xFFFFFFC0] =	vst v0  }
0xe6: {  	v0 =	vadd.f32 v4, v1;
	v1 =	vld [tilespmem:s29+$0xAD0]  }
0xe7: {  	s19 =	simm.s32 $0x3;
	v4 =	vld [tilespmem:s30+$0x1AD0]  }
0xe8: {  	s20 =	smulhi.u32 $0xAAAAAAAB, s19;
	v6 =	vld [tilespmem:$0x2950];
	[tilespmem:s24+$0x50] =	vst v0  }
0xe9: {  	s1 =	smul.u32 $0xAB, s19;
	v0 =	vld [tilespmem:s25+$0xEE0];
	v2 =	vadd.f32 v3, v2  }
0xea: {  	s2 =	sshrl.u32 s20, $0x2;
	v3 =	vld [tilespmem:s26+$0x1EE0]  }
0xeb: {  	s21 =	smul.u32 $0xC00, s2;
	s2 =	sshll.u32 s2, $0x8;
	s1 =	sshrl.u32 s1, $0x3;
	v2 =	vadd.f32 v5, v2  }
0xec: {  	s4 =	sadd.s32 $0x180, s2;
	s2 =	sand.u32 $0x1F80, s1;
	v5 =	vld [tilespmem:$0x29E0];
	v1 =	vadd.f32 v4, v1  }
0xed: {  	v8 =	vld [tilespmem:s2+$0x680];
	[tilespmem:s0+$0xFFFFFF40] =	vst v2  }
0xee: {  	v1 =	vadd.f32 v6, v1;
	v2 =	vld [tilespmem:s31+$0x6D0]  }
0xef: {  	v0 =	vadd.f32 v3, v0;
	v3 =	vld [tilespmem:s5+$0x16D0]  }
0xf0: {  	v6 =	vld [tilespmem:$0x28D0];
	[tilespmem:s28+$0xFFFFFFD0] =	vst v1  }
0xf1: {  	v0 =	vadd.f32 v5, v0;
	v1 =	vld [tilespmem:s29+$0xAE0]  }
0xf2: {  	v5 =	vld [tilespmem:s30+$0x1AE0]  }
0xf3: {  	[tilespmem:s24+$0x60] =	vst v0;
	v0 =	vld [tilespmem:$0x2960]  }
0xf4: {  	v2 =	vadd.f32 v3, v2;
	v3 =	vld [tilespmem:s25+$0xEF0]  }
0xf5: {  	s3 =	ssub.s32 $0x600, s21;
	v7 =	vld [tilespmem:s26+$0x1EF0]  }
0xf6: {  	s23 =	sand.u32 $0x380, s4;
	s22 =	sand.u32 $0xFFFFF000, s3;
	v4 =	vld [tilespmem:$0x2880];
	v2 =	vadd.f32 v6, v2  }
0xf7: {  	s3 =	sor.u32 s23, s22;
	v1 =	vadd.f32 v5, v1;
	v5 =	vld [tilespmem:$0x29F0]  }
0xf8: {  	v6 =	vld [tilespmem:s3+$0x1680];
	[tilespmem:s0+$0xFFFFFF50] =	vst v2  }
0xf9: {  	v0 =	vadd.f32 v0, v1;
	v2 =	vld [tilespmem:s31+$0x6E0]  }
0xfa: {  	v1 =	vld [tilespmem:s5+$0x16E0];
	v3 =	vadd.f32 v7, v3  }
0xfb: {  	v7 =	vld [tilespmem:$0x28E0];
	[tilespmem:s28+$0xFFFFFFE0] =	vst v0  }
0xfc: {  	v0 =	vld [tilespmem:s29+$0xAF0];
	v3 =	vadd.f32 v5, v3  }
0xfd: {  	v5 =	vld [tilespmem:s30+$0x1AF0]  }
0xfe: {  	v6 =	vadd.f32 v6, v8;
	v8 =	vld [tilespmem:$0x2970];
	[tilespmem:s24+$0x70] =	vst v3  }
0xff: {  	v1 =	vadd.f32 v1, v2;
	v2 =	vld [tilespmem:s25+$0x1280]  }
0x100: {  	v3 =	vadd.f32 v4, v6;
	v4 =	vld [tilespmem:s26+$0x2280]  }
0x101: {  	s1 =	simm.s32 $0x3180;
	v1 =	vadd.f32 v7, v1  }
0x102: {  	[tilespmem:s1+$0xFFFFFF00] =	vst v3;
	v3 =	vld [tilespmem:$0x2A00];
	v0 =	vadd.f32 v5, v0  }
0x103: {  	v5 =	vld [tilespmem:$0x2890];
	[tilespmem:s0+$0xFFFFFF60] =	vst v1  }
0x104: {  	v0 =	vadd.f32 v8, v0;
	v1 =	vld [tilespmem:s31+$0x6F0]  }
0x105: {  	v6 =	vld [tilespmem:s5+$0x16F0];
	v2 =	vadd.f32 v4, v2  }
0x106: {  	v4 =	vld [tilespmem:$0x28F0];
	[tilespmem:s28+$0xFFFFFFF0] =	vst v0  }
0x107: {  	v0 =	vld [tilespmem:s29+$0xE80];
	v2 =	vadd.f32 v3, v2  }
0x108: {  	v3 =	vld [tilespmem:s30+$0x1E80]  }
0x109: {  	v7 =	vld [tilespmem:$0x2980];
	[tilespmem:s24+$0x80] =	vst v2  }
0x10a: {  	v1 =	vadd.f32 v6, v1;
	v2 =	vld [tilespmem:s25+$0x1290]  }
0x10b: {  	v6 =	vld [tilespmem:s26+$0x2290]  }
0x10c: {  	v8 =	vld [tilespmem:s2+$0x690];
	v1 =	vadd.f32 v4, v1  }
0x10d: {  	v0 =	vadd.f32 v3, v0;
	v3 =	vld [tilespmem:$0x2A10]  }
0x10e: {  	v4 =	vld [tilespmem:s3+$0x1690];
	[tilespmem:s0+$0xFFFFFF70] =	vst v1  }
0x10f: {  	v0 =	vadd.f32 v7, v0;
	v1 =	vld [tilespmem:s31+$0xA80]  }
0x110: {  	v7 =	vld [tilespmem:s5+$0x1A80];
	v2 =	vadd.f32 v6, v2  }
0x111: {  	v6 =	vld [tilespmem:$0x2900];
	[tilespmem:s28+$0x0] =	vst v0  }
0x112: {  	v0 =	vld [tilespmem:s29+$0xE90];
	v2 =	vadd.f32 v3, v2  }
0x113: {  	v3 =	vld [tilespmem:s30+$0x1E90]  }
0x114: {  	v4 =	vadd.f32 v4, v8;
	v8 =	vld [tilespmem:$0x2990];
	[tilespmem:s24+$0x90] =	vst v2  }
0x115: {  	v1 =	vadd.f32 v7, v1;
	v2 =	vld [tilespmem:s25+$0x12A0]  }
0x116: {  	v4 =	vadd.f32 v5, v4;
	v5 =	vld [tilespmem:s26+$0x22A0]  }
0x117: {  	v1 =	vadd.f32 v6, v1  }
0x118: {  	[tilespmem:s1+$0xFFFFFF10] =	vst v4;
	v0 =	vadd.f32 v3, v0;
	v3 =	vld [tilespmem:$0x2A20]  }
0x119: {  	v4 =	vld [tilespmem:$0x28A0];
	[tilespmem:s0+$0xFFFFFF80] =	vst v1  }
0x11a: {  	v0 =	vadd.f32 v8, v0;
	v1 =	vld [tilespmem:s31+$0xA90]  }
0x11b: {  	v6 =	vld [tilespmem:s5+$0x1A90];
	v2 =	vadd.f32 v5, v2  }
0x11c: {  	v5 =	vld [tilespmem:$0x2910];
	[tilespmem:s28+$0x10] =	vst v0  }
0x11d: {  	v0 =	vld [tilespmem:s29+$0xEA0];
	v2 =	vadd.f32 v3, v2  }
0x11e: {  	v3 =	vld [tilespmem:s30+$0x1EA0]  }
0x11f: {  	v7 =	vld [tilespmem:$0x29A0];
	[tilespmem:s24+$0xA0] =	vst v2  }
0x120: {  	v1 =	vadd.f32 v6, v1;
	v2 =	vld [tilespmem:s25+$0x12B0]  }
0x121: {  	v6 =	vld [tilespmem:s26+$0x22B0]  }
0x122: {  	v8 =	vld [tilespmem:s2+$0x6A0];
	v1 =	vadd.f32 v5, v1  }
0x123: {  	v0 =	vadd.f32 v3, v0;
	v3 =	vld [tilespmem:$0x2A30]  }
0x124: {  	v5 =	vld [tilespmem:s3+$0x16A0];
	[tilespmem:s0+$0xFFFFFF90] =	vst v1  }
0x125: {  	v0 =	vadd.f32 v7, v0;
	v1 =	vld [tilespmem:s31+$0xAA0]  }
0x126: {  	v7 =	vld [tilespmem:s5+$0x1AA0];
	v2 =	vadd.f32 v6, v2  }
0x127: {  	v6 =	vld [tilespmem:$0x2920];
	[tilespmem:s28+$0x20] =	vst v0  }
0x128: {  	v0 =	vld [tilespmem:s29+$0xEB0];
	v2 =	vadd.f32 v3, v2  }
0x129: {  	v3 =	vld [tilespmem:s30+$0x1EB0]  }
0x12a: {  	v5 =	vadd.f32 v5, v8;
	v8 =	vld [tilespmem:$0x29B0];
	[tilespmem:s24+$0xB0] =	vst v2  }
0x12b: {  	v1 =	vadd.f32 v7, v1;
	v2 =	vld [tilespmem:s25+$0x12C0]  }
0x12c: {  	v4 =	vadd.f32 v4, v5;
	v7 =	vld [tilespmem:s26+$0x22C0]  }
0x12d: {  	v1 =	vadd.f32 v6, v1  }
0x12e: {  	[tilespmem:s1+$0xFFFFFF20] =	vst v4;
	v4 =	vld [tilespmem:$0x2A40];
	v0 =	vadd.f32 v3, v0  }
0x12f: {  	v5 =	vld [tilespmem:s2+$0x6B0];
	[tilespmem:s0+$0xFFFFFFA0] =	vst v1  }
0x130: {  	v0 =	vadd.f32 v8, v0;
	v1 =	vld [tilespmem:s31+$0xAB0]  }
0x131: {  	v6 =	vld [tilespmem:s5+$0x1AB0];
	v2 =	vadd.f32 v7, v2  }
0x132: {  	v8 =	vld [tilespmem:$0x2930];
	[tilespmem:s28+$0x30] =	vst v0  }
0x133: {  	v3 =	vld [tilespmem:s29+$0xEC0];
	v0 =	vadd.f32 v4, v2  }
0x134: {  	v4 =	vld [tilespmem:s30+$0x1EC0]  }
0x135: {  	v2 =	vld [tilespmem:$0x29C0];
	[tilespmem:s24+$0xC0] =	vst v0  }
0x136: {  	v6 =	vadd.f32 v6, v1;
	v0 =	vld [tilespmem:s25+$0x12D0]  }
0x137: {  	v1 =	vld [tilespmem:s26+$0x22D0]  }
0x138: {  	s9 =	simm.s32 $0x600;
	s10 =	simm.s32 $0x4;
	s4 =	simm.s32 $0x180;
	v7 =	vld [tilespmem:s3+$0x16B0];
	v6 =	vadd.f32 v8, v6  }
.LBB2_2:
0x139: {  	p0 =	sne.s32 s10, $0x1D;
	v3 =	vadd.f32 v4, v3;
	v4 =	vld [tilespmem:$0x2A50]  }
0x13a: {  	v8 =	vld [tilespmem:$0x28B0];
	[tilespmem:s0+$0xFFFFFFB0] =	vst v6  }
0x13b: {  	v6 =	vld [tilespmem:$0x2940];
	v2 =	vadd.f32 v2, v3  }
0x13c: {  	v3 =	vld [tilespmem:s31+$0xAC0];
	v0 =	vadd.f32 v1, v0  }
0x13d: {  	v1 =	vld [tilespmem:s5+$0x1AC0];
	[tilespmem:s28+$0x40] =	vst v2  }
0x13e: {  	v2 =	vadd.f32 v7, v5;
	v5 =	vld [tilespmem:$0x29D0];
	v0 =	vadd.f32 v4, v0  }
0x13f: {  	v4 =	vld [tilespmem:s29+$0xED0]  }
0x140: {  	v2 =	vadd.f32 v8, v2;
	v7 =	vld [tilespmem:s30+$0x1ED0];
	[tilespmem:s24+$0xD0] =	vst v0  }
0x141: {  	v0 =	vld [tilespmem:s25+$0x12E0]  }
0x142: {  	[tilespmem:s1+$0xFFFFFF30] =	vst v2;
	v1 =	vadd.f32 v1, v3;
	v2 =	vld [tilespmem:s26+$0x22E0]  }
0x143: {  	v3 =	vld [tilespmem:$0x28C0]  }
0x144: {  	v1 =	vadd.f32 v6, v1;
	v6 =	vld [tilespmem:$0x2A60]  }
0x145: {  	v8 =	vld [tilespmem:s2+$0x6C0];
	v4 =	vadd.f32 v7, v4  }
0x146: {  	v7 =	vld [tilespmem:s3+$0x16C0];
	[tilespmem:s0+$0xFFFFFFC0] =	vst v1  }
0x147: {  	v1 =	vld [tilespmem:$0x2950];
	v4 =	vadd.f32 v5, v4;
	v0 =	vadd.f32 v2, v0  }
0x148: {  	v2 =	vld [tilespmem:s31+$0xAD0]  }
0x149: {  	v5 =	vld [tilespmem:s5+$0x1AD0];
	[tilespmem:s28+$0x50] =	vst v4;
	v0 =	vadd.f32 v6, v0  }
0x14a: {  	v4 =	vld [tilespmem:s29+$0xEE0]  }
0x14b: {  	v6 =	vld [tilespmem:s30+$0x1EE0];
	[tilespmem:s24+$0xE0] =	vst v0  }
0x14c: {  	v0 =	vadd.f32 v7, v8;
	v7 =	vld [tilespmem:s25+$0x12F0];
	s25 =	smov.u32 s29;
	s29 =	smov.u32 s31;
	s31 =	smov.u32 s2  }
0x14d: {  	v8 =	vld [tilespmem:s26+$0x22F0];
	s26 =	smov.u32 s30;
	s30 =	smov.u32 s5;
	s5 =	smov.u32 s3  }
0x14e: {  	v0 =	vadd.f32 v3, v0;
	v3 =	vld [tilespmem:$0x29E0]  }
0x14f: {  	v2 =	vadd.f32 v5, v2;
	v5 =	vld [tilespmem:$0x2A70]  }
0x150: {  	v9 =	vld [tilespmem:$0x2880];
	[tilespmem:s1+$0xFFFFFF40] =	vst v0  }
0x151: {  	v1 =	vadd.f32 v1, v2;
	v2 =	vadd.f32 v6, v4;
	v0 =	vld [tilespmem:s31+$0x6D0]  }
0x152: {  	v4 =	vld [tilespmem:s5+$0x16D0];
	v6 =	vadd.f32 v8, v7  }
0x153: {  	s2 =	smulhi.u32 $0xAAAAAAAB, s10;
	v7 =	vld [tilespmem:$0x28D0];
	[tilespmem:s0+$0xFFFFFFD0] =	vst v1;
	v1 =	vadd.f32 v3, v2  }
0x154: {  	v2 =	vld [tilespmem:s29+$0xAE0];
	v3 =	vadd.f32 v5, v6  }
0x155: {  	s3 =	smul.u32 $0xAB, s10;
	s2 =	sshrl.u32 s2, $0x2;
	v5 =	vld [tilespmem:s30+$0x1AE0];
	[tilespmem:s28+$0x60] =	vst v1  }
0x156: {  	s4 =	sadd.s32 $0x80, s4;
	s6 =	smul.u32 $0xC00, s2;
	v1 =	vld [tilespmem:$0x2960];
	[tilespmem:s24+$0xF0] =	vst v3  }
0x157: {  	s9 =	sadd.s32 $0x200, s9;
	s2 =	sshll.u32 s2, $0x8;
	s3 =	sshrl.u32 s3, $0x3;
	v0 =	vadd.f32 v4, v0;
	v3 =	vld [tilespmem:s25+$0xEF0]  }
0x158: {  	s7 =	sadd.s32 s2, s4;
	s2 =	sand.u32 $0x1F80, s3;
	s6 =	ssub.s32 s9, s6;
	v4 =	vld [tilespmem:s26+$0x1EF0]  }
0x159: {  	s3 =	sand.u32 $0xFFFFF000, s6;
	s6 =	sand.u32 $0x380, s7;
	s24 =	smov.u32 s28;
	v6 =	vld [tilespmem:s2+$0x680];
	v0 =	vadd.f32 v7, v0  }
0x15a: {  	s3 =	sor.u32 s6, s3;
	s28 =	smov.u32 s0;
	s0 =	smov.u32 s1;
	v2 =	vadd.f32 v5, v2;
	v5 =	vld [tilespmem:$0x29F0]  }
0x15b: {  	v7 =	vld [tilespmem:s3+$0x1680];
	[tilespmem:s1+$0xFFFFFF50] =	vst v0  }
0x15c: {  	v0 =	vld [tilespmem:s31+$0x6E0];
	v1 =	vadd.f32 v1, v2  }
0x15d: {  	v2 =	vld [tilespmem:s5+$0x16E0];
	v3 =	vadd.f32 v4, v3  }
0x15e: {  	v4 =	vld [tilespmem:$0x28E0];
	[tilespmem:s28+$0xFFFFFFE0] =	vst v1  }
0x15f: {  	v1 =	vld [tilespmem:s29+$0xAF0];
	v3 =	vadd.f32 v5, v3  }
0x160: {  	v5 =	vld [tilespmem:s30+$0x1AF0]  }
0x161: {  	v6 =	vadd.f32 v7, v6;
	v7 =	vld [tilespmem:$0x2970];
	[tilespmem:s24+$0x70] =	vst v3  }
0x162: {  	v0 =	vadd.f32 v2, v0;
	v2 =	vld [tilespmem:s25+$0x1280]  }
0x163: {  	v3 =	vadd.f32 v9, v6;
	v6 =	vld [tilespmem:s26+$0x2280]  }
0x164: {  	s1 =	sadd.s32 $0x200, s1;
	v0 =	vadd.f32 v4, v0  }
0x165: {  	[tilespmem:s1+$0xFFFFFF00] =	vst v3;
	v1 =	vadd.f32 v5, v1;
	v3 =	vld [tilespmem:$0x2A00]  }
0x166: {  	v4 =	vld [tilespmem:$0x2890];
	[tilespmem:s0+$0xFFFFFF60] =	vst v0  }
0x167: {  	v0 =	vld [tilespmem:s31+$0x6F0];
	v1 =	vadd.f32 v7, v1  }
0x168: {  	v5 =	vld [tilespmem:s5+$0x16F0];
	v2 =	vadd.f32 v6, v2  }
0x169: {  	v6 =	vld [tilespmem:$0x28F0];
	[tilespmem:s28+$0xFFFFFFF0] =	vst v1  }
0x16a: {  	v1 =	vld [tilespmem:s29+$0xE80];
	v2 =	vadd.f32 v3, v2  }
0x16b: {  	v3 =	vld [tilespmem:s30+$0x1E80]  }
0x16c: {  	v7 =	vld [tilespmem:$0x2980];
	[tilespmem:s24+$0x80] =	vst v2  }
0x16d: {  	v0 =	vadd.f32 v5, v0;
	v2 =	vld [tilespmem:s25+$0x1290]  }
0x16e: {  	v5 =	vld [tilespmem:s26+$0x2290]  }
0x16f: {  	v8 =	vld [tilespmem:s2+$0x690];
	v0 =	vadd.f32 v6, v0  }
0x170: {  	v1 =	vadd.f32 v3, v1;
	v3 =	vld [tilespmem:$0x2A10]  }
0x171: {  	v6 =	vld [tilespmem:s3+$0x1690];
	[tilespmem:s0+$0xFFFFFF70] =	vst v0  }
0x172: {  	v0 =	vld [tilespmem:s31+$0xA80];
	v1 =	vadd.f32 v7, v1  }
0x173: {  	v7 =	vld [tilespmem:s5+$0x1A80];
	v2 =	vadd.f32 v5, v2  }
0x174: {  	v5 =	vld [tilespmem:$0x2900];
	[tilespmem:s28+$0x0] =	vst v1  }
0x175: {  	v1 =	vld [tilespmem:s29+$0xE90];
	v2 =	vadd.f32 v3, v2  }
0x176: {  	v3 =	vld [tilespmem:s30+$0x1E90]  }
0x177: {  	v6 =	vadd.f32 v6, v8;
	v8 =	vld [tilespmem:$0x2990];
	[tilespmem:s24+$0x90] =	vst v2  }
0x178: {  	v0 =	vadd.f32 v7, v0;
	v2 =	vld [tilespmem:s25+$0x12A0]  }
0x179: {  	v4 =	vadd.f32 v4, v6;
	v6 =	vld [tilespmem:s26+$0x22A0]  }
0x17a: {  	v0 =	vadd.f32 v5, v0  }
0x17b: {  	[tilespmem:s1+$0xFFFFFF10] =	vst v4;
	v1 =	vadd.f32 v3, v1;
	v3 =	vld [tilespmem:$0x2A20]  }
0x17c: {  	v4 =	vld [tilespmem:$0x28A0];
	[tilespmem:s0+$0xFFFFFF80] =	vst v0  }
0x17d: {  	v0 =	vld [tilespmem:s31+$0xA90];
	v1 =	vadd.f32 v8, v1  }
0x17e: {  	v5 =	vld [tilespmem:s5+$0x1A90];
	v2 =	vadd.f32 v6, v2  }
0x17f: {  	v6 =	vld [tilespmem:$0x2910];
	[tilespmem:s28+$0x10] =	vst v1  }
0x180: {  	v1 =	vld [tilespmem:s29+$0xEA0];
	v2 =	vadd.f32 v3, v2  }
0x181: {  	v3 =	vld [tilespmem:s30+$0x1EA0]  }
0x182: {  	v7 =	vld [tilespmem:$0x29A0];
	[tilespmem:s24+$0xA0] =	vst v2  }
0x183: {  	v0 =	vadd.f32 v5, v0;
	v2 =	vld [tilespmem:s25+$0x12B0]  }
0x184: {  	v5 =	vld [tilespmem:s26+$0x22B0]  }
0x185: {  	v8 =	vld [tilespmem:s2+$0x6A0];
	v0 =	vadd.f32 v6, v0  }
0x186: {  	v1 =	vadd.f32 v3, v1;
	v3 =	vld [tilespmem:$0x2A30]  }
0x187: {  	v6 =	vld [tilespmem:s3+$0x16A0];
	[tilespmem:s0+$0xFFFFFF90] =	vst v0  }
0x188: {  	v0 =	vld [tilespmem:s31+$0xAA0];
	v1 =	vadd.f32 v7, v1  }
0x189: {  	v7 =	vld [tilespmem:s5+$0x1AA0];
	v2 =	vadd.f32 v5, v2  }
0x18a: {  	v5 =	vld [tilespmem:$0x2920];
	[tilespmem:s28+$0x20] =	vst v1  }
0x18b: {  	v1 =	vld [tilespmem:s29+$0xEB0];
	v2 =	vadd.f32 v3, v2  }
0x18c: {  	v3 =	vld [tilespmem:s30+$0x1EB0]  }
0x18d: {  	v6 =	vadd.f32 v6, v8;
	v8 =	vld [tilespmem:$0x29B0];
	[tilespmem:s24+$0xB0] =	vst v2  }
0x18e: {  	v0 =	vadd.f32 v7, v0;
	v2 =	vld [tilespmem:s25+$0x12C0]  }
0x18f: {  	v4 =	vadd.f32 v4, v6;
	v6 =	vld [tilespmem:s26+$0x22C0]  }
0x190: {  	v0 =	vadd.f32 v5, v0  }
0x191: {  	[tilespmem:s1+$0xFFFFFF20] =	vst v4;
	v1 =	vadd.f32 v3, v1;
	v4 =	vld [tilespmem:$0x2A40]  }
0x192: {  	v5 =	vld [tilespmem:s2+$0x6B0];
	[tilespmem:s0+$0xFFFFFFA0] =	vst v0  }
0x193: {  	v0 =	vld [tilespmem:s31+$0xAB0];
	v1 =	vadd.f32 v8, v1  }
0x194: {  	v7 =	vld [tilespmem:s5+$0x1AB0];
	v2 =	vadd.f32 v6, v2  }
0x195: {  	v6 =	vld [tilespmem:$0x2930];
	[tilespmem:s28+$0x30] =	vst v1  }
0x196: {  	v3 =	vld [tilespmem:s29+$0xEC0];
	v1 =	vadd.f32 v4, v2  }
.Ltmp0:
0x197: {  	v4 =	vld [tilespmem:s30+$0x1EC0];
	(pc) =	sbr.rel @p0 .LBB2_2-.Ltmp0, $4  }
0x198: {  	v2 =	vld [tilespmem:$0x29C0];
	[tilespmem:s24+$0xC0] =	vst v1  }
0x199: {  	v8 =	vadd.f32 v7, v0;
	v0 =	vld [tilespmem:s25+$0x12D0]  }
0x19a: {  	v1 =	vld [tilespmem:s26+$0x22D0]  }
0x19b: {  	s10 =	sadd.s32 $0x1, s10;
	v7 =	vld [tilespmem:s3+$0x16B0];
	v6 =	vadd.f32 v6, v8  }
0x19c: {  	_ = 	snop  }
0x19d: {  	v8 =	vld [tilespmem:$0x28B0];
	_ =	sdelay $0x2  }
0x19e: {  	v5 =	vadd.f32 v7, v5;
	_ =	sdelay $0x1  }
0x19f: {  	v5 =	vadd.f32 v8, v5;
	_ =	sdelay $0x1  }
0x1a0: {  	[tilespmem:s1+$0xFFFFFF30] =	vst v5  }
0x1a1: {  	v5 =	vld [tilespmem:s2+$0x6C0]  }
0x1a2: {  	v55 =	vld [tilespmem:s3+$0x16C0];
	_ =	sdelay $0x1  }
0x1a3: {  	v56 =	vld [tilespmem:$0x28C0];
	_ =	sdelay $0x2  }
0x1a4: {  	v5 =	vadd.f32 v55, v5;
	_ =	sdelay $0x1  }
0x1a5: {  	v5 =	vadd.f32 v56, v5;
	_ =	sdelay $0x1  }
0x1a6: {  	[tilespmem:s1+$0xFFFFFF40] =	vst v5  }
0x1a7: {  	v5 =	vld [tilespmem:s2+$0x6D0]  }
0x1a8: {  	v57 =	vld [tilespmem:s3+$0x16D0];
	_ =	sdelay $0x1  }
0x1a9: {  	v58 =	vld [tilespmem:$0x28D0];
	_ =	sdelay $0x2  }
0x1aa: {  	v5 =	vadd.f32 v57, v5;
	_ =	sdelay $0x1  }
0x1ab: {  	v5 =	vadd.f32 v58, v5;
	_ =	sdelay $0x1  }
0x1ac: {  	[tilespmem:s1+$0xFFFFFF50] =	vst v5  }
0x1ad: {  	v5 =	vld [tilespmem:s2+$0x6E0]  }
0x1ae: {  	v59 =	vld [tilespmem:s3+$0x16E0];
	_ =	sdelay $0x1  }
0x1af: {  	v60 =	vld [tilespmem:$0x28E0];
	_ =	sdelay $0x2  }
0x1b0: {  	v5 =	vadd.f32 v59, v5;
	_ =	sdelay $0x1  }
0x1b1: {  	v5 =	vadd.f32 v60, v5;
	_ =	sdelay $0x1  }
0x1b2: {  	[tilespmem:s1+$0xFFFFFF60] =	vst v5  }
0x1b3: {  	v5 =	vld [tilespmem:s2+$0x6F0]  }
0x1b4: {  	v61 =	vld [tilespmem:s3+$0x16F0];
	_ =	sdelay $0x1  }
0x1b5: {  	v62 =	vld [tilespmem:$0x28F0];
	_ =	sdelay $0x2  }
0x1b6: {  	v5 =	vadd.f32 v61, v5;
	_ =	sdelay $0x1  }
0x1b7: {  	v5 =	vadd.f32 v62, v5;
	_ =	sdelay $0x1  }
0x1b8: {  	[tilespmem:s1+$0xFFFFFF70] =	vst v5  }
0x1b9: {  	v5 =	vld [tilespmem:s2+$0xA80]  }
0x1ba: {  	v63 =	vld [tilespmem:s3+$0x1A80];
	_ =	sdelay $0x1  }
0x1bb: {  	v12 =	vld [tilespmem:$0x2900];
	_ =	sdelay $0x2  }
0x1bc: {  	v5 =	vadd.f32 v63, v5;
	_ =	sdelay $0x1  }
0x1bd: {  	v5 =	vadd.f32 v12, v5;
	_ =	sdelay $0x1  }
0x1be: {  	[tilespmem:s1+$0xFFFFFF80] =	vst v5  }
0x1bf: {  	v5 =	vld [tilespmem:s2+$0xA90]  }
0x1c0: {  	v13 =	vld [tilespmem:s3+$0x1A90];
	_ =	sdelay $0x1  }
0x1c1: {  	v14 =	vld [tilespmem:$0x2910];
	_ =	sdelay $0x2  }
0x1c2: {  	v5 =	vadd.f32 v13, v5;
	_ =	sdelay $0x1  }
0x1c3: {  	v5 =	vadd.f32 v14, v5;
	_ =	sdelay $0x1  }
0x1c4: {  	[tilespmem:s1+$0xFFFFFF90] =	vst v5  }
0x1c5: {  	v5 =	vld [tilespmem:s2+$0xAA0]  }
0x1c6: {  	v15 =	vld [tilespmem:s3+$0x1AA0];
	_ =	sdelay $0x1  }
0x1c7: {  	v16 =	vld [tilespmem:$0x2920];
	_ =	sdelay $0x2  }
0x1c8: {  	v5 =	vadd.f32 v15, v5;
	_ =	sdelay $0x1  }
0x1c9: {  	v5 =	vadd.f32 v16, v5;
	_ =	sdelay $0x1  }
0x1ca: {  	[tilespmem:s1+$0xFFFFFFA0] =	vst v5  }
0x1cb: {  	v5 =	vld [tilespmem:s2+$0xAB0]  }
0x1cc: {  	v17 =	vld [tilespmem:s3+$0x1AB0];
	_ =	sdelay $0x1  }
0x1cd: {  	v18 =	vld [tilespmem:$0x2930];
	_ =	sdelay $0x1  }
0x1ce: {  	[tilespmem:s0+$0xFFFFFFB0] =	vst v6  }
0x1cf: {  	v6 =	vld [tilespmem:s31+$0xAC0];
	v5 =	vadd.f32 v17, v5  }
0x1d0: {  	v19 =	vld [tilespmem:s5+$0x1AC0]  }
0x1d1: {  	v5 =	vadd.f32 v18, v5  }
0x1d2: {  	v20 =	vld [tilespmem:$0x2940]  }
0x1d3: {  	[tilespmem:s1+$0xFFFFFFB0] =	vst v5  }
0x1d4: {  	v5 =	vld [tilespmem:s2+$0xAC0]  }
0x1d5: {  	v6 =	vadd.f32 v19, v6;
	v9 =	vld [tilespmem:s3+$0x1AC0];
	_ =	sdelay $0x1  }
0x1d6: {  	v6 =	vadd.f32 v20, v6;
	v21 =	vld [tilespmem:$0x2940];
	_ =	sdelay $0x1  }
0x1d7: {  	[tilespmem:s0+$0xFFFFFFC0] =	vst v6  }
0x1d8: {  	v6 =	vld [tilespmem:s31+$0xAD0];
	v5 =	vadd.f32 v9, v5  }
0x1d9: {  	v22 =	vld [tilespmem:s5+$0x1AD0]  }
0x1da: {  	v5 =	vadd.f32 v21, v5  }
0x1db: {  	v23 =	vld [tilespmem:$0x2950]  }
0x1dc: {  	[tilespmem:s1+$0xFFFFFFC0] =	vst v5  }
0x1dd: {  	v5 =	vld [tilespmem:s2+$0xAD0]  }
0x1de: {  	v6 =	vadd.f32 v22, v6;
	v24 =	vld [tilespmem:s3+$0x1AD0];
	_ =	sdelay $0x1  }
0x1df: {  	v6 =	vadd.f32 v23, v6;
	v25 =	vld [tilespmem:$0x2950];
	_ =	sdelay $0x1  }
0x1e0: {  	[tilespmem:s0+$0xFFFFFFD0] =	vst v6  }
0x1e1: {  	v6 =	vld [tilespmem:s31+$0xAE0];
	v5 =	vadd.f32 v24, v5  }
0x1e2: {  	v26 =	vld [tilespmem:s5+$0x1AE0]  }
0x1e3: {  	v5 =	vadd.f32 v25, v5  }
0x1e4: {  	v27 =	vld [tilespmem:$0x2960]  }
0x1e5: {  	[tilespmem:s1+$0xFFFFFFD0] =	vst v5  }
0x1e6: {  	v5 =	vld [tilespmem:s2+$0xAE0]  }
0x1e7: {  	v6 =	vadd.f32 v26, v6;
	v28 =	vld [tilespmem:s3+$0x1AE0];
	_ =	sdelay $0x1  }
0x1e8: {  	v6 =	vadd.f32 v27, v6;
	v29 =	vld [tilespmem:$0x2960];
	_ =	sdelay $0x1  }
0x1e9: {  	[tilespmem:s0+$0xFFFFFFE0] =	vst v6  }
0x1ea: {  	v6 =	vld [tilespmem:s31+$0xAF0];
	v5 =	vadd.f32 v28, v5  }
0x1eb: {  	v30 =	vld [tilespmem:s5+$0x1AF0]  }
0x1ec: {  	v5 =	vadd.f32 v29, v5  }
0x1ed: {  	v31 =	vld [tilespmem:$0x2970]  }
0x1ee: {  	[tilespmem:s1+$0xFFFFFFE0] =	vst v5  }
0x1ef: {  	v5 =	vld [tilespmem:s2+$0xAF0]  }
0x1f0: {  	v6 =	vadd.f32 v30, v6;
	v32 =	vld [tilespmem:s3+$0x1AF0];
	_ =	sdelay $0x1  }
0x1f1: {  	v6 =	vadd.f32 v31, v6;
	v33 =	vld [tilespmem:$0x2970];
	_ =	sdelay $0x1  }
0x1f2: {  	[tilespmem:s0+$0xFFFFFFF0] =	vst v6  }
0x1f3: {  	v6 =	vld [tilespmem:s31+$0xE80];
	v5 =	vadd.f32 v32, v5  }
0x1f4: {  	v34 =	vld [tilespmem:s5+$0x1E80]  }
0x1f5: {  	v5 =	vadd.f32 v33, v5  }
0x1f6: {  	v35 =	vld [tilespmem:$0x2980]  }
0x1f7: {  	[tilespmem:s1+$0xFFFFFFF0] =	vst v5  }
0x1f8: {  	v5 =	vld [tilespmem:s2+$0xE80]  }
0x1f9: {  	v6 =	vadd.f32 v34, v6;
	v36 =	vld [tilespmem:s3+$0x1E80];
	_ =	sdelay $0x1  }
0x1fa: {  	v6 =	vadd.f32 v35, v6;
	v37 =	vld [tilespmem:$0x2980];
	_ =	sdelay $0x1  }
0x1fb: {  	[tilespmem:s0+$0x0] =	vst v6  }
0x1fc: {  	v6 =	vld [tilespmem:s31+$0xE90];
	v5 =	vadd.f32 v36, v5  }
0x1fd: {  	v38 =	vld [tilespmem:s5+$0x1E90]  }
0x1fe: {  	v5 =	vadd.f32 v37, v5  }
0x1ff: {  	v39 =	vld [tilespmem:$0x2990]  }
0x200: {  	[tilespmem:s1+$0x0] =	vst v5  }
0x201: {  	v5 =	vld [tilespmem:s2+$0xE90]  }
0x202: {  	v6 =	vadd.f32 v38, v6;
	v40 =	vld [tilespmem:s3+$0x1E90];
	_ =	sdelay $0x1  }
0x203: {  	v6 =	vadd.f32 v39, v6;
	v41 =	vld [tilespmem:$0x2990];
	_ =	sdelay $0x1  }
0x204: {  	[tilespmem:s0+$0x10] =	vst v6  }
0x205: {  	v6 =	vld [tilespmem:s31+$0xEA0];
	v5 =	vadd.f32 v40, v5  }
0x206: {  	v42 =	vld [tilespmem:s5+$0x1EA0]  }
0x207: {  	v5 =	vadd.f32 v41, v5  }
0x208: {  	v43 =	vld [tilespmem:$0x29A0]  }
0x209: {  	[tilespmem:s1+$0x10] =	vst v5  }
0x20a: {  	v3 =	vadd.f32 v4, v3;
	v5 =	vld [tilespmem:s2+$0xEA0]  }
0x20b: {  	v6 =	vadd.f32 v42, v6;
	v44 =	vld [tilespmem:s3+$0x1EA0]  }
0x20c: {  	v2 =	vadd.f32 v2, v3  }
0x20d: {  	v6 =	vadd.f32 v43, v6;
	v45 =	vld [tilespmem:$0x29A0]  }
0x20e: {  	[tilespmem:s28+$0x40] =	vst v2  }
0x20f: {  	v2 =	vld [tilespmem:s29+$0xED0];
	[tilespmem:s0+$0x20] =	vst v6  }
0x210: {  	v6 =	vld [tilespmem:s31+$0xEB0];
	v5 =	vadd.f32 v44, v5  }
0x211: {  	v46 =	vld [tilespmem:s5+$0x1EB0]  }
0x212: {  	v54 =	vld [tilespmem:s30+$0x1ED0];
	v5 =	vadd.f32 v45, v5  }
0x213: {  	v47 =	vld [tilespmem:$0x29B0]  }
0x214: {  	v55 =	vld [tilespmem:$0x29D0];
	[tilespmem:s1+$0x20] =	vst v5  }
0x215: {  	v5 =	vld [tilespmem:s2+$0xEB0]  }
0x216: {  	v6 =	vadd.f32 v46, v6;
	v48 =	vld [tilespmem:s3+$0x1EB0];
	_ =	sdelay $0x1  }
0x217: {  	v2 =	vadd.f32 v54, v2;
	v6 =	vadd.f32 v47, v6;
	v49 =	vld [tilespmem:$0x29B0];
	_ =	sdelay $0x1  }
0x218: {  	v2 =	vadd.f32 v55, v2;
	[tilespmem:s0+$0x30] =	vst v6  }
0x219: {  	v6 =	vld [tilespmem:s31+$0xEC0];
	v5 =	vadd.f32 v48, v5  }
0x21a: {  	[tilespmem:s28+$0x50] =	vst v2;
	v50 =	vld [tilespmem:s5+$0x1EC0]  }
0x21b: {  	v2 =	vld [tilespmem:s29+$0xEE0];
	v5 =	vadd.f32 v49, v5  }
0x21c: {  	v51 =	vld [tilespmem:$0x29C0]  }
0x21d: {  	v60 =	vld [tilespmem:s30+$0x1EE0];
	[tilespmem:s1+$0x30] =	vst v5  }
0x21e: {  	v52 =	vld [tilespmem:s2+$0xEC0]  }
0x21f: {  	v3 =	vadd.f32 v50, v6;
	v5 =	vld [tilespmem:s3+$0x1EC0]  }
0x220: {  	v61 =	vld [tilespmem:$0x29E0]  }
0x221: {  	v3 =	vadd.f32 v51, v3;
	v53 =	vld [tilespmem:$0x29C0];
	_ =	sdelay $0x1  }
0x222: {  	v2 =	vadd.f32 v60, v2;
	[tilespmem:s0+$0x40] =	vst v3  }
0x223: {  	v3 =	vld [tilespmem:s31+$0xED0];
	v4 =	vadd.f32 v5, v52  }
0x224: {  	v2 =	vadd.f32 v61, v2;
	v56 =	vld [tilespmem:s5+$0x1ED0]  }
0x225: {  	v4 =	vadd.f32 v53, v4  }
0x226: {  	[tilespmem:s28+$0x60] =	vst v2;
	v57 =	vld [tilespmem:$0x29D0]  }
0x227: {  	v2 =	vld [tilespmem:s29+$0xEF0];
	[tilespmem:s1+$0x40] =	vst v4  }
0x228: {  	v4 =	vld [tilespmem:s2+$0xED0]  }
0x229: {  	v3 =	vadd.f32 v56, v3;
	v58 =	vld [tilespmem:s3+$0x1ED0]  }
0x22a: {  	v12 =	vld [tilespmem:s30+$0x1EF0]  }
0x22b: {  	v3 =	vadd.f32 v57, v3;
	v59 =	vld [tilespmem:$0x29D0];
	_ =	sdelay $0x1  }
0x22c: {  	v13 =	vld [tilespmem:$0x29F0];
	[tilespmem:s0+$0x50] =	vst v3  }
0x22d: {  	v3 =	vld [tilespmem:s31+$0xEE0];
	v4 =	vadd.f32 v58, v4  }
0x22e: {  	v62 =	vld [tilespmem:s5+$0x1EE0]  }
0x22f: {  	v2 =	vadd.f32 v12, v2;
	v4 =	vadd.f32 v59, v4  }
0x230: {  	v63 =	vld [tilespmem:$0x29E0]  }
0x231: {  	v2 =	vadd.f32 v13, v2;
	[tilespmem:s1+$0x50] =	vst v4  }
0x232: {  	v4 =	vld [tilespmem:s2+$0xEE0]  }
0x233: {  	[tilespmem:s28+$0x70] =	vst v2;
	v3 =	vadd.f32 v62, v3;
	v10 =	vld [tilespmem:s3+$0x1EE0]  }
0x234: {  	v2 =	vld [tilespmem:s29+$0x1280]  }
0x235: {  	v3 =	vadd.f32 v63, v3;
	v11 =	vld [tilespmem:$0x29E0]  }
0x236: {  	v19 =	vld [tilespmem:$0x2A00]  }
0x237: {  	v18 =	vld [tilespmem:s30+$0x2280];
	[tilespmem:s0+$0x60] =	vst v3  }
0x238: {  	v3 =	vld [tilespmem:s31+$0xEF0];
	v4 =	vadd.f32 v10, v4  }
0x239: {  	v14 =	vld [tilespmem:s5+$0x1EF0]  }
0x23a: {  	v4 =	vadd.f32 v11, v4  }
0x23b: {  	v15 =	vld [tilespmem:$0x29F0]  }
0x23c: {  	v2 =	vadd.f32 v18, v2;
	[tilespmem:s1+$0x60] =	vst v4  }
0x23d: {  	v4 =	vld [tilespmem:s2+$0xEF0]  }
0x23e: {  	v2 =	vadd.f32 v19, v2;
	v3 =	vadd.f32 v14, v3;
	v16 =	vld [tilespmem:s3+$0x1EF0];
	_ =	sdelay $0x1  }
0x23f: {  	[tilespmem:s28+$0x80] =	vst v2;
	v3 =	vadd.f32 v15, v3;
	v17 =	vld [tilespmem:$0x29F0]  }
0x240: {  	v2 =	vld [tilespmem:s29+$0x1290]  }
0x241: {  	v24 =	vld [tilespmem:s30+$0x2290];
	[tilespmem:s0+$0x70] =	vst v3  }
0x242: {  	v3 =	vld [tilespmem:s31+$0x1280];
	v4 =	vadd.f32 v16, v4  }
0x243: {  	v20 =	vld [tilespmem:s5+$0x2280]  }
0x244: {  	v25 =	vld [tilespmem:$0x2A10];
	v4 =	vadd.f32 v17, v4  }
0x245: {  	v21 =	vld [tilespmem:$0x2A00]  }
0x246: {  	[tilespmem:s1+$0x70] =	vst v4  }
0x247: {  	v2 =	vadd.f32 v24, v2;
	v4 =	vld [tilespmem:s2+$0x1280]  }
0x248: {  	v3 =	vadd.f32 v20, v3;
	v22 =	vld [tilespmem:s3+$0x2280]  }
0x249: {  	v2 =	vadd.f32 v25, v2  }
0x24a: {  	v3 =	vadd.f32 v21, v3;
	v23 =	vld [tilespmem:$0x2A00]  }
0x24b: {  	[tilespmem:s28+$0x90] =	vst v2  }
0x24c: {  	v2 =	vld [tilespmem:s29+$0x12A0];
	[tilespmem:s0+$0x80] =	vst v3  }
0x24d: {  	v3 =	vld [tilespmem:s31+$0x1290];
	v4 =	vadd.f32 v22, v4  }
0x24e: {  	v26 =	vld [tilespmem:s5+$0x2290]  }
0x24f: {  	v30 =	vld [tilespmem:s30+$0x22A0];
	v4 =	vadd.f32 v23, v4  }
0x250: {  	v27 =	vld [tilespmem:$0x2A10]  }
0x251: {  	v31 =	vld [tilespmem:$0x2A20];
	[tilespmem:s1+$0x80] =	vst v4  }
0x252: {  	v4 =	vld [tilespmem:s2+$0x1290]  }
0x253: {  	v3 =	vadd.f32 v26, v3;
	v28 =	vld [tilespmem:s3+$0x2290];
	_ =	sdelay $0x1  }
0x254: {  	v2 =	vadd.f32 v30, v2;
	v3 =	vadd.f32 v27, v3;
	v29 =	vld [tilespmem:$0x2A10];
	_ =	sdelay $0x1  }
0x255: {  	v2 =	vadd.f32 v31, v2;
	[tilespmem:s0+$0x90] =	vst v3  }
0x256: {  	v3 =	vld [tilespmem:s31+$0x12A0];
	v4 =	vadd.f32 v28, v4  }
0x257: {  	[tilespmem:s28+$0xA0] =	vst v2;
	v32 =	vld [tilespmem:s5+$0x22A0]  }
0x258: {  	v2 =	vld [tilespmem:s29+$0x12B0];
	v4 =	vadd.f32 v29, v4  }
0x259: {  	v33 =	vld [tilespmem:$0x2A20]  }
0x25a: {  	v36 =	vld [tilespmem:s30+$0x22B0];
	[tilespmem:s1+$0x90] =	vst v4  }
0x25b: {  	v4 =	vld [tilespmem:s2+$0x12A0]  }
0x25c: {  	v3 =	vadd.f32 v32, v3;
	v34 =	vld [tilespmem:s3+$0x22A0]  }
0x25d: {  	v37 =	vld [tilespmem:$0x2A30]  }
0x25e: {  	v3 =	vadd.f32 v33, v3;
	v35 =	vld [tilespmem:$0x2A20];
	_ =	sdelay $0x1  }
0x25f: {  	v2 =	vadd.f32 v36, v2;
	[tilespmem:s0+$0xA0] =	vst v3  }
0x260: {  	v3 =	vld [tilespmem:s31+$0x12B0];
	v4 =	vadd.f32 v34, v4  }
0x261: {  	v2 =	vadd.f32 v37, v2;
	v38 =	vld [tilespmem:s5+$0x22B0]  }
0x262: {  	v4 =	vadd.f32 v35, v4  }
0x263: {  	[tilespmem:s28+$0xB0] =	vst v2;
	v39 =	vld [tilespmem:$0x2A30]  }
0x264: {  	v2 =	vld [tilespmem:s29+$0x12C0];
	[tilespmem:s1+$0xA0] =	vst v4  }
0x265: {  	v4 =	vld [tilespmem:s2+$0x12B0]  }
0x266: {  	v3 =	vadd.f32 v38, v3;
	v40 =	vld [tilespmem:s3+$0x22B0]  }
0x267: {  	v43 =	vld [tilespmem:s30+$0x22C0]  }
0x268: {  	v3 =	vadd.f32 v39, v3;
	v41 =	vld [tilespmem:$0x2A30]  }
0x269: {  	v42 =	vld [tilespmem:$0x2A50]  }
0x26a: {  	v44 =	vld [tilespmem:$0x2A40];
	[tilespmem:s0+$0xB0] =	vst v3  }
0x26b: {  	v3 =	vld [tilespmem:s31+$0x12C0];
	v4 =	vadd.f32 v40, v4  }
0x26c: {  	v0 =	vadd.f32 v1, v0;
	v45 =	vld [tilespmem:s5+$0x22C0]  }
0x26d: {  	v2 =	vadd.f32 v43, v2;
	v4 =	vadd.f32 v41, v4  }
0x26e: {  	v0 =	vadd.f32 v42, v0;
	v1 =	vld [tilespmem:$0x2A40]  }
0x26f: {  	v2 =	vadd.f32 v44, v2;
	[tilespmem:s1+$0xB0] =	vst v4  }
0x270: {  	[tilespmem:s24+$0xD0] =	vst v0;
	v4 =	vld [tilespmem:s2+$0x12C0]  }
0x271: {  	[tilespmem:s28+$0xC0] =	vst v2;
	v0 =	vadd.f32 v45, v3;
	v46 =	vld [tilespmem:s3+$0x22C0]  }
0x272: {  	v2 =	vld [tilespmem:s29+$0x12D0]  }
0x273: {  	v0 =	vadd.f32 v1, v0;
	v3 =	vld [tilespmem:$0x2A40]  }
0x274: {  	v48 =	vld [tilespmem:$0x2A50]  }
0x275: {  	v1 =	vld [tilespmem:s30+$0x22D0];
	[tilespmem:s0+$0xC0] =	vst v0  }
0x276: {  	v0 =	vld [tilespmem:s31+$0x12D0];
	v4 =	vadd.f32 v46, v4  }
0x277: {  	v49 =	vld [tilespmem:s5+$0x22D0]  }
0x278: {  	v47 =	vld [tilespmem:s25+$0x12E0];
	v3 =	vadd.f32 v3, v4  }
0x279: {  	v50 =	vld [tilespmem:$0x2A50]  }
0x27a: {  	v51 =	vld [tilespmem:s26+$0x22E0];
	v1 =	vadd.f32 v1, v2;
	[tilespmem:s1+$0xC0] =	vst v3  }
0x27b: {  	v2 =	vld [tilespmem:s2+$0x12D0]  }
0x27c: {  	v1 =	vadd.f32 v48, v1;
	v0 =	vadd.f32 v49, v0;
	v3 =	vld [tilespmem:s3+$0x22D0]  }
0x27d: {  	v53 =	vld [tilespmem:$0x2A60]  }
0x27e: {  	[tilespmem:s28+$0xD0] =	vst v1;
	v0 =	vadd.f32 v50, v0;
	v52 =	vld [tilespmem:$0x2A50]  }
0x27f: {  	v1 =	vld [tilespmem:s29+$0x12E0]  }
0x280: {  	v54 =	vld [tilespmem:s30+$0x22E0];
	[tilespmem:s0+$0xD0] =	vst v0  }
0x281: {  	v55 =	vld [tilespmem:s31+$0x12E0];
	v2 =	vadd.f32 v3, v2  }
0x282: {  	v56 =	vld [tilespmem:s5+$0x22E0]  }
0x283: {  	v0 =	vadd.f32 v51, v47;
	v57 =	vld [tilespmem:$0x2A60];
	v2 =	vadd.f32 v52, v2  }
0x284: {  	v3 =	vld [tilespmem:$0x2A60]  }
0x285: {  	v0 =	vadd.f32 v53, v0;
	[tilespmem:s1+$0xD0] =	vst v2  }
0x286: {  	v2 =	vld [tilespmem:s2+$0x12E0]  }
0x287: {  	[tilespmem:s24+$0xE0] =	vst v0;
	v0 =	vadd.f32 v54, v1;
	v4 =	vadd.f32 v56, v55;
	v1 =	vld [tilespmem:s3+$0x22E0]  }
0x288: {  	v58 =	vld [tilespmem:s25+$0x12F0]  }
0x289: {  	v4 =	vadd.f32 v57, v4;
	v0 =	vadd.f32 v3, v0;
	v3 =	vld [tilespmem:$0x2A60]  }
0x28a: {  	v59 =	vld [tilespmem:s26+$0x22F0]  }
0x28b: {  	v60 =	vld [tilespmem:$0x2A70];
	[tilespmem:s0+$0xE0] =	vst v4  }
0x28c: {  	v4 =	vld [tilespmem:s5+$0x22F0];
	[tilespmem:s28+$0xE0] =	vst v0;
	v1 =	vadd.f32 v1, v2  }
0x28d: {  	v0 =	vld [tilespmem:s29+$0x12F0]  }
0x28e: {  	v61 =	vld [tilespmem:$0x2A70];
	v1 =	vadd.f32 v3, v1  }
0x28f: {  	v2 =	vld [tilespmem:s30+$0x22F0]  }
0x290: {  	v3 =	vld [tilespmem:s31+$0x12F0];
	[tilespmem:s1+$0xE0] =	vst v1  }
0x291: {  	v1 =	vld [tilespmem:s2+$0x12F0]  }
0x292: {  	v62 =	vld [tilespmem:s3+$0x22F0]  }
0x293: {  	v10 =	vld [tilespmem:$0x2A70]  }
0x294: {  	v7 =	vadd.f32 v59, v58;
	v63 =	vld [tilespmem:$0x2A70]  }
0x295: {  	v0 =	vadd.f32 v2, v0  }
0x296: {  	v2 =	vadd.f32 v60, v7;
	v3 =	vadd.f32 v4, v3  }
0x297: {  	v0 =	vadd.f32 v61, v0;
	v1 =	vadd.f32 v62, v1  }
0x298: {  	[tilespmem:s24+$0xF0] =	vst v2;
	v2 =	vadd.f32 v10, v3  }
0x299: {  	[tilespmem:s28+$0xF0] =	vst v0;
	v0 =	vadd.f32 v63, v1  }
0x29a: {  	[tilespmem:s0+$0xF0] =	vst v2  }
0x29b: {  	s0 =	simm.s32 $0x0;
	[tilespmem:s1+$0xF0] =	vst v0  }
0x29c: {  	v0 =	vld [tilespmem:s0+$0x0];
	_ =	sdelay $0x1  }
0x29d: {  	v1 =	vld [tilespmem:s0+$0x200]  }
0x29e: {  	s24 =	simm.s32 $0x0;
	s1 =	simm.s32 $0x40  }
.LBB2_4:
0x29f: {  	p0 =	sne.s32 s1, $0x7C0  }
.Ltmp1:
0x2a0: {  	s2 =	sshra.s32 s1, $0x2;
	s1 =	sadd.s32 $0x40, s1;
	v2 =	vmul.u32 $0x6, v0;
	(pc) =	sbr.rel @p0 .LBB2_4-.Ltmp1, $4  }
0x2a1: {  	v0 =	vld [tilespmem:s2+$0x0]  }
0x2a2: {  	v2 =	vadd.s32 v1, v2  }
0x2a3: {  	v1 =	vld [tilespmem:s2+$0x200];
	v2 =	vshll.u32 v2, $0x9  }
0x2a4: {  	[tilespmem:s0+$0x6680] =	vst v2;
	s0 =	smov.u32 s2  }
0x2a5: {  	_ = 	snop  }
0x2a6: {  	v0 =	vmul.u32 $0x6, v0;
	_ =	sdelay $0x1  }
0x2a7: {  	v0 =	vadd.s32 v1, v0  }
0x2a8: {  	v0 =	vshll.u32 v0, $0x9  }
0x2a9: {  	[tilespmem:s0+$0x6680] =	vst v0  }
.LBB2_6:
0x2aa: {  	p0 =	seq.s32 s24, $0x0  }
0x2ab: {  	s0 =	simm.s32 @!p0 $0x1  }
0x2ac: {  	_ =	swait.ge @!p0 [sflag:s0], $0x2000  }
0x2ad: {  	[sflag:s0] =	ssyncset.done @!p0 $0x0  }
0x2ae: {  	s25 =	sshll.u32 s24, $0x5;
	[sflag:s0] =	ssyncadd.s32 @!p0 $0xFFFFE000  }
0x2af: {  	v0 =	vld [tilespmem:s25+$0x6680];
	_ =	sdelay $0x1  }
0x2b0: {  	v1 =	vld [tilespmem:s25+$0x6681]  }
0x2b1: {  	v2 =	vld [tilespmem:s25+$0x6682]  }
0x2b2: {  	v3 =	vld [tilespmem:s25+$0x6683]  }
0x2b3: {  	v4 =	vld [tilespmem:s25+$0x6684];
	(v2sf) =	vpush v0, $0x0  }
0x2b4: {  	v7 =	vld [tilespmem:s25+$0x6685]  }
0x2b5: {  	v28 =	vld [tilespmem:s25+$0x6686]  }
0x2b6: {  	v29 =	vld [tilespmem:s25+$0x6687]  }
0x2b7: {  	v30 =	vld [tilespmem:s25+$0x6688]  }
0x2b8: {  	v31 =	vld [tilespmem:s25+$0x6689]  }
0x2b9: {  	v10 =	vld [tilespmem:s25+$0x668A]  }
0x2ba: {  	v13 =	vld [tilespmem:s25+$0x668B]  }
0x2bb: {  	v34 =	vld [tilespmem:s25+$0x668C];
	(v2sf) =	vpush v1, $0x0  }
0x2bc: {  	v15 =	vld [tilespmem:s25+$0x668D]  }
0x2bd: {  	v23 =	vld [tilespmem:s25+$0x668E]  }
0x2be: {  	v38 =	vld [tilespmem:s25+$0x668F]  }
0x2bf: {  	v22 =	vld.msk [tilespmem:s25+$0x400 ss:$0x0], $0xffff  }
0x2c0: {  	v21 =	vld.msk [tilespmem:s25+$0x401 ss:$0x0], $0xffff  }
0x2c1: {  	v20 =	vld.msk [tilespmem:s25+$0x402 ss:$0x0], $0xffff  }
0x2c2: {  	v19 =	vld.msk [tilespmem:s25+$0x403 ss:$0x0], $0xffff;
	s12 =	spop (v2sf)  }
0x2c3: {  	v18 =	vld.msk [tilespmem:s25+$0x404 ss:$0x0], $0xffff;
	(v2sf) =	vpush v2, $0x0;
	s0 =	sadd.s32 $0x2A80, s12  }
0x2c4: {  	v17 =	vld.msk [tilespmem:s25+$0x405 ss:$0x0], $0xffff;
	v24 =	vmov s0  }
0x2c5: {  	v16 =	vld.msk [tilespmem:s25+$0x406 ss:$0x0], $0xffff  }
0x2c6: {  	s26 =	simm.s32 $0x0;
	v14 =	vld.msk [tilespmem:s25+$0x407 ss:$0x0], $0xffff  }
0x2c7: {  	v5 =	vld [tilespmem:s26+$0x2680]  }
0x2c8: {  	v12 =	vld.msk [tilespmem:s25+$0x408 ss:$0x0], $0xffff  }
0x2c9: {  	v0 =	vld.idx.msk [tilespmem:v24+s26+$0x0 ss:$0x1], $0xffff  }
0x2ca: {  	v11 =	vld.msk [tilespmem:s25+$0x409 ss:$0x0], $0xffff;
	s13 =	spop (v2sf)  }
0x2cb: {  	v9 =	vld.msk [tilespmem:s25+$0x40A ss:$0x0], $0xffff;
	(v2sf) =	vpush v3, $0x0;
	s0 =	sadd.s32 $0x2A80, s13  }
0x2cc: {  	v8 =	vld.msk [tilespmem:s25+$0x40B ss:$0x0], $0xffff;
	v2 =	vmul.f32 v5, v22;
	v25 =	vmov s0  }
0x2cd: {  	s9 =	simm.s32 $0x0;
	v6 =	vld.msk [tilespmem:s25+$0x40C ss:$0x0], $0xffff  }
0x2ce: {  	s14 =	sand.u32 $0x70, s9;
	s1 =	sand.u32 $0xC00, s9;
	v1 =	vld.msk [tilespmem:s25+$0x40E ss:$0x0], $0xffff;
	v2 =	vadd.f32 v2, v0  }
0x2cf: {  	s5 =	sor.u32 s14, s1;
	v3 =	vld.msk [tilespmem:s25+$0x40D ss:$0x0], $0xffff  }
0x2d0: {  	v0 =	vld.msk [tilespmem:s25+$0x40F ss:$0x0], $0xffff;
	[tilespmem:s5+$0x6900] =	vst v2  }
0x2d1: {  	v27 =	vld.idx.msk [tilespmem:v25+s26+$0x0 ss:$0x1], $0xffff  }
0x2d2: {  	s15 =	spop (v2sf)  }
0x2d3: {  	(v2sf) =	vpush v4, $0x0;
	s0 =	sadd.s32 $0x2A80, s15  }
0x2d4: {  	s1 =	simm.s32 $0x10;
	v4 =	vmul.f32 v5, v21;
	v26 =	vmov s0  }
0x2d5: {  	v2 =	vld [tilespmem:s1+$0x2680]  }
0x2d6: {  	v4 =	vadd.f32 v27, v4  }
0x2d7: {  	v32 =	vld.idx.msk [tilespmem:v24+s1+$0x0 ss:$0x1], $0xffff  }
0x2d8: {  	[tilespmem:s5+$0x6980] =	vst v4  }
0x2d9: {  	v4 =	vld.idx.msk [tilespmem:v26+s26+$0x0 ss:$0x1], $0xffff  }
0x2da: {  	s16 =	spop (v2sf);
	(v2sf) =	vpush v7, $0x0;
	v7 =	vmul.f32 v2, v22  }
0x2db: {  	s4 =	simm.s32 $0x80;
	s11 =	simm.s32 $0x10;
	s0 =	sadd.s32 $0x2A80, s16  }
0x2dc: {  	s17 =	sand.u32 $0x70, s11;
	s2 =	sand.u32 $0xC00, s4;
	v33 =	vmul.f32 v5, v20;
	v27 =	vmov s0;
	v7 =	vadd.f32 v7, v32  }
0x2dd: {  	s0 =	sor.u32 s17, s2  }
0x2de: {  	[tilespmem:s0+$0x6900] =	vst v7;
	v4 =	vadd.f32 v4, v33  }
0x2df: {  	v7 =	vld.idx.msk [tilespmem:v25+s1+$0x0 ss:$0x1], $0xffff  }
0x2e0: {  	[tilespmem:s5+$0x6A00] =	vst v4  }
0x2e1: {  	v60 =	vld.idx.msk [tilespmem:v27+s26+$0x0 ss:$0x1], $0xffff  }
0x2e2: {  	v61 =	vmul.f32 v2, v21;
	s18 =	spop (v2sf)  }
0x2e3: {  	s3 =	simm.s32 $0x20;
	(v2sf) =	vpush v28, $0x0;
	s2 =	sadd.s32 $0x2A80, s18  }
0x2e4: {  	v35 =	vmul.f32 v5, v19;
	v7 =	vadd.f32 v7, v61;
	v4 =	vld [tilespmem:s3+$0x2680];
	v28 =	vmov s2;
	_ =	sdelay $0x1  }
0x2e5: {  	v62 =	vld.idx.msk [tilespmem:v24+s3+$0x0 ss:$0x1], $0xffff;
	[tilespmem:s0+$0x6980] =	vst v7;
	v32 =	vadd.f32 v60, v35  }
0x2e6: {  	v7 =	vld.idx.msk [tilespmem:v26+s1+$0x0 ss:$0x1], $0xffff  }
0x2e7: {  	[tilespmem:s5+$0x6A80] =	vst v32  }
0x2e8: {  	v63 =	vmul.f32 v4, v22;
	v32 =	vld.idx.msk [tilespmem:v28+s26+$0x0 ss:$0x1], $0xffff  }
0x2e9: {  	s15 =	simm.s32 $0x100;
	s16 =	simm.s32 $0x20;
	v36 =	vmul.f32 v2, v20;
	s19 =	spop (v2sf)  }
0x2ea: {  	s6 =	sand.u32 $0xC00, s15;
	s20 =	sand.u32 $0x70, s16;
	(v2sf) =	vpush v29, $0x0;
	s2 =	sadd.s32 $0x2A80, s19;
	v33 =	vadd.f32 v63, v62  }
0x2eb: {  	v39 =	vmul.f32 v5, v18;
	v29 =	vmov s2;
	s2 =	sor.u32 s20, s6;
	v7 =	vadd.f32 v7, v36  }
0x2ec: {  	[tilespmem:s2+$0x6900] =	vst v33  }
0x2ed: {  	[tilespmem:s0+$0x6A00] =	vst v7;
	v33 =	vld.idx.msk [tilespmem:v25+s3+$0x0 ss:$0x1], $0xffff;
	v32 =	vadd.f32 v32, v39  }
0x2ee: {  	v40 =	vld.idx.msk [tilespmem:v27+s1+$0x0 ss:$0x1], $0xffff  }
0x2ef: {  	[tilespmem:s5+$0x6B00] =	vst v32  }
0x2f0: {  	v41 =	vmul.f32 v4, v21;
	v32 =	vld.idx.msk [tilespmem:v29+s26+$0x0 ss:$0x1], $0xffff  }
0x2f1: {  	s28 =	simm.s32 $0x30;
	v37 =	vmul.f32 v2, v19;
	s21 =	spop (v2sf)  }
0x2f2: {  	v7 =	vld [tilespmem:s28+$0x2680];
	(v2sf) =	vpush v30, $0x0;
	v33 =	vadd.f32 v33, v41;
	s6 =	sadd.s32 $0x2A80, s21  }
0x2f3: {  	v42 =	vmul.f32 v5, v17;
	v35 =	vadd.f32 v40, v37;
	v30 =	vmov s6  }
0x2f4: {  	v43 =	vld.idx.msk [tilespmem:v24+s28+$0x0 ss:$0x1], $0xffff;
	[tilespmem:s2+$0x6980] =	vst v33  }
0x2f5: {  	[tilespmem:s0+$0x6A80] =	vst v35;
	v33 =	vld.idx.msk [tilespmem:v26+s3+$0x0 ss:$0x1], $0xffff;
	v32 =	vadd.f32 v32, v42  }
0x2f6: {  	v35 =	vld.idx.msk [tilespmem:v28+s1+$0x0 ss:$0x1], $0xffff  }
0x2f7: {  	v45 =	vmul.f32 v7, v22;
	[tilespmem:s5+$0x6B80] =	vst v32  }
0x2f8: {  	s17 =	simm.s32 $0x180;
	s18 =	simm.s32 $0x30;
	v39 =	vmul.f32 v4, v20;
	v44 =	vld.idx.msk [tilespmem:v30+s26+$0x0 ss:$0x1], $0xffff  }
0x2f9: {  	v46 =	vmul.f32 v2, v18;
	s10 =	sand.u32 $0xC00, s17;
	s7 =	sand.u32 $0x70, s18;
	s22 =	spop (v2sf);
	(v2sf) =	vpush v31, $0x0;
	v31 =	vadd.f32 v45, v43  }
0x2fa: {  	s29 =	sor.u32 s7, s10;
	s6 =	sadd.s32 $0x2A80, s22;
	v33 =	vadd.f32 v33, v39  }
0x2fb: {  	v47 =	vmul.f32 v5, v16;
	[tilespmem:s29+$0x6900] =	vst v31;
	v31 =	vadd.f32 v35, v46;
	v32 =	vmov s6  }
0x2fc: {  	v48 =	vld.idx.msk [tilespmem:v25+s28+$0x0 ss:$0x1], $0xffff;
	[tilespmem:s2+$0x6A00] =	vst v33  }
0x2fd: {  	[tilespmem:s0+$0x6B00] =	vst v31;
	v50 =	vld.idx.msk [tilespmem:v27+s3+$0x0 ss:$0x1], $0xffff;
	v49 =	vadd.f32 v44, v47  }
0x2fe: {  	v51 =	vld.idx.msk [tilespmem:v29+s1+$0x0 ss:$0x1], $0xffff  }
0x2ff: {  	v31 =	vmul.f32 v7, v21;
	[tilespmem:s5+$0x6C00] =	vst v49  }
0x300: {  	s30 =	simm.s32 $0x40;
	v52 =	vmul.f32 v4, v19;
	v33 =	vld.idx.msk [tilespmem:v32+s26+$0x0 ss:$0x1], $0xffff  }
0x301: {  	v40 =	vmul.f32 v2, v17;
	v35 =	vadd.f32 v48, v31;
	s23 =	spop (v2sf);
	(v2sf) =	vpush v10, $0x0;
	v10 =	vld [tilespmem:s30+$0x2680]  }
0x302: {  	s6 =	sadd.s32 $0x2A80, s23;
	v36 =	vadd.f32 v50, v52  }
0x303: {  	v53 =	vmul.f32 v5, v14;
	v41 =	vld.idx.msk [tilespmem:v24+s30+$0x0 ss:$0x1], $0xffff;
	[tilespmem:s29+$0x6980] =	vst v35;
	v54 =	vadd.f32 v51, v40;
	v31 =	vmov s6  }
0x304: {  	v55 =	vld.idx.msk [tilespmem:v26+s28+$0x0 ss:$0x1], $0xffff;
	[tilespmem:s2+$0x6A80] =	vst v36  }
0x305: {  	s7 =	sor.u32 s9, s9;
	[tilespmem:s0+$0x6B80] =	vst v54;
	v36 =	vld.idx.msk [tilespmem:v28+s3+$0x0 ss:$0x1], $0xffff;
	v33 =	vadd.f32 v33, v53  }
0x306: {  	s6 =	sor.u32 $0x380, s7;
	v35 =	vld.idx.msk [tilespmem:v30+s1+$0x0 ss:$0x1], $0xffff;
	v56 =	vmul.f32 v10, v22  }
0x307: {  	s9 =	simm.s32 $0x200;
	s10 =	simm.s32 $0x40;
	v58 =	vmul.f32 v7, v20;
	[tilespmem:s6+$0x6900] =	vst v33  }
0x308: {  	s13 =	sand.u32 $0x70, s10;
	s12 =	sand.u32 $0xC00, s9;
	v42 =	vmul.f32 v4, v18;
	v41 =	vadd.f32 v56, v41;
	v57 =	vld.idx.msk [tilespmem:v31+s26+$0x0 ss:$0x1], $0xffff  }
0x309: {  	v59 =	vmul.f32 v2, v16;
	s31 =	sor.u32 s13, s12;
	s8 =	spop (v2sf);
	(v2sf) =	vpush v13, $0x0;
	v13 =	vadd.f32 v55, v58  }
0x30a: {  	[tilespmem:s31+$0x6900] =	vst v41;
	v36 =	vadd.f32 v36, v42;
	s6 =	sadd.s32 $0x2A80, s8  }
0x30b: {  	v60 =	vmul.f32 v5, v12;
	[tilespmem:s29+$0x6A00] =	vst v13;
	v13 =	vadd.f32 v35, v59;
	v41 =	vld.idx.msk [tilespmem:v25+s30+$0x0 ss:$0x1], $0xffff;
	v33 =	vmov s6  }
0x30c: {  	v61 =	vld.idx.msk [tilespmem:v27+s28+$0x0 ss:$0x1], $0xffff;
	[tilespmem:s2+$0x6B00] =	vst v36  }
0x30d: {  	[tilespmem:s0+$0x6C00] =	vst v13;
	v63 =	vld.idx.msk [tilespmem:v29+s3+$0x0 ss:$0x1], $0xffff;
	v62 =	vadd.f32 v57, v60  }
0x30e: {  	s13 =	simm.s32 $0x50;
	v46 =	vmul.f32 v10, v21;
	v45 =	vld.idx.msk [tilespmem:v32+s1+$0x0 ss:$0x1], $0xffff  }
0x30f: {  	v48 =	vmul.f32 v7, v19;
	v13 =	vld [tilespmem:s13+$0x2680];
	[tilespmem:s5+$0x7900] =	vst v62  }
0x310: {  	v49 =	vmul.f32 v4, v17;
	v36 =	vadd.f32 v41, v46;
	v47 =	vld.idx.msk [tilespmem:v33+s26+$0x0 ss:$0x1], $0xffff  }
0x311: {  	v50 =	vmul.f32 v2, v14;
	v35 =	vadd.f32 v61, v48;
	s14 =	spop (v2sf);
	(v2sf) =	vpush v34, $0x0  }
0x312: {  	v43 =	vld.idx.msk [tilespmem:v24+s13+$0x0 ss:$0x1], $0xffff;
	s6 =	sadd.s32 $0x2A80, s14;
	[tilespmem:s31+$0x6980] =	vst v36;
	v51 =	vadd.f32 v63, v49  }
0x313: {  	s4 =	sor.u32 s4, s11;
	v52 =	vmul.f32 v5, v11;
	[tilespmem:s29+$0x6A80] =	vst v35;
	v34 =	vmov s6;
	v54 =	vadd.f32 v45, v50;
	v53 =	vld.idx.msk [tilespmem:v26+s30+$0x0 ss:$0x1], $0xffff  }
0x314: {  	s4 =	sor.u32 $0x380, s4;
	v55 =	vld.idx.msk [tilespmem:v28+s28+$0x0 ss:$0x1], $0xffff;
	[tilespmem:s2+$0x6B80] =	vst v51  }
0x315: {  	v58 =	vmul.f32 v13, v22;
	[tilespmem:s4+$0x6900] =	vst v54;
	v57 =	vld.idx.msk [tilespmem:v30+s3+$0x0 ss:$0x1], $0xffff;
	v56 =	vadd.f32 v47, v52  }
0x316: {  	s11 =	simm.s32 $0x280;
	s12 =	simm.s32 $0x50;
	v60 =	vmul.f32 v10, v20;
	v59 =	vld.idx.msk [tilespmem:v31+s1+$0x0 ss:$0x1], $0xffff  }
0x317: {  	s20 =	sand.u32 $0xC00, s11;
	s19 =	sand.u32 $0x70, s12;
	v35 =	vadd.f32 v58, v43;
	v62 =	vmul.f32 v7, v18;
	[tilespmem:s5+$0x7980] =	vst v56  }
0x318: {  	v44 =	vmul.f32 v4, v16;
	s4 =	sor.u32 s19, s20;
	v41 =	vadd.f32 v53, v60;
	v61 =	vld.idx.msk [tilespmem:v34+s26+$0x0 ss:$0x1], $0xffff  }
0x319: {  	v48 =	vmul.f32 v2, v12;
	s21 =	spop (v2sf);
	[tilespmem:s4+$0x6900] =	vst v35;
	v63 =	vadd.f32 v55, v62  }
0x31a: {  	(v2sf) =	vpush v15, $0x0;
	s22 =	sadd.s32 $0x2A80, s21;
	v49 =	vld.idx.msk [tilespmem:v25+s13+$0x0 ss:$0x1], $0xffff;
	[tilespmem:s31+$0x6A00] =	vst v41;
	v37 =	vadd.f32 v57, v44  }
0x31b: {  	v50 =	vmul.f32 v5, v9;
	v36 =	vmov s22;
	[tilespmem:s29+$0x6B00] =	vst v63;
	v52 =	vadd.f32 v59, v48;
	v51 =	vld.idx.msk [tilespmem:v27+s30+$0x0 ss:$0x1], $0xffff  }
0x31c: {  	v53 =	vld.idx.msk [tilespmem:v29+s28+$0x0 ss:$0x1], $0xffff;
	[tilespmem:s2+$0x6C00] =	vst v37  }
0x31d: {  	v56 =	vmul.f32 v13, v21;
	[tilespmem:s0+$0x7900] =	vst v52;
	v55 =	vld.idx.msk [tilespmem:v32+s3+$0x0 ss:$0x1], $0xffff;
	v54 =	vadd.f32 v61, v50  }
0x31e: {  	s14 =	simm.s32 $0x60;
	v58 =	vmul.f32 v10, v19;
	v57 =	vld.idx.msk [tilespmem:v33+s1+$0x0 ss:$0x1], $0xffff  }
0x31f: {  	v15 =	vld [tilespmem:s14+$0x2680];
	v60 =	vmul.f32 v7, v17;
	v35 =	vadd.f32 v49, v56;
	[tilespmem:s5+$0x7A00] =	vst v54  }
0x320: {  	s23 =	spop (v2sf);
	(v2sf) =	vpush v23, $0x0;
	v37 =	vadd.f32 v51, v58;
	v61 =	vmul.f32 v4, v14;
	v59 =	vld.idx.msk [tilespmem:v36+s26+$0x0 ss:$0x1], $0xffff  }
0x321: {  	v62 =	vmul.f32 v2, v11;
	v39 =	vadd.f32 v53, v60;
	v23 =	vld.idx.msk [tilespmem:v24+s14+$0x0 ss:$0x1], $0xffff;
	[tilespmem:s4+$0x6980] =	vst v35  }
0x322: {  	s7 =	sor.u32 s15, s16;
	s6 =	sadd.s32 $0x2A80, s23;
	v45 =	vld.idx.msk [tilespmem:v26+s13+$0x0 ss:$0x1], $0xffff;
	[tilespmem:s31+$0x6A80] =	vst v37;
	v63 =	vadd.f32 v55, v61  }
0x323: {  	v48 =	vmul.f32 v5, v8;
	[tilespmem:s29+$0x6B80] =	vst v39;
	v35 =	vmov s6;
	s6 =	sor.u32 $0x380, s7;
	v50 =	vadd.f32 v57, v62;
	v49 =	vld.idx.msk [tilespmem:v28+s30+$0x0 ss:$0x1], $0xffff  }
0x324: {  	v53 =	vmul.f32 v15, v22;
	v51 =	vld.idx.msk [tilespmem:v30+s28+$0x0 ss:$0x1], $0xffff;
	[tilespmem:s6+$0x6900] =	vst v63  }
0x325: {  	s22 =	simm.s32 $0x60;
	s23 =	simm.s32 $0x300;
	v55 =	vmul.f32 v13, v20;
	[tilespmem:s0+$0x7980] =	vst v50;
	v54 =	vld.idx.msk [tilespmem:v31+s3+$0x0 ss:$0x1], $0xffff;
	v52 =	vadd.f32 v59, v48  }
0x326: {  	s16 =	simm.s32 $0x70;
	s8 =	sand.u32 $0x70, s22;
	v58 =	vmul.f32 v10, v18;
	s15 =	sand.u32 $0xC00, s23;
	v57 =	vadd.f32 v53, v23;
	v56 =	vld.idx.msk [tilespmem:v34+s1+$0x0 ss:$0x1], $0xffff  }
0x327: {  	s15 =	sor.u32 s8, s15;
	v23 =	vld [tilespmem:s16+$0x2680];
	v39 =	vadd.f32 v45, v55;
	v59 =	vmul.f32 v7, v16;
	[tilespmem:s5+$0x7A80] =	vst v52  }
0x328: {  	v60 =	vmul.f32 v4, v12;
	[tilespmem:s15+$0x6900] =	vst v57;
	v40 =	vadd.f32 v49, v58;
	v46 =	vld.idx.msk [tilespmem:v35+s26+$0x0 ss:$0x1], $0xffff  }
0x329: {  	s19 =	spop (v2sf);
	v62 =	vmul.f32 v2, v9;
	v47 =	vld.idx.msk [tilespmem:v25+s14+$0x0 ss:$0x1], $0xffff;
	[tilespmem:s4+$0x6A00] =	vst v39;
	v61 =	vadd.f32 v51, v59  }
0x32a: {  	(v2sf) =	vpush v38, $0x0;
	s6 =	sadd.s32 $0x2A80, s19;
	v63 =	vld.idx.msk [tilespmem:v27+s13+$0x0 ss:$0x1], $0xffff;
	[tilespmem:s31+$0x6B00] =	vst v40;
	v48 =	vadd.f32 v54, v60  }
0x32b: {  	v37 =	vmov s6;
	v49 =	vmul.f32 v5, v6;
	v50 =	vld.idx.msk [tilespmem:v29+s30+$0x0 ss:$0x1], $0xffff;
	v51 =	vadd.f32 v56, v62;
	[tilespmem:s29+$0x6C00] =	vst v61  }
0x32c: {  	v54 =	vmul.f32 v15, v21;
	[tilespmem:s2+$0x7900] =	vst v48;
	v52 =	vld.idx.msk [tilespmem:v32+s28+$0x0 ss:$0x1], $0xffff  }
0x32d: {  	v56 =	vmul.f32 v13, v19;
	[tilespmem:s0+$0x7A00] =	vst v51;
	v55 =	vld.idx.msk [tilespmem:v33+s3+$0x0 ss:$0x1], $0xffff;
	v53 =	vadd.f32 v46, v49  }
0x32e: {  	s21 =	sor.u32 s17, s18;
	v58 =	vadd.f32 v47, v54;
	v57 =	vld.idx.msk [tilespmem:v36+s1+$0x0 ss:$0x1], $0xffff  }
0x32f: {  	s8 =	sor.u32 $0x380, s21;
	v59 =	vmul.f32 v10, v17;
	v62 =	vld.idx.msk [tilespmem:v24+s16+$0x0 ss:$0x1], $0xffff;
	v39 =	vadd.f32 v63, v56;
	s20 =	spop (v2sf);
	[tilespmem:s5+$0x7B00] =	vst v53  }
0x330: {  	s21 =	simm.s32 $0x70;
	v61 =	vmul.f32 v7, v14;
	v63 =	vmul.f32 v4, v11;
	[tilespmem:s15+$0x6980] =	vst v58;
	s6 =	sadd.s32 $0x2A80, s20;
	s20 =	simm.s32 $0x380;
	v60 =	vld.idx.msk [tilespmem:v37+s26+$0x0 ss:$0x1], $0xffff  }
0x331: {  	s17 =	sand.u32 $0x70, s21;
	[tilespmem:s4+$0x6A80] =	vst v39;
	v40 =	vadd.f32 v50, v59;
	v48 =	vld.idx.msk [tilespmem:v26+s14+$0x0 ss:$0x1], $0xffff;
	s18 =	sand.u32 $0xC00, s20;
	v53 =	vmul.f32 v2, v8  }
0x332: {  	v38 =	vmov s6;
	v45 =	vld.idx.msk [tilespmem:v28+s13+$0x0 ss:$0x1], $0xffff;
	s17 =	sor.u32 s17, s18;
	s18 =	simm.s32 $0x80;
	v52 =	vadd.f32 v52, v61  }
0x333: {  	[tilespmem:s31+$0x6B80] =	vst v40;
	v39 =	vld [tilespmem:s18+$0x2680];
	v54 =	vadd.f32 v55, v63;
	v55 =	vmul.f32 v5, v3;
	v56 =	vadd.f32 v57, v53  }
0x334: {  	v59 =	vmul.f32 v15, v20;
	v44 =	vld.idx.msk [tilespmem:v30+s30+$0x0 ss:$0x1], $0xffff;
	[tilespmem:s8+$0x6900] =	vst v52;
	v57 =	vmul.f32 v23, v22  }
0x335: {  	v61 =	vmul.f32 v13, v18;
	v49 =	vld.idx.msk [tilespmem:v31+s28+$0x0 ss:$0x1], $0xffff;
	[tilespmem:s0+$0x7A80] =	vst v56;
	v58 =	vadd.f32 v60, v55  }
0x336: {  	[tilespmem:s2+$0x7980] =	vst v54;
	v63 =	vadd.f32 v48, v59;
	v41 =	vadd.f32 v57, v62;
	v62 =	vld.idx.msk [tilespmem:v35+s1+$0x0 ss:$0x1], $0xffff  }
0x337: {  	v52 =	vmul.f32 v10, v16;
	v60 =	vld.idx.msk [tilespmem:v34+s3+$0x0 ss:$0x1], $0xffff;
	[tilespmem:s5+$0x7B80] =	vst v58  }
0x338: {  	v54 =	vadd.f32 v45, v61;
	[tilespmem:s15+$0x6A00] =	vst v63;
	v55 =	vmul.f32 v7, v12;
	v53 =	vld.idx.msk [tilespmem:v38+s26+$0x0 ss:$0x1], $0xffff  }
0x339: {  	s19 =	spop (v2sf);
	v59 =	vmul.f32 v2, v6;
	v56 =	vadd.f32 v44, v52;
	v46 =	vld.idx.msk [tilespmem:v27+s14+$0x0 ss:$0x1], $0xffff;
	[tilespmem:s17+$0x6900] =	vst v41  }
0x33a: {  	s6 =	sadd.s32 $0x2A80, s19;
	v57 =	vmul.f32 v4, v9;
	[tilespmem:s4+$0x6B00] =	vst v54;
	v50 =	vld.idx.msk [tilespmem:v25+s16+$0x0 ss:$0x1], $0xffff;
	v58 =	vadd.f32 v49, v55  }
0x33b: {  	v40 =	vmov s6;
	v61 =	vmul.f32 v5, v1;
	v45 =	vld.idx.msk [tilespmem:v29+s13+$0x0 ss:$0x1], $0xffff;
	[tilespmem:s31+$0x6C00] =	vst v56;
	v62 =	vadd.f32 v62, v59  }
0x33c: {  	v44 =	vld.idx.msk [tilespmem:v32+s30+$0x0 ss:$0x1], $0xffff;
	[tilespmem:s29+$0x7900] =	vst v58;
	v60 =	vadd.f32 v60, v57  }
0x33d: {  	v63 =	vmul.f32 v23, v21;
	v43 =	vld.idx.msk [tilespmem:v33+s28+$0x0 ss:$0x1], $0xffff;
	[tilespmem:s0+$0x7B00] =	vst v62;
	v51 =	vadd.f32 v53, v61  }
0x33e: {  	v48 =	vmul.f32 v15, v19;
	[tilespmem:s2+$0x7A00] =	vst v60;
	v41 =	vld.idx.msk [tilespmem:v37+s1+$0x0 ss:$0x1], $0xffff  }
0x33f: {  	v47 =	vmul.f32 v13, v17;
	s19 =	simm.s32 $0x240;
	v49 =	vadd.f32 v50, v63;
	v42 =	vld.idx.msk [tilespmem:v36+s3+$0x0 ss:$0x1], $0xffff;
	[tilespmem:s5+$0x7C00] =	vst v51  }
.LBB2_7:
0x340: {  	p1 =	sne.s32 s19, $0x7C0;
	v46 =	vadd.f32 v46, v48;
	v48 =	vmul.f32 v10, v14;
	v50 =	vld.idx.msk [tilespmem:v40+s26+$0x0 ss:$0x1], $0xffff;
	s26 =	smov.u32 s1;
	s1 =	smov.u32 s3  }
0x341: {  	s3 =	smov.u32 s28;
	s28 =	smov.u32 s30;
	s30 =	smov.u32 s13;
	v51 =	vld.idx.msk [tilespmem:v24+s18+$0x0 ss:$0x1], $0xffff;
	[tilespmem:s17+$0x6980] =	vst v49;
	v45 =	vadd.f32 v45, v47;
	v47 =	vmul.f32 v7, v11  }
0x342: {  	s6 =	sor.u32 s9, s10;
	s9 =	smov.u32 s11;
	s11 =	smov.u32 s23;
	v49 =	vld.idx.msk [tilespmem:v26+s16+$0x0 ss:$0x1], $0xffff;
	[tilespmem:s15+$0x6A80] =	vst v46;
	v44 =	vadd.f32 v44, v48;
	v46 =	vmul.f32 v4, v8  }
0x343: {  	s23 =	smov.u32 s20;
	s10 =	smov.u32 s12;
	s6 =	sor.u32 $0x380, s6;
	v48 =	vld.idx.msk [tilespmem:v28+s14+$0x0 ss:$0x1], $0xffff;
	[tilespmem:s4+$0x6B80] =	vst v45;
	v43 =	vadd.f32 v43, v47;
	v45 =	vmul.f32 v2, v3  }
0x344: {  	s12 =	smov.u32 s22;
	s22 =	smov.u32 s21;
	s13 =	smov.u32 s14;
	v47 =	vld.idx.msk [tilespmem:v30+s30+$0x0 ss:$0x1], $0xffff;
	[tilespmem:s6+$0x6900] =	vst v44;
	v42 =	vadd.f32 v42, v46;
	v44 =	vmul.f32 v5, v0;
	v5 =	vmov v2  }
0x345: {  	s14 =	smov.u32 s16;
	s16 =	smov.u32 s18;
	v46 =	vmul.f32 v39, v22;
	v2 =	vmov v4;
	v52 =	vld.idx.msk [tilespmem:v31+s28+$0x0 ss:$0x1], $0xffff;
	[tilespmem:s29+$0x7980] =	vst v43;
	v41 =	vadd.f32 v41, v45  }
0x346: {  	s20 =	sadd.s32 $0x80, s20;
	s21 =	sadd.s32 $0x10, s21;
	v4 =	vmov v7;
	v43 =	vmul.f32 v23, v20;
	v53 =	vld.idx.msk [tilespmem:v34+s3+$0x0 ss:$0x1], $0xffff;
	[tilespmem:s2+$0x7A80] =	vst v42;
	v42 =	vadd.f32 v50, v44  }
0x347: {  	s7 =	sand.u32 $0xC00, s20;
	s6 =	sand.u32 $0x70, s21;
	v7 =	vmov v10;
	v45 =	vmul.f32 v15, v18;
	v44 =	vadd.f32 v46, v51;
	v50 =	vld.idx.msk [tilespmem:v35+s1+$0x0 ss:$0x1], $0xffff;
	[tilespmem:s0+$0x7B80] =	vst v41  }
0x348: {  	s18 =	sshra.s32 s19, $0x2;
	v10 =	vmov v13;
	s6 =	sor.u32 s6, s7;
	v41 =	vadd.f32 v49, v43;
	v43 =	vmul.f32 v13, v16;
	v49 =	vld.idx.msk [tilespmem:v38+s26+$0x0 ss:$0x1], $0xffff;
	[tilespmem:s5+$0x7C80] =	vst v42;
	s5 =	smov.u32 s0  }
0x349: {  	v13 =	vmovc v15;
	v15 =	vmov v23;
	s0 =	smov.u32 s2;
	s2 =	smov.u32 s29;
	s29 =	smov.u32 s31;
	v42 =	vld [tilespmem:s18+$0x2680];
	[tilespmem:s6+$0x6900] =	vst v44;
	v44 =	vadd.f32 v48, v45;
	v45 =	vmul.f32 v7, v12  }
0x34a: {  	v23 =	vmov v39;
	s31 =	smov.u32 s4;
	s4 =	smov.u32 s15;
	s15 =	smov.u32 s17;
	v51 =	vld.idx.msk [tilespmem:v25+s16+$0x0 ss:$0x1], $0xffff;
	[tilespmem:s17+$0x6A00] =	vst v41;
	v41 =	vadd.f32 v47, v43;
	v43 =	vmul.f32 v4, v9  }
0x34b: {  	v47 =	vmul.f32 v2, v6;
	s17 =	smov.u32 s6;
	v46 =	vld.idx.msk [tilespmem:v27+s14+$0x0 ss:$0x1], $0xffff;
	[tilespmem:s4+$0x6B00] =	vst v44;
	v54 =	vadd.f32 v52, v45  }
.Ltmp2:
0x34c: {  	v48 =	vmul.f32 v5, v1;
	v45 =	vld.idx.msk [tilespmem:v29+s13+$0x0 ss:$0x1], $0xffff;
	[tilespmem:s31+$0x6C00] =	vst v41;
	v41 =	vadd.f32 v53, v43;
	(pc) =	sbr.rel @p1 .LBB2_7-.Ltmp2, $4  }
0x34d: {  	v47 =	vadd.f32 v50, v47;
	v44 =	vld.idx.msk [tilespmem:v32+s30+$0x0 ss:$0x1], $0xffff;
	[tilespmem:s29+$0x7900] =	vst v54  }
0x34e: {  	v50 =	vmul.f32 v23, v21;
	v52 =	vadd.f32 v49, v48;
	v43 =	vld.idx.msk [tilespmem:v33+s28+$0x0 ss:$0x1], $0xffff;
	[tilespmem:s2+$0x7A00] =	vst v41;
	v39 =	vmov v42  }
0x34f: {  	v48 =	vmul.f32 v15, v19;
	v42 =	vld.idx.msk [tilespmem:v36+s3+$0x0 ss:$0x1], $0xffff;
	[tilespmem:s0+$0x7B00] =	vst v47  }
0x350: {  	s19 =	sadd.s32 $0x40, s19;
	v49 =	vadd.f32 v51, v50;
	v47 =	vmul.f32 v13, v17;
	v41 =	vld.idx.msk [tilespmem:v37+s1+$0x0 ss:$0x1], $0xffff;
	[tilespmem:s5+$0x7C00] =	vst v52  }
0x351: {  	_ =	sdelay $0x3  }
0x352: {  	v24 =	vld.idx.msk [tilespmem:v24+s18+$0x0 ss:$0x1], $0xffff;
	_ =	sdelay $0x2  }
0x353: {  	v22 =	vmul.f32 v39, v22  }
0x354: {  	s6 =	sadd.s32 $0x80, s20;
	s7 =	sadd.s32 $0x10, s21  }
0x355: {  	s19 =	sand.u32 $0x70, s7;
	s8 =	sand.u32 $0xC00, s6;
	v22 =	vadd.f32 v22, v24  }
0x356: {  	s19 =	sor.u32 s19, s8  }
0x357: {  	[tilespmem:s19+$0x6900] =	vst v22  }
0x358: {  	v22 =	vld.idx.msk [tilespmem:v25+s18+$0x0 ss:$0x1], $0xffff;
	_ =	sdelay $0x2  }
0x359: {  	v21 =	vmul.f32 v39, v21;
	_ =	sdelay $0x1  }
0x35a: {  	[tilespmem:s17+$0x6980] =	vst v49;
	v21 =	vadd.f32 v22, v21  }
0x35b: {  	v22 =	vld.idx.msk [tilespmem:v26+s16+$0x0 ss:$0x1], $0xffff  }
0x35c: {  	[tilespmem:s19+$0x6980] =	vst v21  }
0x35d: {  	v21 =	vld.idx.msk [tilespmem:v26+s18+$0x0 ss:$0x1], $0xffff  }
0x35e: {  	v24 =	vmul.f32 v23, v20;
	_ =	sdelay $0x1  }
0x35f: {  	v20 =	vmul.f32 v39, v20;
	v22 =	vadd.f32 v22, v24;
	_ =	sdelay $0x1  }
0x360: {  	[tilespmem:s17+$0x6A00] =	vst v22;
	v20 =	vadd.f32 v21, v20  }
0x361: {  	v21 =	vld.idx.msk [tilespmem:v27+s16+$0x0 ss:$0x1], $0xffff  }
0x362: {  	[tilespmem:s19+$0x6A00] =	vst v20  }
0x363: {  	v20 =	vld.idx.msk [tilespmem:v27+s18+$0x0 ss:$0x1], $0xffff  }
0x364: {  	v22 =	vmul.f32 v23, v19  }
0x365: {  	v24 =	vadd.f32 v46, v48  }
0x366: {  	v19 =	vmul.f32 v39, v19;
	v21 =	vadd.f32 v21, v22  }
0x367: {  	[tilespmem:s15+$0x6A80] =	vst v24  }
0x368: {  	[tilespmem:s17+$0x6A80] =	vst v21;
	v19 =	vadd.f32 v20, v19;
	v20 =	vld.idx.msk [tilespmem:v28+s14+$0x0 ss:$0x1], $0xffff  }
0x369: {  	v21 =	vld.idx.msk [tilespmem:v28+s16+$0x0 ss:$0x1], $0xffff  }
0x36a: {  	[tilespmem:s19+$0x6A80] =	vst v19  }
0x36b: {  	v22 =	vmul.f32 v15, v18;
	v19 =	vld.idx.msk [tilespmem:v28+s18+$0x0 ss:$0x1], $0xffff  }
0x36c: {  	v24 =	vmul.f32 v23, v18  }
0x36d: {  	v20 =	vadd.f32 v20, v22  }
0x36e: {  	v18 =	vmul.f32 v39, v18;
	v21 =	vadd.f32 v21, v24  }
0x36f: {  	[tilespmem:s15+$0x6B00] =	vst v20  }
0x370: {  	[tilespmem:s17+$0x6B00] =	vst v21;
	v18 =	vadd.f32 v19, v18;
	v19 =	vld.idx.msk [tilespmem:v29+s14+$0x0 ss:$0x1], $0xffff  }
0x371: {  	v20 =	vld.idx.msk [tilespmem:v29+s16+$0x0 ss:$0x1], $0xffff  }
0x372: {  	[tilespmem:s19+$0x6B00] =	vst v18  }
0x373: {  	v21 =	vmul.f32 v15, v17;
	v18 =	vld.idx.msk [tilespmem:v29+s18+$0x0 ss:$0x1], $0xffff  }
0x374: {  	v22 =	vadd.f32 v45, v47;
	v24 =	vmul.f32 v23, v17  }
0x375: {  	v19 =	vadd.f32 v19, v21  }
0x376: {  	v17 =	vmul.f32 v39, v17;
	[tilespmem:s4+$0x6B80] =	vst v22;
	v20 =	vadd.f32 v20, v24  }
0x377: {  	v21 =	vld.idx.msk [tilespmem:v30+s13+$0x0 ss:$0x1], $0xffff;
	[tilespmem:s15+$0x6B80] =	vst v19  }
0x378: {  	[tilespmem:s17+$0x6B80] =	vst v20;
	v17 =	vadd.f32 v18, v17;
	v18 =	vld.idx.msk [tilespmem:v30+s14+$0x0 ss:$0x1], $0xffff  }
0x379: {  	v19 =	vld.idx.msk [tilespmem:v30+s16+$0x0 ss:$0x1], $0xffff  }
0x37a: {  	[tilespmem:s19+$0x6B80] =	vst v17;
	v17 =	vmul.f32 v13, v16  }
0x37b: {  	v22 =	vmul.f32 v15, v16;
	v20 =	vld.idx.msk [tilespmem:v30+s18+$0x0 ss:$0x1], $0xffff  }
0x37c: {  	v17 =	vadd.f32 v21, v17;
	v21 =	vmul.f32 v23, v16  }
0x37d: {  	v18 =	vadd.f32 v18, v22  }
0x37e: {  	v16 =	vmul.f32 v39, v16;
	[tilespmem:s4+$0x6C00] =	vst v17;
	v17 =	vadd.f32 v19, v21  }
0x37f: {  	v19 =	vld.idx.msk [tilespmem:v32+s13+$0x0 ss:$0x1], $0xffff;
	[tilespmem:s15+$0x6C00] =	vst v18  }
0x380: {  	v16 =	vadd.f32 v20, v16;
	v18 =	vld.idx.msk [tilespmem:v32+s14+$0x0 ss:$0x1], $0xffff;
	[tilespmem:s17+$0x6C00] =	vst v17  }
0x381: {  	v17 =	vmul.f32 v10, v14;
	v20 =	vld.idx.msk [tilespmem:v32+s16+$0x0 ss:$0x1], $0xffff  }
0x382: {  	[tilespmem:s19+$0x6C00] =	vst v16;
	v16 =	vmul.f32 v13, v14  }
0x383: {  	s10 =	sor.u32 s9, s10;
	v22 =	vmul.f32 v15, v14;
	v17 =	vadd.f32 v44, v17;
	v21 =	vld.idx.msk [tilespmem:v32+s18+$0x0 ss:$0x1], $0xffff  }
0x384: {  	s12 =	sor.u32 s11, s12;
	s8 =	sor.u32 $0x380, s10;
	v16 =	vadd.f32 v19, v16;
	v19 =	vmul.f32 v23, v14  }
0x385: {  	s11 =	sor.u32 s23, s22;
	s10 =	sor.u32 $0x380, s12;
	[tilespmem:s8+$0x6900] =	vst v17;
	v17 =	vadd.f32 v18, v22  }
0x386: {  	s22 =	sor.u32 s20, s21;
	s12 =	sor.u32 $0x380, s11;
	v14 =	vmul.f32 v39, v14;
	v18 =	vld.idx.msk [tilespmem:v31+s30+$0x0 ss:$0x1], $0xffff;
	[tilespmem:s10+$0x6900] =	vst v16;
	v16 =	vadd.f32 v20, v19  }
0x387: {  	s23 =	sor.u32 $0x380, s22;
	v19 =	vld.idx.msk [tilespmem:v31+s13+$0x0 ss:$0x1], $0xffff;
	[tilespmem:s12+$0x6900] =	vst v17  }
0x388: {  	s6 =	sor.u32 s6, s7;
	v14 =	vadd.f32 v21, v14;
	v17 =	vld.idx.msk [tilespmem:v31+s14+$0x0 ss:$0x1], $0xffff;
	[tilespmem:s23+$0x6900] =	vst v16  }
0x389: {  	s6 =	sor.u32 $0x380, s6;
	v16 =	vmul.f32 v10, v12;
	v20 =	vld.idx.msk [tilespmem:v31+s16+$0x0 ss:$0x1], $0xffff  }
0x38a: {  	[tilespmem:s6+$0x6900] =	vst v14;
	v14 =	vmul.f32 v13, v12  }
0x38b: {  	v16 =	vadd.f32 v18, v16;
	v18 =	vmul.f32 v15, v12;
	v21 =	vld.idx.msk [tilespmem:v31+s18+$0x0 ss:$0x1], $0xffff  }
0x38c: {  	v14 =	vadd.f32 v19, v14;
	v19 =	vmul.f32 v23, v12  }
0x38d: {  	[tilespmem:s31+$0x7900] =	vst v16;
	v16 =	vadd.f32 v17, v18  }
0x38e: {  	v12 =	vmul.f32 v39, v12;
	v17 =	vld.idx.msk [tilespmem:v33+s30+$0x0 ss:$0x1], $0xffff;
	[tilespmem:s4+$0x7900] =	vst v14;
	v14 =	vadd.f32 v20, v19  }
0x38f: {  	v18 =	vld.idx.msk [tilespmem:v33+s13+$0x0 ss:$0x1], $0xffff;
	[tilespmem:s15+$0x7900] =	vst v16  }
0x390: {  	v16 =	vmul.f32 v7, v11;
	v12 =	vadd.f32 v21, v12;
	v19 =	vld.idx.msk [tilespmem:v33+s14+$0x0 ss:$0x1], $0xffff;
	[tilespmem:s17+$0x7900] =	vst v14  }
0x391: {  	v14 =	vmul.f32 v10, v11;
	v20 =	vld.idx.msk [tilespmem:v33+s16+$0x0 ss:$0x1], $0xffff  }
0x392: {  	[tilespmem:s19+$0x7900] =	vst v12;
	v12 =	vadd.f32 v43, v16;
	v16 =	vmul.f32 v13, v11  }
0x393: {  	v14 =	vadd.f32 v17, v14;
	v17 =	vmul.f32 v15, v11;
	v21 =	vld.idx.msk [tilespmem:v33+s18+$0x0 ss:$0x1], $0xffff  }
0x394: {  	[tilespmem:s29+$0x7980] =	vst v12;
	v12 =	vadd.f32 v18, v16;
	v16 =	vmul.f32 v23, v11  }
0x395: {  	[tilespmem:s31+$0x7980] =	vst v14;
	v18 =	vld.idx.msk [tilespmem:v34+s28+$0x0 ss:$0x1], $0xffff;
	v14 =	vadd.f32 v19, v17  }
0x396: {  	v11 =	vmul.f32 v39, v11;
	v17 =	vld.idx.msk [tilespmem:v34+s30+$0x0 ss:$0x1], $0xffff;
	[tilespmem:s4+$0x7980] =	vst v12;
	v12 =	vadd.f32 v20, v16  }
0x397: {  	v16 =	vld.idx.msk [tilespmem:v34+s13+$0x0 ss:$0x1], $0xffff;
	[tilespmem:s15+$0x7980] =	vst v14  }
0x398: {  	v14 =	vmul.f32 v7, v9;
	v11 =	vadd.f32 v21, v11;
	v19 =	vld.idx.msk [tilespmem:v34+s14+$0x0 ss:$0x1], $0xffff;
	[tilespmem:s17+$0x7980] =	vst v12  }
0x399: {  	v12 =	vmul.f32 v10, v9;
	v20 =	vld.idx.msk [tilespmem:v34+s16+$0x0 ss:$0x1], $0xffff  }
0x39a: {  	[tilespmem:s19+$0x7980] =	vst v11;
	v11 =	vadd.f32 v18, v14;
	v14 =	vmul.f32 v13, v9  }
0x39b: {  	v12 =	vadd.f32 v17, v12;
	v17 =	vmul.f32 v15, v9;
	v18 =	vld.idx.msk [tilespmem:v34+s18+$0x0 ss:$0x1], $0xffff  }
0x39c: {  	[tilespmem:s29+$0x7A00] =	vst v11;
	v11 =	vadd.f32 v16, v14;
	v14 =	vmul.f32 v23, v9  }
0x39d: {  	[tilespmem:s31+$0x7A00] =	vst v12;
	v16 =	vld.idx.msk [tilespmem:v36+s28+$0x0 ss:$0x1], $0xffff;
	v12 =	vadd.f32 v19, v17  }
0x39e: {  	v9 =	vmul.f32 v39, v9;
	v17 =	vld.idx.msk [tilespmem:v36+s30+$0x0 ss:$0x1], $0xffff;
	[tilespmem:s4+$0x7A00] =	vst v11;
	v11 =	vadd.f32 v20, v14  }
0x39f: {  	v14 =	vmul.f32 v4, v8;
	v19 =	vld.idx.msk [tilespmem:v36+s13+$0x0 ss:$0x1], $0xffff;
	[tilespmem:s15+$0x7A00] =	vst v12  }
0x3a0: {  	v12 =	vmul.f32 v7, v8;
	v9 =	vadd.f32 v18, v9;
	v18 =	vld.idx.msk [tilespmem:v36+s14+$0x0 ss:$0x1], $0xffff;
	[tilespmem:s17+$0x7A00] =	vst v11  }
0x3a1: {  	v11 =	vadd.f32 v42, v14;
	v14 =	vmul.f32 v10, v8;
	v20 =	vld.idx.msk [tilespmem:v36+s16+$0x0 ss:$0x1], $0xffff  }
0x3a2: {  	[tilespmem:s19+$0x7A00] =	vst v9;
	v9 =	vadd.f32 v16, v12;
	v12 =	vmul.f32 v13, v8  }
0x3a3: {  	[tilespmem:s2+$0x7A80] =	vst v11;
	v11 =	vadd.f32 v17, v14;
	v14 =	vmul.f32 v15, v8;
	v16 =	vld.idx.msk [tilespmem:v36+s18+$0x0 ss:$0x1], $0xffff  }
0x3a4: {  	v17 =	vld.idx.msk [tilespmem:v35+s3+$0x0 ss:$0x1], $0xffff;
	[tilespmem:s29+$0x7A80] =	vst v9;
	v9 =	vadd.f32 v19, v12;
	v12 =	vmul.f32 v23, v8  }
0x3a5: {  	[tilespmem:s31+$0x7A80] =	vst v11;
	v19 =	vld.idx.msk [tilespmem:v35+s28+$0x0 ss:$0x1], $0xffff;
	v11 =	vadd.f32 v18, v14;
	v14 =	vmul.f32 v2, v3  }
0x3a6: {  	v8 =	vmul.f32 v39, v8;
	v18 =	vld.idx.msk [tilespmem:v35+s30+$0x0 ss:$0x1], $0xffff;
	[tilespmem:s4+$0x7A80] =	vst v9;
	v9 =	vadd.f32 v20, v12  }
0x3a7: {  	v12 =	vmul.f32 v4, v6;
	v20 =	vld.idx.msk [tilespmem:v35+s13+$0x0 ss:$0x1], $0xffff;
	[tilespmem:s15+$0x7A80] =	vst v11;
	v11 =	vadd.f32 v41, v14  }
0x3a8: {  	v14 =	vmul.f32 v7, v6;
	v8 =	vadd.f32 v16, v8;
	v16 =	vld.idx.msk [tilespmem:v35+s14+$0x0 ss:$0x1], $0xffff;
	[tilespmem:s17+$0x7A80] =	vst v9  }
0x3a9: {  	v9 =	vadd.f32 v17, v12;
	v12 =	vmul.f32 v10, v6;
	v17 =	vld.idx.msk [tilespmem:v35+s16+$0x0 ss:$0x1], $0xffff;
	[tilespmem:s0+$0x7B80] =	vst v11  }
0x3aa: {  	v11 =	vmul.f32 v13, v6;
	[tilespmem:s19+$0x7A80] =	vst v8;
	v8 =	vadd.f32 v19, v14;
	v19 =	vld.idx.msk [tilespmem:v40+s26+$0x0 ss:$0x1], $0xffff  }
0x3ab: {  	[tilespmem:s2+$0x7B00] =	vst v9;
	v9 =	vadd.f32 v18, v12;
	v12 =	vmul.f32 v15, v6;
	v14 =	vld.idx.msk [tilespmem:v35+s18+$0x0 ss:$0x1], $0xffff  }
0x3ac: {  	v18 =	vld.idx.msk [tilespmem:v37+s3+$0x0 ss:$0x1], $0xffff;
	[tilespmem:s29+$0x7B00] =	vst v8;
	v8 =	vadd.f32 v20, v11;
	v11 =	vmul.f32 v23, v6  }
0x3ad: {  	v5 =	vmul.f32 v5, v0;
	[tilespmem:s31+$0x7B00] =	vst v9;
	v20 =	vld.idx.msk [tilespmem:v37+s28+$0x0 ss:$0x1], $0xffff;
	v9 =	vadd.f32 v16, v12  }
0x3ae: {  	v6 =	vmul.f32 v39, v6;
	v12 =	vld.idx.msk [tilespmem:v37+s30+$0x0 ss:$0x1], $0xffff;
	[tilespmem:s4+$0x7B00] =	vst v8;
	v8 =	vadd.f32 v17, v11  }
0x3af: {  	v11 =	vmul.f32 v4, v3;
	v16 =	vld.idx.msk [tilespmem:v37+s13+$0x0 ss:$0x1], $0xffff;
	[tilespmem:s15+$0x7B00] =	vst v9;
	v5 =	vadd.f32 v19, v5  }
0x3b0: {  	v9 =	vmul.f32 v7, v3;
	v6 =	vadd.f32 v14, v6;
	v14 =	vld.idx.msk [tilespmem:v37+s14+$0x0 ss:$0x1], $0xffff;
	[tilespmem:s17+$0x7B00] =	vst v8  }
0x3b1: {  	v8 =	vadd.f32 v18, v11;
	v11 =	vmul.f32 v10, v3;
	v17 =	vld.idx.msk [tilespmem:v37+s16+$0x0 ss:$0x1], $0xffff;
	[tilespmem:s5+$0x7C80] =	vst v5  }
0x3b2: {  	v18 =	vld.idx.msk [tilespmem:v38+s1+$0x0 ss:$0x1], $0xffff;
	[tilespmem:s19+$0x7B00] =	vst v6;
	v5 =	vadd.f32 v20, v9;
	v6 =	vmul.f32 v13, v3  }
0x3b3: {  	[tilespmem:s2+$0x7B80] =	vst v8;
	v8 =	vadd.f32 v12, v11;
	v11 =	vmul.f32 v15, v3;
	v9 =	vld.idx.msk [tilespmem:v37+s18+$0x0 ss:$0x1], $0xffff  }
0x3b4: {  	v12 =	vld.idx.msk [tilespmem:v38+s3+$0x0 ss:$0x1], $0xffff;
	[tilespmem:s29+$0x7B80] =	vst v5;
	v5 =	vadd.f32 v16, v6;
	v6 =	vmul.f32 v23, v3  }
0x3b5: {  	[tilespmem:s31+$0x7B80] =	vst v8;
	v16 =	vld.idx.msk [tilespmem:v38+s28+$0x0 ss:$0x1], $0xffff;
	v8 =	vadd.f32 v14, v11;
	v11 =	vmul.f32 v2, v1  }
0x3b6: {  	v3 =	vmul.f32 v39, v3;
	v14 =	vld.idx.msk [tilespmem:v38+s30+$0x0 ss:$0x1], $0xffff;
	[tilespmem:s4+$0x7B80] =	vst v5;
	v5 =	vadd.f32 v17, v6  }
0x3b7: {  	v6 =	vmul.f32 v4, v1;
	v17 =	vld.idx.msk [tilespmem:v38+s13+$0x0 ss:$0x1], $0xffff;
	[tilespmem:s15+$0x7B80] =	vst v8;
	v8 =	vadd.f32 v18, v11  }
0x3b8: {  	v3 =	vadd.f32 v9, v3;
	v9 =	vmul.f32 v7, v1;
	v11 =	vld.idx.msk [tilespmem:v38+s14+$0x0 ss:$0x1], $0xffff;
	[tilespmem:s17+$0x7B80] =	vst v5  }
0x3b9: {  	v5 =	vadd.f32 v12, v6;
	v6 =	vmul.f32 v10, v1;
	v12 =	vld.idx.msk [tilespmem:v38+s16+$0x0 ss:$0x1], $0xffff;
	[tilespmem:s0+$0x7C00] =	vst v8  }
0x3ba: {  	v8 =	vmul.f32 v13, v1;
	[tilespmem:s19+$0x7B80] =	vst v3;
	v3 =	vadd.f32 v16, v9;
	v16 =	vld.idx.msk [tilespmem:v40+s1+$0x0 ss:$0x1], $0xffff  }
0x3bb: {  	[tilespmem:s2+$0x7C00] =	vst v5;
	v5 =	vadd.f32 v14, v6;
	v6 =	vmul.f32 v15, v1;
	v9 =	vld.idx.msk [tilespmem:v38+s18+$0x0 ss:$0x1], $0xffff  }
0x3bc: {  	v14 =	vld.idx.msk [tilespmem:v40+s3+$0x0 ss:$0x1], $0xffff;
	[tilespmem:s29+$0x7C00] =	vst v3;
	v3 =	vadd.f32 v17, v8;
	v8 =	vmul.f32 v23, v1  }
0x3bd: {  	v2 =	vmul.f32 v2, v0;
	[tilespmem:s31+$0x7C00] =	vst v5;
	v17 =	vld.idx.msk [tilespmem:v40+s28+$0x0 ss:$0x1], $0xffff;
	v5 =	vadd.f32 v11, v6  }
0x3be: {  	v1 =	vmul.f32 v39, v1;
	v6 =	vld.idx.msk [tilespmem:v40+s30+$0x0 ss:$0x1], $0xffff;
	[tilespmem:s4+$0x7C00] =	vst v3;
	v3 =	vadd.f32 v12, v8  }
0x3bf: {  	v4 =	vmul.f32 v4, v0;
	v8 =	vld.idx.msk [tilespmem:v40+s13+$0x0 ss:$0x1], $0xffff;
	[tilespmem:s15+$0x7C00] =	vst v5;
	v2 =	vadd.f32 v16, v2  }
0x3c0: {  	v5 =	vmul.f32 v7, v0;
	v1 =	vadd.f32 v9, v1;
	v7 =	vld.idx.msk [tilespmem:v40+s14+$0x0 ss:$0x1], $0xffff;
	[tilespmem:s17+$0x7C00] =	vst v3  }
0x3c1: {  	v3 =	vadd.f32 v14, v4;
	v4 =	vmul.f32 v10, v0;
	[tilespmem:s0+$0x7C80] =	vst v2  }
0x3c2: {  	v2 =	vmul.f32 v13, v0;
	[tilespmem:s19+$0x7C00] =	vst v1;
	v1 =	vadd.f32 v17, v5  }
0x3c3: {  	v9 =	vld.idx.msk [tilespmem:v40+s16+$0x0 ss:$0x1], $0xffff;
	[tilespmem:s2+$0x7C80] =	vst v3;
	v3 =	vadd.f32 v6, v4;
	v4 =	vmul.f32 v15, v0  }
0x3c4: {  	v5 =	vld.idx.msk [tilespmem:v40+s18+$0x0 ss:$0x1], $0xffff;
	[tilespmem:s29+$0x7C80] =	vst v1;
	v1 =	vadd.f32 v8, v2  }
0x3c5: {  	[tilespmem:s31+$0x7C80] =	vst v3;
	v3 =	vadd.f32 v7, v4  }
0x3c6: {  	v2 =	vmul.f32 v23, v0;
	[tilespmem:s4+$0x7C80] =	vst v1  }
0x3c7: {  	v0 =	vmul.f32 v39, v0;
	[tilespmem:s15+$0x7C80] =	vst v3  }
0x3c8: {  	v1 =	vadd.f32 v9, v2;
	s0 =	rddreg [dreg:$0x9]  }
0x3c9: {  	v0 =	vadd.f32 v5, v0;
	s0 =	sadd.s32 s0, s25  }
0x3ca: {  	s5 =	simm.s32 $0x6900;
	s3 =	rddreg [dreg:$0x7];
	[tilespmem:s17+$0x7C80] =	vst v1;
	s0 =	sshll.u32 s0, $0x6  }
0x3cb: {  	s1 =	simm.s32 @!p0 $0x2;
	s4 =	simm.s32 $0x0;
	[tilespmem:s19+$0x7C80] =	vst v0;
	s0 =	sadd.s32 s3, s0  }
0x3cc: {  	[hbm4b:s0+s4] =	stream.linear.scatter [tilespmem:s5], [sflag:$0x1], $0x2000, $0x38;
	[tilespmem:$0xA900] =	vst v63  }
0x3cd: {  	_ =	swait.ge @!p0 [sflag:s1], $0x2000  }
0x3ce: {  	[sflag:s1] =	ssyncset.done @!p0 $0x0  }
0x3cf: {  	s0 =	sor.u32 $0x10, s25;
	[sflag:s1] =	ssyncadd.s32 @!p0 $0xFFFFE000  }
0x3d0: {  	v0 =	vld [tilespmem:s0+$0x6680];
	_ =	sdelay $0x1  }
0x3d1: {  	v1 =	vld [tilespmem:s25+$0x6691]  }
0x3d2: {  	v2 =	vld [tilespmem:s25+$0x6692]  }
0x3d3: {  	v3 =	vld [tilespmem:s25+$0x6693]  }
0x3d4: {  	v4 =	vld [tilespmem:s25+$0x6694];
	(v2sf) =	vpush v0, $0x0  }
0x3d5: {  	v6 =	vld [tilespmem:s25+$0x6695]  }
0x3d6: {  	v28 =	vld [tilespmem:s25+$0x6696]  }
0x3d7: {  	v29 =	vld [tilespmem:s25+$0x6697]  }
0x3d8: {  	v30 =	vld [tilespmem:s25+$0x6698]  }
0x3d9: {  	v31 =	vld [tilespmem:s25+$0x6699]  }
0x3da: {  	v9 =	vld [tilespmem:s25+$0x669A]  }
0x3db: {  	v13 =	vld [tilespmem:s25+$0x669B];
	(v2sf) =	vpush v1, $0x0  }
0x3dc: {  	v34 =	vld [tilespmem:s25+$0x669C]  }
0x3dd: {  	v15 =	vld [tilespmem:s25+$0x669D]  }
0x3de: {  	v23 =	vld [tilespmem:s25+$0x669E]  }
0x3df: {  	v38 =	vld [tilespmem:s25+$0x669F]  }
0x3e0: {  	v22 =	vld.msk [tilespmem:s0+$0x400 ss:$0x0], $0xffff  }
0x3e1: {  	v21 =	vld.msk [tilespmem:s25+$0x411 ss:$0x0], $0xffff  }
0x3e2: {  	v20 =	vld.msk [tilespmem:s25+$0x412 ss:$0x0], $0xffff  }
0x3e3: {  	v19 =	vld.msk [tilespmem:s25+$0x413 ss:$0x0], $0xffff;
	s6 =	spop (v2sf)  }
0x3e4: {  	v18 =	vld.msk [tilespmem:s25+$0x414 ss:$0x0], $0xffff;
	(v2sf) =	vpush v2, $0x0;
	s1 =	sadd.s32 $0x2A80, s6  }
0x3e5: {  	v17 =	vld.msk [tilespmem:s25+$0x415 ss:$0x0], $0xffff;
	v24 =	vmov s1  }
0x3e6: {  	v16 =	vld.msk [tilespmem:s25+$0x416 ss:$0x0], $0xffff  }
0x3e7: {  	s29 =	simm.s32 $0x0;
	v14 =	vld.msk [tilespmem:s25+$0x417 ss:$0x0], $0xffff  }
0x3e8: {  	v7 =	vld [tilespmem:s29+$0x2680]  }
0x3e9: {  	v12 =	vld.msk [tilespmem:s25+$0x418 ss:$0x0], $0xffff  }
0x3ea: {  	s7 =	spop (v2sf);
	(v2sf) =	vpush v3, $0x0;
	v0 =	vld.idx.msk [tilespmem:v24+s29+$0x0 ss:$0x1], $0xffff  }
0x3eb: {  	v11 =	vld.msk [tilespmem:s25+$0x419 ss:$0x0], $0xffff  }
0x3ec: {  	v10 =	vld.msk [tilespmem:s25+$0x41A ss:$0x0], $0xffff;
	s1 =	sadd.s32 $0x2A80, s7  }
0x3ed: {  	v8 =	vld.msk [tilespmem:s25+$0x41B ss:$0x0], $0xffff;
	v2 =	vmul.f32 v7, v22;
	v25 =	vmov s1  }
0x3ee: {  	s9 =	simm.s32 $0x0;
	v5 =	vld.msk [tilespmem:s25+$0x41C ss:$0x0], $0xffff  }
0x3ef: {  	s8 =	sand.u32 $0x70, s9;
	s10 =	sand.u32 $0xC00, s9;
	v1 =	vld.msk [tilespmem:s25+$0x41E ss:$0x0], $0xffff;
	v2 =	vadd.f32 v2, v0  }
0x3f0: {  	s28 =	sor.u32 s8, s10;
	v3 =	vld.msk [tilespmem:s25+$0x41D ss:$0x0], $0xffff  }
0x3f1: {  	v0 =	vld.msk [tilespmem:s25+$0x41F ss:$0x0], $0xffff;
	[tilespmem:s28+$0x8900] =	vst v2  }
0x3f2: {  	v27 =	vld.idx.msk [tilespmem:v25+s29+$0x0 ss:$0x1], $0xffff  }
0x3f3: {  	s11 =	spop (v2sf)  }
0x3f4: {  	(v2sf) =	vpush v4, $0x0;
	s1 =	sadd.s32 $0x2A80, s11  }
0x3f5: {  	s5 =	simm.s32 $0x10;
	v4 =	vmul.f32 v7, v21;
	v26 =	vmov s1  }
0x3f6: {  	v2 =	vld [tilespmem:s5+$0x2680]  }
0x3f7: {  	v4 =	vadd.f32 v27, v4  }
0x3f8: {  	v41 =	vld.idx.msk [tilespmem:v24+s5+$0x0 ss:$0x1], $0xffff  }
0x3f9: {  	s12 =	spop (v2sf);
	(v2sf) =	vpush v6, $0x0;
	[tilespmem:s28+$0x8980] =	vst v4  }
0x3fa: {  	v4 =	vld.idx.msk [tilespmem:v26+s29+$0x0 ss:$0x1], $0xffff  }
0x3fb: {  	v6 =	vmul.f32 v2, v22  }
0x3fc: {  	s4 =	simm.s32 $0x80;
	s11 =	simm.s32 $0x10;
	s1 =	sadd.s32 $0x2A80, s12  }
0x3fd: {  	s14 =	sand.u32 $0xC00, s4;
	v42 =	vmul.f32 v7, v20;
	s13 =	sand.u32 $0x70, s11;
	v27 =	vmov s1;
	v6 =	vadd.f32 v6, v41  }
0x3fe: {  	s1 =	sor.u32 s13, s14  }
0x3ff: {  	[tilespmem:s1+$0x8900] =	vst v6;
	v4 =	vadd.f32 v4, v42  }
0x400: {  	v6 =	vld.idx.msk [tilespmem:v25+s5+$0x0 ss:$0x1], $0xffff  }
0x401: {  	[tilespmem:s28+$0x8A00] =	vst v4  }
0x402: {  	s3 =	simm.s32 $0x20;
	v43 =	vld.idx.msk [tilespmem:v27+s29+$0x0 ss:$0x1], $0xffff  }
0x403: {  	v44 =	vmul.f32 v2, v21;
	s15 =	spop (v2sf);
	v4 =	vld [tilespmem:s3+$0x2680]  }
0x404: {  	(v2sf) =	vpush v28, $0x0;
	s2 =	sadd.s32 $0x2A80, s15  }
0x405: {  	v45 =	vmul.f32 v7, v19;
	v46 =	vld.idx.msk [tilespmem:v24+s3+$0x0 ss:$0x1], $0xffff;
	v6 =	vadd.f32 v6, v44;
	v28 =	vmov s2;
	_ =	sdelay $0x1  }
0x406: {  	[tilespmem:s1+$0x8980] =	vst v6;
	v32 =	vadd.f32 v43, v45  }
0x407: {  	s16 =	spop (v2sf);
	v6 =	vld.idx.msk [tilespmem:v26+s5+$0x0 ss:$0x1], $0xffff;
	v47 =	vmul.f32 v4, v22  }
0x408: {  	s15 =	simm.s32 $0x100;
	s2 =	sadd.s32 $0x2A80, s16;
	s16 =	simm.s32 $0x20;
	[tilespmem:s28+$0x8A80] =	vst v32  }
0x409: {  	(v2sf) =	vpush v29, $0x0;
	s18 =	sand.u32 $0xC00, s15;
	s17 =	sand.u32 $0x70, s16;
	v33 =	vadd.f32 v47, v46;
	v32 =	vld.idx.msk [tilespmem:v28+s29+$0x0 ss:$0x1], $0xffff  }
0x40a: {  	v48 =	vmul.f32 v2, v20;
	v29 =	vmov s2;
	s2 =	sor.u32 s17, s18  }
0x40b: {  	[tilespmem:s2+$0x8900] =	vst v33  }
0x40c: {  	v49 =	vmul.f32 v7, v18;
	v6 =	vadd.f32 v6, v48;
	v33 =	vld.idx.msk [tilespmem:v25+s3+$0x0 ss:$0x1], $0xffff;
	_ =	sdelay $0x1  }
0x40d: {  	[tilespmem:s1+$0x8A00] =	vst v6;
	v32 =	vadd.f32 v32, v49  }
0x40e: {  	s25 =	simm.s32 $0x30;
	v51 =	vmul.f32 v4, v21;
	v50 =	vld.idx.msk [tilespmem:v27+s5+$0x0 ss:$0x1], $0xffff  }
0x40f: {  	v6 =	vld [tilespmem:s25+$0x2680];
	[tilespmem:s28+$0x8B00] =	vst v32  }
0x410: {  	v33 =	vadd.f32 v33, v51;
	v32 =	vld.idx.msk [tilespmem:v29+s29+$0x0 ss:$0x1], $0xffff  }
0x411: {  	v52 =	vmul.f32 v2, v19;
	s19 =	spop (v2sf);
	(v2sf) =	vpush v30, $0x0  }
0x412: {  	v54 =	vld.idx.msk [tilespmem:v24+s25+$0x0 ss:$0x1], $0xffff;
	s6 =	sadd.s32 $0x2A80, s19;
	[tilespmem:s2+$0x8980] =	vst v33  }
0x413: {  	v53 =	vmul.f32 v7, v17;
	v35 =	vadd.f32 v50, v52;
	v30 =	vmov s6;
	v33 =	vld.idx.msk [tilespmem:v26+s3+$0x0 ss:$0x1], $0xffff;
	_ =	sdelay $0x1  }
0x414: {  	v56 =	vmul.f32 v6, v22;
	[tilespmem:s1+$0x8A80] =	vst v35;
	v32 =	vadd.f32 v32, v53  }
0x415: {  	s17 =	simm.s32 $0x180;
	s18 =	simm.s32 $0x30;
	v57 =	vmul.f32 v4, v20;
	v35 =	vld.idx.msk [tilespmem:v28+s5+$0x0 ss:$0x1], $0xffff  }
0x416: {  	s21 =	sand.u32 $0x70, s18;
	s22 =	sand.u32 $0xC00, s17;
	s20 =	spop (v2sf);
	(v2sf) =	vpush v31, $0x0;
	v31 =	vadd.f32 v56, v54;
	[tilespmem:s28+$0x8B80] =	vst v32  }
0x417: {  	s26 =	sor.u32 s21, s22;
	v33 =	vadd.f32 v33, v57;
	v55 =	vld.idx.msk [tilespmem:v30+s29+$0x0 ss:$0x1], $0xffff  }
0x418: {  	v58 =	vmul.f32 v2, v18;
	[tilespmem:s26+$0x8900] =	vst v31  }
0x419: {  	s6 =	sadd.s32 $0x2A80, s20;
	v60 =	vld.idx.msk [tilespmem:v25+s25+$0x0 ss:$0x1], $0xffff;
	[tilespmem:s2+$0x8A00] =	vst v33  }
0x41a: {  	v59 =	vmul.f32 v7, v16;
	v31 =	vadd.f32 v35, v58;
	v32 =	vmov s6;
	v62 =	vld.idx.msk [tilespmem:v27+s3+$0x0 ss:$0x1], $0xffff;
	_ =	sdelay $0x1  }
0x41b: {  	[tilespmem:s1+$0x8B00] =	vst v31;
	v31 =	vmul.f32 v6, v21;
	v61 =	vadd.f32 v55, v59  }
0x41c: {  	v44 =	vmul.f32 v4, v19;
	v63 =	vld.idx.msk [tilespmem:v29+s5+$0x0 ss:$0x1], $0xffff  }
0x41d: {  	v35 =	vadd.f32 v60, v31;
	[tilespmem:s28+$0x8C00] =	vst v61  }
0x41e: {  	s30 =	simm.s32 $0x40;
	s23 =	spop (v2sf);
	(v2sf) =	vpush v9, $0x0;
	v36 =	vadd.f32 v62, v44;
	v33 =	vld.idx.msk [tilespmem:v32+s29+$0x0 ss:$0x1], $0xffff  }
0x41f: {  	v45 =	vmul.f32 v2, v17;
	[tilespmem:s26+$0x8980] =	vst v35;
	v9 =	vld [tilespmem:s30+$0x2680]  }
0x420: {  	v49 =	vld.idx.msk [tilespmem:v26+s25+$0x0 ss:$0x1], $0xffff;
	s6 =	sadd.s32 $0x2A80, s23;
	[tilespmem:s2+$0x8A80] =	vst v36  }
0x421: {  	v46 =	vmul.f32 v7, v14;
	v48 =	vadd.f32 v63, v45;
	v31 =	vmov s6;
	v36 =	vld.idx.msk [tilespmem:v28+s3+$0x0 ss:$0x1], $0xffff  }
0x422: {  	v47 =	vld.idx.msk [tilespmem:v24+s30+$0x0 ss:$0x1], $0xffff  }
0x423: {  	s7 =	sor.u32 s9, s9;
	v52 =	vmul.f32 v6, v20;
	[tilespmem:s1+$0x8B80] =	vst v48;
	v33 =	vadd.f32 v33, v46  }
0x424: {  	v53 =	vmul.f32 v4, v18;
	s6 =	sor.u32 $0x380, s7;
	v35 =	vld.idx.msk [tilespmem:v30+s5+$0x0 ss:$0x1], $0xffff  }
0x425: {  	s8 =	spop (v2sf);
	(v2sf) =	vpush v13, $0x0;
	v50 =	vmul.f32 v9, v22;
	v13 =	vadd.f32 v49, v52;
	[tilespmem:s6+$0x8900] =	vst v33  }
0x426: {  	s10 =	simm.s32 $0x40;
	s9 =	simm.s32 $0x200;
	v36 =	vadd.f32 v36, v53;
	v51 =	vld.idx.msk [tilespmem:v31+s29+$0x0 ss:$0x1], $0xffff  }
0x427: {  	s12 =	sand.u32 $0x70, s10;
	s13 =	sand.u32 $0xC00, s9;
	v54 =	vmul.f32 v2, v16;
	v41 =	vadd.f32 v50, v47;
	[tilespmem:s26+$0x8A00] =	vst v13  }
0x428: {  	s31 =	sor.u32 s12, s13;
	s6 =	sadd.s32 $0x2A80, s8;
	[tilespmem:s2+$0x8B00] =	vst v36  }
0x429: {  	v55 =	vmul.f32 v7, v12;
	[tilespmem:s31+$0x8900] =	vst v41;
	v13 =	vadd.f32 v35, v54;
	v33 =	vmov s6;
	v58 =	vld.idx.msk [tilespmem:v29+s3+$0x0 ss:$0x1], $0xffff  }
0x42a: {  	v41 =	vld.idx.msk [tilespmem:v25+s30+$0x0 ss:$0x1], $0xffff  }
0x42b: {  	v56 =	vld.idx.msk [tilespmem:v27+s25+$0x0 ss:$0x1], $0xffff;
	[tilespmem:s1+$0x8C00] =	vst v13;
	v57 =	vadd.f32 v51, v55  }
0x42c: {  	s13 =	simm.s32 $0x50;
	v63 =	vmul.f32 v4, v17;
	v59 =	vld.idx.msk [tilespmem:v32+s5+$0x0 ss:$0x1], $0xffff  }
0x42d: {  	v60 =	vmul.f32 v9, v21;
	v13 =	vld [tilespmem:s13+$0x2680];
	s14 =	spop (v2sf);
	(v2sf) =	vpush v34, $0x0;
	[tilespmem:s28+$0x9900] =	vst v57  }
0x42e: {  	v62 =	vmul.f32 v6, v19;
	v47 =	vadd.f32 v58, v63;
	v61 =	vld.idx.msk [tilespmem:v33+s29+$0x0 ss:$0x1], $0xffff  }
0x42f: {  	v45 =	vmul.f32 v2, v14;
	v46 =	vld.idx.msk [tilespmem:v24+s13+$0x0 ss:$0x1], $0xffff;
	v36 =	vadd.f32 v41, v60  }
0x430: {  	v35 =	vadd.f32 v56, v62;
	s6 =	sadd.s32 $0x2A80, s14;
	[tilespmem:s2+$0x8B80] =	vst v47  }
0x431: {  	s4 =	sor.u32 s4, s11;
	v48 =	vmul.f32 v7, v11;
	v34 =	vmov s6;
	[tilespmem:s31+$0x8980] =	vst v36;
	v50 =	vadd.f32 v59, v45;
	v53 =	vld.idx.msk [tilespmem:v30+s3+$0x0 ss:$0x1], $0xffff  }
0x432: {  	s4 =	sor.u32 $0x380, s4;
	[tilespmem:s26+$0x8A80] =	vst v35;
	v54 =	vmul.f32 v13, v22;
	v49 =	vld.idx.msk [tilespmem:v26+s30+$0x0 ss:$0x1], $0xffff  }
0x433: {  	s11 =	simm.s32 $0x280;
	s12 =	simm.s32 $0x50;
	v51 =	vld.idx.msk [tilespmem:v28+s25+$0x0 ss:$0x1], $0xffff;
	[tilespmem:s4+$0x8900] =	vst v50;
	v52 =	vadd.f32 v61, v48  }
0x434: {  	s19 =	sand.u32 $0x70, s12;
	s20 =	sand.u32 $0xC00, s11;
	v59 =	vmul.f32 v4, v16;
	v35 =	vadd.f32 v54, v46;
	v55 =	vld.idx.msk [tilespmem:v31+s5+$0x0 ss:$0x1], $0xffff  }
0x435: {  	v56 =	vmul.f32 v9, v20;
	s4 =	sor.u32 s19, s20;
	[tilespmem:s28+$0x9980] =	vst v52  }
0x436: {  	v58 =	vmul.f32 v6, v18;
	[tilespmem:s4+$0x8900] =	vst v35;
	v37 =	vadd.f32 v53, v59;
	v57 =	vld.idx.msk [tilespmem:v34+s29+$0x0 ss:$0x1], $0xffff  }
0x437: {  	s21 =	spop (v2sf);
	v62 =	vld.idx.msk [tilespmem:v25+s13+$0x0 ss:$0x1], $0xffff;
	v41 =	vadd.f32 v49, v56;
	v61 =	vmul.f32 v2, v12  }
0x438: {  	(v2sf) =	vpush v15, $0x0;
	s22 =	sadd.s32 $0x2A80, s21;
	v60 =	vadd.f32 v51, v58;
	[tilespmem:s2+$0x8C00] =	vst v37  }
0x439: {  	v63 =	vmul.f32 v7, v10;
	v36 =	vmov s22;
	[tilespmem:s31+$0x8A00] =	vst v41;
	v49 =	vadd.f32 v55, v61;
	v52 =	vld.idx.msk [tilespmem:v32+s3+$0x0 ss:$0x1], $0xffff  }
0x43a: {  	[tilespmem:s26+$0x8B00] =	vst v60;
	v53 =	vmul.f32 v13, v21;
	v48 =	vld.idx.msk [tilespmem:v27+s30+$0x0 ss:$0x1], $0xffff  }
0x43b: {  	v50 =	vld.idx.msk [tilespmem:v29+s25+$0x0 ss:$0x1], $0xffff;
	[tilespmem:s1+$0x9900] =	vst v49;
	v51 =	vadd.f32 v57, v63  }
0x43c: {  	s14 =	simm.s32 $0x60;
	v58 =	vmul.f32 v4, v14;
	v35 =	vadd.f32 v62, v53;
	v54 =	vld.idx.msk [tilespmem:v33+s5+$0x0 ss:$0x1], $0xffff;
	s23 =	spop (v2sf);
	(v2sf) =	vpush v23, $0x0  }
0x43d: {  	v15 =	vld [tilespmem:s14+$0x2680];
	v55 =	vmul.f32 v9, v19;
	[tilespmem:s28+$0x9A00] =	vst v51  }
0x43e: {  	s7 =	sor.u32 s15, s16;
	[tilespmem:s4+$0x8980] =	vst v35;
	s6 =	sadd.s32 $0x2A80, s23;
	v57 =	vmul.f32 v6, v17;
	v61 =	vadd.f32 v52, v58;
	v56 =	vld.idx.msk [tilespmem:v36+s29+$0x0 ss:$0x1], $0xffff  }
0x43f: {  	v59 =	vmul.f32 v2, v11;
	v60 =	vld.idx.msk [tilespmem:v26+s13+$0x0 ss:$0x1], $0xffff;
	v37 =	vadd.f32 v48, v55;
	v35 =	vmov s6;
	s6 =	sor.u32 $0x380, s7  }
0x440: {  	v23 =	vld.idx.msk [tilespmem:v24+s14+$0x0 ss:$0x1], $0xffff;
	v39 =	vadd.f32 v50, v57;
	[tilespmem:s6+$0x8900] =	vst v61  }
0x441: {  	v62 =	vmul.f32 v7, v8;
	[tilespmem:s31+$0x8A80] =	vst v37;
	v48 =	vadd.f32 v54, v59;
	v52 =	vld.idx.msk [tilespmem:v31+s3+$0x0 ss:$0x1], $0xffff  }
0x442: {  	v53 =	vmul.f32 v13, v20;
	v63 =	vld.idx.msk [tilespmem:v28+s30+$0x0 ss:$0x1], $0xffff;
	[tilespmem:s26+$0x8B80] =	vst v39  }
0x443: {  	v51 =	vmul.f32 v15, v22;
	[tilespmem:s1+$0x9980] =	vst v48;
	v49 =	vld.idx.msk [tilespmem:v30+s25+$0x0 ss:$0x1], $0xffff;
	v50 =	vadd.f32 v56, v62  }
0x444: {  	s16 =	simm.s32 $0x70;
	s22 =	simm.s32 $0x60;
	s23 =	simm.s32 $0x300;
	v59 =	vmul.f32 v4, v12;
	v39 =	vadd.f32 v60, v53;
	v54 =	vld.idx.msk [tilespmem:v34+s5+$0x0 ss:$0x1], $0xffff  }
0x445: {  	s8 =	sand.u32 $0x70, s22;
	s15 =	sand.u32 $0xC00, s23;
	v55 =	vadd.f32 v51, v23;
	v23 =	vld [tilespmem:s16+$0x2680];
	v56 =	vmul.f32 v9, v18;
	[tilespmem:s28+$0x9A80] =	vst v50  }
0x446: {  	s15 =	sor.u32 s8, s15;
	v58 =	vmul.f32 v6, v16;
	[tilespmem:s4+$0x8A00] =	vst v39;
	v48 =	vadd.f32 v52, v59;
	v57 =	vld.idx.msk [tilespmem:v35+s29+$0x0 ss:$0x1], $0xffff  }
0x447: {  	s19 =	spop (v2sf);
	[tilespmem:s15+$0x8900] =	vst v55;
	v62 =	vmul.f32 v2, v10;
	v40 =	vadd.f32 v63, v56;
	v63 =	vld.idx.msk [tilespmem:v27+s13+$0x0 ss:$0x1], $0xffff  }
0x448: {  	(v2sf) =	vpush v38, $0x0;
	s6 =	sadd.s32 $0x2A80, s19;
	v60 =	vld.idx.msk [tilespmem:v25+s14+$0x0 ss:$0x1], $0xffff;
	v61 =	vadd.f32 v49, v58;
	[tilespmem:s2+$0x9900] =	vst v48  }
0x449: {  	v37 =	vmov s6;
	v49 =	vmul.f32 v7, v5;
	v51 =	vadd.f32 v54, v62;
	[tilespmem:s31+$0x8B00] =	vst v40;
	v54 =	vld.idx.msk [tilespmem:v33+s3+$0x0 ss:$0x1], $0xffff  }
0x44a: {  	s21 =	sor.u32 s17, s18;
	v55 =	vmul.f32 v13, v19;
	[tilespmem:s26+$0x8C00] =	vst v61;
	v50 =	vld.idx.msk [tilespmem:v29+s30+$0x0 ss:$0x1], $0xffff  }
0x44b: {  	s8 =	sor.u32 $0x380, s21;
	v53 =	vmul.f32 v15, v21;
	v41 =	vld.idx.msk [tilespmem:v32+s25+$0x0 ss:$0x1], $0xffff;
	s20 =	spop (v2sf);
	v52 =	vadd.f32 v57, v49  }
0x44c: {  	s21 =	simm.s32 $0x70;
	v62 =	vmul.f32 v4, v11;
	[tilespmem:s1+$0x9A00] =	vst v51;
	v61 =	vld.idx.msk [tilespmem:v24+s16+$0x0 ss:$0x1], $0xffff;
	s6 =	sadd.s32 $0x2A80, s20;
	s20 =	simm.s32 $0x380;
	v39 =	vadd.f32 v63, v55  }
0x44d: {  	s17 =	sand.u32 $0x70, s21;
	v58 =	vmul.f32 v9, v17;
	v56 =	vld.idx.msk [tilespmem:v36+s5+$0x0 ss:$0x1], $0xffff;
	s18 =	sand.u32 $0xC00, s20;
	v57 =	vadd.f32 v60, v53;
	[tilespmem:s28+$0x9B00] =	vst v52  }
0x44e: {  	v60 =	vmul.f32 v6, v14;
	s17 =	sor.u32 s17, s18;
	s18 =	simm.s32 $0x80;
	[tilespmem:s4+$0x8A80] =	vst v39;
	v54 =	vadd.f32 v54, v62;
	v59 =	vld.idx.msk [tilespmem:v37+s29+$0x0 ss:$0x1], $0xffff  }
0x44f: {  	v39 =	vld [tilespmem:s18+$0x2680];
	[tilespmem:s15+$0x8980] =	vst v57;
	v40 =	vadd.f32 v50, v58  }
0x450: {  	v53 =	vmul.f32 v2, v8;
	v52 =	vadd.f32 v41, v60;
	v45 =	vld.idx.msk [tilespmem:v28+s13+$0x0 ss:$0x1], $0xffff;
	[tilespmem:s2+$0x9980] =	vst v54  }
0x451: {  	v38 =	vmov s6;
	v55 =	vmul.f32 v7, v3;
	v57 =	vmul.f32 v23, v22;
	v63 =	vld.idx.msk [tilespmem:v26+s14+$0x0 ss:$0x1], $0xffff;
	[tilespmem:s31+$0x8B80] =	vst v40  }
0x452: {  	v56 =	vadd.f32 v56, v53;
	[tilespmem:s8+$0x8900] =	vst v52;
	v60 =	vld.idx.msk [tilespmem:v34+s3+$0x0 ss:$0x1], $0xffff  }
0x453: {  	v41 =	vadd.f32 v57, v61;
	v61 =	vmul.f32 v13, v18;
	v44 =	vld.idx.msk [tilespmem:v30+s30+$0x0 ss:$0x1], $0xffff;
	v58 =	vadd.f32 v59, v55  }
0x454: {  	[tilespmem:s1+$0x9A80] =	vst v56;
	v49 =	vld.idx.msk [tilespmem:v31+s25+$0x0 ss:$0x1], $0xffff;
	v59 =	vmul.f32 v15, v20  }
0x455: {  	v57 =	vmul.f32 v4, v10;
	v62 =	vld.idx.msk [tilespmem:v35+s5+$0x0 ss:$0x1], $0xffff;
	v54 =	vadd.f32 v45, v61;
	[tilespmem:s28+$0x9B80] =	vst v58  }
0x456: {  	v52 =	vmul.f32 v9, v16;
	[tilespmem:s17+$0x8900] =	vst v41;
	v63 =	vadd.f32 v63, v59;
	v53 =	vld.idx.msk [tilespmem:v38+s29+$0x0 ss:$0x1], $0xffff  }
0x457: {  	s19 =	spop (v2sf);
	v50 =	vld.idx.msk [tilespmem:v25+s16+$0x0 ss:$0x1], $0xffff;
	v55 =	vmul.f32 v6, v12;
	[tilespmem:s4+$0x8B00] =	vst v54;
	v60 =	vadd.f32 v60, v57  }
0x458: {  	s6 =	sadd.s32 $0x2A80, s19;
	v56 =	vadd.f32 v44, v52;
	v59 =	vmul.f32 v2, v5;
	v45 =	vld.idx.msk [tilespmem:v29+s13+$0x0 ss:$0x1], $0xffff;
	[tilespmem:s15+$0x8A00] =	vst v63  }
0x459: {  	v40 =	vmov s6;
	v61 =	vmul.f32 v7, v1;
	v58 =	vadd.f32 v49, v55;
	[tilespmem:s2+$0x9A00] =	vst v60;
	v46 =	vld.idx.msk [tilespmem:v27+s14+$0x0 ss:$0x1], $0xffff  }
0x45a: {  	[tilespmem:s31+$0x8C00] =	vst v56;
	v62 =	vadd.f32 v62, v59;
	v42 =	vld.idx.msk [tilespmem:v36+s3+$0x0 ss:$0x1], $0xffff  }
0x45b: {  	[tilespmem:s26+$0x9900] =	vst v58;
	v63 =	vmul.f32 v23, v21;
	v44 =	vld.idx.msk [tilespmem:v32+s30+$0x0 ss:$0x1], $0xffff;
	v51 =	vadd.f32 v53, v61  }
0x45c: {  	v48 =	vmul.f32 v15, v19;
	v43 =	vld.idx.msk [tilespmem:v33+s25+$0x0 ss:$0x1], $0xffff;
	[tilespmem:s1+$0x9B00] =	vst v62  }
0x45d: {  	v47 =	vmul.f32 v13, v17;
	s19 =	simm.s32 $0x240;
	v49 =	vadd.f32 v50, v63;
	v41 =	vld.idx.msk [tilespmem:v37+s5+$0x0 ss:$0x1], $0xffff;
	[tilespmem:s28+$0x9C00] =	vst v51  }
.LBB2_9:
0x45e: {  	p0 =	sne.s32 s19, $0x7C0;
	v46 =	vadd.f32 v46, v48;
	v48 =	vmul.f32 v9, v14;
	v50 =	vld.idx.msk [tilespmem:v40+s29+$0x0 ss:$0x1], $0xffff;
	s29 =	smov.u32 s5;
	s5 =	smov.u32 s3  }
0x45f: {  	s3 =	smov.u32 s25;
	s25 =	smov.u32 s30;
	s30 =	smov.u32 s13;
	v51 =	vld.idx.msk [tilespmem:v24+s18+$0x0 ss:$0x1], $0xffff;
	[tilespmem:s17+$0x8980] =	vst v49;
	v45 =	vadd.f32 v45, v47;
	v47 =	vmul.f32 v6, v11  }
0x460: {  	s6 =	sor.u32 s9, s10;
	s9 =	smov.u32 s11;
	s11 =	smov.u32 s23;
	v49 =	vld.idx.msk [tilespmem:v26+s16+$0x0 ss:$0x1], $0xffff;
	[tilespmem:s15+$0x8A80] =	vst v46;
	v44 =	vadd.f32 v44, v48;
	v46 =	vmul.f32 v4, v8  }
0x461: {  	s23 =	smov.u32 s20;
	s10 =	smov.u32 s12;
	s6 =	sor.u32 $0x380, s6;
	v48 =	vld.idx.msk [tilespmem:v28+s14+$0x0 ss:$0x1], $0xffff;
	[tilespmem:s4+$0x8B80] =	vst v45;
	v43 =	vadd.f32 v43, v47;
	v45 =	vmul.f32 v2, v3  }
0x462: {  	s12 =	smov.u32 s22;
	s22 =	smov.u32 s21;
	s13 =	smov.u32 s14;
	v47 =	vld.idx.msk [tilespmem:v30+s30+$0x0 ss:$0x1], $0xffff;
	[tilespmem:s6+$0x8900] =	vst v44;
	v42 =	vadd.f32 v42, v46;
	v44 =	vmul.f32 v7, v0;
	v7 =	vmov v2  }
0x463: {  	s14 =	smov.u32 s16;
	s16 =	smov.u32 s18;
	v46 =	vmul.f32 v39, v22;
	v2 =	vmov v4;
	v52 =	vld.idx.msk [tilespmem:v31+s25+$0x0 ss:$0x1], $0xffff;
	[tilespmem:s26+$0x9980] =	vst v43;
	v41 =	vadd.f32 v41, v45  }
0x464: {  	s20 =	sadd.s32 $0x80, s20;
	s21 =	sadd.s32 $0x10, s21;
	v4 =	vmov v6;
	v43 =	vmul.f32 v23, v20;
	v53 =	vld.idx.msk [tilespmem:v34+s3+$0x0 ss:$0x1], $0xffff;
	[tilespmem:s2+$0x9A80] =	vst v42;
	v42 =	vadd.f32 v50, v44  }
0x465: {  	s7 =	sand.u32 $0xC00, s20;
	s6 =	sand.u32 $0x70, s21;
	v6 =	vmov v9;
	v45 =	vmul.f32 v15, v18;
	v44 =	vadd.f32 v46, v51;
	v50 =	vld.idx.msk [tilespmem:v35+s5+$0x0 ss:$0x1], $0xffff;
	[tilespmem:s1+$0x9B80] =	vst v41  }
0x466: {  	s18 =	sshra.s32 s19, $0x2;
	v9 =	vmov v13;
	s6 =	sor.u32 s6, s7;
	v41 =	vadd.f32 v49, v43;
	v43 =	vmul.f32 v13, v16;
	v49 =	vld.idx.msk [tilespmem:v38+s29+$0x0 ss:$0x1], $0xffff;
	[tilespmem:s28+$0x9C80] =	vst v42;
	s28 =	smov.u32 s1  }
0x467: {  	v13 =	vmovc v15;
	v15 =	vmov v23;
	s1 =	smov.u32 s2;
	s2 =	smov.u32 s26;
	s26 =	smov.u32 s31;
	v42 =	vld [tilespmem:s18+$0x2680];
	[tilespmem:s6+$0x8900] =	vst v44;
	v44 =	vadd.f32 v48, v45;
	v45 =	vmul.f32 v6, v12  }
0x468: {  	v23 =	vmov v39;
	s31 =	smov.u32 s4;
	s4 =	smov.u32 s15;
	s15 =	smov.u32 s17;
	v51 =	vld.idx.msk [tilespmem:v25+s16+$0x0 ss:$0x1], $0xffff;
	[tilespmem:s17+$0x8A00] =	vst v41;
	v41 =	vadd.f32 v47, v43;
	v43 =	vmul.f32 v4, v10  }
0x469: {  	v47 =	vmul.f32 v2, v5;
	s17 =	smov.u32 s6;
	v46 =	vld.idx.msk [tilespmem:v27+s14+$0x0 ss:$0x1], $0xffff;
	[tilespmem:s4+$0x8B00] =	vst v44;
	v54 =	vadd.f32 v52, v45  }
.Ltmp3:
0x46a: {  	v48 =	vmul.f32 v7, v1;
	v45 =	vld.idx.msk [tilespmem:v29+s13+$0x0 ss:$0x1], $0xffff;
	[tilespmem:s31+$0x8C00] =	vst v41;
	v41 =	vadd.f32 v53, v43;
	(pc) =	sbr.rel @p0 .LBB2_9-.Ltmp3, $4  }
0x46b: {  	v47 =	vadd.f32 v50, v47;
	v44 =	vld.idx.msk [tilespmem:v32+s30+$0x0 ss:$0x1], $0xffff;
	[tilespmem:s26+$0x9900] =	vst v54  }
0x46c: {  	v50 =	vmul.f32 v23, v21;
	v52 =	vadd.f32 v49, v48;
	v43 =	vld.idx.msk [tilespmem:v33+s25+$0x0 ss:$0x1], $0xffff;
	[tilespmem:s2+$0x9A00] =	vst v41;
	v39 =	vmov v42  }
0x46d: {  	v48 =	vmul.f32 v15, v19;
	v42 =	vld.idx.msk [tilespmem:v36+s3+$0x0 ss:$0x1], $0xffff;
	[tilespmem:s1+$0x9B00] =	vst v47  }
0x46e: {  	s19 =	sadd.s32 $0x40, s19;
	v49 =	vadd.f32 v51, v50;
	v47 =	vmul.f32 v13, v17;
	v41 =	vld.idx.msk [tilespmem:v37+s5+$0x0 ss:$0x1], $0xffff;
	[tilespmem:s28+$0x9C00] =	vst v52  }
0x46f: {  	_ =	sdelay $0x3  }
0x470: {  	v24 =	vld.idx.msk [tilespmem:v24+s18+$0x0 ss:$0x1], $0xffff;
	_ =	sdelay $0x2  }
0x471: {  	v22 =	vmul.f32 v39, v22  }
0x472: {  	s6 =	sadd.s32 $0x80, s20;
	s7 =	sadd.s32 $0x10, s21  }
0x473: {  	s8 =	sand.u32 $0x70, s7;
	s19 =	sand.u32 $0xC00, s6;
	v22 =	vadd.f32 v22, v24  }
0x474: {  	s19 =	sor.u32 s8, s19  }
0x475: {  	[tilespmem:s19+$0x8900] =	vst v22  }
0x476: {  	v22 =	vld.idx.msk [tilespmem:v25+s18+$0x0 ss:$0x1], $0xffff;
	_ =	sdelay $0x2  }
0x477: {  	v21 =	vmul.f32 v39, v21;
	_ =	sdelay $0x1  }
0x478: {  	v21 =	vadd.f32 v22, v21  }
0x479: {  	[tilespmem:s17+$0x8980] =	vst v49  }
0x47a: {  	v63 =	vld.idx.msk [tilespmem:v26+s16+$0x0 ss:$0x1], $0xffff;
	[tilespmem:s19+$0x8980] =	vst v21  }
0x47b: {  	v21 =	vld.idx.msk [tilespmem:v26+s18+$0x0 ss:$0x1], $0xffff;
	_ =	sdelay $0x1  }
0x47c: {  	v49 =	vmul.f32 v23, v20  }
0x47d: {  	v50 =	vmul.f32 v39, v20  }
0x47e: {  	v22 =	vadd.f32 v63, v49  }
0x47f: {  	v20 =	vadd.f32 v21, v50  }
0x480: {  	[tilespmem:s17+$0x8A00] =	vst v22  }
0x481: {  	v53 =	vadd.f32 v46, v48;
	v51 =	vld.idx.msk [tilespmem:v27+s16+$0x0 ss:$0x1], $0xffff;
	[tilespmem:s19+$0x8A00] =	vst v20  }
0x482: {  	v20 =	vld.idx.msk [tilespmem:v27+s18+$0x0 ss:$0x1], $0xffff  }
0x483: {  	[tilespmem:s15+$0x8A80] =	vst v53  }
0x484: {  	v52 =	vmul.f32 v23, v19;
	v55 =	vld.idx.msk [tilespmem:v28+s14+$0x0 ss:$0x1], $0xffff  }
0x485: {  	v54 =	vmul.f32 v39, v19  }
0x486: {  	v21 =	vadd.f32 v51, v52  }
0x487: {  	v56 =	vmul.f32 v15, v18;
	v19 =	vadd.f32 v20, v54  }
0x488: {  	[tilespmem:s17+$0x8A80] =	vst v21  }
0x489: {  	v21 =	vld.idx.msk [tilespmem:v28+s16+$0x0 ss:$0x1], $0xffff;
	v20 =	vadd.f32 v55, v56;
	[tilespmem:s19+$0x8A80] =	vst v19  }
0x48a: {  	v19 =	vld.idx.msk [tilespmem:v28+s18+$0x0 ss:$0x1], $0xffff  }
0x48b: {  	[tilespmem:s15+$0x8B00] =	vst v20  }
0x48c: {  	v57 =	vmul.f32 v23, v18;
	v59 =	vld.idx.msk [tilespmem:v29+s14+$0x0 ss:$0x1], $0xffff  }
0x48d: {  	v58 =	vmul.f32 v39, v18  }
0x48e: {  	v21 =	vadd.f32 v21, v57  }
0x48f: {  	v61 =	vmul.f32 v15, v17;
	v18 =	vadd.f32 v19, v58  }
0x490: {  	[tilespmem:s17+$0x8B00] =	vst v21  }
0x491: {  	v60 =	vld.idx.msk [tilespmem:v29+s16+$0x0 ss:$0x1], $0xffff;
	v19 =	vadd.f32 v59, v61;
	[tilespmem:s19+$0x8B00] =	vst v18  }
0x492: {  	v62 =	vadd.f32 v45, v47;
	v18 =	vld.idx.msk [tilespmem:v29+s18+$0x0 ss:$0x1], $0xffff  }
0x493: {  	[tilespmem:s15+$0x8B80] =	vst v19  }
0x494: {  	[tilespmem:s4+$0x8B80] =	vst v62;
	v63 =	vmul.f32 v23, v17;
	v27 =	vld.idx.msk [tilespmem:v30+s14+$0x0 ss:$0x1], $0xffff  }
0x495: {  	v25 =	vmul.f32 v39, v17;
	v26 =	vld.idx.msk [tilespmem:v30+s13+$0x0 ss:$0x1], $0xffff  }
0x496: {  	v20 =	vadd.f32 v60, v63  }
0x497: {  	v45 =	vmul.f32 v15, v16;
	v17 =	vadd.f32 v18, v25  }
0x498: {  	[tilespmem:s17+$0x8B80] =	vst v20;
	v29 =	vmul.f32 v13, v16  }
0x499: {  	v28 =	vld.idx.msk [tilespmem:v30+s16+$0x0 ss:$0x1], $0xffff;
	v18 =	vadd.f32 v27, v45;
	[tilespmem:s19+$0x8B80] =	vst v17  }
0x49a: {  	v17 =	vadd.f32 v26, v29;
	v30 =	vld.idx.msk [tilespmem:v30+s18+$0x0 ss:$0x1], $0xffff  }
0x49b: {  	[tilespmem:s15+$0x8C00] =	vst v18  }
0x49c: {  	v46 =	vmul.f32 v23, v16;
	v18 =	vld.idx.msk [tilespmem:v32+s14+$0x0 ss:$0x1], $0xffff;
	[tilespmem:s4+$0x8C00] =	vst v17  }
0x49d: {  	v47 =	vmul.f32 v39, v16;
	v49 =	vld.idx.msk [tilespmem:v32+s13+$0x0 ss:$0x1], $0xffff  }
0x49e: {  	v50 =	vmul.f32 v9, v14;
	v48 =	vadd.f32 v28, v46  }
0x49f: {  	v54 =	vmul.f32 v15, v14;
	v16 =	vadd.f32 v30, v47  }
0x4a0: {  	s10 =	sor.u32 s9, s10;
	v52 =	vmul.f32 v13, v14;
	[tilespmem:s17+$0x8C00] =	vst v48;
	v17 =	vadd.f32 v44, v50  }
0x4a1: {  	s11 =	sor.u32 s11, s12;
	s12 =	sor.u32 s23, s22;
	s8 =	sor.u32 $0x380, s10;
	v51 =	vld.idx.msk [tilespmem:v32+s16+$0x0 ss:$0x1], $0xffff;
	v56 =	vadd.f32 v18, v54;
	[tilespmem:s19+$0x8C00] =	vst v16  }
0x4a2: {  	[tilespmem:s8+$0x8900] =	vst v17;
	s8 =	sor.u32 $0x380, s12;
	v16 =	vadd.f32 v49, v52;
	v53 =	vld.idx.msk [tilespmem:v32+s18+$0x0 ss:$0x1], $0xffff  }
0x4a3: {  	s9 =	sor.u32 $0x380, s11;
	[tilespmem:s8+$0x8900] =	vst v56  }
0x4a4: {  	v55 =	vmul.f32 v23, v14;
	v61 =	vld.idx.msk [tilespmem:v31+s14+$0x0 ss:$0x1], $0xffff;
	[tilespmem:s9+$0x8900] =	vst v16  }
0x4a5: {  	v57 =	vmul.f32 v39, v14;
	v60 =	vld.idx.msk [tilespmem:v31+s13+$0x0 ss:$0x1], $0xffff  }
0x4a6: {  	s22 =	sor.u32 s20, s21;
	v58 =	vld.idx.msk [tilespmem:v31+s30+$0x0 ss:$0x1], $0xffff;
	v59 =	vadd.f32 v51, v55  }
0x4a7: {  	s6 =	sor.u32 s6, s7;
	s23 =	sor.u32 $0x380, s22;
	v26 =	vmul.f32 v15, v12;
	v14 =	vadd.f32 v53, v57  }
0x4a8: {  	s6 =	sor.u32 $0x380, s6;
	v24 =	vmul.f32 v13, v12;
	[tilespmem:s23+$0x8900] =	vst v59  }
0x4a9: {  	v62 =	vmul.f32 v9, v12;
	v63 =	vld.idx.msk [tilespmem:v31+s16+$0x0 ss:$0x1], $0xffff;
	v28 =	vadd.f32 v61, v26;
	[tilespmem:s6+$0x8900] =	vst v14  }
0x4aa: {  	v17 =	vadd.f32 v60, v24;
	v25 =	vld.idx.msk [tilespmem:v31+s18+$0x0 ss:$0x1], $0xffff  }
0x4ab: {  	v14 =	vadd.f32 v58, v62;
	[tilespmem:s15+$0x9900] =	vst v28  }
0x4ac: {  	v27 =	vmul.f32 v23, v12;
	v45 =	vld.idx.msk [tilespmem:v33+s14+$0x0 ss:$0x1], $0xffff;
	[tilespmem:s4+$0x9900] =	vst v17  }
0x4ad: {  	v29 =	vmul.f32 v39, v12;
	[tilespmem:s31+$0x9900] =	vst v14;
	v32 =	vld.idx.msk [tilespmem:v33+s13+$0x0 ss:$0x1], $0xffff  }
0x4ae: {  	v44 =	vmul.f32 v6, v11;
	v31 =	vadd.f32 v63, v27;
	v30 =	vld.idx.msk [tilespmem:v33+s30+$0x0 ss:$0x1], $0xffff  }
0x4af: {  	v51 =	vmul.f32 v15, v11;
	v12 =	vadd.f32 v25, v29  }
0x4b0: {  	v48 =	vadd.f32 v43, v44;
	v49 =	vmul.f32 v13, v11;
	[tilespmem:s17+$0x9900] =	vst v31  }
0x4b1: {  	v46 =	vmul.f32 v9, v11;
	v47 =	vld.idx.msk [tilespmem:v33+s16+$0x0 ss:$0x1], $0xffff;
	v55 =	vadd.f32 v45, v51;
	[tilespmem:s19+$0x9900] =	vst v12  }
0x4b2: {  	[tilespmem:s26+$0x9980] =	vst v48;
	v52 =	vadd.f32 v32, v49;
	v50 =	vld.idx.msk [tilespmem:v33+s18+$0x0 ss:$0x1], $0xffff  }
0x4b3: {  	v54 =	vld.idx.msk [tilespmem:v34+s25+$0x0 ss:$0x1], $0xffff;
	v16 =	vadd.f32 v30, v46;
	[tilespmem:s15+$0x9980] =	vst v55  }
0x4b4: {  	v53 =	vmul.f32 v23, v11;
	v61 =	vld.idx.msk [tilespmem:v34+s14+$0x0 ss:$0x1], $0xffff;
	[tilespmem:s4+$0x9980] =	vst v52  }
0x4b5: {  	v56 =	vmul.f32 v39, v11;
	[tilespmem:s31+$0x9980] =	vst v16;
	v59 =	vld.idx.msk [tilespmem:v34+s13+$0x0 ss:$0x1], $0xffff  }
0x4b6: {  	v60 =	vmul.f32 v6, v10;
	v58 =	vadd.f32 v47, v53;
	v57 =	vld.idx.msk [tilespmem:v34+s30+$0x0 ss:$0x1], $0xffff  }
0x4b7: {  	v25 =	vmul.f32 v15, v10;
	v11 =	vadd.f32 v50, v56  }
0x4b8: {  	v22 =	vmul.f32 v13, v10;
	v21 =	vadd.f32 v54, v60;
	[tilespmem:s17+$0x9980] =	vst v58  }
0x4b9: {  	v62 =	vmul.f32 v9, v10;
	v63 =	vld.idx.msk [tilespmem:v34+s16+$0x0 ss:$0x1], $0xffff;
	v29 =	vadd.f32 v61, v25;
	[tilespmem:s19+$0x9980] =	vst v11  }
0x4ba: {  	[tilespmem:s26+$0x9A00] =	vst v21;
	v26 =	vadd.f32 v59, v22;
	v24 =	vld.idx.msk [tilespmem:v34+s18+$0x0 ss:$0x1], $0xffff  }
0x4bb: {  	v28 =	vld.idx.msk [tilespmem:v36+s25+$0x0 ss:$0x1], $0xffff;
	v33 =	vmul.f32 v4, v8;
	v12 =	vadd.f32 v57, v62;
	[tilespmem:s15+$0x9A00] =	vst v29  }
0x4bc: {  	v27 =	vmul.f32 v23, v10;
	v44 =	vld.idx.msk [tilespmem:v36+s14+$0x0 ss:$0x1], $0xffff;
	[tilespmem:s4+$0x9A00] =	vst v26  }
0x4bd: {  	v30 =	vmul.f32 v39, v10;
	v45 =	vadd.f32 v42, v33;
	[tilespmem:s31+$0x9A00] =	vst v12;
	v34 =	vld.idx.msk [tilespmem:v36+s13+$0x0 ss:$0x1], $0xffff  }
0x4be: {  	v43 =	vmul.f32 v6, v8;
	v32 =	vadd.f32 v63, v27;
	v31 =	vld.idx.msk [tilespmem:v36+s30+$0x0 ss:$0x1], $0xffff  }
0x4bf: {  	v51 =	vld.idx.msk [tilespmem:v40+s29+$0x0 ss:$0x1], $0xffff;
	v53 =	vmul.f32 v15, v8;
	[tilespmem:s2+$0x9A80] =	vst v45;
	v10 =	vadd.f32 v24, v30  }
0x4c0: {  	v49 =	vmul.f32 v13, v8;
	v48 =	vadd.f32 v28, v43;
	v54 =	vld.idx.msk [tilespmem:v35+s3+$0x0 ss:$0x1], $0xffff;
	[tilespmem:s17+$0x9A00] =	vst v32  }
0x4c1: {  	v46 =	vmul.f32 v9, v8;
	v47 =	vld.idx.msk [tilespmem:v36+s16+$0x0 ss:$0x1], $0xffff;
	v58 =	vadd.f32 v44, v53;
	[tilespmem:s19+$0x9A00] =	vst v10  }
0x4c2: {  	v7 =	vmul.f32 v7, v0;
	[tilespmem:s26+$0x9A80] =	vst v48;
	v55 =	vadd.f32 v34, v49;
	v50 =	vld.idx.msk [tilespmem:v36+s18+$0x0 ss:$0x1], $0xffff  }
0x4c3: {  	v57 =	vld.idx.msk [tilespmem:v35+s25+$0x0 ss:$0x1], $0xffff;
	v62 =	vmul.f32 v4, v5;
	v52 =	vadd.f32 v31, v46;
	[tilespmem:s15+$0x9A80] =	vst v58  }
0x4c4: {  	v7 =	vadd.f32 v51, v7;
	v56 =	vmul.f32 v23, v8;
	v22 =	vld.idx.msk [tilespmem:v35+s14+$0x0 ss:$0x1], $0xffff;
	[tilespmem:s4+$0x9A80] =	vst v55  }
0x4c5: {  	v59 =	vmul.f32 v39, v8;
	v24 =	vadd.f32 v54, v62;
	[tilespmem:s31+$0x9A80] =	vst v52;
	v63 =	vld.idx.msk [tilespmem:v35+s13+$0x0 ss:$0x1], $0xffff  }
0x4c6: {  	v21 =	vmul.f32 v6, v5;
	[tilespmem:s28+$0x9C80] =	vst v7;
	v61 =	vadd.f32 v47, v56;
	v60 =	vld.idx.msk [tilespmem:v35+s30+$0x0 ss:$0x1], $0xffff  }
0x4c7: {  	[tilespmem:s2+$0x9B00] =	vst v24;
	v31 =	vmul.f32 v15, v5;
	v8 =	vadd.f32 v50, v59  }
0x4c8: {  	v28 =	vmul.f32 v13, v5;
	v27 =	vadd.f32 v57, v21;
	v32 =	vld.idx.msk [tilespmem:v37+s3+$0x0 ss:$0x1], $0xffff;
	[tilespmem:s17+$0x9A80] =	vst v61  }
0x4c9: {  	v25 =	vmul.f32 v9, v5;
	v26 =	vld.idx.msk [tilespmem:v35+s16+$0x0 ss:$0x1], $0xffff;
	v36 =	vadd.f32 v22, v31;
	[tilespmem:s19+$0x9A80] =	vst v8  }
0x4ca: {  	v43 =	vmul.f32 v2, v3;
	[tilespmem:s26+$0x9B00] =	vst v27;
	v33 =	vadd.f32 v63, v28;
	v29 =	vld.idx.msk [tilespmem:v35+s18+$0x0 ss:$0x1], $0xffff  }
0x4cb: {  	v46 =	vmul.f32 v4, v3;
	v30 =	vadd.f32 v60, v25;
	[tilespmem:s15+$0x9B00] =	vst v36;
	v35 =	vld.idx.msk [tilespmem:v37+s25+$0x0 ss:$0x1], $0xffff  }
0x4cc: {  	v48 =	vadd.f32 v41, v43;
	v34 =	vmul.f32 v23, v5;
	v50 =	vld.idx.msk [tilespmem:v37+s14+$0x0 ss:$0x1], $0xffff;
	[tilespmem:s4+$0x9B00] =	vst v33  }
0x4cd: {  	v42 =	vmul.f32 v39, v5;
	v51 =	vadd.f32 v32, v46;
	[tilespmem:s31+$0x9B00] =	vst v30;
	v47 =	vld.idx.msk [tilespmem:v37+s13+$0x0 ss:$0x1], $0xffff  }
0x4ce: {  	[tilespmem:s1+$0x9B80] =	vst v48;
	v49 =	vmul.f32 v6, v3;
	v45 =	vadd.f32 v26, v34;
	v44 =	vld.idx.msk [tilespmem:v37+s30+$0x0 ss:$0x1], $0xffff  }
0x4cf: {  	v57 =	vld.idx.msk [tilespmem:v38+s5+$0x0 ss:$0x1], $0xffff;
	v59 =	vmul.f32 v15, v3;
	[tilespmem:s2+$0x9B80] =	vst v51;
	v5 =	vadd.f32 v29, v42  }
0x4d0: {  	v55 =	vmul.f32 v13, v3;
	v60 =	vld.idx.msk [tilespmem:v38+s3+$0x0 ss:$0x1], $0xffff;
	[tilespmem:s17+$0x9B00] =	vst v45;
	v54 =	vadd.f32 v35, v49  }
0x4d1: {  	v52 =	vmul.f32 v9, v3;
	v53 =	vld.idx.msk [tilespmem:v37+s16+$0x0 ss:$0x1], $0xffff;
	v20 =	vadd.f32 v50, v59;
	[tilespmem:s19+$0x9B00] =	vst v5  }
0x4d2: {  	v22 =	vmul.f32 v2, v1;
	[tilespmem:s26+$0x9B80] =	vst v54;
	v61 =	vadd.f32 v47, v55;
	v56 =	vld.idx.msk [tilespmem:v37+s18+$0x0 ss:$0x1], $0xffff  }
0x4d3: {  	v26 =	vmul.f32 v4, v1;
	v58 =	vadd.f32 v44, v52;
	[tilespmem:s15+$0x9B80] =	vst v20;
	v63 =	vld.idx.msk [tilespmem:v38+s25+$0x0 ss:$0x1], $0xffff  }
0x4d4: {  	v62 =	vmul.f32 v23, v3;
	v28 =	vadd.f32 v57, v22;
	v30 =	vld.idx.msk [tilespmem:v38+s14+$0x0 ss:$0x1], $0xffff;
	[tilespmem:s4+$0x9B80] =	vst v61  }
0x4d5: {  	v21 =	vmul.f32 v39, v3;
	v31 =	vadd.f32 v60, v26;
	[tilespmem:s31+$0x9B80] =	vst v58;
	v27 =	vld.idx.msk [tilespmem:v38+s13+$0x0 ss:$0x1], $0xffff  }
0x4d6: {  	[tilespmem:s1+$0x9C00] =	vst v28;
	v29 =	vmul.f32 v6, v1;
	v25 =	vadd.f32 v53, v62;
	v24 =	vld.idx.msk [tilespmem:v38+s30+$0x0 ss:$0x1], $0xffff  }
0x4d7: {  	v41 =	vmul.f32 v15, v1;
	[tilespmem:s2+$0x9C00] =	vst v31;
	v37 =	vld.idx.msk [tilespmem:v40+s5+$0x0 ss:$0x1], $0xffff;
	v3 =	vadd.f32 v56, v21  }
0x4d8: {  	v35 =	vmul.f32 v13, v1;
	v42 =	vld.idx.msk [tilespmem:v40+s3+$0x0 ss:$0x1], $0xffff;
	[tilespmem:s17+$0x9B80] =	vst v25;
	v34 =	vadd.f32 v63, v29  }
0x4d9: {  	v32 =	vmul.f32 v9, v1;
	v33 =	vld.idx.msk [tilespmem:v38+s16+$0x0 ss:$0x1], $0xffff;
	v46 =	vadd.f32 v30, v41;
	[tilespmem:s19+$0x9B80] =	vst v3  }
0x4da: {  	v49 =	vmul.f32 v2, v0;
	[tilespmem:s26+$0x9C00] =	vst v34;
	v43 =	vadd.f32 v27, v35;
	v36 =	vld.idx.msk [tilespmem:v38+s18+$0x0 ss:$0x1], $0xffff  }
0x4db: {  	v52 =	vmul.f32 v4, v0;
	[tilespmem:s15+$0x9C00] =	vst v46;
	v38 =	vadd.f32 v24, v32;
	v45 =	vld.idx.msk [tilespmem:v40+s25+$0x0 ss:$0x1], $0xffff  }
0x4dc: {  	v44 =	vmul.f32 v23, v1;
	v2 =	vadd.f32 v37, v49;
	v5 =	vld.idx.msk [tilespmem:v40+s14+$0x0 ss:$0x1], $0xffff;
	[tilespmem:s4+$0x9C00] =	vst v43  }
0x4dd: {  	v47 =	vmul.f32 v39, v1;
	v4 =	vadd.f32 v42, v52;
	[tilespmem:s31+$0x9C00] =	vst v38;
	v51 =	vld.idx.msk [tilespmem:v40+s13+$0x0 ss:$0x1], $0xffff  }
0x4de: {  	v53 =	vmul.f32 v6, v0;
	[tilespmem:s1+$0x9C80] =	vst v2;
	v50 =	vadd.f32 v33, v44;
	v48 =	vld.idx.msk [tilespmem:v40+s30+$0x0 ss:$0x1], $0xffff  }
0x4df: {  	v58 =	vmul.f32 v15, v0;
	[tilespmem:s2+$0x9C80] =	vst v4;
	v1 =	vadd.f32 v36, v47  }
0x4e0: {  	v56 =	vmul.f32 v13, v0;
	[tilespmem:s17+$0x9C00] =	vst v50;
	v55 =	vadd.f32 v45, v53  }
0x4e1: {  	v54 =	vmul.f32 v9, v0;
	v3 =	vld.idx.msk [tilespmem:v40+s16+$0x0 ss:$0x1], $0xffff;
	v61 =	vadd.f32 v5, v58;
	[tilespmem:s19+$0x9C00] =	vst v1  }
0x4e2: {  	[tilespmem:s26+$0x9C80] =	vst v55;
	v59 =	vadd.f32 v51, v56;
	v1 =	vld.idx.msk [tilespmem:v40+s18+$0x0 ss:$0x1], $0xffff  }
0x4e3: {  	[tilespmem:s15+$0x9C80] =	vst v61;
	v57 =	vadd.f32 v48, v54  }
0x4e4: {  	s24 =	sadd.s32 $0x1, s24;
	v60 =	vmul.f32 v23, v0;
	[tilespmem:s4+$0x9C80] =	vst v59  }
0x4e5: {  	p0 =	sne.s32 s24, $0x10;
	v62 =	vmul.f32 v39, v0;
	[tilespmem:s31+$0x9C80] =	vst v57  }
.Ltmp4:
0x4e6: {  	v63 =	vadd.f32 v3, v60;
	s1 =	rddreg [dreg:$0x9];
	(pc) =	sbr.rel @p0 .LBB2_6-.Ltmp4, $4  }
0x4e7: {  	s0 =	sadd.s32 s1, s0;
	v0 =	vadd.f32 v1, v62  }
0x4e8: {  	s29 =	rddreg [dreg:$0x7];
	[tilespmem:s17+$0x9C80] =	vst v63;
	s0 =	sshll.u32 s0, $0x6  }
0x4e9: {  	s30 =	simm.s32 $0x0;
	s31 =	simm.s32 $0x8900;
	s0 =	sadd.s32 s29, s0;
	[tilespmem:s19+$0x9C80] =	vst v0  }
0x4ea: {  	[hbm4b:s0+s30] =	stream.linear.scatter [tilespmem:s31], [sflag:$0x2], $0x2000, $0x38;
	[tilespmem:$0xA900] =	vst v63  }
0x4eb: {  	s3 =	simm.s32 $0x1  }
0x4ec: {  	_ =	swait.ge [sflag:s3], $0x2000  }
0x4ed: {  	[sflag:s3] =	ssyncset.done $0x0  }
0x4ee: {  	s1 =	simm.s32 $0x2;
	[sflag:s3] =	ssyncadd.s32 $0xFFFFE000  }
0x4ef: {  	_ =	swait.ge [sflag:s1], $0x2000  }
0x4f0: {  	s2 =	rddreg [dreg:$0xe]  }
0x4f1: {  	s0 =	rddreg [dreg:$0xd];
	s2 =	sadd.s32 $0x1, s2  }
0x4f2: {  	p0 =	sne.s32 s2, s0  }
.Ltmp5:
0x4f3: {  	_ = 	snop;
	(pc) =	sbr.rel @p0 .LBB2_1-.Ltmp5, $3  }
0x4f4: {  	_ =	sdelay $0x1  }
0x4f5: {  	[sflag:s1] =	ssyncset.done $0x0  }
0x4f6: {  	[sflag:s1] =	ssyncadd.s32 $0xFFFFE000  }
0x4f7: {  	_ =	sfence.sel $0x180000  }
0x4f8: {  	[bflag:$0x0] =	sbarrier.arrive $0xFFFF  }
0x4f9: {  	_ =	strace $0x90000047  }
0x4fa: {  	s0 =	stileid.u32;
	[bflag:$0x2] =	sbarrier.arrive $0xFFFF  }
0x4fb: {  	p0 =	sne.s32 s0, $0x0;
	s0 =	rddreg [dreg:$0x8]  }
0x4fc: {  	s0 =	sadd.s32 @!p0 $0x100000, s0  }
0x4fd: {  	[sflag:s0] =	ssyncadd.tile.s32 @!p0 $0x1;
	_ =	shalt  }
.Lfunc_end2:
_tile_overlayer_lowered:
.L_overlay_start_2:
0x4fe: {  	(tag) =	ssettag $0x2  }
0x4ff: {  	s0 =	rddreg [dreg:$0x0];
	s2 =	stileid.u32  }
0x500: {  	s1 =	rddreg [dreg:$0x1];
	p0 =	sne.s32 s2, $0x0  }
0x501: {  	s3 =	rddreg [dreg:$0x2];
	[bflag:$0x3] =	sbarrier.arrive $0xFFFF;
	s2 =	simm.s32 @!p0 $0x1C03  }
0x502: {  	[timem:s3], [sflag:s2] =	dma.local @!p0 [hbm:s0], s1  }
0x503: {  	s0 =	simm.s32 @!p0 $0x3  }
0x504: {  	_ =	swait.ge @!p0 [sflag:s0], s1  }
0x505: {  	s1 =	ssub.s32 @!p0 $0x0, s1;
	[sflag:s0] =	ssyncset.done @!p0 $0x0  }
0x506: {  	[sflag:s0] =	ssyncadd.s32 @!p0 s1  }
0x507: {  	[bflag:$0x3] =	sbarrier.arrive $0xFFFF  }
0x508: {  	_ =	shalt  }

</sc_bundles>
